<compile_context>
chip_gen: v7x
topology: tpu7x:2x2x1
jax: 0.10.2.dev20260603
libtpu: 0.0.44.dev20260713+nightly
codegen_flags: <defaults>
</compile_context>

<pallas_src>
import functools

import jax
import jax.numpy as jnp
from jax import lax
from jax.experimental import pallas as pl
from jax.experimental.pallas import tpu as pltpu
from jax.experimental.pallas import tpu_sc as plsc

N = 10000
D = 128
NC = 2
NS = 16
TPAD = 10240
TR = 10016
AR = 5120
HALF = 5000
TRASH = HALF
BATCH = 16
BPT = 1344
CPT = 168
E_PAD = BPT * BATCH * NS


def _pre_body(x_ref, pos_ref, wsrc_ref, wlin_ref, posw_ref, posb_ref,
              t_ref, g_ref):
    xb = x_ref[...]
    q = jnp.dot(pos_ref[...], posw_ref[...],
                preferred_element_type=jnp.float32)
    s = jnp.dot(xb, wsrc_ref[...], preferred_element_type=jnp.float32) + q
    es = jnp.exp(-s)
    m = jnp.dot(xb, wlin_ref[...], preferred_element_type=jnp.float32) - q
    t_ref[0] = es * m
    t_ref[1] = es
    g_ref[...] = q + posb_ref[...]


def _preprocess(x, pos_p, wsrc, wlin, posw, posb):
    bm = 1000
    grid = (N // bm,)
    return pl.pallas_call(
        _pre_body,
        grid=grid,
        in_specs=[
            pl.BlockSpec((bm, D), lambda i: (i, 0)),
            pl.BlockSpec((bm, 8), lambda i: (i, 0)),
            pl.BlockSpec((D, D), lambda i: (0, 0)),
            pl.BlockSpec((D, D), lambda i: (0, 0)),
            pl.BlockSpec((8, D), lambda i: (0, 0)),
            pl.BlockSpec((1, D), lambda i: (0, 0)),
        ],
        out_specs=[
            pl.BlockSpec((2, bm, D), lambda i: (0, i, 0)),
            pl.BlockSpec((bm, D), lambda i: (i, 0)),
        ],
        out_shape=[
            jax.ShapeDtypeStruct((2, TPAD, D), jnp.float32),
            jax.ShapeDtypeStruct((N, D), jnp.float32),
        ],
    )(x, pos_p, wsrc, wlin, posw, posb)


def _edge_body(t_hbm, src_hbm, dst_hbm, out_hbm,
               sv_a, sv_b, dv_a, dv_b, buf_a, buf_b, table, acc,
               sem_a, sem_b, isem_s, isem_d):
    c = lax.axis_index("c")
    s = lax.axis_index("s")
    wid = c * NS + s

    @pl.when(s < 14)
    def _():
        pltpu.sync_copy(t_hbm.at[pl.ds(c * TPAD + s * 712, 712)],
                        table.at[pl.ds(s * 712, 712)])
    @pl.when(s == 14)
    def _():
        pltpu.sync_copy(t_hbm.at[pl.ds(c * TPAD + 9968, 48)],
                        table.at[pl.ds(9968, 48)])

    def _zrow(i, carry):
        for k in range(8):
            buf_a[i, k * 16:(k + 1) * 16] = jnp.zeros((16,), jnp.float32)
        return carry
    lax.fori_loop(0, BATCH, _zrow, 0)
    zbase = s * (AR // NS)
    for k in range(AR // NS // BATCH):
        pltpu.sync_copy(buf_a, acc.at[pl.ds(zbase + k * BATCH, BATCH)])
    plsc.subcore_barrier()

    def _batch(b, cur_sv, cur_dv):
        cur, cur_sem = (buf_a, sem_a) if b % 2 == 0 else (buf_b, sem_b)
        nxt, nxt_sem = (buf_b, sem_b) if b % 2 == 0 else (buf_a, sem_a)
        if b + 1 < 8:
            pltpu.async_copy(table.at[cur_sv.at[b + 1]], nxt, nxt_sem)
        pltpu.make_async_copy(table.at[cur_sv.at[b]], cur, cur_sem).wait()
        pltpu.sync_copy(cur, acc.at[cur_dv.at[b]], add=True)

    def _chunk(p, cc, cur_sv, cur_dv, nxt_sv, nxt_dv):
        @pl.when(cc + 1 < CPT)
        def _():
            pltpu.async_copy(src_hbm.at[s, pl.ds((cc + 1) * 8, 8)],
                             nxt_sv, isem_s)
            pltpu.async_copy(dst_hbm.at[p, s, pl.ds((cc + 1) * 8, 8)],
                             nxt_dv, isem_d)
        pltpu.async_copy(table.at[cur_sv.at[0]], buf_a, sem_a)
        for b in range(8):
            _batch(b, cur_sv, cur_dv)
        @pl.when(cc + 1 < CPT)
        def _():
            pltpu.make_async_copy(src_hbm.at[s, pl.ds(0, 8)],
                                  nxt_sv, isem_s).wait()
            pltpu.make_async_copy(dst_hbm.at[p, s, pl.ds(0, 8)],
                                  nxt_dv, isem_d).wait()

    for p in range(2):
        pltpu.sync_copy(src_hbm.at[s, pl.ds(0, 8)], sv_a)
        pltpu.sync_copy(dst_hbm.at[p, s, pl.ds(0, 8)], dv_a)

        def _cpair(q, carry, p=p):
            _chunk(p, 2 * q, sv_a, dv_a, sv_b, dv_b)
            _chunk(p, 2 * q + 1, sv_b, dv_b, sv_a, dv_a)
            return carry
        lax.fori_loop(0, CPT // 2, _cpair, 0)
        plsc.subcore_barrier()

        rows = AR // NS
        pltpu.sync_copy(
            acc.at[pl.ds(s * rows, rows)],
            out_hbm.at[pl.ds(c * 2 * AR + p * AR + s * rows, rows)])
        if p == 0:
            def _zr(i, carry):
                for k in range(8):
                    buf_a[i, k * 16:(k + 1) * 16] = jnp.zeros(
                        (16,), jnp.float32)
                return carry
            lax.fori_loop(0, BATCH, _zr, 0)
            for k in range(AR // NS // BATCH):
                pltpu.sync_copy(buf_a, acc.at[pl.ds(zbase + k * BATCH,
                                                    BATCH)])
            plsc.subcore_barrier()


_edge_segsum = functools.partial(
    pl.kernel,
    mesh=plsc.VectorSubcoreMesh(core_axis_name="c", subcore_axis_name="s"),
    out_type=jax.ShapeDtypeStruct((NC * 2 * AR, D), jnp.float32),
    scratch_types=[
        pltpu.VMEM((8, BATCH), jnp.int32),
        pltpu.VMEM((8, BATCH), jnp.int32),
        pltpu.VMEM((8, BATCH), jnp.int32),
        pltpu.VMEM((8, BATCH), jnp.int32),
        pltpu.VMEM((BATCH, D), jnp.float32),
        pltpu.VMEM((BATCH, D), jnp.float32),
        pltpu.VMEM_SHARED((TR, D), jnp.float32),
        pltpu.VMEM_SHARED((AR, D), jnp.float32),
        pltpu.SemaphoreType.DMA,
        pltpu.SemaphoreType.DMA,
        pltpu.SemaphoreType.DMA,
        pltpu.SemaphoreType.DMA,
    ],
)(_edge_body)


def _post_body(num_ref, den_ref, g_ref, p1_ref, b1_ref, p2_ref, b2_ref,
               out_ref):
    hcat = num_ref[...] / jnp.maximum(den_ref[...], 1e-30) + g_ref[...]
    hidden = jnp.maximum(
        jnp.dot(hcat, p1_ref[...], preferred_element_type=jnp.float32)
        + b1_ref[...], 0.0)
    out_ref[...] = (jnp.dot(hidden, p2_ref[...],
                            preferred_element_type=jnp.float32)
                    + b2_ref[...])


def _postprocess(num, den, g, p1, b1, p2, b2):
    bm = 1000
    grid = (N // bm,)
    row = pl.BlockSpec((bm, D), lambda i: (i, 0))
    full = pl.BlockSpec((D, D), lambda i: (0, 0))
    vec = pl.BlockSpec((1, D), lambda i: (0, 0))
    return pl.pallas_call(
        _post_body,
        grid=grid,
        in_specs=[row, row, row, full, vec, full, vec],
        out_specs=row,
        out_shape=jax.ShapeDtypeStruct((N, D), jnp.float32),
    )(num, den, g, p1, b1, p2, b2)


def kernel(x, pos, edge_index, W_lin, W_src, W_dst, pos_W, pos_b, P1, b1,
           P2, b2):
    wsrc = W_src.transpose(1, 0, 2).reshape(D, D)
    wlin = W_lin.transpose(1, 0, 2).reshape(D, D)
    posw = jnp.pad(pos_W.transpose(1, 0, 2).reshape(3, D), ((0, 5), (0, 0)))
    posb = pos_b.reshape(1, D)
    pos_p = jnp.pad(pos, ((0, 0), (0, 5)))

    t, g = _preprocess(x, pos_p, wsrc, wlin, posw, posb)
    t_flat = t.reshape(NC * TPAD, D)

    loops = jnp.arange(N, dtype=edge_index.dtype)
    src = jnp.concatenate([edge_index[0], loops])
    dst = jnp.concatenate([edge_index[1], loops])
    pad = E_PAD - src.shape[0]
    src_p = jnp.concatenate([src, jnp.zeros((pad,), jnp.int32)])
    dst_p = jnp.concatenate([dst, jnp.full((pad,), N, jnp.int32)])

    src_i = src_p.reshape(NS, BPT, BATCH)
    dst_a = jnp.where(dst_p < HALF, dst_p, TRASH)
    dst_b = jnp.where(dst_p >= HALF,
                      jnp.minimum(dst_p - HALF, TRASH), TRASH)
    dst_i = jnp.stack([dst_a.reshape(NS, BPT, BATCH),
                       dst_b.reshape(NS, BPT, BATCH)])

    r = _edge_segsum(t_flat, src_i, dst_i)
    num = jnp.concatenate([r[0:HALF], r[AR:AR + HALF]])
    den = jnp.concatenate([r[2 * AR:2 * AR + HALF],
                           r[3 * AR:3 * AR + HALF]])

    return _postprocess(num, den, g, P1, b1.reshape(1, D), P2,
                        b2.reshape(1, D))

# --- scband reference (transcript-rebuilt; emitter-appended) ---
"""Pipeline reference for scband-multi-head-point-transformer-89086211653966 (READ-ONLY COPY).

The authoritative reference and input builder live on the scoring server;
editing this copy changes nothing except your own understanding.
"""

import jax, jax.numpy as jnp
import numpy as np

N_NODES = 10000
N_EDGES = 320000
D_IN = 128
D_OUT = 128
HEADS = 4
D_HEAD = D_OUT // HEADS


def setup_inputs(seed: int = 0) -> dict:
    key = jax.random.key(seed)
    ks = jax.random.split(key, 16)
    x = jax.random.normal(ks[0], (N_NODES, D_IN), dtype=jnp.float32)
    pos = jax.random.normal(ks[1], (N_NODES, 3), dtype=jnp.float32)
    edge_index = jax.random.randint(ks[2], (2, N_EDGES), 0, N_NODES, dtype=jnp.int32)
    s_in = 1.0 / np.sqrt(D_IN)
    W_lin = jax.random.normal(ks[3], (HEADS, D_IN, D_HEAD), dtype=jnp.float32) * s_in
    W_src = jax.random.normal(ks[4], (HEADS, D_IN, D_HEAD), dtype=jnp.float32) * s_in
    W_dst = jax.random.normal(ks[5], (HEADS, D_IN, D_HEAD), dtype=jnp.float32) * s_in
    pos_W = jax.random.normal(ks[6], (HEADS, 3, D_HEAD), dtype=jnp.float32) * (1.0 / np.sqrt(3.0))
    pos_b = jnp.zeros((HEADS, D_HEAD), dtype=jnp.float32)
    P1 = jax.random.normal(ks[7], (HEADS * D_HEAD, D_OUT), dtype=jnp.float32) * (1.0 / np.sqrt(HEADS * D_HEAD))
    b1 = jnp.zeros((D_OUT,), dtype=jnp.float32)
    P2 = jax.random.normal(ks[8], (D_OUT, D_OUT), dtype=jnp.float32) * (1.0 / np.sqrt(D_OUT))
    b2 = jnp.zeros((D_OUT,), dtype=jnp.float32)
    return {"x": x, "pos": pos, "edge_index": edge_index, "W_lin": W_lin, "W_src": W_src,
            "W_dst": W_dst, "pos_W": pos_W, "pos_b": pos_b, "P1": P1, "b1": b1, "P2": P2, "b2": b2}


def _ptconv(x, pos, src, dst, W_lin_h, W_src_h, W_dst_h, pos_W_h, pos_b_h, num_nodes):
    # PyG PointTransformerConv (default pos_nn=Linear(3,out), attn_nn=None, aggr='add')
    x_lin = x @ W_lin_h
    a_src = x @ W_src_h
    a_dst = x @ W_dst_h
    delta = (pos[dst] - pos[src]) @ pos_W_h + pos_b_h          # pos_nn(pos_i - pos_j)
    alpha = a_dst[dst] - a_src[src] + delta                     # alpha_i - alpha_j + delta
    amax = jax.ops.segment_max(alpha, dst, num_segments=num_nodes)
    amax = jnp.where(jnp.isfinite(amax), amax, 0.0)
    e = jnp.exp(alpha - amax[dst])
    denom = jax.ops.segment_sum(e, dst, num_segments=num_nodes)
    w = e / jnp.maximum(denom[dst], 1e-16)                      # per-dst softmax
    msg = w * (x_lin[src] + delta)                              # alpha * (x_j + delta)
    return jax.ops.segment_sum(msg, dst, num_segments=num_nodes)


def reference(x, pos, edge_index, W_lin, W_src, W_dst, pos_W, pos_b, P1, b1, P2, b2):
    n = x.shape[0]
    loops = jnp.arange(n, dtype=edge_index.dtype)
    ei = jnp.concatenate([edge_index, jnp.stack([loops, loops], axis=0)], axis=1)  # add_self_loops
    src, dst = ei[0], ei[1]
    heads = [_ptconv(x, pos, src, dst, W_lin[h], W_src[h], W_dst[h], pos_W[h], pos_b[h], n)
             for h in range(HEADS)]
    hcat = jnp.concatenate(heads, axis=-1)
    hidden = jax.nn.relu(hcat @ P1 + b1)
    return hidden @ P2 + b2

if __name__ == "__main__":
    import jax
    _d = setup_inputs()
    print(jax.jit(kernel)(*tuple(_d.values())))

</pallas_src>

<mosaic_0001>
#map = affine_map<(d0, d1) -> (0, 0)>
#map1 = affine_map<(d0, d1) -> (0, 0, 0)>
#map2 = affine_map<(d0, d1) -> (0, 0, 0, 0)>
module attributes {stable_mosaic.version = 14 : i64} {
  func.func @_edge_body(%arg0: i32, %arg1: i32, %arg2: memref<20480x128xf32, #tpu.memory_space<hbm>>, %arg3: memref<16x1344x16xi32, #tpu.memory_space<hbm>>, %arg4: memref<2x16x1344x16xi32, #tpu.memory_space<hbm>>, %arg5: memref<20480x128xf32, #tpu.memory_space<hbm>>, %arg6: memref<8x16xi32, #tpu.memory_space<vmem>>, %arg7: memref<8x16xi32, #tpu.memory_space<vmem>>, %arg8: memref<8x16xi32, #tpu.memory_space<vmem>>, %arg9: memref<8x16xi32, #tpu.memory_space<vmem>>, %arg10: memref<16x128xf32, #tpu.memory_space<vmem>>, %arg11: memref<16x128xf32, #tpu.memory_space<vmem>>, %arg12: memref<10016x128xf32, #tpu.memory_space<vmem_shared>>, %arg13: memref<5120x128xf32, #tpu.memory_space<vmem_shared>>, %arg14: memref<!tpu.dma_semaphore, #tpu.memory_space<semaphore_mem>>, %arg15: memref<!tpu.dma_semaphore, #tpu.memory_space<semaphore_mem>>, %arg16: memref<!tpu.dma_semaphore, #tpu.memory_space<semaphore_mem>>, %arg17: memref<!tpu.dma_semaphore, #tpu.memory_space<semaphore_mem>>) attributes {dimension_semantics = [#tpu.dimension_semantics<core_parallel>, #tpu.dimension_semantics<subcore_parallel>], iteration_bounds = array<i64: 2, 16>, scalar_prefetch = 0 : i64, scratch_operands = 12 : i64, tpu.core_type = #tpu.core_type<sc_vector_subcore>, window_params = [{transform_indices = #map}, {transform_indices = #map1}, {transform_indices = #map2}, {transform_indices = #map}]} {
    %mul3A = arith.constant 16 : i32
    %mul3A_0 = arith.muli %arg0, %mul3A : i32
    %add3A = arith.addi %mul3A_0, %arg1 : i32
    %lt3A = arith.constant 14 : i32
    %lt3A_1 = arith.cmpi slt, %arg1, %lt3A : i32
    %convert_element_type3A = arith.extui %lt3A_1 : i1 to i32
    %cond3A = arith.constant 0 : i32
    %cond3A_2 = arith.cmpi ne, %convert_element_type3A, %cond3A : i32
    scf.if %cond3A_2 {
      %mul3A_138 = arith.constant 10240 : i32
      %mul3A_139 = arith.muli %arg0, %mul3A_138 : i32
      %mul3A_140 = arith.constant 712 : i32
      %mul3A_141 = arith.muli %arg1, %mul3A_140 : i32
      %add3A_142 = arith.addi %mul3A_139, %mul3A_141 : i32
      %mul3A_143 = arith.constant 712 : i32
      %mul3A_144 = arith.muli %arg1, %mul3A_143 : i32
      "tpu.region"() ({
        %run_scoped3A_145 = tpu.sem_alloc : memref<!tpu.dma_semaphore, #tpu.memory_space<semaphore_mem>>
        %dma_start3A = arith.constant 0 : i32
        %dma_start3A_146 = tpu.memref_slice %arg12[%mul3A_144, %dma_start3A] : memref<10016x128xf32, #tpu.memory_space<vmem_shared>> -> memref<712x128xf32, #tpu.memory_space<vmem_shared>>
        %dma_start3A_147 = arith.constant 0 : i32
        %dma_start3A_148 = tpu.memref_slice %arg2[%add3A_142, %dma_start3A_147] : memref<20480x128xf32, #tpu.memory_space<hbm>> -> memref<712x128xf32, #tpu.memory_space<hbm>>
        tpu.enqueue_dma source(%dma_start3A_148 : memref<712x128xf32, #tpu.memory_space<hbm>>) target(%dma_start3A_146 : memref<712x128xf32, #tpu.memory_space<vmem_shared>>) target_semaphore(%run_scoped3A_145 : memref<!tpu.dma_semaphore, #tpu.memory_space<semaphore_mem>>)
        %dma_wait3A = arith.constant 0 : i32
        %dma_wait3A_149 = tpu.memref_slice %arg12[%mul3A_144, %dma_wait3A] : memref<10016x128xf32, #tpu.memory_space<vmem_shared>> -> memref<712x128xf32, #tpu.memory_space<vmem_shared>>
        %dma_wait3A_150 = arith.constant 0 : i32
        %dma_wait3A_151 = tpu.memref_slice %arg2[%add3A_142, %dma_wait3A_150] : memref<20480x128xf32, #tpu.memory_space<hbm>> -> memref<712x128xf32, #tpu.memory_space<hbm>>
        tpu.wait_dma2 semaphore(%run_scoped3A_145 : memref<!tpu.dma_semaphore, #tpu.memory_space<semaphore_mem>>) src(%dma_wait3A_151 : memref<712x128xf32, #tpu.memory_space<hbm>>) dst(%dma_wait3A_149 : memref<712x128xf32, #tpu.memory_space<vmem_shared>>)
        tpu.yield
      }) : () -> ()
    } else {
    }
    %eq3A = arith.constant 14 : i32
    %eq3A_3 = arith.cmpi eq, %arg1, %eq3A : i32
    %convert_element_type3A_4 = arith.extui %eq3A_3 : i1 to i32
    %cond3A_5 = arith.constant 0 : i32
    %cond3A_6 = arith.cmpi ne, %convert_element_type3A_4, %cond3A_5 : i32
    scf.if %cond3A_6 {
      %mul3A_138 = arith.constant 10240 : i32
      %mul3A_139 = arith.muli %arg0, %mul3A_138 : i32
      %add3A_140 = arith.constant 9968 : i32
      %add3A_141 = arith.addi %mul3A_139, %add3A_140 : i32
      "tpu.region"() ({
        %run_scoped3A_142 = tpu.sem_alloc : memref<!tpu.dma_semaphore, #tpu.memory_space<semaphore_mem>>
        %dma_start3A = arith.constant 9968 : i32
        %dma_start3A_143 = arith.constant 0 : i32
        %dma_start3A_144 = tpu.memref_slice %arg12[%dma_start3A, %dma_start3A_143] : memref<10016x128xf32, #tpu.memory_space<vmem_shared>> -> memref<48x128xf32, #tpu.memory_space<vmem_shared>>
        %dma_start3A_145 = arith.constant 0 : i32
        %dma_start3A_146 = tpu.memref_slice %arg2[%add3A_141, %dma_start3A_145] : memref<20480x128xf32, #tpu.memory_space<hbm>> -> memref<48x128xf32, #tpu.memory_space<hbm>>
        tpu.enqueue_dma source(%dma_start3A_146 : memref<48x128xf32, #tpu.memory_space<hbm>>) target(%dma_start3A_144 : memref<48x128xf32, #tpu.memory_space<vmem_shared>>) target_semaphore(%run_scoped3A_142 : memref<!tpu.dma_semaphore, #tpu.memory_space<semaphore_mem>>)
        %dma_wait3A = arith.constant 9968 : i32
        %dma_wait3A_147 = arith.constant 0 : i32
        %dma_wait3A_148 = tpu.memref_slice %arg12[%dma_wait3A, %dma_wait3A_147] : memref<10016x128xf32, #tpu.memory_space<vmem_shared>> -> memref<48x128xf32, #tpu.memory_space<vmem_shared>>
        %dma_wait3A_149 = arith.constant 0 : i32
        %dma_wait3A_150 = tpu.memref_slice %arg2[%add3A_141, %dma_wait3A_149] : memref<20480x128xf32, #tpu.memory_space<hbm>> -> memref<48x128xf32, #tpu.memory_space<hbm>>
        tpu.wait_dma2 semaphore(%run_scoped3A_142 : memref<!tpu.dma_semaphore, #tpu.memory_space<semaphore_mem>>) src(%dma_wait3A_150 : memref<48x128xf32, #tpu.memory_space<hbm>>) dst(%dma_wait3A_148 : memref<48x128xf32, #tpu.memory_space<vmem_shared>>)
        tpu.yield
      }) : () -> ()
    } else {
    }
    %scan3A = arith.constant 0 : i32
    %scan3A_7 = arith.constant 0 : i32
    %scan3A_8 = arith.constant 16 : i32
    %scan3A_9 = arith.addi %scan3A_7, %scan3A_8 : i32
    %scan3A_10 = arith.constant 1 : i32
    scf.for %scan3A_138 = %scan3A_7 to %scan3A_9 step %scan3A_10  : i32 {
      %broadcast_in_dim3A = arith.constant 0.000000e+00 : f32
      %broadcast_in_dim3A_139 = vector.broadcast %broadcast_in_dim3A : f32 to vector<16xf32>
      %swap3A = arith.index_cast %scan3A_138 : i32 to index
      %swap3A_140 = arith.constant 0 : index
      %swap3A_141 = tpu.vector_load %arg10[%swap3A, %swap3A_140] {strides = array<i32>} : memref<16x128xf32, #tpu.memory_space<vmem>>, vector<1x16xf32>,
      %swap3A_142 = vector.shape_cast %swap3A_141 : vector<1x16xf32> to vector<16xf32>
      %swap3A_143 = vector.shape_cast %broadcast_in_dim3A_139 : vector<16xf32> to vector<1x16xf32>
      tpu.vector_store %arg10[%swap3A, %swap3A_140], %swap3A_143 {strides = array<i32>} : memref<16x128xf32, #tpu.memory_space<vmem>>, vector<1x16xf32>,
      %broadcast_in_dim3A_144 = arith.constant 0.000000e+00 : f32
      %broadcast_in_dim3A_145 = vector.broadcast %broadcast_in_dim3A_144 : f32 to vector<16xf32>
      %swap3A_146 = arith.index_cast %scan3A_138 : i32 to index
      %swap3A_147 = arith.constant 16 : index
      %swap3A_148 = tpu.vector_load %arg10[%swap3A_146, %swap3A_147] {strides = array<i32>} : memref<16x128xf32, #tpu.memory_space<vmem>>, vector<1x16xf32>,
      %swap3A_149 = vector.shape_cast %swap3A_148 : vector<1x16xf32> to vector<16xf32>
      %swap3A_150 = vector.shape_cast %broadcast_in_dim3A_145 : vector<16xf32> to vector<1x16xf32>
      tpu.vector_store %arg10[%swap3A_146, %swap3A_147], %swap3A_150 {strides = array<i32>} : memref<16x128xf32, #tpu.memory_space<vmem>>, vector<1x16xf32>,
      %broadcast_in_dim3A_151 = arith.constant 0.000000e+00 : f32
      %broadcast_in_dim3A_152 = vector.broadcast %broadcast_in_dim3A_151 : f32 to vector<16xf32>
      %swap3A_153 = arith.index_cast %scan3A_138 : i32 to index
      %swap3A_154 = arith.constant 32 : index
      %swap3A_155 = tpu.vector_load %arg10[%swap3A_153, %swap3A_154] {strides = array<i32>} : memref<16x128xf32, #tpu.memory_space<vmem>>, vector<1x16xf32>,
      %swap3A_156 = vector.shape_cast %swap3A_155 : vector<1x16xf32> to vector<16xf32>
      %swap3A_157 = vector.shape_cast %broadcast_in_dim3A_152 : vector<16xf32> to vector<1x16xf32>
      tpu.vector_store %arg10[%swap3A_153, %swap3A_154], %swap3A_157 {strides = array<i32>} : memref<16x128xf32, #tpu.memory_space<vmem>>, vector<1x16xf32>,
      %broadcast_in_dim3A_158 = arith.constant 0.000000e+00 : f32
      %broadcast_in_dim3A_159 = vector.broadcast %broadcast_in_dim3A_158 : f32 to vector<16xf32>
      %swap3A_160 = arith.index_cast %scan3A_138 : i32 to index
      %swap3A_161 = arith.constant 48 : index
      %swap3A_162 = tpu.vector_load %arg10[%swap3A_160, %swap3A_161] {strides = array<i32>} : memref<16x128xf32, #tpu.memory_space<vmem>>, vector<1x16xf32>,
      %swap3A_163 = vector.shape_cast %swap3A_162 : vector<1x16xf32> to vector<16xf32>
      %swap3A_164 = vector.shape_cast %broadcast_in_dim3A_159 : vector<16xf32> to vector<1x16xf32>
      tpu.vector_store %arg10[%swap3A_160, %swap3A_161], %swap3A_164 {strides = array<i32>} : memref<16x128xf32, #tpu.memory_space<vmem>>, vector<1x16xf32>,
      %broadcast_in_dim3A_165 = arith.constant 0.000000e+00 : f32
      %broadcast_in_dim3A_166 = vector.broadcast %broadcast_in_dim3A_165 : f32 to vector<16xf32>
      %swap3A_167 = arith.index_cast %scan3A_138 : i32 to index
      %swap3A_168 = arith.constant 64 : index
      %swap3A_169 = tpu.vector_load %arg10[%swap3A_167, %swap3A_168] {strides = array<i32>} : memref<16x128xf32, #tpu.memory_space<vmem>>, vector<1x16xf32>,
      %swap3A_170 = vector.shape_cast %swap3A_169 : vector<1x16xf32> to vector<16xf32>
      %swap3A_171 = vector.shape_cast %broadcast_in_dim3A_166 : vector<16xf32> to vector<1x16xf32>
      tpu.vector_store %arg10[%swap3A_167, %swap3A_168], %swap3A_171 {strides = array<i32>} : memref<16x128xf32, #tpu.memory_space<vmem>>, vector<1x16xf32>,
      %broadcast_in_dim3A_172 = arith.constant 0.000000e+00 : f32
      %broadcast_in_dim3A_173 = vector.broadcast %broadcast_in_dim3A_172 : f32 to vector<16xf32>
      %swap3A_174 = arith.index_cast %scan3A_138 : i32 to index
      %swap3A_175 = arith.constant 80 : index
      %swap3A_176 = tpu.vector_load %arg10[%swap3A_174, %swap3A_175] {strides = array<i32>} : memref<16x128xf32, #tpu.memory_space<vmem>>, vector<1x16xf32>,
      %swap3A_177 = vector.shape_cast %swap3A_176 : vector<1x16xf32> to vector<16xf32>
      %swap3A_178 = vector.shape_cast %broadcast_in_dim3A_173 : vector<16xf32> to vector<1x16xf32>
      tpu.vector_store %arg10[%swap3A_174, %swap3A_175], %swap3A_178 {strides = array<i32>} : memref<16x128xf32, #tpu.memory_space<vmem>>, vector<1x16xf32>,
      %broadcast_in_dim3A_179 = arith.constant 0.000000e+00 : f32
      %broadcast_in_dim3A_180 = vector.broadcast %broadcast_in_dim3A_179 : f32 to vector<16xf32>
      %swap3A_181 = arith.index_cast %scan3A_138 : i32 to index
      %swap3A_182 = arith.constant 96 : index
      %swap3A_183 = tpu.vector_load %arg10[%swap3A_181, %swap3A_182] {strides = array<i32>} : memref<16x128xf32, #tpu.memory_space<vmem>>, vector<1x16xf32>,
      %swap3A_184 = vector.shape_cast %swap3A_183 : vector<1x16xf32> to vector<16xf32>
      %swap3A_185 = vector.shape_cast %broadcast_in_dim3A_180 : vector<16xf32> to vector<1x16xf32>
      tpu.vector_store %arg10[%swap3A_181, %swap3A_182], %swap3A_185 {strides = array<i32>} : memref<16x128xf32, #tpu.memory_space<vmem>>, vector<1x16xf32>,
      %broadcast_in_dim3A_186 = arith.constant 0.000000e+00 : f32
      %broadcast_in_dim3A_187 = vector.broadcast %broadcast_in_dim3A_186 : f32 to vector<16xf32>
      %swap3A_188 = arith.index_cast %scan3A_138 : i32 to index
      %swap3A_189 = arith.constant 112 : index
      %swap3A_190 = tpu.vector_load %arg10[%swap3A_188, %swap3A_189] {strides = array<i32>} : memref<16x128xf32, #tpu.memory_space<vmem>>, vector<1x16xf32>,
      %swap3A_191 = vector.shape_cast %swap3A_190 : vector<1x16xf32> to vector<16xf32>
      %swap3A_192 = vector.shape_cast %broadcast_in_dim3A_187 : vector<16xf32> to vector<1x16xf32>
      tpu.vector_store %arg10[%swap3A_188, %swap3A_189], %swap3A_192 {strides = array<i32>} : memref<16x128xf32, #tpu.memory_space<vmem>>, vector<1x16xf32>,
    }
    %scan3A_11 = arith.constant 16 : i32
    %mul3A_12 = arith.constant 320 : i32
    %mul3A_13 = arith.muli %arg1, %mul3A_12 : i32
    %add3A_14 = arith.constant 0 : i32
    %add3A_15 = arith.addi %mul3A_13, %add3A_14 : i32
    "tpu.region"() ({
      %run_scoped3A_138 = tpu.sem_alloc : memref<!tpu.dma_semaphore, #tpu.memory_space<semaphore_mem>>
      %dma_start3A = arith.constant 0 : i32
      %dma_start3A_139 = tpu.memref_slice %arg13[%add3A_15, %dma_start3A] : memref<5120x128xf32, #tpu.memory_space<vmem_shared>> -> memref<16x128xf32, #tpu.memory_space<vmem_shared>>
      %dma_start3A_140 = arith.constant 0 : i32
      %dma_start3A_141 = tpu.memref_slice %arg13[%add3A_15, %dma_start3A_140] : memref<5120x128xf32, #tpu.memory_space<vmem_shared>> -> memref<16x128xf32, #tpu.memory_space<vmem_shared>>
      tpu.enqueue_dma source(%arg10 : memref<16x128xf32, #tpu.memory_space<vmem>>) target(%dma_start3A_141 : memref<16x128xf32, #tpu.memory_space<vmem_shared>>) target_semaphore(%run_scoped3A_138 : memref<!tpu.dma_semaphore, #tpu.memory_space<semaphore_mem>>)
      %dma_wait3A = arith.constant 0 : i32
      %dma_wait3A_142 = tpu.memref_slice %arg13[%add3A_15, %dma_wait3A] : memref<5120x128xf32, #tpu.memory_space<vmem_shared>> -> memref<16x128xf32, #tpu.memory_space<vmem_shared>>
      %dma_wait3A_143 = arith.constant 0 : i32
      %dma_wait3A_144 = tpu.memref_slice %arg13[%add3A_15, %dma_wait3A_143] : memref<5120x128xf32, #tpu.memory_space<vmem_shared>> -> memref<16x128xf32, #tpu.memory_space<vmem_shared>>
      tpu.wait_dma2 semaphore(%run_scoped3A_138 : memref<!tpu.dma_semaphore, #tpu.memory_space<semaphore_mem>>) src(%arg10 : memref<16x128xf32, #tpu.memory_space<vmem>>) dst(%dma_wait3A_144 : memref<16x128xf32, #tpu.memory_space<vmem_shared>>)
      tpu.yield
    }) : () -> ()
    %add3A_16 = arith.constant 16 : i32
    %add3A_17 = arith.addi %mul3A_13, %add3A_16 : i32
    "tpu.region"() ({
      %run_scoped3A_138 = tpu.sem_alloc : memref<!tpu.dma_semaphore, #tpu.memory_space<semaphore_mem>>
      %dma_start3A = arith.constant 0 : i32
      %dma_start3A_139 = tpu.memref_slice %arg13[%add3A_17, %dma_start3A] : memref<5120x128xf32, #tpu.memory_space<vmem_shared>> -> memref<16x128xf32, #tpu.memory_space<vmem_shared>>
      %dma_start3A_140 = arith.constant 0 : i32
      %dma_start3A_141 = tpu.memref_slice %arg13[%add3A_17, %dma_start3A_140] : memref<5120x128xf32, #tpu.memory_space<vmem_shared>> -> memref<16x128xf32, #tpu.memory_space<vmem_shared>>
      tpu.enqueue_dma source(%arg10 : memref<16x128xf32, #tpu.memory_space<vmem>>) target(%dma_start3A_141 : memref<16x128xf32, #tpu.memory_space<vmem_shared>>) target_semaphore(%run_scoped3A_138 : memref<!tpu.dma_semaphore, #tpu.memory_space<semaphore_mem>>)
      %dma_wait3A = arith.constant 0 : i32
      %dma_wait3A_142 = tpu.memref_slice %arg13[%add3A_17, %dma_wait3A] : memref<5120x128xf32, #tpu.memory_space<vmem_shared>> -> memref<16x128xf32, #tpu.memory_space<vmem_shared>>
      %dma_wait3A_143 = arith.constant 0 : i32
      %dma_wait3A_144 = tpu.memref_slice %arg13[%add3A_17, %dma_wait3A_143] : memref<5120x128xf32, #tpu.memory_space<vmem_shared>> -> memref<16x128xf32, #tpu.memory_space<vmem_shared>>
      tpu.wait_dma2 semaphore(%run_scoped3A_138 : memref<!tpu.dma_semaphore, #tpu.memory_space<semaphore_mem>>) src(%arg10 : memref<16x128xf32, #tpu.memory_space<vmem>>) dst(%dma_wait3A_144 : memref<16x128xf32, #tpu.memory_space<vmem_shared>>)
      tpu.yield
    }) : () -> ()
    %add3A_18 = arith.constant 32 : i32
    %add3A_19 = arith.addi %mul3A_13, %add3A_18 : i32
    "tpu.region"() ({
      %run_scoped3A_138 = tpu.sem_alloc : memref<!tpu.dma_semaphore, #tpu.memory_space<semaphore_mem>>
      %dma_start3A = arith.constant 0 : i32
      %dma_start3A_139 = tpu.memref_slice %arg13[%add3A_19, %dma_start3A] : memref<5120x128xf32, #tpu.memory_space<vmem_shared>> -> memref<16x128xf32, #tpu.memory_space<vmem_shared>>
      %dma_start3A_140 = arith.constant 0 : i32
      %dma_start3A_141 = tpu.memref_slice %arg13[%add3A_19, %dma_start3A_140] : memref<5120x128xf32, #tpu.memory_space<vmem_shared>> -> memref<16x128xf32, #tpu.memory_space<vmem_shared>>
      tpu.enqueue_dma source(%arg10 : memref<16x128xf32, #tpu.memory_space<vmem>>) target(%dma_start3A_141 : memref<16x128xf32, #tpu.memory_space<vmem_shared>>) target_semaphore(%run_scoped3A_138 : memref<!tpu.dma_semaphore, #tpu.memory_space<semaphore_mem>>)
      %dma_wait3A = arith.constant 0 : i32
      %dma_wait3A_142 = tpu.memref_slice %arg13[%add3A_19, %dma_wait3A] : memref<5120x128xf32, #tpu.memory_space<vmem_shared>> -> memref<16x128xf32, #tpu.memory_space<vmem_shared>>
      %dma_wait3A_143 = arith.constant 0 : i32
      %dma_wait3A_144 = tpu.memref_slice %arg13[%add3A_19, %dma_wait3A_143] : memref<5120x128xf32, #tpu.memory_space<vmem_shared>> -> memref<16x128xf32, #tpu.memory_space<vmem_shared>>
      tpu.wait_dma2 semaphore(%run_scoped3A_138 : memref<!tpu.dma_semaphore, #tpu.memory_space<semaphore_mem>>) src(%arg10 : memref<16x128xf32, #tpu.memory_space<vmem>>) dst(%dma_wait3A_144 : memref<16x128xf32, #tpu.memory_space<vmem_shared>>)
      tpu.yield
    }) : () -> ()
    %add3A_20 = arith.constant 48 : i32
    %add3A_21 = arith.addi %mul3A_13, %add3A_20 : i32
    "tpu.region"() ({
      %run_scoped3A_138 = tpu.sem_alloc : memref<!tpu.dma_semaphore, #tpu.memory_space<semaphore_mem>>
      %dma_start3A = arith.constant 0 : i32
      %dma_start3A_139 = tpu.memref_slice %arg13[%add3A_21, %dma_start3A] : memref<5120x128xf32, #tpu.memory_space<vmem_shared>> -> memref<16x128xf32, #tpu.memory_space<vmem_shared>>
      %dma_start3A_140 = arith.constant 0 : i32
      %dma_start3A_141 = tpu.memref_slice %arg13[%add3A_21, %dma_start3A_140] : memref<5120x128xf32, #tpu.memory_space<vmem_shared>> -> memref<16x128xf32, #tpu.memory_space<vmem_shared>>
      tpu.enqueue_dma source(%arg10 : memref<16x128xf32, #tpu.memory_space<vmem>>) target(%dma_start3A_141 : memref<16x128xf32, #tpu.memory_space<vmem_shared>>) target_semaphore(%run_scoped3A_138 : memref<!tpu.dma_semaphore, #tpu.memory_space<semaphore_mem>>)
      %dma_wait3A = arith.constant 0 : i32
      %dma_wait3A_142 = tpu.memref_slice %arg13[%add3A_21, %dma_wait3A] : memref<5120x128xf32, #tpu.memory_space<vmem_shared>> -> memref<16x128xf32, #tpu.memory_space<vmem_shared>>
      %dma_wait3A_143 = arith.constant 0 : i32
      %dma_wait3A_144 = tpu.memref_slice %arg13[%add3A_21, %dma_wait3A_143] : memref<5120x128xf32, #tpu.memory_space<vmem_shared>> -> memref<16x128xf32, #tpu.memory_space<vmem_shared>>
      tpu.wait_dma2 semaphore(%run_scoped3A_138 : memref<!tpu.dma_semaphore, #tpu.memory_space<semaphore_mem>>) src(%arg10 : memref<16x128xf32, #tpu.memory_space<vmem>>) dst(%dma_wait3A_144 : memref<16x128xf32, #tpu.memory_space<vmem_shared>>)
      tpu.yield
    }) : () -> ()
    %add3A_22 = arith.constant 64 : i32
    %add3A_23 = arith.addi %mul3A_13, %add3A_22 : i32
    "tpu.region"() ({
      %run_scoped3A_138 = tpu.sem_alloc : memref<!tpu.dma_semaphore, #tpu.memory_space<semaphore_mem>>
      %dma_start3A = arith.constant 0 : i32
      %dma_start3A_139 = tpu.memref_slice %arg13[%add3A_23, %dma_start3A] : memref<5120x128xf32, #tpu.memory_space<vmem_shared>> -> memref<16x128xf32, #tpu.memory_space<vmem_shared>>
      %dma_start3A_140 = arith.constant 0 : i32
      %dma_start3A_141 = tpu.memref_slice %arg13[%add3A_23, %dma_start3A_140] : memref<5120x128xf32, #tpu.memory_space<vmem_shared>> -> memref<16x128xf32, #tpu.memory_space<vmem_shared>>
      tpu.enqueue_dma source(%arg10 : memref<16x128xf32, #tpu.memory_space<vmem>>) target(%dma_start3A_141 : memref<16x128xf32, #tpu.memory_space<vmem_shared>>) target_semaphore(%run_scoped3A_138 : memref<!tpu.dma_semaphore, #tpu.memory_space<semaphore_mem>>)
      %dma_wait3A = arith.constant 0 : i32
      %dma_wait3A_142 = tpu.memref_slice %arg13[%add3A_23, %dma_wait3A] : memref<5120x128xf32, #tpu.memory_space<vmem_shared>> -> memref<16x128xf32, #tpu.memory_space<vmem_shared>>
      %dma_wait3A_143 = arith.constant 0 : i32
      %dma_wait3A_144 = tpu.memref_slice %arg13[%add3A_23, %dma_wait3A_143] : memref<5120x128xf32, #tpu.memory_space<vmem_shared>> -> memref<16x128xf32, #tpu.memory_space<vmem_shared>>
      tpu.wait_dma2 semaphore(%run_scoped3A_138 : memref<!tpu.dma_semaphore, #tpu.memory_space<semaphore_mem>>) src(%arg10 : memref<16x128xf32, #tpu.memory_space<vmem>>) dst(%dma_wait3A_144 : memref<16x128xf32, #tpu.memory_space<vmem_shared>>)
      tpu.yield
    }) : () -> ()
    %add3A_24 = arith.constant 80 : i32
    %add3A_25 = arith.addi %mul3A_13, %add3A_24 : i32
    "tpu.region"() ({
      %run_scoped3A_138 = tpu.sem_alloc : memref<!tpu.dma_semaphore, #tpu.memory_space<semaphore_mem>>
      %dma_start3A = arith.constant 0 : i32
      %dma_start3A_139 = tpu.memref_slice %arg13[%add3A_25, %dma_start3A] : memref<5120x128xf32, #tpu.memory_space<vmem_shared>> -> memref<16x128xf32, #tpu.memory_space<vmem_shared>>
      %dma_start3A_140 = arith.constant 0 : i32
      %dma_start3A_141 = tpu.memref_slice %arg13[%add3A_25, %dma_start3A_140] : memref<5120x128xf32, #tpu.memory_space<vmem_shared>> -> memref<16x128xf32, #tpu.memory_space<vmem_shared>>
      tpu.enqueue_dma source(%arg10 : memref<16x128xf32, #tpu.memory_space<vmem>>) target(%dma_start3A_141 : memref<16x128xf32, #tpu.memory_space<vmem_shared>>) target_semaphore(%run_scoped3A_138 : memref<!tpu.dma_semaphore, #tpu.memory_space<semaphore_mem>>)
      %dma_wait3A = arith.constant 0 : i32
      %dma_wait3A_142 = tpu.memref_slice %arg13[%add3A_25, %dma_wait3A] : memref<5120x128xf32, #tpu.memory_space<vmem_shared>> -> memref<16x128xf32, #tpu.memory_space<vmem_shared>>
      %dma_wait3A_143 = arith.constant 0 : i32
      %dma_wait3A_144 = tpu.memref_slice %arg13[%add3A_25, %dma_wait3A_143] : memref<5120x128xf32, #tpu.memory_space<vmem_shared>> -> memref<16x128xf32, #tpu.memory_space<vmem_shared>>
      tpu.wait_dma2 semaphore(%run_scoped3A_138 : memref<!tpu.dma_semaphore, #tpu.memory_space<semaphore_mem>>) src(%arg10 : memref<16x128xf32, #tpu.memory_space<vmem>>) dst(%dma_wait3A_144 : memref<16x128xf32, #tpu.memory_space<vmem_shared>>)
      tpu.yield
    }) : () -> ()
    %add3A_26 = arith.constant 96 : i32
    %add3A_27 = arith.addi %mul3A_13, %add3A_26 : i32
    "tpu.region"() ({
      %run_scoped3A_138 = tpu.sem_alloc : memref<!tpu.dma_semaphore, #tpu.memory_space<semaphore_mem>>
      %dma_start3A = arith.constant 0 : i32
      %dma_start3A_139 = tpu.memref_slice %arg13[%add3A_27, %dma_start3A] : memref<5120x128xf32, #tpu.memory_space<vmem_shared>> -> memref<16x128xf32, #tpu.memory_space<vmem_shared>>
      %dma_start3A_140 = arith.constant 0 : i32
      %dma_start3A_141 = tpu.memref_slice %arg13[%add3A_27, %dma_start3A_140] : memref<5120x128xf32, #tpu.memory_space<vmem_shared>> -> memref<16x128xf32, #tpu.memory_space<vmem_shared>>
      tpu.enqueue_dma source(%arg10 : memref<16x128xf32, #tpu.memory_space<vmem>>) target(%dma_start3A_141 : memref<16x128xf32, #tpu.memory_space<vmem_shared>>) target_semaphore(%run_scoped3A_138 : memref<!tpu.dma_semaphore, #tpu.memory_space<semaphore_mem>>)
      %dma_wait3A = arith.constant 0 : i32
      %dma_wait3A_142 = tpu.memref_slice %arg13[%add3A_27, %dma_wait3A] : memref<5120x128xf32, #tpu.memory_space<vmem_shared>> -> memref<16x128xf32, #tpu.memory_space<vmem_shared>>
      %dma_wait3A_143 = arith.constant 0 : i32
      %dma_wait3A_144 = tpu.memref_slice %arg13[%add3A_27, %dma_wait3A_143] : memref<5120x128xf32, #tpu.memory_space<vmem_shared>> -> memref<16x128xf32, #tpu.memory_space<vmem_shared>>
      tpu.wait_dma2 semaphore(%run_scoped3A_138 : memref<!tpu.dma_semaphore, #tpu.memory_space<semaphore_mem>>) src(%arg10 : memref<16x128xf32, #tpu.memory_space<vmem>>) dst(%dma_wait3A_144 : memref<16x128xf32, #tpu.memory_space<vmem_shared>>)
      tpu.yield
    }) : () -> ()
    %add3A_28 = arith.constant 112 : i32
    %add3A_29 = arith.addi %mul3A_13, %add3A_28 : i32
    "tpu.region"() ({
      %run_scoped3A_138 = tpu.sem_alloc : memref<!tpu.dma_semaphore, #tpu.memory_space<semaphore_mem>>
      %dma_start3A = arith.constant 0 : i32
      %dma_start3A_139 = tpu.memref_slice %arg13[%add3A_29, %dma_start3A] : memref<5120x128xf32, #tpu.memory_space<vmem_shared>> -> memref<16x128xf32, #tpu.memory_space<vmem_shared>>
      %dma_start3A_140 = arith.constant 0 : i32
      %dma_start3A_141 = tpu.memref_slice %arg13[%add3A_29, %dma_start3A_140] : memref<5120x128xf32, #tpu.memory_space<vmem_shared>> -> memref<16x128xf32, #tpu.memory_space<vmem_shared>>
      tpu.enqueue_dma source(%arg10 : memref<16x128xf32, #tpu.memory_space<vmem>>) target(%dma_start3A_141 : memref<16x128xf32, #tpu.memory_space<vmem_shared>>) target_semaphore(%run_scoped3A_138 : memref<!tpu.dma_semaphore, #tpu.memory_space<semaphore_mem>>)
      %dma_wait3A = arith.constant 0 : i32
      %dma_wait3A_142 = tpu.memref_slice %arg13[%add3A_29, %dma_wait3A] : memref<5120x128xf32, #tpu.memory_space<vmem_shared>> -> memref<16x128xf32, #tpu.memory_space<vmem_shared>>
      %dma_wait3A_143 = arith.constant 0 : i32
      %dma_wait3A_144 = tpu.memref_slice %arg13[%add3A_29, %dma_wait3A_143] : memref<5120x128xf32, #tpu.memory_space<vmem_shared>> -> memref<16x128xf32, #tpu.memory_space<vmem_shared>>
      tpu.wait_dma2 semaphore(%run_scoped3A_138 : memref<!tpu.dma_semaphore, #tpu.memory_space<semaphore_mem>>) src(%arg10 : memref<16x128xf32, #tpu.memory_space<vmem>>) dst(%dma_wait3A_144 : memref<16x128xf32, #tpu.memory_space<vmem_shared>>)
      tpu.yield
    }) : () -> ()
    %add3A_30 = arith.constant 128 : i32
    %add3A_31 = arith.addi %mul3A_13, %add3A_30 : i32
    "tpu.region"() ({
      %run_scoped3A_138 = tpu.sem_alloc : memref<!tpu.dma_semaphore, #tpu.memory_space<semaphore_mem>>
      %dma_start3A = arith.constant 0 : i32
      %dma_start3A_139 = tpu.memref_slice %arg13[%add3A_31, %dma_start3A] : memref<5120x128xf32, #tpu.memory_space<vmem_shared>> -> memref<16x128xf32, #tpu.memory_space<vmem_shared>>
      %dma_start3A_140 = arith.constant 0 : i32
      %dma_start3A_141 = tpu.memref_slice %arg13[%add3A_31, %dma_start3A_140] : memref<5120x128xf32, #tpu.memory_space<vmem_shared>> -> memref<16x128xf32, #tpu.memory_space<vmem_shared>>
      tpu.enqueue_dma source(%arg10 : memref<16x128xf32, #tpu.memory_space<vmem>>) target(%dma_start3A_141 : memref<16x128xf32, #tpu.memory_space<vmem_shared>>) target_semaphore(%run_scoped3A_138 : memref<!tpu.dma_semaphore, #tpu.memory_space<semaphore_mem>>)
      %dma_wait3A = arith.constant 0 : i32
      %dma_wait3A_142 = tpu.memref_slice %arg13[%add3A_31, %dma_wait3A] : memref<5120x128xf32, #tpu.memory_space<vmem_shared>> -> memref<16x128xf32, #tpu.memory_space<vmem_shared>>
      %dma_wait3A_143 = arith.constant 0 : i32
      %dma_wait3A_144 = tpu.memref_slice %arg13[%add3A_31, %dma_wait3A_143] : memref<5120x128xf32, #tpu.memory_space<vmem_shared>> -> memref<16x128xf32, #tpu.memory_space<vmem_shared>>
      tpu.wait_dma2 semaphore(%run_scoped3A_138 : memref<!tpu.dma_semaphore, #tpu.memory_space<semaphore_mem>>) src(%arg10 : memref<16x128xf32, #tpu.memory_space<vmem>>) dst(%dma_wait3A_144 : memref<16x128xf32, #tpu.memory_space<vmem_shared>>)
      tpu.yield
    }) : () -> ()
    %add3A_32 = arith.constant 144 : i32
    %add3A_33 = arith.addi %mul3A_13, %add3A_32 : i32
    "tpu.region"() ({
      %run_scoped3A_138 = tpu.sem_alloc : memref<!tpu.dma_semaphore, #tpu.memory_space<semaphore_mem>>
      %dma_start3A = arith.constant 0 : i32
      %dma_start3A_139 = tpu.memref_slice %arg13[%add3A_33, %dma_start3A] : memref<5120x128xf32, #tpu.memory_space<vmem_shared>> -> memref<16x128xf32, #tpu.memory_space<vmem_shared>>
      %dma_start3A_140 = arith.constant 0 : i32
      %dma_start3A_141 = tpu.memref_slice %arg13[%add3A_33, %dma_start3A_140] : memref<5120x128xf32, #tpu.memory_space<vmem_shared>> -> memref<16x128xf32, #tpu.memory_space<vmem_shared>>
      tpu.enqueue_dma source(%arg10 : memref<16x128xf32, #tpu.memory_space<vmem>>) target(%dma_start3A_141 : memref<16x128xf32, #tpu.memory_space<vmem_shared>>) target_semaphore(%run_scoped3A_138 : memref<!tpu.dma_semaphore, #tpu.memory_space<semaphore_mem>>)
      %dma_wait3A = arith.constant 0 : i32
      %dma_wait3A_142 = tpu.memref_slice %arg13[%add3A_33, %dma_wait3A] : memref<5120x128xf32, #tpu.memory_space<vmem_shared>> -> memref<16x128xf32, #tpu.memory_space<vmem_shared>>
      %dma_wait3A_143 = arith.constant 0 : i32
      %dma_wait3A_144 = tpu.memref_slice %arg13[%add3A_33, %dma_wait3A_143] : memref<5120x128xf32, #tpu.memory_space<vmem_shared>> -> memref<16x128xf32, #tpu.memory_space<vmem_shared>>
      tpu.wait_dma2 semaphore(%run_scoped3A_138 : memref<!tpu.dma_semaphore, #tpu.memory_space<semaphore_mem>>) src(%arg10 : memref<16x128xf32, #tpu.memory_space<vmem>>) dst(%dma_wait3A_144 : memref<16x128xf32, #tpu.memory_space<vmem_shared>>)
      tpu.yield
    }) : () -> ()
    %add3A_34 = arith.constant 160 : i32
    %add3A_35 = arith.addi %mul3A_13, %add3A_34 : i32
    "tpu.region"() ({
      %run_scoped3A_138 = tpu.sem_alloc : memref<!tpu.dma_semaphore, #tpu.memory_space<semaphore_mem>>
      %dma_start3A = arith.constant 0 : i32
      %dma_start3A_139 = tpu.memref_slice %arg13[%add3A_35, %dma_start3A] : memref<5120x128xf32, #tpu.memory_space<vmem_shared>> -> memref<16x128xf32, #tpu.memory_space<vmem_shared>>
      %dma_start3A_140 = arith.constant 0 : i32
      %dma_start3A_141 = tpu.memref_slice %arg13[%add3A_35, %dma_start3A_140] : memref<5120x128xf32, #tpu.memory_space<vmem_shared>> -> memref<16x128xf32, #tpu.memory_space<vmem_shared>>
      tpu.enqueue_dma source(%arg10 : memref<16x128xf32, #tpu.memory_space<vmem>>) target(%dma_start3A_141 : memref<16x128xf32, #tpu.memory_space<vmem_shared>>) target_semaphore(%run_scoped3A_138 : memref<!tpu.dma_semaphore, #tpu.memory_space<semaphore_mem>>)
      %dma_wait3A = arith.constant 0 : i32
      %dma_wait3A_142 = tpu.memref_slice %arg13[%add3A_35, %dma_wait3A] : memref<5120x128xf32, #tpu.memory_space<vmem_shared>> -> memref<16x128xf32, #tpu.memory_space<vmem_shared>>
      %dma_wait3A_143 = arith.constant 0 : i32
      %dma_wait3A_144 = tpu.memref_slice %arg13[%add3A_35, %dma_wait3A_143] : memref<5120x128xf32, #tpu.memory_space<vmem_shared>> -> memref<16x128xf32, #tpu.memory_space<vmem_shared>>
      tpu.wait_dma2 semaphore(%run_scoped3A_138 : memref<!tpu.dma_semaphore, #tpu.memory_space<semaphore_mem>>) src(%arg10 : memref<16x128xf32, #tpu.memory_space<vmem>>) dst(%dma_wait3A_144 : memref<16x128xf32, #tpu.memory_space<vmem_shared>>)
      tpu.yield
    }) : () -> ()
    %add3A_36 = arith.constant 176 : i32
    %add3A_37 = arith.addi %mul3A_13, %add3A_36 : i32
    "tpu.region"() ({
      %run_scoped3A_138 = tpu.sem_alloc : memref<!tpu.dma_semaphore, #tpu.memory_space<semaphore_mem>>
      %dma_start3A = arith.constant 0 : i32
      %dma_start3A_139 = tpu.memref_slice %arg13[%add3A_37, %dma_start3A] : memref<5120x128xf32, #tpu.memory_space<vmem_shared>> -> memref<16x128xf32, #tpu.memory_space<vmem_shared>>
      %dma_start3A_140 = arith.constant 0 : i32
      %dma_start3A_141 = tpu.memref_slice %arg13[%add3A_37, %dma_start3A_140] : memref<5120x128xf32, #tpu.memory_space<vmem_shared>> -> memref<16x128xf32, #tpu.memory_space<vmem_shared>>
      tpu.enqueue_dma source(%arg10 : memref<16x128xf32, #tpu.memory_space<vmem>>) target(%dma_start3A_141 : memref<16x128xf32, #tpu.memory_space<vmem_shared>>) target_semaphore(%run_scoped3A_138 : memref<!tpu.dma_semaphore, #tpu.memory_space<semaphore_mem>>)
      %dma_wait3A = arith.constant 0 : i32
      %dma_wait3A_142 = tpu.memref_slice %arg13[%add3A_37, %dma_wait3A] : memref<5120x128xf32, #tpu.memory_space<vmem_shared>> -> memref<16x128xf32, #tpu.memory_space<vmem_shared>>
      %dma_wait3A_143 = arith.constant 0 : i32
      %dma_wait3A_144 = tpu.memref_slice %arg13[%add3A_37, %dma_wait3A_143] : memref<5120x128xf32, #tpu.memory_space<vmem_shared>> -> memref<16x128xf32, #tpu.memory_space<vmem_shared>>
      tpu.wait_dma2 semaphore(%run_scoped3A_138 : memref<!tpu.dma_semaphore, #tpu.memory_space<semaphore_mem>>) src(%arg10 : memref<16x128xf32, #tpu.memory_space<vmem>>) dst(%dma_wait3A_144 : memref<16x128xf32, #tpu.memory_space<vmem_shared>>)
      tpu.yield
    }) : () -> ()
    %add3A_38 = arith.constant 192 : i32
    %add3A_39 = arith.addi %mul3A_13, %add3A_38 : i32
    "tpu.region"() ({
      %run_scoped3A_138 = tpu.sem_alloc : memref<!tpu.dma_semaphore, #tpu.memory_space<semaphore_mem>>
      %dma_start3A = arith.constant 0 : i32
      %dma_start3A_139 = tpu.memref_slice %arg13[%add3A_39, %dma_start3A] : memref<5120x128xf32, #tpu.memory_space<vmem_shared>> -> memref<16x128xf32, #tpu.memory_space<vmem_shared>>
      %dma_start3A_140 = arith.constant 0 : i32
      %dma_start3A_141 = tpu.memref_slice %arg13[%add3A_39, %dma_start3A_140] : memref<5120x128xf32, #tpu.memory_space<vmem_shared>> -> memref<16x128xf32, #tpu.memory_space<vmem_shared>>
      tpu.enqueue_dma source(%arg10 : memref<16x128xf32, #tpu.memory_space<vmem>>) target(%dma_start3A_141 : memref<16x128xf32, #tpu.memory_space<vmem_shared>>) target_semaphore(%run_scoped3A_138 : memref<!tpu.dma_semaphore, #tpu.memory_space<semaphore_mem>>)
      %dma_wait3A = arith.constant 0 : i32
      %dma_wait3A_142 = tpu.memref_slice %arg13[%add3A_39, %dma_wait3A] : memref<5120x128xf32, #tpu.memory_space<vmem_shared>> -> memref<16x128xf32, #tpu.memory_space<vmem_shared>>
      %dma_wait3A_143 = arith.constant 0 : i32
      %dma_wait3A_144 = tpu.memref_slice %arg13[%add3A_39, %dma_wait3A_143] : memref<5120x128xf32, #tpu.memory_space<vmem_shared>> -> memref<16x128xf32, #tpu.memory_space<vmem_shared>>
      tpu.wait_dma2 semaphore(%run_scoped3A_138 : memref<!tpu.dma_semaphore, #tpu.memory_space<semaphore_mem>>) src(%arg10 : memref<16x128xf32, #tpu.memory_space<vmem>>) dst(%dma_wait3A_144 : memref<16x128xf32, #tpu.memory_space<vmem_shared>>)
      tpu.yield
    }) : () -> ()
    %add3A_40 = arith.constant 208 : i32
    %add3A_41 = arith.addi %mul3A_13, %add3A_40 : i32
    "tpu.region"() ({
      %run_scoped3A_138 = tpu.sem_alloc : memref<!tpu.dma_semaphore, #tpu.memory_space<semaphore_mem>>
      %dma_start3A = arith.constant 0 : i32
      %dma_start3A_139 = tpu.memref_slice %arg13[%add3A_41, %dma_start3A] : memref<5120x128xf32, #tpu.memory_space<vmem_shared>> -> memref<16x128xf32, #tpu.memory_space<vmem_shared>>
      %dma_start3A_140 = arith.constant 0 : i32
      %dma_start3A_141 = tpu.memref_slice %arg13[%add3A_41, %dma_start3A_140] : memref<5120x128xf32, #tpu.memory_space<vmem_shared>> -> memref<16x128xf32, #tpu.memory_space<vmem_shared>>
      tpu.enqueue_dma source(%arg10 : memref<16x128xf32, #tpu.memory_space<vmem>>) target(%dma_start3A_141 : memref<16x128xf32, #tpu.memory_space<vmem_shared>>) target_semaphore(%run_scoped3A_138 : memref<!tpu.dma_semaphore, #tpu.memory_space<semaphore_mem>>)
      %dma_wait3A = arith.constant 0 : i32
      %dma_wait3A_142 = tpu.memref_slice %arg13[%add3A_41, %dma_wait3A] : memref<5120x128xf32, #tpu.memory_space<vmem_shared>> -> memref<16x128xf32, #tpu.memory_space<vmem_shared>>
      %dma_wait3A_143 = arith.constant 0 : i32
      %dma_wait3A_144 = tpu.memref_slice %arg13[%add3A_41, %dma_wait3A_143] : memref<5120x128xf32, #tpu.memory_space<vmem_shared>> -> memref<16x128xf32, #tpu.memory_space<vmem_shared>>
      tpu.wait_dma2 semaphore(%run_scoped3A_138 : memref<!tpu.dma_semaphore, #tpu.memory_space<semaphore_mem>>) src(%arg10 : memref<16x128xf32, #tpu.memory_space<vmem>>) dst(%dma_wait3A_144 : memref<16x128xf32, #tpu.memory_space<vmem_shared>>)
      tpu.yield
    }) : () -> ()
    %add3A_42 = arith.constant 224 : i32
    %add3A_43 = arith.addi %mul3A_13, %add3A_42 : i32
    "tpu.region"() ({
      %run_scoped3A_138 = tpu.sem_alloc : memref<!tpu.dma_semaphore, #tpu.memory_space<semaphore_mem>>
      %dma_start3A = arith.constant 0 : i32
      %dma_start3A_139 = tpu.memref_slice %arg13[%add3A_43, %dma_start3A] : memref<5120x128xf32, #tpu.memory_space<vmem_shared>> -> memref<16x128xf32, #tpu.memory_space<vmem_shared>>
      %dma_start3A_140 = arith.constant 0 : i32
      %dma_start3A_141 = tpu.memref_slice %arg13[%add3A_43, %dma_start3A_140] : memref<5120x128xf32, #tpu.memory_space<vmem_shared>> -> memref<16x128xf32, #tpu.memory_space<vmem_shared>>
      tpu.enqueue_dma source(%arg10 : memref<16x128xf32, #tpu.memory_space<vmem>>) target(%dma_start3A_141 : memref<16x128xf32, #tpu.memory_space<vmem_shared>>) target_semaphore(%run_scoped3A_138 : memref<!tpu.dma_semaphore, #tpu.memory_space<semaphore_mem>>)
      %dma_wait3A = arith.constant 0 : i32
      %dma_wait3A_142 = tpu.memref_slice %arg13[%add3A_43, %dma_wait3A] : memref<5120x128xf32, #tpu.memory_space<vmem_shared>> -> memref<16x128xf32, #tpu.memory_space<vmem_shared>>
      %dma_wait3A_143 = arith.constant 0 : i32
      %dma_wait3A_144 = tpu.memref_slice %arg13[%add3A_43, %dma_wait3A_143] : memref<5120x128xf32, #tpu.memory_space<vmem_shared>> -> memref<16x128xf32, #tpu.memory_space<vmem_shared>>
      tpu.wait_dma2 semaphore(%run_scoped3A_138 : memref<!tpu.dma_semaphore, #tpu.memory_space<semaphore_mem>>) src(%arg10 : memref<16x128xf32, #tpu.memory_space<vmem>>) dst(%dma_wait3A_144 : memref<16x128xf32, #tpu.memory_space<vmem_shared>>)
      tpu.yield
    }) : () -> ()
    %add3A_44 = arith.constant 240 : i32
    %add3A_45 = arith.addi %mul3A_13, %add3A_44 : i32
    "tpu.region"() ({
      %run_scoped3A_138 = tpu.sem_alloc : memref<!tpu.dma_semaphore, #tpu.memory_space<semaphore_mem>>
      %dma_start3A = arith.constant 0 : i32
      %dma_start3A_139 = tpu.memref_slice %arg13[%add3A_45, %dma_start3A] : memref<5120x128xf32, #tpu.memory_space<vmem_shared>> -> memref<16x128xf32, #tpu.memory_space<vmem_shared>>
      %dma_start3A_140 = arith.constant 0 : i32
      %dma_start3A_141 = tpu.memref_slice %arg13[%add3A_45, %dma_start3A_140] : memref<5120x128xf32, #tpu.memory_space<vmem_shared>> -> memref<16x128xf32, #tpu.memory_space<vmem_shared>>
      tpu.enqueue_dma source(%arg10 : memref<16x128xf32, #tpu.memory_space<vmem>>) target(%dma_start3A_141 : memref<16x128xf32, #tpu.memory_space<vmem_shared>>) target_semaphore(%run_scoped3A_138 : memref<!tpu.dma_semaphore, #tpu.memory_space<semaphore_mem>>)
      %dma_wait3A = arith.constant 0 : i32
      %dma_wait3A_142 = tpu.memref_slice %arg13[%add3A_45, %dma_wait3A] : memref<5120x128xf32, #tpu.memory_space<vmem_shared>> -> memref<16x128xf32, #tpu.memory_space<vmem_shared>>
      %dma_wait3A_143 = arith.constant 0 : i32
      %dma_wait3A_144 = tpu.memref_slice %arg13[%add3A_45, %dma_wait3A_143] : memref<5120x128xf32, #tpu.memory_space<vmem_shared>> -> memref<16x128xf32, #tpu.memory_space<vmem_shared>>
      tpu.wait_dma2 semaphore(%run_scoped3A_138 : memref<!tpu.dma_semaphore, #tpu.memory_space<semaphore_mem>>) src(%arg10 : memref<16x128xf32, #tpu.memory_space<vmem>>) dst(%dma_wait3A_144 : memref<16x128xf32, #tpu.memory_space<vmem_shared>>)
      tpu.yield
    }) : () -> ()
    %add3A_46 = arith.constant 256 : i32
    %add3A_47 = arith.addi %mul3A_13, %add3A_46 : i32
    "tpu.region"() ({
      %run_scoped3A_138 = tpu.sem_alloc : memref<!tpu.dma_semaphore, #tpu.memory_space<semaphore_mem>>
      %dma_start3A = arith.constant 0 : i32
      %dma_start3A_139 = tpu.memref_slice %arg13[%add3A_47, %dma_start3A] : memref<5120x128xf32, #tpu.memory_space<vmem_shared>> -> memref<16x128xf32, #tpu.memory_space<vmem_shared>>
      %dma_start3A_140 = arith.constant 0 : i32
      %dma_start3A_141 = tpu.memref_slice %arg13[%add3A_47, %dma_start3A_140] : memref<5120x128xf32, #tpu.memory_space<vmem_shared>> -> memref<16x128xf32, #tpu.memory_space<vmem_shared>>
      tpu.enqueue_dma source(%arg10 : memref<16x128xf32, #tpu.memory_space<vmem>>) target(%dma_start3A_141 : memref<16x128xf32, #tpu.memory_space<vmem_shared>>) target_semaphore(%run_scoped3A_138 : memref<!tpu.dma_semaphore, #tpu.memory_space<semaphore_mem>>)
      %dma_wait3A = arith.constant 0 : i32
      %dma_wait3A_142 = tpu.memref_slice %arg13[%add3A_47, %dma_wait3A] : memref<5120x128xf32, #tpu.memory_space<vmem_shared>> -> memref<16x128xf32, #tpu.memory_space<vmem_shared>>
      %dma_wait3A_143 = arith.constant 0 : i32
      %dma_wait3A_144 = tpu.memref_slice %arg13[%add3A_47, %dma_wait3A_143] : memref<5120x128xf32, #tpu.memory_space<vmem_shared>> -> memref<16x128xf32, #tpu.memory_space<vmem_shared>>
      tpu.wait_dma2 semaphore(%run_scoped3A_138 : memref<!tpu.dma_semaphore, #tpu.memory_space<semaphore_mem>>) src(%arg10 : memref<16x128xf32, #tpu.memory_space<vmem>>) dst(%dma_wait3A_144 : memref<16x128xf32, #tpu.memory_space<vmem_shared>>)
      tpu.yield
    }) : () -> ()
    %add3A_48 = arith.constant 272 : i32
    %add3A_49 = arith.addi %mul3A_13, %add3A_48 : i32
    "tpu.region"() ({
      %run_scoped3A_138 = tpu.sem_alloc : memref<!tpu.dma_semaphore, #tpu.memory_space<semaphore_mem>>
      %dma_start3A = arith.constant 0 : i32
      %dma_start3A_139 = tpu.memref_slice %arg13[%add3A_49, %dma_start3A] : memref<5120x128xf32, #tpu.memory_space<vmem_shared>> -> memref<16x128xf32, #tpu.memory_space<vmem_shared>>
      %dma_start3A_140 = arith.constant 0 : i32
      %dma_start3A_141 = tpu.memref_slice %arg13[%add3A_49, %dma_start3A_140] : memref<5120x128xf32, #tpu.memory_space<vmem_shared>> -> memref<16x128xf32, #tpu.memory_space<vmem_shared>>
      tpu.enqueue_dma source(%arg10 : memref<16x128xf32, #tpu.memory_space<vmem>>) target(%dma_start3A_141 : memref<16x128xf32, #tpu.memory_space<vmem_shared>>) target_semaphore(%run_scoped3A_138 : memref<!tpu.dma_semaphore, #tpu.memory_space<semaphore_mem>>)
      %dma_wait3A = arith.constant 0 : i32
      %dma_wait3A_142 = tpu.memref_slice %arg13[%add3A_49, %dma_wait3A] : memref<5120x128xf32, #tpu.memory_space<vmem_shared>> -> memref<16x128xf32, #tpu.memory_space<vmem_shared>>
      %dma_wait3A_143 = arith.constant 0 : i32
      %dma_wait3A_144 = tpu.memref_slice %arg13[%add3A_49, %dma_wait3A_143] : memref<5120x128xf32, #tpu.memory_space<vmem_shared>> -> memref<16x128xf32, #tpu.memory_space<vmem_shared>>
      tpu.wait_dma2 semaphore(%run_scoped3A_138 : memref<!tpu.dma_semaphore, #tpu.memory_space<semaphore_mem>>) src(%arg10 : memref<16x128xf32, #tpu.memory_space<vmem>>) dst(%dma_wait3A_144 : memref<16x128xf32, #tpu.memory_space<vmem_shared>>)
      tpu.yield
    }) : () -> ()
    %add3A_50 = arith.constant 288 : i32
    %add3A_51 = arith.addi %mul3A_13, %add3A_50 : i32
    "tpu.region"() ({
      %run_scoped3A_138 = tpu.sem_alloc : memref<!tpu.dma_semaphore, #tpu.memory_space<semaphore_mem>>
      %dma_start3A = arith.constant 0 : i32
      %dma_start3A_139 = tpu.memref_slice %arg13[%add3A_51, %dma_start3A] : memref<5120x128xf32, #tpu.memory_space<vmem_shared>> -> memref<16x128xf32, #tpu.memory_space<vmem_shared>>
      %dma_start3A_140 = arith.constant 0 : i32
      %dma_start3A_141 = tpu.memref_slice %arg13[%add3A_51, %dma_start3A_140] : memref<5120x128xf32, #tpu.memory_space<vmem_shared>> -> memref<16x128xf32, #tpu.memory_space<vmem_shared>>
      tpu.enqueue_dma source(%arg10 : memref<16x128xf32, #tpu.memory_space<vmem>>) target(%dma_start3A_141 : memref<16x128xf32, #tpu.memory_space<vmem_shared>>) target_semaphore(%run_scoped3A_138 : memref<!tpu.dma_semaphore, #tpu.memory_space<semaphore_mem>>)
      %dma_wait3A = arith.constant 0 : i32
      %dma_wait3A_142 = tpu.memref_slice %arg13[%add3A_51, %dma_wait3A] : memref<5120x128xf32, #tpu.memory_space<vmem_shared>> -> memref<16x128xf32, #tpu.memory_space<vmem_shared>>
      %dma_wait3A_143 = arith.constant 0 : i32
      %dma_wait3A_144 = tpu.memref_slice %arg13[%add3A_51, %dma_wait3A_143] : memref<5120x128xf32, #tpu.memory_space<vmem_shared>> -> memref<16x128xf32, #tpu.memory_space<vmem_shared>>
      tpu.wait_dma2 semaphore(%run_scoped3A_138 : memref<!tpu.dma_semaphore, #tpu.memory_space<semaphore_mem>>) src(%arg10 : memref<16x128xf32, #tpu.memory_space<vmem>>) dst(%dma_wait3A_144 : memref<16x128xf32, #tpu.memory_space<vmem_shared>>)
      tpu.yield
    }) : () -> ()
    %add3A_52 = arith.constant 304 : i32
    %add3A_53 = arith.addi %mul3A_13, %add3A_52 : i32
    "tpu.region"() ({
      %run_scoped3A_138 = tpu.sem_alloc : memref<!tpu.dma_semaphore, #tpu.memory_space<semaphore_mem>>
      %dma_start3A = arith.constant 0 : i32
      %dma_start3A_139 = tpu.memref_slice %arg13[%add3A_53, %dma_start3A] : memref<5120x128xf32, #tpu.memory_space<vmem_shared>> -> memref<16x128xf32, #tpu.memory_space<vmem_shared>>
      %dma_start3A_140 = arith.constant 0 : i32
      %dma_start3A_141 = tpu.memref_slice %arg13[%add3A_53, %dma_start3A_140] : memref<5120x128xf32, #tpu.memory_space<vmem_shared>> -> memref<16x128xf32, #tpu.memory_space<vmem_shared>>
      tpu.enqueue_dma source(%arg10 : memref<16x128xf32, #tpu.memory_space<vmem>>) target(%dma_start3A_141 : memref<16x128xf32, #tpu.memory_space<vmem_shared>>) target_semaphore(%run_scoped3A_138 : memref<!tpu.dma_semaphore, #tpu.memory_space<semaphore_mem>>)
      %dma_wait3A = arith.constant 0 : i32
      %dma_wait3A_142 = tpu.memref_slice %arg13[%add3A_53, %dma_wait3A] : memref<5120x128xf32, #tpu.memory_space<vmem_shared>> -> memref<16x128xf32, #tpu.memory_space<vmem_shared>>
      %dma_wait3A_143 = arith.constant 0 : i32
      %dma_wait3A_144 = tpu.memref_slice %arg13[%add3A_53, %dma_wait3A_143] : memref<5120x128xf32, #tpu.memory_space<vmem_shared>> -> memref<16x128xf32, #tpu.memory_space<vmem_shared>>
      tpu.wait_dma2 semaphore(%run_scoped3A_138 : memref<!tpu.dma_semaphore, #tpu.memory_space<semaphore_mem>>) src(%arg10 : memref<16x128xf32, #tpu.memory_space<vmem>>) dst(%dma_wait3A_144 : memref<16x128xf32, #tpu.memory_space<vmem_shared>>)
      tpu.yield
    }) : () -> ()
    %barrier3A = arith.constant 0 : index
    tpu.barrier barrier_id(%barrier3A)
    "tpu.region"() ({
      %run_scoped3A_138 = tpu.sem_alloc : memref<!tpu.dma_semaphore, #tpu.memory_space<semaphore_mem>>
      %dma_start3A = arith.constant 0 : i32
      %dma_start3A_139 = arith.constant 0 : i32
      %dma_start3A_140 = tpu.memref_slice %arg3[%arg1, %dma_start3A, %dma_start3A_139] : memref<16x1344x16xi32, #tpu.memory_space<hbm>> -> memref<1x8x16xi32, #tpu.memory_space<hbm>>
      %dma_start3A_141 = tpu.memref_squeeze %dma_start3A_140 : memref<1x8x16xi32, #tpu.memory_space<hbm>> -> memref<8x16xi32, #tpu.memory_space<hbm>>
      %dma_start3A_142 = arith.constant 0 : i32
      %dma_start3A_143 = arith.constant 0 : i32
      %dma_start3A_144 = tpu.memref_slice %arg3[%arg1, %dma_start3A_142, %dma_start3A_143] : memref<16x1344x16xi32, #tpu.memory_space<hbm>> -> memref<1x8x16xi32, #tpu.memory_space<hbm>>
      %dma_start3A_145 = tpu.memref_squeeze %dma_start3A_144 : memref<1x8x16xi32, #tpu.memory_space<hbm>> -> memref<8x16xi32, #tpu.memory_space<hbm>>
      tpu.enqueue_dma source(%dma_start3A_145 : memref<8x16xi32, #tpu.memory_space<hbm>>) target(%arg6 : memref<8x16xi32, #tpu.memory_space<vmem>>) target_semaphore(%run_scoped3A_138 : memref<!tpu.dma_semaphore, #tpu.memory_space<semaphore_mem>>)
      %dma_wait3A = arith.constant 0 : i32
      %dma_wait3A_146 = arith.constant 0 : i32
      %dma_wait3A_147 = tpu.memref_slice %arg3[%arg1, %dma_wait3A, %dma_wait3A_146] : memref<16x1344x16xi32, #tpu.memory_space<hbm>> -> memref<1x8x16xi32, #tpu.memory_space<hbm>>
      %dma_wait3A_148 = tpu.memref_squeeze %dma_wait3A_147 : memref<1x8x16xi32, #tpu.memory_space<hbm>> -> memref<8x16xi32, #tpu.memory_space<hbm>>
      %dma_wait3A_149 = arith.constant 0 : i32
      %dma_wait3A_150 = arith.constant 0 : i32
      %dma_wait3A_151 = tpu.memref_slice %arg3[%arg1, %dma_wait3A_149, %dma_wait3A_150] : memref<16x1344x16xi32, #tpu.memory_space<hbm>> -> memref<1x8x16xi32, #tpu.memory_space<hbm>>
      %dma_wait3A_152 = tpu.memref_squeeze %dma_wait3A_151 : memref<1x8x16xi32, #tpu.memory_space<hbm>> -> memref<8x16xi32, #tpu.memory_space<hbm>>
      tpu.wait_dma2 semaphore(%run_scoped3A_138 : memref<!tpu.dma_semaphore, #tpu.memory_space<semaphore_mem>>) src(%dma_wait3A_152 : memref<8x16xi32, #tpu.memory_space<hbm>>) dst(%arg6 : memref<8x16xi32, #tpu.memory_space<vmem>>)
      tpu.yield
    }) : () -> ()
    %run_scoped3A = arith.constant 0 : i32
    "tpu.region"() ({
      %run_scoped3A_138 = tpu.sem_alloc : memref<!tpu.dma_semaphore, #tpu.memory_space<semaphore_mem>>
      %dma_start3A = arith.constant 0 : i32
      %dma_start3A_139 = arith.constant 0 : i32
      %dma_start3A_140 = tpu.memref_slice %arg4[%run_scoped3A, %arg1, %dma_start3A, %dma_start3A_139] : memref<2x16x1344x16xi32, #tpu.memory_space<hbm>> -> memref<1x1x8x16xi32, #tpu.memory_space<hbm>>
      %dma_start3A_141 = tpu.memref_squeeze %dma_start3A_140 : memref<1x1x8x16xi32, #tpu.memory_space<hbm>> -> memref<8x16xi32, #tpu.memory_space<hbm>>
      %dma_start3A_142 = arith.constant 0 : i32
      %dma_start3A_143 = arith.constant 0 : i32
      %dma_start3A_144 = tpu.memref_slice %arg4[%run_scoped3A, %arg1, %dma_start3A_142, %dma_start3A_143] : memref<2x16x1344x16xi32, #tpu.memory_space<hbm>> -> memref<1x1x8x16xi32, #tpu.memory_space<hbm>>
      %dma_start3A_145 = tpu.memref_squeeze %dma_start3A_144 : memref<1x1x8x16xi32, #tpu.memory_space<hbm>> -> memref<8x16xi32, #tpu.memory_space<hbm>>
      tpu.enqueue_dma source(%dma_start3A_145 : memref<8x16xi32, #tpu.memory_space<hbm>>) target(%arg8 : memref<8x16xi32, #tpu.memory_space<vmem>>) target_semaphore(%run_scoped3A_138 : memref<!tpu.dma_semaphore, #tpu.memory_space<semaphore_mem>>)
      %dma_wait3A = arith.constant 0 : i32
      %dma_wait3A_146 = arith.constant 0 : i32
      %dma_wait3A_147 = tpu.memref_slice %arg4[%run_scoped3A, %arg1, %dma_wait3A, %dma_wait3A_146] : memref<2x16x1344x16xi32, #tpu.memory_space<hbm>> -> memref<1x1x8x16xi32, #tpu.memory_space<hbm>>
      %dma_wait3A_148 = tpu.memref_squeeze %dma_wait3A_147 : memref<1x1x8x16xi32, #tpu.memory_space<hbm>> -> memref<8x16xi32, #tpu.memory_space<hbm>>
      %dma_wait3A_149 = arith.constant 0 : i32
      %dma_wait3A_150 = arith.constant 0 : i32
      %dma_wait3A_151 = tpu.memref_slice %arg4[%run_scoped3A, %arg1, %dma_wait3A_149, %dma_wait3A_150] : memref<2x16x1344x16xi32, #tpu.memory_space<hbm>> -> memref<1x1x8x16xi32, #tpu.memory_space<hbm>>
      %dma_wait3A_152 = tpu.memref_squeeze %dma_wait3A_151 : memref<1x1x8x16xi32, #tpu.memory_space<hbm>> -> memref<8x16xi32, #tpu.memory_space<hbm>>
      tpu.wait_dma2 semaphore(%run_scoped3A_138 : memref<!tpu.dma_semaphore, #tpu.memory_space<semaphore_mem>>) src(%dma_wait3A_152 : memref<8x16xi32, #tpu.memory_space<hbm>>) dst(%arg8 : memref<8x16xi32, #tpu.memory_space<vmem>>)
      tpu.yield
    }) : () -> ()
    %scan3A_54 = arith.constant 0 : i32
    %scan3A_55 = arith.constant 0 : i32
    %scan3A_56 = arith.constant 84 : i32
    %scan3A_57 = arith.addi %scan3A_55, %scan3A_56 : i32
    %scan3A_58 = arith.constant 1 : i32
    scf.for %scan3A_138 = %scan3A_55 to %scan3A_57 step %scan3A_58  : i32 {
      %mul3A_139 = arith.constant 2 : i32
      %mul3A_140 = arith.muli %mul3A_139, %scan3A_138 : i32
      %add3A_141 = arith.constant 1 : i32
      %add3A_142 = arith.addi %mul3A_140, %add3A_141 : i32
      %lt3A_143 = arith.constant 168 : i32
      %lt3A_144 = arith.cmpi slt, %add3A_142, %lt3A_143 : i32
      %convert_element_type3A_145 = arith.extui %lt3A_144 : i1 to i32
      %cond3A_146 = arith.constant 0 : i32
      %cond3A_147 = arith.cmpi ne, %convert_element_type3A_145, %cond3A_146 : i32
      scf.if %cond3A_147 {
        %add3A_411 = arith.constant 1 : i32
        %add3A_412 = arith.addi %mul3A_140, %add3A_411 : i32
        %mul3A_413 = arith.constant 8 : i32
        %mul3A_414 = arith.muli %add3A_412, %mul3A_413 : i32
        %dma_start3A_415 = arith.constant 0 : i32
        %dma_start3A_416 = tpu.memref_slice %arg3[%arg1, %mul3A_414, %dma_start3A_415] : memref<16x1344x16xi32, #tpu.memory_space<hbm>> -> memref<1x8x16xi32, #tpu.memory_space<hbm>>
        %dma_start3A_417 = tpu.memref_squeeze %dma_start3A_416 : memref<1x8x16xi32, #tpu.memory_space<hbm>> -> memref<8x16xi32, #tpu.memory_space<hbm>>
        %dma_start3A_418 = arith.constant 0 : i32
        %dma_start3A_419 = tpu.memref_slice %arg3[%arg1, %mul3A_414, %dma_start3A_418] : memref<16x1344x16xi32, #tpu.memory_space<hbm>> -> memref<1x8x16xi32, #tpu.memory_space<hbm>>
        %dma_start3A_420 = tpu.memref_squeeze %dma_start3A_419 : memref<1x8x16xi32, #tpu.memory_space<hbm>> -> memref<8x16xi32, #tpu.memory_space<hbm>>
        tpu.enqueue_dma source(%dma_start3A_420 : memref<8x16xi32, #tpu.memory_space<hbm>>) target(%arg7 : memref<8x16xi32, #tpu.memory_space<vmem>>) target_semaphore(%arg16 : memref<!tpu.dma_semaphore, #tpu.memory_space<semaphore_mem>>)
        %add3A_421 = arith.constant 1 : i32
        %add3A_422 = arith.addi %mul3A_140, %add3A_421 : i32
        %mul3A_423 = arith.constant 8 : i32
        %mul3A_424 = arith.muli %add3A_422, %mul3A_423 : i32
        %dma_start3A_425 = arith.constant 0 : i32
        %dma_start3A_426 = arith.constant 0 : i32
        %dma_start3A_427 = tpu.memref_slice %arg4[%dma_start3A_425, %arg1, %mul3A_424, %dma_start3A_426] : memref<2x16x1344x16xi32, #tpu.memory_space<hbm>> -> memref<1x1x8x16xi32, #tpu.memory_space<hbm>>
        %dma_start3A_428 = tpu.memref_squeeze %dma_start3A_427 : memref<1x1x8x16xi32, #tpu.memory_space<hbm>> -> memref<8x16xi32, #tpu.memory_space<hbm>>
        %dma_start3A_429 = arith.constant 0 : i32
        %dma_start3A_430 = tpu.memref_slice %arg4[%dma_start3A_425, %arg1, %mul3A_424, %dma_start3A_429] : memref<2x16x1344x16xi32, #tpu.memory_space<hbm>> -> memref<1x1x8x16xi32, #tpu.memory_space<hbm>>
        %dma_start3A_431 = tpu.memref_squeeze %dma_start3A_430 : memref<1x1x8x16xi32, #tpu.memory_space<hbm>> -> memref<8x16xi32, #tpu.memory_space<hbm>>
        tpu.enqueue_dma source(%dma_start3A_431 : memref<8x16xi32, #tpu.memory_space<hbm>>) target(%arg9 : memref<8x16xi32, #tpu.memory_space<vmem>>) target_semaphore(%arg17 : memref<!tpu.dma_semaphore, #tpu.memory_space<semaphore_mem>>)
      } else {
      }
      %dma_start3A = arith.constant 0 : i32
      %dma_start3A_148 = arith.constant 0 : i32
      %dma_start3A_149 = tpu.memref_slice %arg6[%dma_start3A, %dma_start3A_148] : memref<8x16xi32, #tpu.memory_space<vmem>> -> memref<1x16xi32, #tpu.memory_space<vmem>>
      %dma_start3A_150 = tpu.memref_squeeze %dma_start3A_149 : memref<1x16xi32, #tpu.memory_space<vmem>> -> memref<16xi32, #tpu.memory_space<vmem>>
      %dma_start3A_151 = arith.constant 0 : i32
      %dma_start3A_152 = arith.constant 0 : i32
      %dma_start3A_153 = tpu.memref_slice %arg12[%dma_start3A_151, %dma_start3A_152] : memref<10016x128xf32, #tpu.memory_space<vmem_shared>> -> memref<10016x128xf32, #tpu.memory_space<vmem_shared>>
      tpu.enqueue_indirect_dma source(%dma_start3A_153 : memref<10016x128xf32, #tpu.memory_space<vmem_shared>>) target(%arg10 : memref<16x128xf32, #tpu.memory_space<vmem>>) offsets(%dma_start3A_150 : memref<16xi32, #tpu.memory_space<vmem>>) semaphore(%arg14 : memref<!tpu.dma_semaphore, #tpu.memory_space<semaphore_mem>>)
      %dma_start3A_154 = arith.constant 1 : i32
      %dma_start3A_155 = arith.constant 0 : i32
      %dma_start3A_156 = tpu.memref_slice %arg6[%dma_start3A_154, %dma_start3A_155] : memref<8x16xi32, #tpu.memory_space<vmem>> -> memref<1x16xi32, #tpu.memory_space<vmem>>
      %dma_start3A_157 = tpu.memref_squeeze %dma_start3A_156 : memref<1x16xi32, #tpu.memory_space<vmem>> -> memref<16xi32, #tpu.memory_space<vmem>>
      %dma_start3A_158 = arith.constant 0 : i32
      %dma_start3A_159 = arith.constant 0 : i32
      %dma_start3A_160 = tpu.memref_slice %arg12[%dma_start3A_158, %dma_start3A_159] : memref<10016x128xf32, #tpu.memory_space<vmem_shared>> -> memref<10016x128xf32, #tpu.memory_space<vmem_shared>>
      tpu.enqueue_indirect_dma source(%dma_start3A_160 : memref<10016x128xf32, #tpu.memory_space<vmem_shared>>) target(%arg11 : memref<16x128xf32, #tpu.memory_space<vmem>>) offsets(%dma_start3A_157 : memref<16xi32, #tpu.memory_space<vmem>>) semaphore(%arg15 : memref<!tpu.dma_semaphore, #tpu.memory_space<semaphore_mem>>)
      %dma_wait3A = arith.constant 0 : i32
      %dma_wait3A_161 = arith.constant 0 : i32
      %dma_wait3A_162 = tpu.memref_slice %arg6[%dma_wait3A, %dma_wait3A_161] : memref<8x16xi32, #tpu.memory_space<vmem>> -> memref<1x16xi32, #tpu.memory_space<vmem>>
      %dma_wait3A_163 = tpu.memref_squeeze %dma_wait3A_162 : memref<1x16xi32, #tpu.memory_space<vmem>> -> memref<16xi32, #tpu.memory_space<vmem>>
      %dma_wait3A_164 = arith.constant 0 : i32
      %dma_wait3A_165 = arith.constant 0 : i32
      %dma_wait3A_166 = tpu.memref_slice %arg12[%dma_wait3A_164, %dma_wait3A_165] : memref<10016x128xf32, #tpu.memory_space<vmem_shared>> -> memref<10016x128xf32, #tpu.memory_space<vmem_shared>>
      tpu.wait_indirect_dma semaphore(%arg14 : memref<!tpu.dma_semaphore, #tpu.memory_space<semaphore_mem>>) src(%dma_wait3A_166 : memref<10016x128xf32, #tpu.memory_space<vmem_shared>>) dst(%arg10 : memref<16x128xf32, #tpu.memory_space<vmem>>)
      %run_scoped3A_167 = arith.constant 0 : i32
      "tpu.region"() ({
        %run_scoped3A_411 = tpu.sem_alloc : memref<!tpu.dma_semaphore, #tpu.memory_space<semaphore_mem>>
        %dma_start3A_412 = arith.constant 0 : i32
        %dma_start3A_413 = tpu.memref_slice %arg8[%run_scoped3A_167, %dma_start3A_412] : memref<8x16xi32, #tpu.memory_space<vmem>> -> memref<1x16xi32, #tpu.memory_space<vmem>>
        %dma_start3A_414 = tpu.memref_squeeze %dma_start3A_413 : memref<1x16xi32, #tpu.memory_space<vmem>> -> memref<16xi32, #tpu.memory_space<vmem>>
        %dma_start3A_415 = arith.constant 0 : i32
        %dma_start3A_416 = arith.constant 0 : i32
        %dma_start3A_417 = tpu.memref_slice %arg13[%dma_start3A_415, %dma_start3A_416] : memref<5120x128xf32, #tpu.memory_space<vmem_shared>> -> memref<5120x128xf32, #tpu.memory_space<vmem_shared>>
        tpu.enqueue_indirect_dma source(%arg10 : memref<16x128xf32, #tpu.memory_space<vmem>>) target(%dma_start3A_417 : memref<5120x128xf32, #tpu.memory_space<vmem_shared>>) offsets(%dma_start3A_414 : memref<16xi32, #tpu.memory_space<vmem>>) semaphore(%run_scoped3A_411 : memref<!tpu.dma_semaphore, #tpu.memory_space<semaphore_mem>>) {add = true}
        %dma_wait3A_418 = arith.constant 0 : i32
        %dma_wait3A_419 = tpu.memref_slice %arg8[%run_scoped3A_167, %dma_wait3A_418] : memref<8x16xi32, #tpu.memory_space<vmem>> -> memref<1x16xi32, #tpu.memory_space<vmem>>
        %dma_wait3A_420 = tpu.memref_squeeze %dma_wait3A_419 : memref<1x16xi32, #tpu.memory_space<vmem>> -> memref<16xi32, #tpu.memory_space<vmem>>
        %dma_wait3A_421 = arith.constant 0 : i32
        %dma_wait3A_422 = arith.constant 0 : i32
        %dma_wait3A_423 = tpu.memref_slice %arg13[%dma_wait3A_421, %dma_wait3A_422] : memref<5120x128xf32, #tpu.memory_space<vmem_shared>> -> memref<5120x128xf32, #tpu.memory_space<vmem_shared>>
        tpu.wait_indirect_dma semaphore(%run_scoped3A_411 : memref<!tpu.dma_semaphore, #tpu.memory_space<semaphore_mem>>) src(%arg10 : memref<16x128xf32, #tpu.memory_space<vmem>>) dst(%dma_wait3A_423 : memref<5120x128xf32, #tpu.memory_space<vmem_shared>>)
        tpu.yield
      }) : () -> ()
      %dma_start3A_168 = arith.constant 2 : i32
      %dma_start3A_169 = arith.constant 0 : i32
      %dma_start3A_170 = tpu.memref_slice %arg6[%dma_start3A_168, %dma_start3A_169] : memref<8x16xi32, #tpu.memory_space<vmem>> -> memref<1x16xi32, #tpu.memory_space<vmem>>
      %dma_start3A_171 = tpu.memref_squeeze %dma_start3A_170 : memref<1x16xi32, #tpu.memory_space<vmem>> -> memref<16xi32, #tpu.memory_space<vmem>>
      %dma_start3A_172 = arith.constant 0 : i32
      %dma_start3A_173 = arith.constant 0 : i32
      %dma_start3A_174 = tpu.memref_slice %arg12[%dma_start3A_172, %dma_start3A_173] : memref<10016x128xf32, #tpu.memory_space<vmem_shared>> -> memref<10016x128xf32, #tpu.memory_space<vmem_shared>>
      tpu.enqueue_indirect_dma source(%dma_start3A_174 : memref<10016x128xf32, #tpu.memory_space<vmem_shared>>) target(%arg10 : memref<16x128xf32, #tpu.memory_space<vmem>>) offsets(%dma_start3A_171 : memref<16xi32, #tpu.memory_space<vmem>>) semaphore(%arg14 : memref<!tpu.dma_semaphore, #tpu.memory_space<semaphore_mem>>)
      %dma_wait3A_175 = arith.constant 1 : i32
      %dma_wait3A_176 = arith.constant 0 : i32
      %dma_wait3A_177 = tpu.memref_slice %arg6[%dma_wait3A_175, %dma_wait3A_176] : memref<8x16xi32, #tpu.memory_space<vmem>> -> memref<1x16xi32, #tpu.memory_space<vmem>>
      %dma_wait3A_178 = tpu.memref_squeeze %dma_wait3A_177 : memref<1x16xi32, #tpu.memory_space<vmem>> -> memref<16xi32, #tpu.memory_space<vmem>>
      %dma_wait3A_179 = arith.constant 0 : i32
      %dma_wait3A_180 = arith.constant 0 : i32
      %dma_wait3A_181 = tpu.memref_slice %arg12[%dma_wait3A_179, %dma_wait3A_180] : memref<10016x128xf32, #tpu.memory_space<vmem_shared>> -> memref<10016x128xf32, #tpu.memory_space<vmem_shared>>
      tpu.wait_indirect_dma semaphore(%arg15 : memref<!tpu.dma_semaphore, #tpu.memory_space<semaphore_mem>>) src(%dma_wait3A_181 : memref<10016x128xf32, #tpu.memory_space<vmem_shared>>) dst(%arg11 : memref<16x128xf32, #tpu.memory_space<vmem>>)
      %run_scoped3A_182 = arith.constant 1 : i32
      "tpu.region"() ({
        %run_scoped3A_411 = tpu.sem_alloc : memref<!tpu.dma_semaphore, #tpu.memory_space<semaphore_mem>>
        %dma_start3A_412 = arith.constant 0 : i32
        %dma_start3A_413 = tpu.memref_slice %arg8[%run_scoped3A_182, %dma_start3A_412] : memref<8x16xi32, #tpu.memory_space<vmem>> -> memref<1x16xi32, #tpu.memory_space<vmem>>
        %dma_start3A_414 = tpu.memref_squeeze %dma_start3A_413 : memref<1x16xi32, #tpu.memory_space<vmem>> -> memref<16xi32, #tpu.memory_space<vmem>>
        %dma_start3A_415 = arith.constant 0 : i32
        %dma_start3A_416 = arith.constant 0 : i32
        %dma_start3A_417 = tpu.memref_slice %arg13[%dma_start3A_415, %dma_start3A_416] : memref<5120x128xf32, #tpu.memory_space<vmem_shared>> -> memref<5120x128xf32, #tpu.memory_space<vmem_shared>>
        tpu.enqueue_indirect_dma source(%arg11 : memref<16x128xf32, #tpu.memory_space<vmem>>) target(%dma_start3A_417 : memref<5120x128xf32, #tpu.memory_space<vmem_shared>>) offsets(%dma_start3A_414 : memref<16xi32, #tpu.memory_space<vmem>>) semaphore(%run_scoped3A_411 : memref<!tpu.dma_semaphore, #tpu.memory_space<semaphore_mem>>) {add = true}
        %dma_wait3A_418 = arith.constant 0 : i32
        %dma_wait3A_419 = tpu.memref_slice %arg8[%run_scoped3A_182, %dma_wait3A_418] : memref<8x16xi32, #tpu.memory_space<vmem>> -> memref<1x16xi32, #tpu.memory_space<vmem>>
        %dma_wait3A_420 = tpu.memref_squeeze %dma_wait3A_419 : memref<1x16xi32, #tpu.memory_space<vmem>> -> memref<16xi32, #tpu.memory_space<vmem>>
        %dma_wait3A_421 = arith.constant 0 : i32
        %dma_wait3A_422 = arith.constant 0 : i32
        %dma_wait3A_423 = tpu.memref_slice %arg13[%dma_wait3A_421, %dma_wait3A_422] : memref<5120x128xf32, #tpu.memory_space<vmem_shared>> -> memref<5120x128xf32, #tpu.memory_space<vmem_shared>>
        tpu.wait_indirect_dma semaphore(%run_scoped3A_411 : memref<!tpu.dma_semaphore, #tpu.memory_space<semaphore_mem>>) src(%arg11 : memref<16x128xf32, #tpu.memory_space<vmem>>) dst(%dma_wait3A_423 : memref<5120x128xf32, #tpu.memory_space<vmem_shared>>)
        tpu.yield
      }) : () -> ()
      %dma_start3A_183 = arith.constant 3 : i32
      %dma_start3A_184 = arith.constant 0 : i32
      %dma_start3A_185 = tpu.memref_slice %arg6[%dma_start3A_183, %dma_start3A_184] : memref<8x16xi32, #tpu.memory_space<vmem>> -> memref<1x16xi32, #tpu.memory_space<vmem>>
      %dma_start3A_186 = tpu.memref_squeeze %dma_start3A_185 : memref<1x16xi32, #tpu.memory_space<vmem>> -> memref<16xi32, #tpu.memory_space<vmem>>
      %dma_start3A_187 = arith.constant 0 : i32
      %dma_start3A_188 = arith.constant 0 : i32
      %dma_start3A_189 = tpu.memref_slice %arg12[%dma_start3A_187, %dma_start3A_188] : memref<10016x128xf32, #tpu.memory_space<vmem_shared>> -> memref<10016x128xf32, #tpu.memory_space<vmem_shared>>
      tpu.enqueue_indirect_dma source(%dma_start3A_189 : memref<10016x128xf32, #tpu.memory_space<vmem_shared>>) target(%arg11 : memref<16x128xf32, #tpu.memory_space<vmem>>) offsets(%dma_start3A_186 : memref<16xi32, #tpu.memory_space<vmem>>) semaphore(%arg15 : memref<!tpu.dma_semaphore, #tpu.memory_space<semaphore_mem>>)
      %dma_wait3A_190 = arith.constant 2 : i32
      %dma_wait3A_191 = arith.constant 0 : i32
      %dma_wait3A_192 = tpu.memref_slice %arg6[%dma_wait3A_190, %dma_wait3A_191] : memref<8x16xi32, #tpu.memory_space<vmem>> -> memref<1x16xi32, #tpu.memory_space<vmem>>
      %dma_wait3A_193 = tpu.memref_squeeze %dma_wait3A_192 : memref<1x16xi32, #tpu.memory_space<vmem>> -> memref<16xi32, #tpu.memory_space<vmem>>
      %dma_wait3A_194 = arith.constant 0 : i32
      %dma_wait3A_195 = arith.constant 0 : i32
      %dma_wait3A_196 = tpu.memref_slice %arg12[%dma_wait3A_194, %dma_wait3A_195] : memref<10016x128xf32, #tpu.memory_space<vmem_shared>> -> memref<10016x128xf32, #tpu.memory_space<vmem_shared>>
      tpu.wait_indirect_dma semaphore(%arg14 : memref<!tpu.dma_semaphore, #tpu.memory_space<semaphore_mem>>) src(%dma_wait3A_196 : memref<10016x128xf32, #tpu.memory_space<vmem_shared>>) dst(%arg10 : memref<16x128xf32, #tpu.memory_space<vmem>>)
      %run_scoped3A_197 = arith.constant 2 : i32
      "tpu.region"() ({
        %run_scoped3A_411 = tpu.sem_alloc : memref<!tpu.dma_semaphore, #tpu.memory_space<semaphore_mem>>
        %dma_start3A_412 = arith.constant 0 : i32
        %dma_start3A_413 = tpu.memref_slice %arg8[%run_scoped3A_197, %dma_start3A_412] : memref<8x16xi32, #tpu.memory_space<vmem>> -> memref<1x16xi32, #tpu.memory_space<vmem>>
        %dma_start3A_414 = tpu.memref_squeeze %dma_start3A_413 : memref<1x16xi32, #tpu.memory_space<vmem>> -> memref<16xi32, #tpu.memory_space<vmem>>
        %dma_start3A_415 = arith.constant 0 : i32
        %dma_start3A_416 = arith.constant 0 : i32
        %dma_start3A_417 = tpu.memref_slice %arg13[%dma_start3A_415, %dma_start3A_416] : memref<5120x128xf32, #tpu.memory_space<vmem_shared>> -> memref<5120x128xf32, #tpu.memory_space<vmem_shared>>
        tpu.enqueue_indirect_dma source(%arg10 : memref<16x128xf32, #tpu.memory_space<vmem>>) target(%dma_start3A_417 : memref<5120x128xf32, #tpu.memory_space<vmem_shared>>) offsets(%dma_start3A_414 : memref<16xi32, #tpu.memory_space<vmem>>) semaphore(%run_scoped3A_411 : memref<!tpu.dma_semaphore, #tpu.memory_space<semaphore_mem>>) {add = true}
        %dma_wait3A_418 = arith.constant 0 : i32
        %dma_wait3A_419 = tpu.memref_slice %arg8[%run_scoped3A_197, %dma_wait3A_418] : memref<8x16xi32, #tpu.memory_space<vmem>> -> memref<1x16xi32, #tpu.memory_space<vmem>>
        %dma_wait3A_420 = tpu.memref_squeeze %dma_wait3A_419 : memref<1x16xi32, #tpu.memory_space<vmem>> -> memref<16xi32, #tpu.memory_space<vmem>>
        %dma_wait3A_421 = arith.constant 0 : i32
        %dma_wait3A_422 = arith.constant 0 : i32
        %dma_wait3A_423 = tpu.memref_slice %arg13[%dma_wait3A_421, %dma_wait3A_422] : memref<5120x128xf32, #tpu.memory_space<vmem_shared>> -> memref<5120x128xf32, #tpu.memory_space<vmem_shared>>
        tpu.wait_indirect_dma semaphore(%run_scoped3A_411 : memref<!tpu.dma_semaphore, #tpu.memory_space<semaphore_mem>>) src(%arg10 : memref<16x128xf32, #tpu.memory_space<vmem>>) dst(%dma_wait3A_423 : memref<5120x128xf32, #tpu.memory_space<vmem_shared>>)
        tpu.yield
      }) : () -> ()
      %dma_start3A_198 = arith.constant 4 : i32
      %dma_start3A_199 = arith.constant 0 : i32
      %dma_start3A_200 = tpu.memref_slice %arg6[%dma_start3A_198, %dma_start3A_199] : memref<8x16xi32, #tpu.memory_space<vmem>> -> memref<1x16xi32, #tpu.memory_space<vmem>>
      %dma_start3A_201 = tpu.memref_squeeze %dma_start3A_200 : memref<1x16xi32, #tpu.memory_space<vmem>> -> memref<16xi32, #tpu.memory_space<vmem>>
      %dma_start3A_202 = arith.constant 0 : i32
      %dma_start3A_203 = arith.constant 0 : i32
      %dma_start3A_204 = tpu.memref_slice %arg12[%dma_start3A_202, %dma_start3A_203] : memref<10016x128xf32, #tpu.memory_space<vmem_shared>> -> memref<10016x128xf32, #tpu.memory_space<vmem_shared>>
      tpu.enqueue_indirect_dma source(%dma_start3A_204 : memref<10016x128xf32, #tpu.memory_space<vmem_shared>>) target(%arg10 : memref<16x128xf32, #tpu.memory_space<vmem>>) offsets(%dma_start3A_201 : memref<16xi32, #tpu.memory_space<vmem>>) semaphore(%arg14 : memref<!tpu.dma_semaphore, #tpu.memory_space<semaphore_mem>>)
      %dma_wait3A_205 = arith.constant 3 : i32
      %dma_wait3A_206 = arith.constant 0 : i32
      %dma_wait3A_207 = tpu.memref_slice %arg6[%dma_wait3A_205, %dma_wait3A_206] : memref<8x16xi32, #tpu.memory_space<vmem>> -> memref<1x16xi32, #tpu.memory_space<vmem>>
      %dma_wait3A_208 = tpu.memref_squeeze %dma_wait3A_207 : memref<1x16xi32, #tpu.memory_space<vmem>> -> memref<16xi32, #tpu.memory_space<vmem>>
      %dma_wait3A_209 = arith.constant 0 : i32
      %dma_wait3A_210 = arith.constant 0 : i32
      %dma_wait3A_211 = tpu.memref_slice %arg12[%dma_wait3A_209, %dma_wait3A_210] : memref<10016x128xf32, #tpu.memory_space<vmem_shared>> -> memref<10016x128xf32, #tpu.memory_space<vmem_shared>>
      tpu.wait_indirect_dma semaphore(%arg15 : memref<!tpu.dma_semaphore, #tpu.memory_space<semaphore_mem>>) src(%dma_wait3A_211 : memref<10016x128xf32, #tpu.memory_space<vmem_shared>>) dst(%arg11 : memref<16x128xf32, #tpu.memory_space<vmem>>)
      %run_scoped3A_212 = arith.constant 3 : i32
      "tpu.region"() ({
        %run_scoped3A_411 = tpu.sem_alloc : memref<!tpu.dma_semaphore, #tpu.memory_space<semaphore_mem>>
        %dma_start3A_412 = arith.constant 0 : i32
        %dma_start3A_413 = tpu.memref_slice %arg8[%run_scoped3A_212, %dma_start3A_412] : memref<8x16xi32, #tpu.memory_space<vmem>> -> memref<1x16xi32, #tpu.memory_space<vmem>>
        %dma_start3A_414 = tpu.memref_squeeze %dma_start3A_413 : memref<1x16xi32, #tpu.memory_space<vmem>> -> memref<16xi32, #tpu.memory_space<vmem>>
        %dma_start3A_415 = arith.constant 0 : i32
        %dma_start3A_416 = arith.constant 0 : i32
        %dma_start3A_417 = tpu.memref_slice %arg13[%dma_start3A_415, %dma_start3A_416] : memref<5120x128xf32, #tpu.memory_space<vmem_shared>> -> memref<5120x128xf32, #tpu.memory_space<vmem_shared>>
        tpu.enqueue_indirect_dma source(%arg11 : memref<16x128xf32, #tpu.memory_space<vmem>>) target(%dma_start3A_417 : memref<5120x128xf32, #tpu.memory_space<vmem_shared>>) offsets(%dma_start3A_414 : memref<16xi32, #tpu.memory_space<vmem>>) semaphore(%run_scoped3A_411 : memref<!tpu.dma_semaphore, #tpu.memory_space<semaphore_mem>>) {add = true}
        %dma_wait3A_418 = arith.constant 0 : i32
        %dma_wait3A_419 = tpu.memref_slice %arg8[%run_scoped3A_212, %dma_wait3A_418] : memref<8x16xi32, #tpu.memory_space<vmem>> -> memref<1x16xi32, #tpu.memory_space<vmem>>
        %dma_wait3A_420 = tpu.memref_squeeze %dma_wait3A_419 : memref<1x16xi32, #tpu.memory_space<vmem>> -> memref<16xi32, #tpu.memory_space<vmem>>
        %dma_wait3A_421 = arith.constant 0 : i32
        %dma_wait3A_422 = arith.constant 0 : i32
        %dma_wait3A_423 = tpu.memref_slice %arg13[%dma_wait3A_421, %dma_wait3A_422] : memref<5120x128xf32, #tpu.memory_space<vmem_shared>> -> memref<5120x128xf32, #tpu.memory_space<vmem_shared>>
        tpu.wait_indirect_dma semaphore(%run_scoped3A_411 : memref<!tpu.dma_semaphore, #tpu.memory_space<semaphore_mem>>) src(%arg11 : memref<16x128xf32, #tpu.memory_space<vmem>>) dst(%dma_wait3A_423 : memref<5120x128xf32, #tpu.memory_space<vmem_shared>>)
        tpu.yield
      }) : () -> ()
      %dma_start3A_213 = arith.constant 5 : i32
      %dma_start3A_214 = arith.constant 0 : i32
      %dma_start3A_215 = tpu.memref_slice %arg6[%dma_start3A_213, %dma_start3A_214] : memref<8x16xi32, #tpu.memory_space<vmem>> -> memref<1x16xi32, #tpu.memory_space<vmem>>
      %dma_start3A_216 = tpu.memref_squeeze %dma_start3A_215 : memref<1x16xi32, #tpu.memory_space<vmem>> -> memref<16xi32, #tpu.memory_space<vmem>>
      %dma_start3A_217 = arith.constant 0 : i32
      %dma_start3A_218 = arith.constant 0 : i32
      %dma_start3A_219 = tpu.memref_slice %arg12[%dma_start3A_217, %dma_start3A_218] : memref<10016x128xf32, #tpu.memory_space<vmem_shared>> -> memref<10016x128xf32, #tpu.memory_space<vmem_shared>>
      tpu.enqueue_indirect_dma source(%dma_start3A_219 : memref<10016x128xf32, #tpu.memory_space<vmem_shared>>) target(%arg11 : memref<16x128xf32, #tpu.memory_space<vmem>>) offsets(%dma_start3A_216 : memref<16xi32, #tpu.memory_space<vmem>>) semaphore(%arg15 : memref<!tpu.dma_semaphore, #tpu.memory_space<semaphore_mem>>)
      %dma_wait3A_220 = arith.constant 4 : i32
      %dma_wait3A_221 = arith.constant 0 : i32
      %dma_wait3A_222 = tpu.memref_slice %arg6[%dma_wait3A_220, %dma_wait3A_221] : memref<8x16xi32, #tpu.memory_space<vmem>> -> memref<1x16xi32, #tpu.memory_space<vmem>>
      %dma_wait3A_223 = tpu.memref_squeeze %dma_wait3A_222 : memref<1x16xi32, #tpu.memory_space<vmem>> -> memref<16xi32, #tpu.memory_space<vmem>>
      %dma_wait3A_224 = arith.constant 0 : i32
      %dma_wait3A_225 = arith.constant 0 : i32
      %dma_wait3A_226 = tpu.memref_slice %arg12[%dma_wait3A_224, %dma_wait3A_225] : memref<10016x128xf32, #tpu.memory_space<vmem_shared>> -> memref<10016x128xf32, #tpu.memory_space<vmem_shared>>
      tpu.wait_indirect_dma semaphore(%arg14 : memref<!tpu.dma_semaphore, #tpu.memory_space<semaphore_mem>>) src(%dma_wait3A_226 : memref<10016x128xf32, #tpu.memory_space<vmem_shared>>) dst(%arg10 : memref<16x128xf32, #tpu.memory_space<vmem>>)
      %run_scoped3A_227 = arith.constant 4 : i32
      "tpu.region"() ({
        %run_scoped3A_411 = tpu.sem_alloc : memref<!tpu.dma_semaphore, #tpu.memory_space<semaphore_mem>>
        %dma_start3A_412 = arith.constant 0 : i32
        %dma_start3A_413 = tpu.memref_slice %arg8[%run_scoped3A_227, %dma_start3A_412] : memref<8x16xi32, #tpu.memory_space<vmem>> -> memref<1x16xi32, #tpu.memory_space<vmem>>
        %dma_start3A_414 = tpu.memref_squeeze %dma_start3A_413 : memref<1x16xi32, #tpu.memory_space<vmem>> -> memref<16xi32, #tpu.memory_space<vmem>>
        %dma_start3A_415 = arith.constant 0 : i32
        %dma_start3A_416 = arith.constant 0 : i32
        %dma_start3A_417 = tpu.memref_slice %arg13[%dma_start3A_415, %dma_start3A_416] : memref<5120x128xf32, #tpu.memory_space<vmem_shared>> -> memref<5120x128xf32, #tpu.memory_space<vmem_shared>>
        tpu.enqueue_indirect_dma source(%arg10 : memref<16x128xf32, #tpu.memory_space<vmem>>) target(%dma_start3A_417 : memref<5120x128xf32, #tpu.memory_space<vmem_shared>>) offsets(%dma_start3A_414 : memref<16xi32, #tpu.memory_space<vmem>>) semaphore(%run_scoped3A_411 : memref<!tpu.dma_semaphore, #tpu.memory_space<semaphore_mem>>) {add = true}
        %dma_wait3A_418 = arith.constant 0 : i32
        %dma_wait3A_419 = tpu.memref_slice %arg8[%run_scoped3A_227, %dma_wait3A_418] : memref<8x16xi32, #tpu.memory_space<vmem>> -> memref<1x16xi32, #tpu.memory_space<vmem>>
        %dma_wait3A_420 = tpu.memref_squeeze %dma_wait3A_419 : memref<1x16xi32, #tpu.memory_space<vmem>> -> memref<16xi32, #tpu.memory_space<vmem>>
        %dma_wait3A_421 = arith.constant 0 : i32
        %dma_wait3A_422 = arith.constant 0 : i32
        %dma_wait3A_423 = tpu.memref_slice %arg13[%dma_wait3A_421, %dma_wait3A_422] : memref<5120x128xf32, #tpu.memory_space<vmem_shared>> -> memref<5120x128xf32, #tpu.memory_space<vmem_shared>>
        tpu.wait_indirect_dma semaphore(%run_scoped3A_411 : memref<!tpu.dma_semaphore, #tpu.memory_space<semaphore_mem>>) src(%arg10 : memref<16x128xf32, #tpu.memory_space<vmem>>) dst(%dma_wait3A_423 : memref<5120x128xf32, #tpu.memory_space<vmem_shared>>)
        tpu.yield
      }) : () -> ()
      %dma_start3A_228 = arith.constant 6 : i32
      %dma_start3A_229 = arith.constant 0 : i32
      %dma_start3A_230 = tpu.memref_slice %arg6[%dma_start3A_228, %dma_start3A_229] : memref<8x16xi32, #tpu.memory_space<vmem>> -> memref<1x16xi32, #tpu.memory_space<vmem>>
      %dma_start3A_231 = tpu.memref_squeeze %dma_start3A_230 : memref<1x16xi32, #tpu.memory_space<vmem>> -> memref<16xi32, #tpu.memory_space<vmem>>
      %dma_start3A_232 = arith.constant 0 : i32
      %dma_start3A_233 = arith.constant 0 : i32
      %dma_start3A_234 = tpu.memref_slice %arg12[%dma_start3A_232, %dma_start3A_233] : memref<10016x128xf32, #tpu.memory_space<vmem_shared>> -> memref<10016x128xf32, #tpu.memory_space<vmem_shared>>
      tpu.enqueue_indirect_dma source(%dma_start3A_234 : memref<10016x128xf32, #tpu.memory_space<vmem_shared>>) target(%arg10 : memref<16x128xf32, #tpu.memory_space<vmem>>) offsets(%dma_start3A_231 : memref<16xi32, #tpu.memory_space<vmem>>) semaphore(%arg14 : memref<!tpu.dma_semaphore, #tpu.memory_space<semaphore_mem>>)
      %dma_wait3A_235 = arith.constant 5 : i32
      %dma_wait3A_236 = arith.constant 0 : i32
      %dma_wait3A_237 = tpu.memref_slice %arg6[%dma_wait3A_235, %dma_wait3A_236] : memref<8x16xi32, #tpu.memory_space<vmem>> -> memref<1x16xi32, #tpu.memory_space<vmem>>
      %dma_wait3A_238 = tpu.memref_squeeze %dma_wait3A_237 : memref<1x16xi32, #tpu.memory_space<vmem>> -> memref<16xi32, #tpu.memory_space<vmem>>
      %dma_wait3A_239 = arith.constant 0 : i32
      %dma_wait3A_240 = arith.constant 0 : i32
      %dma_wait3A_241 = tpu.memref_slice %arg12[%dma_wait3A_239, %dma_wait3A_240] : memref<10016x128xf32, #tpu.memory_space<vmem_shared>> -> memref<10016x128xf32, #tpu.memory_space<vmem_shared>>
      tpu.wait_indirect_dma semaphore(%arg15 : memref<!tpu.dma_semaphore, #tpu.memory_space<semaphore_mem>>) src(%dma_wait3A_241 : memref<10016x128xf32, #tpu.memory_space<vmem_shared>>) dst(%arg11 : memref<16x128xf32, #tpu.memory_space<vmem>>)
      %run_scoped3A_242 = arith.constant 5 : i32
      "tpu.region"() ({
        %run_scoped3A_411 = tpu.sem_alloc : memref<!tpu.dma_semaphore, #tpu.memory_space<semaphore_mem>>
        %dma_start3A_412 = arith.constant 0 : i32
        %dma_start3A_413 = tpu.memref_slice %arg8[%run_scoped3A_242, %dma_start3A_412] : memref<8x16xi32, #tpu.memory_space<vmem>> -> memref<1x16xi32, #tpu.memory_space<vmem>>
        %dma_start3A_414 = tpu.memref_squeeze %dma_start3A_413 : memref<1x16xi32, #tpu.memory_space<vmem>> -> memref<16xi32, #tpu.memory_space<vmem>>
        %dma_start3A_415 = arith.constant 0 : i32
        %dma_start3A_416 = arith.constant 0 : i32
        %dma_start3A_417 = tpu.memref_slice %arg13[%dma_start3A_415, %dma_start3A_416] : memref<5120x128xf32, #tpu.memory_space<vmem_shared>> -> memref<5120x128xf32, #tpu.memory_space<vmem_shared>>
        tpu.enqueue_indirect_dma source(%arg11 : memref<16x128xf32, #tpu.memory_space<vmem>>) target(%dma_start3A_417 : memref<5120x128xf32, #tpu.memory_space<vmem_shared>>) offsets(%dma_start3A_414 : memref<16xi32, #tpu.memory_space<vmem>>) semaphore(%run_scoped3A_411 : memref<!tpu.dma_semaphore, #tpu.memory_space<semaphore_mem>>) {add = true}
        %dma_wait3A_418 = arith.constant 0 : i32
        %dma_wait3A_419 = tpu.memref_slice %arg8[%run_scoped3A_242, %dma_wait3A_418] : memref<8x16xi32, #tpu.memory_space<vmem>> -> memref<1x16xi32, #tpu.memory_space<vmem>>
        %dma_wait3A_420 = tpu.memref_squeeze %dma_wait3A_419 : memref<1x16xi32, #tpu.memory_space<vmem>> -> memref<16xi32, #tpu.memory_space<vmem>>
        %dma_wait3A_421 = arith.constant 0 : i32
        %dma_wait3A_422 = arith.constant 0 : i32
        %dma_wait3A_423 = tpu.memref_slice %arg13[%dma_wait3A_421, %dma_wait3A_422] : memref<5120x128xf32, #tpu.memory_space<vmem_shared>> -> memref<5120x128xf32, #tpu.memory_space<vmem_shared>>
        tpu.wait_indirect_dma semaphore(%run_scoped3A_411 : memref<!tpu.dma_semaphore, #tpu.memory_space<semaphore_mem>>) src(%arg11 : memref<16x128xf32, #tpu.memory_space<vmem>>) dst(%dma_wait3A_423 : memref<5120x128xf32, #tpu.memory_space<vmem_shared>>)
        tpu.yield
      }) : () -> ()
      %dma_start3A_243 = arith.constant 7 : i32
      %dma_start3A_244 = arith.constant 0 : i32
      %dma_start3A_245 = tpu.memref_slice %arg6[%dma_start3A_243, %dma_start3A_244] : memref<8x16xi32, #tpu.memory_space<vmem>> -> memref<1x16xi32, #tpu.memory_space<vmem>>
      %dma_start3A_246 = tpu.memref_squeeze %dma_start3A_245 : memref<1x16xi32, #tpu.memory_space<vmem>> -> memref<16xi32, #tpu.memory_space<vmem>>
      %dma_start3A_247 = arith.constant 0 : i32
      %dma_start3A_248 = arith.constant 0 : i32
      %dma_start3A_249 = tpu.memref_slice %arg12[%dma_start3A_247, %dma_start3A_248] : memref<10016x128xf32, #tpu.memory_space<vmem_shared>> -> memref<10016x128xf32, #tpu.memory_space<vmem_shared>>
      tpu.enqueue_indirect_dma source(%dma_start3A_249 : memref<10016x128xf32, #tpu.memory_space<vmem_shared>>) target(%arg11 : memref<16x128xf32, #tpu.memory_space<vmem>>) offsets(%dma_start3A_246 : memref<16xi32, #tpu.memory_space<vmem>>) semaphore(%arg15 : memref<!tpu.dma_semaphore, #tpu.memory_space<semaphore_mem>>)
      %dma_wait3A_250 = arith.constant 6 : i32
      %dma_wait3A_251 = arith.constant 0 : i32
      %dma_wait3A_252 = tpu.memref_slice %arg6[%dma_wait3A_250, %dma_wait3A_251] : memref<8x16xi32, #tpu.memory_space<vmem>> -> memref<1x16xi32, #tpu.memory_space<vmem>>
      %dma_wait3A_253 = tpu.memref_squeeze %dma_wait3A_252 : memref<1x16xi32, #tpu.memory_space<vmem>> -> memref<16xi32, #tpu.memory_space<vmem>>
      %dma_wait3A_254 = arith.constant 0 : i32
      %dma_wait3A_255 = arith.constant 0 : i32
      %dma_wait3A_256 = tpu.memref_slice %arg12[%dma_wait3A_254, %dma_wait3A_255] : memref<10016x128xf32, #tpu.memory_space<vmem_shared>> -> memref<10016x128xf32, #tpu.memory_space<vmem_shared>>
      tpu.wait_indirect_dma semaphore(%arg14 : memref<!tpu.dma_semaphore, #tpu.memory_space<semaphore_mem>>) src(%dma_wait3A_256 : memref<10016x128xf32, #tpu.memory_space<vmem_shared>>) dst(%arg10 : memref<16x128xf32, #tpu.memory_space<vmem>>)
      %run_scoped3A_257 = arith.constant 6 : i32
      "tpu.region"() ({
        %run_scoped3A_411 = tpu.sem_alloc : memref<!tpu.dma_semaphore, #tpu.memory_space<semaphore_mem>>
        %dma_start3A_412 = arith.constant 0 : i32
        %dma_start3A_413 = tpu.memref_slice %arg8[%run_scoped3A_257, %dma_start3A_412] : memref<8x16xi32, #tpu.memory_space<vmem>> -> memref<1x16xi32, #tpu.memory_space<vmem>>
        %dma_start3A_414 = tpu.memref_squeeze %dma_start3A_413 : memref<1x16xi32, #tpu.memory_space<vmem>> -> memref<16xi32, #tpu.memory_space<vmem>>
        %dma_start3A_415 = arith.constant 0 : i32
        %dma_start3A_416 = arith.constant 0 : i32
        %dma_start3A_417 = tpu.memref_slice %arg13[%dma_start3A_415, %dma_start3A_416] : memref<5120x128xf32, #tpu.memory_space<vmem_shared>> -> memref<5120x128xf32, #tpu.memory_space<vmem_shared>>
        tpu.enqueue_indirect_dma source(%arg10 : memref<16x128xf32, #tpu.memory_space<vmem>>) target(%dma_start3A_417 : memref<5120x128xf32, #tpu.memory_space<vmem_shared>>) offsets(%dma_start3A_414 : memref<16xi32, #tpu.memory_space<vmem>>) semaphore(%run_scoped3A_411 : memref<!tpu.dma_semaphore, #tpu.memory_space<semaphore_mem>>) {add = true}
        %dma_wait3A_418 = arith.constant 0 : i32
        %dma_wait3A_419 = tpu.memref_slice %arg8[%run_scoped3A_257, %dma_wait3A_418] : memref<8x16xi32, #tpu.memory_space<vmem>> -> memref<1x16xi32, #tpu.memory_space<vmem>>
        %dma_wait3A_420 = tpu.memref_squeeze %dma_wait3A_419 : memref<1x16xi32, #tpu.memory_space<vmem>> -> memref<16xi32, #tpu.memory_space<vmem>>
        %dma_wait3A_421 = arith.constant 0 : i32
        %dma_wait3A_422 = arith.constant 0 : i32
        %dma_wait3A_423 = tpu.memref_slice %arg13[%dma_wait3A_421, %dma_wait3A_422] : memref<5120x128xf32, #tpu.memory_space<vmem_shared>> -> memref<5120x128xf32, #tpu.memory_space<vmem_shared>>
        tpu.wait_indirect_dma semaphore(%run_scoped3A_411 : memref<!tpu.dma_semaphore, #tpu.memory_space<semaphore_mem>>) src(%arg10 : memref<16x128xf32, #tpu.memory_space<vmem>>) dst(%dma_wait3A_423 : memref<5120x128xf32, #tpu.memory_space<vmem_shared>>)
        tpu.yield
      }) : () -> ()
      %dma_wait3A_258 = arith.constant 7 : i32
      %dma_wait3A_259 = arith.constant 0 : i32
      %dma_wait3A_260 = tpu.memref_slice %arg6[%dma_wait3A_258, %dma_wait3A_259] : memref<8x16xi32, #tpu.memory_space<vmem>> -> memref<1x16xi32, #tpu.memory_space<vmem>>
      %dma_wait3A_261 = tpu.memref_squeeze %dma_wait3A_260 : memref<1x16xi32, #tpu.memory_space<vmem>> -> memref<16xi32, #tpu.memory_space<vmem>>
      %dma_wait3A_262 = arith.constant 0 : i32
      %dma_wait3A_263 = arith.constant 0 : i32
      %dma_wait3A_264 = tpu.memref_slice %arg12[%dma_wait3A_262, %dma_wait3A_263] : memref<10016x128xf32, #tpu.memory_space<vmem_shared>> -> memref<10016x128xf32, #tpu.memory_space<vmem_shared>>
      tpu.wait_indirect_dma semaphore(%arg15 : memref<!tpu.dma_semaphore, #tpu.memory_space<semaphore_mem>>) src(%dma_wait3A_264 : memref<10016x128xf32, #tpu.memory_space<vmem_shared>>) dst(%arg11 : memref<16x128xf32, #tpu.memory_space<vmem>>)
      %run_scoped3A_265 = arith.constant 7 : i32
      "tpu.region"() ({
        %run_scoped3A_411 = tpu.sem_alloc : memref<!tpu.dma_semaphore, #tpu.memory_space<semaphore_mem>>
        %dma_start3A_412 = arith.constant 0 : i32
        %dma_start3A_413 = tpu.memref_slice %arg8[%run_scoped3A_265, %dma_start3A_412] : memref<8x16xi32, #tpu.memory_space<vmem>> -> memref<1x16xi32, #tpu.memory_space<vmem>>
        %dma_start3A_414 = tpu.memref_squeeze %dma_start3A_413 : memref<1x16xi32, #tpu.memory_space<vmem>> -> memref<16xi32, #tpu.memory_space<vmem>>
        %dma_start3A_415 = arith.constant 0 : i32
        %dma_start3A_416 = arith.constant 0 : i32
        %dma_start3A_417 = tpu.memref_slice %arg13[%dma_start3A_415, %dma_start3A_416] : memref<5120x128xf32, #tpu.memory_space<vmem_shared>> -> memref<5120x128xf32, #tpu.memory_space<vmem_shared>>
        tpu.enqueue_indirect_dma source(%arg11 : memref<16x128xf32, #tpu.memory_space<vmem>>) target(%dma_start3A_417 : memref<5120x128xf32, #tpu.memory_space<vmem_shared>>) offsets(%dma_start3A_414 : memref<16xi32, #tpu.memory_space<vmem>>) semaphore(%run_scoped3A_411 : memref<!tpu.dma_semaphore, #tpu.memory_space<semaphore_mem>>) {add = true}
        %dma_wait3A_418 = arith.constant 0 : i32
        %dma_wait3A_419 = tpu.memref_slice %arg8[%run_scoped3A_265, %dma_wait3A_418] : memref<8x16xi32, #tpu.memory_space<vmem>> -> memref<1x16xi32, #tpu.memory_space<vmem>>
        %dma_wait3A_420 = tpu.memref_squeeze %dma_wait3A_419 : memref<1x16xi32, #tpu.memory_space<vmem>> -> memref<16xi32, #tpu.memory_space<vmem>>
        %dma_wait3A_421 = arith.constant 0 : i32
        %dma_wait3A_422 = arith.constant 0 : i32
        %dma_wait3A_423 = tpu.memref_slice %arg13[%dma_wait3A_421, %dma_wait3A_422] : memref<5120x128xf32, #tpu.memory_space<vmem_shared>> -> memref<5120x128xf32, #tpu.memory_space<vmem_shared>>
        tpu.wait_indirect_dma semaphore(%run_scoped3A_411 : memref<!tpu.dma_semaphore, #tpu.memory_space<semaphore_mem>>) src(%arg11 : memref<16x128xf32, #tpu.memory_space<vmem>>) dst(%dma_wait3A_423 : memref<5120x128xf32, #tpu.memory_space<vmem_shared>>)
        tpu.yield
      }) : () -> ()
      %add3A_266 = arith.constant 1 : i32
      %add3A_267 = arith.addi %mul3A_140, %add3A_266 : i32
      %lt3A_268 = arith.constant 168 : i32
      %lt3A_269 = arith.cmpi slt, %add3A_267, %lt3A_268 : i32
      %convert_element_type3A_270 = arith.extui %lt3A_269 : i1 to i32
      %cond3A_271 = arith.constant 0 : i32
      %cond3A_272 = arith.cmpi ne, %convert_element_type3A_270, %cond3A_271 : i32
      scf.if %cond3A_272 {
        %dma_wait3A_411 = arith.constant 0 : i32
        %dma_wait3A_412 = arith.constant 0 : i32
        %dma_wait3A_413 = tpu.memref_slice %arg3[%arg1, %dma_wait3A_411, %dma_wait3A_412] : memref<16x1344x16xi32, #tpu.memory_space<hbm>> -> memref<1x8x16xi32, #tpu.memory_space<hbm>>
        %dma_wait3A_414 = tpu.memref_squeeze %dma_wait3A_413 : memref<1x8x16xi32, #tpu.memory_space<hbm>> -> memref<8x16xi32, #tpu.memory_space<hbm>>
        %dma_wait3A_415 = arith.constant 0 : i32
        %dma_wait3A_416 = arith.constant 0 : i32
        %dma_wait3A_417 = tpu.memref_slice %arg3[%arg1, %dma_wait3A_415, %dma_wait3A_416] : memref<16x1344x16xi32, #tpu.memory_space<hbm>> -> memref<1x8x16xi32, #tpu.memory_space<hbm>>
        %dma_wait3A_418 = tpu.memref_squeeze %dma_wait3A_417 : memref<1x8x16xi32, #tpu.memory_space<hbm>> -> memref<8x16xi32, #tpu.memory_space<hbm>>
        tpu.wait_dma2 semaphore(%arg16 : memref<!tpu.dma_semaphore, #tpu.memory_space<semaphore_mem>>) src(%dma_wait3A_418 : memref<8x16xi32, #tpu.memory_space<hbm>>) dst(%arg7 : memref<8x16xi32, #tpu.memory_space<vmem>>)
        %dma_wait3A_419 = arith.constant 0 : i32
        %dma_wait3A_420 = arith.constant 0 : i32
        %dma_wait3A_421 = arith.constant 0 : i32
        %dma_wait3A_422 = tpu.memref_slice %arg4[%dma_wait3A_419, %arg1, %dma_wait3A_420, %dma_wait3A_421] : memref<2x16x1344x16xi32, #tpu.memory_space<hbm>> -> memref<1x1x8x16xi32, #tpu.memory_space<hbm>>
        %dma_wait3A_423 = tpu.memref_squeeze %dma_wait3A_422 : memref<1x1x8x16xi32, #tpu.memory_space<hbm>> -> memref<8x16xi32, #tpu.memory_space<hbm>>
        %dma_wait3A_424 = arith.constant 0 : i32
        %dma_wait3A_425 = arith.constant 0 : i32
        %dma_wait3A_426 = tpu.memref_slice %arg4[%dma_wait3A_419, %arg1, %dma_wait3A_424, %dma_wait3A_425] : memref<2x16x1344x16xi32, #tpu.memory_space<hbm>> -> memref<1x1x8x16xi32, #tpu.memory_space<hbm>>
        %dma_wait3A_427 = tpu.memref_squeeze %dma_wait3A_426 : memref<1x1x8x16xi32, #tpu.memory_space<hbm>> -> memref<8x16xi32, #tpu.memory_space<hbm>>
        tpu.wait_dma2 semaphore(%arg17 : memref<!tpu.dma_semaphore, #tpu.memory_space<semaphore_mem>>) src(%dma_wait3A_427 : memref<8x16xi32, #tpu.memory_space<hbm>>) dst(%arg9 : memref<8x16xi32, #tpu.memory_space<vmem>>)
      } else {
      }
      %mul3A_273 = arith.constant 2 : i32
      %mul3A_274 = arith.muli %mul3A_273, %scan3A_138 : i32
      %add3A_275 = arith.constant 1 : i32
      %add3A_276 = arith.addi %mul3A_274, %add3A_275 : i32
      %add3A_277 = arith.constant 1 : i32
      %add3A_278 = arith.addi %add3A_276, %add3A_277 : i32
      %lt3A_279 = arith.constant 168 : i32
      %lt3A_280 = arith.cmpi slt, %add3A_278, %lt3A_279 : i32
      %convert_element_type3A_281 = arith.extui %lt3A_280 : i1 to i32
      %cond3A_282 = arith.constant 0 : i32
      %cond3A_283 = arith.cmpi ne, %convert_element_type3A_281, %cond3A_282 : i32
      scf.if %cond3A_283 {
        %add3A_411 = arith.constant 1 : i32
        %add3A_412 = arith.addi %add3A_276, %add3A_411 : i32
        %mul3A_413 = arith.constant 8 : i32
        %mul3A_414 = arith.muli %add3A_412, %mul3A_413 : i32
        %dma_start3A_415 = arith.constant 0 : i32
        %dma_start3A_416 = tpu.memref_slice %arg3[%arg1, %mul3A_414, %dma_start3A_415] : memref<16x1344x16xi32, #tpu.memory_space<hbm>> -> memref<1x8x16xi32, #tpu.memory_space<hbm>>
        %dma_start3A_417 = tpu.memref_squeeze %dma_start3A_416 : memref<1x8x16xi32, #tpu.memory_space<hbm>> -> memref<8x16xi32, #tpu.memory_space<hbm>>
        %dma_start3A_418 = arith.constant 0 : i32
        %dma_start3A_419 = tpu.memref_slice %arg3[%arg1, %mul3A_414, %dma_start3A_418] : memref<16x1344x16xi32, #tpu.memory_space<hbm>> -> memref<1x8x16xi32, #tpu.memory_space<hbm>>
        %dma_start3A_420 = tpu.memref_squeeze %dma_start3A_419 : memref<1x8x16xi32, #tpu.memory_space<hbm>> -> memref<8x16xi32, #tpu.memory_space<hbm>>
        tpu.enqueue_dma source(%dma_start3A_420 : memref<8x16xi32, #tpu.memory_space<hbm>>) target(%arg6 : memref<8x16xi32, #tpu.memory_space<vmem>>) target_semaphore(%arg16 : memref<!tpu.dma_semaphore, #tpu.memory_space<semaphore_mem>>)
        %add3A_421 = arith.constant 1 : i32
        %add3A_422 = arith.addi %add3A_276, %add3A_421 : i32
        %mul3A_423 = arith.constant 8 : i32
        %mul3A_424 = arith.muli %add3A_422, %mul3A_423 : i32
        %dma_start3A_425 = arith.constant 0 : i32
        %dma_start3A_426 = arith.constant 0 : i32
        %dma_start3A_427 = tpu.memref_slice %arg4[%dma_start3A_425, %arg1, %mul3A_424, %dma_start3A_426] : memref<2x16x1344x16xi32, #tpu.memory_space<hbm>> -> memref<1x1x8x16xi32, #tpu.memory_space<hbm>>
        %dma_start3A_428 = tpu.memref_squeeze %dma_start3A_427 : memref<1x1x8x16xi32, #tpu.memory_space<hbm>> -> memref<8x16xi32, #tpu.memory_space<hbm>>
        %dma_start3A_429 = arith.constant 0 : i32
        %dma_start3A_430 = tpu.memref_slice %arg4[%dma_start3A_425, %arg1, %mul3A_424, %dma_start3A_429] : memref<2x16x1344x16xi32, #tpu.memory_space<hbm>> -> memref<1x1x8x16xi32, #tpu.memory_space<hbm>>
        %dma_start3A_431 = tpu.memref_squeeze %dma_start3A_430 : memref<1x1x8x16xi32, #tpu.memory_space<hbm>> -> memref<8x16xi32, #tpu.memory_space<hbm>>
        tpu.enqueue_dma source(%dma_start3A_431 : memref<8x16xi32, #tpu.memory_space<hbm>>) target(%arg8 : memref<8x16xi32, #tpu.memory_space<vmem>>) target_semaphore(%arg17 : memref<!tpu.dma_semaphore, #tpu.memory_space<semaphore_mem>>)
      } else {
      }
      %dma_start3A_284 = arith.constant 0 : i32
      %dma_start3A_285 = arith.constant 0 : i32
      %dma_start3A_286 = tpu.memref_slice %arg7[%dma_start3A_284, %dma_start3A_285] : memref<8x16xi32, #tpu.memory_space<vmem>> -> memref<1x16xi32, #tpu.memory_space<vmem>>
      %dma_start3A_287 = tpu.memref_squeeze %dma_start3A_286 : memref<1x16xi32, #tpu.memory_space<vmem>> -> memref<16xi32, #tpu.memory_space<vmem>>
      %dma_start3A_288 = arith.constant 0 : i32
      %dma_start3A_289 = arith.constant 0 : i32
      %dma_start3A_290 = tpu.memref_slice %arg12[%dma_start3A_288, %dma_start3A_289] : memref<10016x128xf32, #tpu.memory_space<vmem_shared>> -> memref<10016x128xf32, #tpu.memory_space<vmem_shared>>
      tpu.enqueue_indirect_dma source(%dma_start3A_290 : memref<10016x128xf32, #tpu.memory_space<vmem_shared>>) target(%arg10 : memref<16x128xf32, #tpu.memory_space<vmem>>) offsets(%dma_start3A_287 : memref<16xi32, #tpu.memory_space<vmem>>) semaphore(%arg14 : memref<!tpu.dma_semaphore, #tpu.memory_space<semaphore_mem>>)
      %dma_start3A_291 = arith.constant 1 : i32
      %dma_start3A_292 = arith.constant 0 : i32
      %dma_start3A_293 = tpu.memref_slice %arg7[%dma_start3A_291, %dma_start3A_292] : memref<8x16xi32, #tpu.memory_space<vmem>> -> memref<1x16xi32, #tpu.memory_space<vmem>>
      %dma_start3A_294 = tpu.memref_squeeze %dma_start3A_293 : memref<1x16xi32, #tpu.memory_space<vmem>> -> memref<16xi32, #tpu.memory_space<vmem>>
      %dma_start3A_295 = arith.constant 0 : i32
      %dma_start3A_296 = arith.constant 0 : i32
      %dma_start3A_297 = tpu.memref_slice %arg12[%dma_start3A_295, %dma_start3A_296] : memref<10016x128xf32, #tpu.memory_space<vmem_shared>> -> memref<10016x128xf32, #tpu.memory_space<vmem_shared>>
      tpu.enqueue_indirect_dma source(%dma_start3A_297 : memref<10016x128xf32, #tpu.memory_space<vmem_shared>>) target(%arg11 : memref<16x128xf32, #tpu.memory_space<vmem>>) offsets(%dma_start3A_294 : memref<16xi32, #tpu.memory_space<vmem>>) semaphore(%arg15 : memref<!tpu.dma_semaphore, #tpu.memory_space<semaphore_mem>>)
      %dma_wait3A_298 = arith.constant 0 : i32
      %dma_wait3A_299 = arith.constant 0 : i32
      %dma_wait3A_300 = tpu.memref_slice %arg7[%dma_wait3A_298, %dma_wait3A_299] : memref<8x16xi32, #tpu.memory_space<vmem>> -> memref<1x16xi32, #tpu.memory_space<vmem>>
      %dma_wait3A_301 = tpu.memref_squeeze %dma_wait3A_300 : memref<1x16xi32, #tpu.memory_space<vmem>> -> memref<16xi32, #tpu.memory_space<vmem>>
      %dma_wait3A_302 = arith.constant 0 : i32
      %dma_wait3A_303 = arith.constant 0 : i32
      %dma_wait3A_304 = tpu.memref_slice %arg12[%dma_wait3A_302, %dma_wait3A_303] : memref<10016x128xf32, #tpu.memory_space<vmem_shared>> -> memref<10016x128xf32, #tpu.memory_space<vmem_shared>>
      tpu.wait_indirect_dma semaphore(%arg14 : memref<!tpu.dma_semaphore, #tpu.memory_space<semaphore_mem>>) src(%dma_wait3A_304 : memref<10016x128xf32, #tpu.memory_space<vmem_shared>>) dst(%arg10 : memref<16x128xf32, #tpu.memory_space<vmem>>)
      %run_scoped3A_305 = arith.constant 0 : i32
      "tpu.region"() ({
        %run_scoped3A_411 = tpu.sem_alloc : memref<!tpu.dma_semaphore, #tpu.memory_space<semaphore_mem>>
        %dma_start3A_412 = arith.constant 0 : i32
        %dma_start3A_413 = tpu.memref_slice %arg9[%run_scoped3A_305, %dma_start3A_412] : memref<8x16xi32, #tpu.memory_space<vmem>> -> memref<1x16xi32, #tpu.memory_space<vmem>>
        %dma_start3A_414 = tpu.memref_squeeze %dma_start3A_413 : memref<1x16xi32, #tpu.memory_space<vmem>> -> memref<16xi32, #tpu.memory_space<vmem>>
        %dma_start3A_415 = arith.constant 0 : i32
        %dma_start3A_416 = arith.constant 0 : i32
        %dma_start3A_417 = tpu.memref_slice %arg13[%dma_start3A_415, %dma_start3A_416] : memref<5120x128xf32, #tpu.memory_space<vmem_shared>> -> memref<5120x128xf32, #tpu.memory_space<vmem_shared>>
        tpu.enqueue_indirect_dma source(%arg10 : memref<16x128xf32, #tpu.memory_space<vmem>>) target(%dma_start3A_417 : memref<5120x128xf32, #tpu.memory_space<vmem_shared>>) offsets(%dma_start3A_414 : memref<16xi32, #tpu.memory_space<vmem>>) semaphore(%run_scoped3A_411 : memref<!tpu.dma_semaphore, #tpu.memory_space<semaphore_mem>>) {add = true}
        %dma_wait3A_418 = arith.constant 0 : i32
        %dma_wait3A_419 = tpu.memref_slice %arg9[%run_scoped3A_305, %dma_wait3A_418] : memref<8x16xi32, #tpu.memory_space<vmem>> -> memref<1x16xi32, #tpu.memory_space<vmem>>
        %dma_wait3A_420 = tpu.memref_squeeze %dma_wait3A_419 : memref<1x16xi32, #tpu.memory_space<vmem>> -> memref<16xi32, #tpu.memory_space<vmem>>
        %dma_wait3A_421 = arith.constant 0 : i32
        %dma_wait3A_422 = arith.constant 0 : i32
        %dma_wait3A_423 = tpu.memref_slice %arg13[%dma_wait3A_421, %dma_wait3A_422] : memref<5120x128xf32, #tpu.memory_space<vmem_shared>> -> memref<5120x128xf32, #tpu.memory_space<vmem_shared>>
        tpu.wait_indirect_dma semaphore(%run_scoped3A_411 : memref<!tpu.dma_semaphore, #tpu.memory_space<semaphore_mem>>) src(%arg10 : memref<16x128xf32, #tpu.memory_space<vmem>>) dst(%dma_wait3A_423 : memref<5120x128xf32, #tpu.memory_space<vmem_shared>>)
        tpu.yield
      }) : () -> ()
      %dma_start3A_306 = arith.constant 2 : i32
      %dma_start3A_307 = arith.constant 0 : i32
      %dma_start3A_308 = tpu.memref_slice %arg7[%dma_start3A_306, %dma_start3A_307] : memref<8x16xi32, #tpu.memory_space<vmem>> -> memref<1x16xi32, #tpu.memory_space<vmem>>
      %dma_start3A_309 = tpu.memref_squeeze %dma_start3A_308 : memref<1x16xi32, #tpu.memory_space<vmem>> -> memref<16xi32, #tpu.memory_space<vmem>>
      %dma_start3A_310 = arith.constant 0 : i32
      %dma_start3A_311 = arith.constant 0 : i32
      %dma_start3A_312 = tpu.memref_slice %arg12[%dma_start3A_310, %dma_start3A_311] : memref<10016x128xf32, #tpu.memory_space<vmem_shared>> -> memref<10016x128xf32, #tpu.memory_space<vmem_shared>>
      tpu.enqueue_indirect_dma source(%dma_start3A_312 : memref<10016x128xf32, #tpu.memory_space<vmem_shared>>) target(%arg10 : memref<16x128xf32, #tpu.memory_space<vmem>>) offsets(%dma_start3A_309 : memref<16xi32, #tpu.memory_space<vmem>>) semaphore(%arg14 : memref<!tpu.dma_semaphore, #tpu.memory_space<semaphore_mem>>)
      %dma_wait3A_313 = arith.constant 1 : i32
      %dma_wait3A_314 = arith.constant 0 : i32
      %dma_wait3A_315 = tpu.memref_slice %arg7[%dma_wait3A_313, %dma_wait3A_314] : memref<8x16xi32, #tpu.memory_space<vmem>> -> memref<1x16xi32, #tpu.memory_space<vmem>>
      %dma_wait3A_316 = tpu.memref_squeeze %dma_wait3A_315 : memref<1x16xi32, #tpu.memory_space<vmem>> -> memref<16xi32, #tpu.memory_space<vmem>>
      %dma_wait3A_317 = arith.constant 0 : i32
      %dma_wait3A_318 = arith.constant 0 : i32
      %dma_wait3A_319 = tpu.memref_slice %arg12[%dma_wait3A_317, %dma_wait3A_318] : memref<10016x128xf32, #tpu.memory_space<vmem_shared>> -> memref<10016x128xf32, #tpu.memory_space<vmem_shared>>
      tpu.wait_indirect_dma semaphore(%arg15 : memref<!tpu.dma_semaphore, #tpu.memory_space<semaphore_mem>>) src(%dma_wait3A_319 : memref<10016x128xf32, #tpu.memory_space<vmem_shared>>) dst(%arg11 : memref<16x128xf32, #tpu.memory_space<vmem>>)
      %run_scoped3A_320 = arith.constant 1 : i32
      "tpu.region"() ({
        %run_scoped3A_411 = tpu.sem_alloc : memref<!tpu.dma_semaphore, #tpu.memory_space<semaphore_mem>>
        %dma_start3A_412 = arith.constant 0 : i32
        %dma_start3A_413 = tpu.memref_slice %arg9[%run_scoped3A_320, %dma_start3A_412] : memref<8x16xi32, #tpu.memory_space<vmem>> -> memref<1x16xi32, #tpu.memory_space<vmem>>
        %dma_start3A_414 = tpu.memref_squeeze %dma_start3A_413 : memref<1x16xi32, #tpu.memory_space<vmem>> -> memref<16xi32, #tpu.memory_space<vmem>>
        %dma_start3A_415 = arith.constant 0 : i32
        %dma_start3A_416 = arith.constant 0 : i32
        %dma_start3A_417 = tpu.memref_slice %arg13[%dma_start3A_415, %dma_start3A_416] : memref<5120x128xf32, #tpu.memory_space<vmem_shared>> -> memref<5120x128xf32, #tpu.memory_space<vmem_shared>>
        tpu.enqueue_indirect_dma source(%arg11 : memref<16x128xf32, #tpu.memory_space<vmem>>) target(%dma_start3A_417 : memref<5120x128xf32, #tpu.memory_space<vmem_shared>>) offsets(%dma_start3A_414 : memref<16xi32, #tpu.memory_space<vmem>>) semaphore(%run_scoped3A_411 : memref<!tpu.dma_semaphore, #tpu.memory_space<semaphore_mem>>) {add = true}
        %dma_wait3A_418 = arith.constant 0 : i32
        %dma_wait3A_419 = tpu.memref_slice %arg9[%run_scoped3A_320, %dma_wait3A_418] : memref<8x16xi32, #tpu.memory_space<vmem>> -> memref<1x16xi32, #tpu.memory_space<vmem>>
        %dma_wait3A_420 = tpu.memref_squeeze %dma_wait3A_419 : memref<1x16xi32, #tpu.memory_space<vmem>> -> memref<16xi32, #tpu.memory_space<vmem>>
        %dma_wait3A_421 = arith.constant 0 : i32
        %dma_wait3A_422 = arith.constant 0 : i32
        %dma_wait3A_423 = tpu.memref_slice %arg13[%dma_wait3A_421, %dma_wait3A_422] : memref<5120x128xf32, #tpu.memory_space<vmem_shared>> -> memref<5120x128xf32, #tpu.memory_space<vmem_shared>>
        tpu.wait_indirect_dma semaphore(%run_scoped3A_411 : memref<!tpu.dma_semaphore, #tpu.memory_space<semaphore_mem>>) src(%arg11 : memref<16x128xf32, #tpu.memory_space<vmem>>) dst(%dma_wait3A_423 : memref<5120x128xf32, #tpu.memory_space<vmem_shared>>)
        tpu.yield
      }) : () -> ()
      %dma_start3A_321 = arith.constant 3 : i32
      %dma_start3A_322 = arith.constant 0 : i32
      %dma_start3A_323 = tpu.memref_slice %arg7[%dma_start3A_321, %dma_start3A_322] : memref<8x16xi32, #tpu.memory_space<vmem>> -> memref<1x16xi32, #tpu.memory_space<vmem>>
      %dma_start3A_324 = tpu.memref_squeeze %dma_start3A_323 : memref<1x16xi32, #tpu.memory_space<vmem>> -> memref<16xi32, #tpu.memory_space<vmem>>
      %dma_start3A_325 = arith.constant 0 : i32
      %dma_start3A_326 = arith.constant 0 : i32
      %dma_start3A_327 = tpu.memref_slice %arg12[%dma_start3A_325, %dma_start3A_326] : memref<10016x128xf32, #tpu.memory_space<vmem_shared>> -> memref<10016x128xf32, #tpu.memory_space<vmem_shared>>
      tpu.enqueue_indirect_dma source(%dma_start3A_327 : memref<10016x128xf32, #tpu.memory_space<vmem_shared>>) target(%arg11 : memref<16x128xf32, #tpu.memory_space<vmem>>) offsets(%dma_start3A_324 : memref<16xi32, #tpu.memory_space<vmem>>) semaphore(%arg15 : memref<!tpu.dma_semaphore, #tpu.memory_space<semaphore_mem>>)
      %dma_wait3A_328 = arith.constant 2 : i32
      %dma_wait3A_329 = arith.constant 0 : i32
      %dma_wait3A_330 = tpu.memref_slice %arg7[%dma_wait3A_328, %dma_wait3A_329] : memref<8x16xi32, #tpu.memory_space<vmem>> -> memref<1x16xi32, #tpu.memory_space<vmem>>
      %dma_wait3A_331 = tpu.memref_squeeze %dma_wait3A_330 : memref<1x16xi32, #tpu.memory_space<vmem>> -> memref<16xi32, #tpu.memory_space<vmem>>
      %dma_wait3A_332 = arith.constant 0 : i32
      %dma_wait3A_333 = arith.constant 0 : i32
      %dma_wait3A_334 = tpu.memref_slice %arg12[%dma_wait3A_332, %dma_wait3A_333] : memref<10016x128xf32, #tpu.memory_space<vmem_shared>> -> memref<10016x128xf32, #tpu.memory_space<vmem_shared>>
      tpu.wait_indirect_dma semaphore(%arg14 : memref<!tpu.dma_semaphore, #tpu.memory_space<semaphore_mem>>) src(%dma_wait3A_334 : memref<10016x128xf32, #tpu.memory_space<vmem_shared>>) dst(%arg10 : memref<16x128xf32, #tpu.memory_space<vmem>>)
      %run_scoped3A_335 = arith.constant 2 : i32
      "tpu.region"() ({
        %run_scoped3A_411 = tpu.sem_alloc : memref<!tpu.dma_semaphore, #tpu.memory_space<semaphore_mem>>
        %dma_start3A_412 = arith.constant 0 : i32
        %dma_start3A_413 = tpu.memref_slice %arg9[%run_scoped3A_335, %dma_start3A_412] : memref<8x16xi32, #tpu.memory_space<vmem>> -> memref<1x16xi32, #tpu.memory_space<vmem>>
        %dma_start3A_414 = tpu.memref_squeeze %dma_start3A_413 : memref<1x16xi32, #tpu.memory_space<vmem>> -> memref<16xi32, #tpu.memory_space<vmem>>
        %dma_start3A_415 = arith.constant 0 : i32
        %dma_start3A_416 = arith.constant 0 : i32
        %dma_start3A_417 = tpu.memref_slice %arg13[%dma_start3A_415, %dma_start3A_416] : memref<5120x128xf32, #tpu.memory_space<vmem_shared>> -> memref<5120x128xf32, #tpu.memory_space<vmem_shared>>
        tpu.enqueue_indirect_dma source(%arg10 : memref<16x128xf32, #tpu.memory_space<vmem>>) target(%dma_start3A_417 : memref<5120x128xf32, #tpu.memory_space<vmem_shared>>) offsets(%dma_start3A_414 : memref<16xi32, #tpu.memory_space<vmem>>) semaphore(%run_scoped3A_411 : memref<!tpu.dma_semaphore, #tpu.memory_space<semaphore_mem>>) {add = true}
        %dma_wait3A_418 = arith.constant 0 : i32
        %dma_wait3A_419 = tpu.memref_slice %arg9[%run_scoped3A_335, %dma_wait3A_418] : memref<8x16xi32, #tpu.memory_space<vmem>> -> memref<1x16xi32, #tpu.memory_space<vmem>>
        %dma_wait3A_420 = tpu.memref_squeeze %dma_wait3A_419 : memref<1x16xi32, #tpu.memory_space<vmem>> -> memref<16xi32, #tpu.memory_space<vmem>>
        %dma_wait3A_421 = arith.constant 0 : i32
        %dma_wait3A_422 = arith.constant 0 : i32
        %dma_wait3A_423 = tpu.memref_slice %arg13[%dma_wait3A_421, %dma_wait3A_422] : memref<5120x128xf32, #tpu.memory_space<vmem_shared>> -> memref<5120x128xf32, #tpu.memory_space<vmem_shared>>
        tpu.wait_indirect_dma semaphore(%run_scoped3A_411 : memref<!tpu.dma_semaphore, #tpu.memory_space<semaphore_mem>>) src(%arg10 : memref<16x128xf32, #tpu.memory_space<vmem>>) dst(%dma_wait3A_423 : memref<5120x128xf32, #tpu.memory_space<vmem_shared>>)
        tpu.yield
      }) : () -> ()
      %dma_start3A_336 = arith.constant 4 : i32
      %dma_start3A_337 = arith.constant 0 : i32
      %dma_start3A_338 = tpu.memref_slice %arg7[%dma_start3A_336, %dma_start3A_337] : memref<8x16xi32, #tpu.memory_space<vmem>> -> memref<1x16xi32, #tpu.memory_space<vmem>>
      %dma_start3A_339 = tpu.memref_squeeze %dma_start3A_338 : memref<1x16xi32, #tpu.memory_space<vmem>> -> memref<16xi32, #tpu.memory_space<vmem>>
      %dma_start3A_340 = arith.constant 0 : i32
      %dma_start3A_341 = arith.constant 0 : i32
      %dma_start3A_342 = tpu.memref_slice %arg12[%dma_start3A_340, %dma_start3A_341] : memref<10016x128xf32, #tpu.memory_space<vmem_shared>> -> memref<10016x128xf32, #tpu.memory_space<vmem_shared>>
      tpu.enqueue_indirect_dma source(%dma_start3A_342 : memref<10016x128xf32, #tpu.memory_space<vmem_shared>>) target(%arg10 : memref<16x128xf32, #tpu.memory_space<vmem>>) offsets(%dma_start3A_339 : memref<16xi32, #tpu.memory_space<vmem>>) semaphore(%arg14 : memref<!tpu.dma_semaphore, #tpu.memory_space<semaphore_mem>>)
      %dma_wait3A_343 = arith.constant 3 : i32
      %dma_wait3A_344 = arith.constant 0 : i32
      %dma_wait3A_345 = tpu.memref_slice %arg7[%dma_wait3A_343, %dma_wait3A_344] : memref<8x16xi32, #tpu.memory_space<vmem>> -> memref<1x16xi32, #tpu.memory_space<vmem>>
      %dma_wait3A_346 = tpu.memref_squeeze %dma_wait3A_345 : memref<1x16xi32, #tpu.memory_space<vmem>> -> memref<16xi32, #tpu.memory_space<vmem>>
      %dma_wait3A_347 = arith.constant 0 : i32
      %dma_wait3A_348 = arith.constant 0 : i32
      %dma_wait3A_349 = tpu.memref_slice %arg12[%dma_wait3A_347, %dma_wait3A_348] : memref<10016x128xf32, #tpu.memory_space<vmem_shared>> -> memref<10016x128xf32, #tpu.memory_space<vmem_shared>>
      tpu.wait_indirect_dma semaphore(%arg15 : memref<!tpu.dma_semaphore, #tpu.memory_space<semaphore_mem>>) src(%dma_wait3A_349 : memref<10016x128xf32, #tpu.memory_space<vmem_shared>>) dst(%arg11 : memref<16x128xf32, #tpu.memory_space<vmem>>)
      %run_scoped3A_350 = arith.constant 3 : i32
      "tpu.region"() ({
        %run_scoped3A_411 = tpu.sem_alloc : memref<!tpu.dma_semaphore, #tpu.memory_space<semaphore_mem>>
        %dma_start3A_412 = arith.constant 0 : i32
        %dma_start3A_413 = tpu.memref_slice %arg9[%run_scoped3A_350, %dma_start3A_412] : memref<8x16xi32, #tpu.memory_space<vmem>> -> memref<1x16xi32, #tpu.memory_space<vmem>>
        %dma_start3A_414 = tpu.memref_squeeze %dma_start3A_413 : memref<1x16xi32, #tpu.memory_space<vmem>> -> memref<16xi32, #tpu.memory_space<vmem>>
        %dma_start3A_415 = arith.constant 0 : i32
        %dma_start3A_416 = arith.constant 0 : i32
        %dma_start3A_417 = tpu.memref_slice %arg13[%dma_start3A_415, %dma_start3A_416] : memref<5120x128xf32, #tpu.memory_space<vmem_shared>> -> memref<5120x128xf32, #tpu.memory_space<vmem_shared>>
        tpu.enqueue_indirect_dma source(%arg11 : memref<16x128xf32, #tpu.memory_space<vmem>>) target(%dma_start3A_417 : memref<5120x128xf32, #tpu.memory_space<vmem_shared>>) offsets(%dma_start3A_414 : memref<16xi32, #tpu.memory_space<vmem>>) semaphore(%run_scoped3A_411 : memref<!tpu.dma_semaphore, #tpu.memory_space<semaphore_mem>>) {add = true}
        %dma_wait3A_418 = arith.constant 0 : i32
        %dma_wait3A_419 = tpu.memref_slice %arg9[%run_scoped3A_350, %dma_wait3A_418] : memref<8x16xi32, #tpu.memory_space<vmem>> -> memref<1x16xi32, #tpu.memory_space<vmem>>
        %dma_wait3A_420 = tpu.memref_squeeze %dma_wait3A_419 : memref<1x16xi32, #tpu.memory_space<vmem>> -> memref<16xi32, #tpu.memory_space<vmem>>
        %dma_wait3A_421 = arith.constant 0 : i32
        %dma_wait3A_422 = arith.constant 0 : i32
        %dma_wait3A_423 = tpu.memref_slice %arg13[%dma_wait3A_421, %dma_wait3A_422] : memref<5120x128xf32, #tpu.memory_space<vmem_shared>> -> memref<5120x128xf32, #tpu.memory_space<vmem_shared>>
        tpu.wait_indirect_dma semaphore(%run_scoped3A_411 : memref<!tpu.dma_semaphore, #tpu.memory_space<semaphore_mem>>) src(%arg11 : memref<16x128xf32, #tpu.memory_space<vmem>>) dst(%dma_wait3A_423 : memref<5120x128xf32, #tpu.memory_space<vmem_shared>>)
        tpu.yield
      }) : () -> ()
      %dma_start3A_351 = arith.constant 5 : i32
      %dma_start3A_352 = arith.constant 0 : i32
      %dma_start3A_353 = tpu.memref_slice %arg7[%dma_start3A_351, %dma_start3A_352] : memref<8x16xi32, #tpu.memory_space<vmem>> -> memref<1x16xi32, #tpu.memory_space<vmem>>
      %dma_start3A_354 = tpu.memref_squeeze %dma_start3A_353 : memref<1x16xi32, #tpu.memory_space<vmem>> -> memref<16xi32, #tpu.memory_space<vmem>>
      %dma_start3A_355 = arith.constant 0 : i32
      %dma_start3A_356 = arith.constant 0 : i32
      %dma_start3A_357 = tpu.memref_slice %arg12[%dma_start3A_355, %dma_start3A_356] : memref<10016x128xf32, #tpu.memory_space<vmem_shared>> -> memref<10016x128xf32, #tpu.memory_space<vmem_shared>>
      tpu.enqueue_indirect_dma source(%dma_start3A_357 : memref<10016x128xf32, #tpu.memory_space<vmem_shared>>) target(%arg11 : memref<16x128xf32, #tpu.memory_space<vmem>>) offsets(%dma_start3A_354 : memref<16xi32, #tpu.memory_space<vmem>>) semaphore(%arg15 : memref<!tpu.dma_semaphore, #tpu.memory_space<semaphore_mem>>)
      %dma_wait3A_358 = arith.constant 4 : i32
      %dma_wait3A_359 = arith.constant 0 : i32
      %dma_wait3A_360 = tpu.memref_slice %arg7[%dma_wait3A_358, %dma_wait3A_359] : memref<8x16xi32, #tpu.memory_space<vmem>> -> memref<1x16xi32, #tpu.memory_space<vmem>>
      %dma_wait3A_361 = tpu.memref_squeeze %dma_wait3A_360 : memref<1x16xi32, #tpu.memory_space<vmem>> -> memref<16xi32, #tpu.memory_space<vmem>>
      %dma_wait3A_362 = arith.constant 0 : i32
      %dma_wait3A_363 = arith.constant 0 : i32
      %dma_wait3A_364 = tpu.memref_slice %arg12[%dma_wait3A_362, %dma_wait3A_363] : memref<10016x128xf32, #tpu.memory_space<vmem_shared>> -> memref<10016x128xf32, #tpu.memory_space<vmem_shared>>
      tpu.wait_indirect_dma semaphore(%arg14 : memref<!tpu.dma_semaphore, #tpu.memory_space<semaphore_mem>>) src(%dma_wait3A_364 : memref<10016x128xf32, #tpu.memory_space<vmem_shared>>) dst(%arg10 : memref<16x128xf32, #tpu.memory_space<vmem>>)
      %run_scoped3A_365 = arith.constant 4 : i32
      "tpu.region"() ({
        %run_scoped3A_411 = tpu.sem_alloc : memref<!tpu.dma_semaphore, #tpu.memory_space<semaphore_mem>>
        %dma_start3A_412 = arith.constant 0 : i32
        %dma_start3A_413 = tpu.memref_slice %arg9[%run_scoped3A_365, %dma_start3A_412] : memref<8x16xi32, #tpu.memory_space<vmem>> -> memref<1x16xi32, #tpu.memory_space<vmem>>
        %dma_start3A_414 = tpu.memref_squeeze %dma_start3A_413 : memref<1x16xi32, #tpu.memory_space<vmem>> -> memref<16xi32, #tpu.memory_space<vmem>>
        %dma_start3A_415 = arith.constant 0 : i32
        %dma_start3A_416 = arith.constant 0 : i32
        %dma_start3A_417 = tpu.memref_slice %arg13[%dma_start3A_415, %dma_start3A_416] : memref<5120x128xf32, #tpu.memory_space<vmem_shared>> -> memref<5120x128xf32, #tpu.memory_space<vmem_shared>>
        tpu.enqueue_indirect_dma source(%arg10 : memref<16x128xf32, #tpu.memory_space<vmem>>) target(%dma_start3A_417 : memref<5120x128xf32, #tpu.memory_space<vmem_shared>>) offsets(%dma_start3A_414 : memref<16xi32, #tpu.memory_space<vmem>>) semaphore(%run_scoped3A_411 : memref<!tpu.dma_semaphore, #tpu.memory_space<semaphore_mem>>) {add = true}
        %dma_wait3A_418 = arith.constant 0 : i32
        %dma_wait3A_419 = tpu.memref_slice %arg9[%run_scoped3A_365, %dma_wait3A_418] : memref<8x16xi32, #tpu.memory_space<vmem>> -> memref<1x16xi32, #tpu.memory_space<vmem>>
        %dma_wait3A_420 = tpu.memref_squeeze %dma_wait3A_419 : memref<1x16xi32, #tpu.memory_space<vmem>> -> memref<16xi32, #tpu.memory_space<vmem>>
        %dma_wait3A_421 = arith.constant 0 : i32
        %dma_wait3A_422 = arith.constant 0 : i32
        %dma_wait3A_423 = tpu.memref_slice %arg13[%dma_wait3A_421, %dma_wait3A_422] : memref<5120x128xf32, #tpu.memory_space<vmem_shared>> -> memref<5120x128xf32, #tpu.memory_space<vmem_shared>>
        tpu.wait_indirect_dma semaphore(%run_scoped3A_411 : memref<!tpu.dma_semaphore, #tpu.memory_space<semaphore_mem>>) src(%arg10 : memref<16x128xf32, #tpu.memory_space<vmem>>) dst(%dma_wait3A_423 : memref<5120x128xf32, #tpu.memory_space<vmem_shared>>)
        tpu.yield
      }) : () -> ()
      %dma_start3A_366 = arith.constant 6 : i32
      %dma_start3A_367 = arith.constant 0 : i32
      %dma_start3A_368 = tpu.memref_slice %arg7[%dma_start3A_366, %dma_start3A_367] : memref<8x16xi32, #tpu.memory_space<vmem>> -> memref<1x16xi32, #tpu.memory_space<vmem>>
      %dma_start3A_369 = tpu.memref_squeeze %dma_start3A_368 : memref<1x16xi32, #tpu.memory_space<vmem>> -> memref<16xi32, #tpu.memory_space<vmem>>
      %dma_start3A_370 = arith.constant 0 : i32
      %dma_start3A_371 = arith.constant 0 : i32
      %dma_start3A_372 = tpu.memref_slice %arg12[%dma_start3A_370, %dma_start3A_371] : memref<10016x128xf32, #tpu.memory_space<vmem_shared>> -> memref<10016x128xf32, #tpu.memory_space<vmem_shared>>
      tpu.enqueue_indirect_dma source(%dma_start3A_372 : memref<10016x128xf32, #tpu.memory_space<vmem_shared>>) target(%arg10 : memref<16x128xf32, #tpu.memory_space<vmem>>) offsets(%dma_start3A_369 : memref<16xi32, #tpu.memory_space<vmem>>) semaphore(%arg14 : memref<!tpu.dma_semaphore, #tpu.memory_space<semaphore_mem>>)
      %dma_wait3A_373 = arith.constant 5 : i32
      %dma_wait3A_374 = arith.constant 0 : i32
      %dma_wait3A_375 = tpu.memref_slice %arg7[%dma_wait3A_373, %dma_wait3A_374] : memref<8x16xi32, #tpu.memory_space<vmem>> -> memref<1x16xi32, #tpu.memory_space<vmem>>
      %dma_wait3A_376 = tpu.memref_squeeze %dma_wait3A_375 : memref<1x16xi32, #tpu.memory_space<vmem>> -> memref<16xi32, #tpu.memory_space<vmem>>
      %dma_wait3A_377 = arith.constant 0 : i32
      %dma_wait3A_378 = arith.constant 0 : i32
      %dma_wait3A_379 = tpu.memref_slice %arg12[%dma_wait3A_377, %dma_wait3A_378] : memref<10016x128xf32, #tpu.memory_space<vmem_shared>> -> memref<10016x128xf32, #tpu.memory_space<vmem_shared>>
      tpu.wait_indirect_dma semaphore(%arg15 : memref<!tpu.dma_semaphore, #tpu.memory_space<semaphore_mem>>) src(%dma_wait3A_379 : memref<10016x128xf32, #tpu.memory_space<vmem_shared>>) dst(%arg11 : memref<16x128xf32, #tpu.memory_space<vmem>>)
      %run_scoped3A_380 = arith.constant 5 : i32
      "tpu.region"() ({
        %run_scoped3A_411 = tpu.sem_alloc : memref<!tpu.dma_semaphore, #tpu.memory_space<semaphore_mem>>
        %dma_start3A_412 = arith.constant 0 : i32
        %dma_start3A_413 = tpu.memref_slice %arg9[%run_scoped3A_380, %dma_start3A_412] : memref<8x16xi32, #tpu.memory_space<vmem>> -> memref<1x16xi32, #tpu.memory_space<vmem>>
        %dma_start3A_414 = tpu.memref_squeeze %dma_start3A_413 : memref<1x16xi32, #tpu.memory_space<vmem>> -> memref<16xi32, #tpu.memory_space<vmem>>
        %dma_start3A_415 = arith.constant 0 : i32
        %dma_start3A_416 = arith.constant 0 : i32
        %dma_start3A_417 = tpu.memref_slice %arg13[%dma_start3A_415, %dma_start3A_416] : memref<5120x128xf32, #tpu.memory_space<vmem_shared>> -> memref<5120x128xf32, #tpu.memory_space<vmem_shared>>
        tpu.enqueue_indirect_dma source(%arg11 : memref<16x128xf32, #tpu.memory_space<vmem>>) target(%dma_start3A_417 : memref<5120x128xf32, #tpu.memory_space<vmem_shared>>) offsets(%dma_start3A_414 : memref<16xi32, #tpu.memory_space<vmem>>) semaphore(%run_scoped3A_411 : memref<!tpu.dma_semaphore, #tpu.memory_space<semaphore_mem>>) {add = true}
        %dma_wait3A_418 = arith.constant 0 : i32
        %dma_wait3A_419 = tpu.memref_slice %arg9[%run_scoped3A_380, %dma_wait3A_418] : memref<8x16xi32, #tpu.memory_space<vmem>> -> memref<1x16xi32, #tpu.memory_space<vmem>>
        %dma_wait3A_420 = tpu.memref_squeeze %dma_wait3A_419 : memref<1x16xi32, #tpu.memory_space<vmem>> -> memref<16xi32, #tpu.memory_space<vmem>>
        %dma_wait3A_421 = arith.constant 0 : i32
        %dma_wait3A_422 = arith.constant 0 : i32
        %dma_wait3A_423 = tpu.memref_slice %arg13[%dma_wait3A_421, %dma_wait3A_422] : memref<5120x128xf32, #tpu.memory_space<vmem_shared>> -> memref<5120x128xf32, #tpu.memory_space<vmem_shared>>
        tpu.wait_indirect_dma semaphore(%run_scoped3A_411 : memref<!tpu.dma_semaphore, #tpu.memory_space<semaphore_mem>>) src(%arg11 : memref<16x128xf32, #tpu.memory_space<vmem>>) dst(%dma_wait3A_423 : memref<5120x128xf32, #tpu.memory_space<vmem_shared>>)
        tpu.yield
      }) : () -> ()
      %dma_start3A_381 = arith.constant 7 : i32
      %dma_start3A_382 = arith.constant 0 : i32
      %dma_start3A_383 = tpu.memref_slice %arg7[%dma_start3A_381, %dma_start3A_382] : memref<8x16xi32, #tpu.memory_space<vmem>> -> memref<1x16xi32, #tpu.memory_space<vmem>>
      %dma_start3A_384 = tpu.memref_squeeze %dma_start3A_383 : memref<1x16xi32, #tpu.memory_space<vmem>> -> memref<16xi32, #tpu.memory_space<vmem>>
      %dma_start3A_385 = arith.constant 0 : i32
      %dma_start3A_386 = arith.constant 0 : i32
      %dma_start3A_387 = tpu.memref_slice %arg12[%dma_start3A_385, %dma_start3A_386] : memref<10016x128xf32, #tpu.memory_space<vmem_shared>> -> memref<10016x128xf32, #tpu.memory_space<vmem_shared>>
      tpu.enqueue_indirect_dma source(%dma_start3A_387 : memref<10016x128xf32, #tpu.memory_space<vmem_shared>>) target(%arg11 : memref<16x128xf32, #tpu.memory_space<vmem>>) offsets(%dma_start3A_384 : memref<16xi32, #tpu.memory_space<vmem>>) semaphore(%arg15 : memref<!tpu.dma_semaphore, #tpu.memory_space<semaphore_mem>>)
      %dma_wait3A_388 = arith.constant 6 : i32
      %dma_wait3A_389 = arith.constant 0 : i32
      %dma_wait3A_390 = tpu.memref_slice %arg7[%dma_wait3A_388, %dma_wait3A_389] : memref<8x16xi32, #tpu.memory_space<vmem>> -> memref<1x16xi32, #tpu.memory_space<vmem>>
      %dma_wait3A_391 = tpu.memref_squeeze %dma_wait3A_390 : memref<1x16xi32, #tpu.memory_space<vmem>> -> memref<16xi32, #tpu.memory_space<vmem>>
      %dma_wait3A_392 = arith.constant 0 : i32
      %dma_wait3A_393 = arith.constant 0 : i32
      %dma_wait3A_394 = tpu.memref_slice %arg12[%dma_wait3A_392, %dma_wait3A_393] : memref<10016x128xf32, #tpu.memory_space<vmem_shared>> -> memref<10016x128xf32, #tpu.memory_space<vmem_shared>>
      tpu.wait_indirect_dma semaphore(%arg14 : memref<!tpu.dma_semaphore, #tpu.memory_space<semaphore_mem>>) src(%dma_wait3A_394 : memref<10016x128xf32, #tpu.memory_space<vmem_shared>>) dst(%arg10 : memref<16x128xf32, #tpu.memory_space<vmem>>)
      %run_scoped3A_395 = arith.constant 6 : i32
      "tpu.region"() ({
        %run_scoped3A_411 = tpu.sem_alloc : memref<!tpu.dma_semaphore, #tpu.memory_space<semaphore_mem>>
        %dma_start3A_412 = arith.constant 0 : i32
        %dma_start3A_413 = tpu.memref_slice %arg9[%run_scoped3A_395, %dma_start3A_412] : memref<8x16xi32, #tpu.memory_space<vmem>> -> memref<1x16xi32, #tpu.memory_space<vmem>>
        %dma_start3A_414 = tpu.memref_squeeze %dma_start3A_413 : memref<1x16xi32, #tpu.memory_space<vmem>> -> memref<16xi32, #tpu.memory_space<vmem>>
        %dma_start3A_415 = arith.constant 0 : i32
        %dma_start3A_416 = arith.constant 0 : i32
        %dma_start3A_417 = tpu.memref_slice %arg13[%dma_start3A_415, %dma_start3A_416] : memref<5120x128xf32, #tpu.memory_space<vmem_shared>> -> memref<5120x128xf32, #tpu.memory_space<vmem_shared>>
        tpu.enqueue_indirect_dma source(%arg10 : memref<16x128xf32, #tpu.memory_space<vmem>>) target(%dma_start3A_417 : memref<5120x128xf32, #tpu.memory_space<vmem_shared>>) offsets(%dma_start3A_414 : memref<16xi32, #tpu.memory_space<vmem>>) semaphore(%run_scoped3A_411 : memref<!tpu.dma_semaphore, #tpu.memory_space<semaphore_mem>>) {add = true}
        %dma_wait3A_418 = arith.constant 0 : i32
        %dma_wait3A_419 = tpu.memref_slice %arg9[%run_scoped3A_395, %dma_wait3A_418] : memref<8x16xi32, #tpu.memory_space<vmem>> -> memref<1x16xi32, #tpu.memory_space<vmem>>
        %dma_wait3A_420 = tpu.memref_squeeze %dma_wait3A_419 : memref<1x16xi32, #tpu.memory_space<vmem>> -> memref<16xi32, #tpu.memory_space<vmem>>
        %dma_wait3A_421 = arith.constant 0 : i32
        %dma_wait3A_422 = arith.constant 0 : i32
        %dma_wait3A_423 = tpu.memref_slice %arg13[%dma_wait3A_421, %dma_wait3A_422] : memref<5120x128xf32, #tpu.memory_space<vmem_shared>> -> memref<5120x128xf32, #tpu.memory_space<vmem_shared>>
        tpu.wait_indirect_dma semaphore(%run_scoped3A_411 : memref<!tpu.dma_semaphore, #tpu.memory_space<semaphore_mem>>) src(%arg10 : memref<16x128xf32, #tpu.memory_space<vmem>>) dst(%dma_wait3A_423 : memref<5120x128xf32, #tpu.memory_space<vmem_shared>>)
        tpu.yield
      }) : () -> ()
      %dma_wait3A_396 = arith.constant 7 : i32
      %dma_wait3A_397 = arith.constant 0 : i32
      %dma_wait3A_398 = tpu.memref_slice %arg7[%dma_wait3A_396, %dma_wait3A_397] : memref<8x16xi32, #tpu.memory_space<vmem>> -> memref<1x16xi32, #tpu.memory_space<vmem>>
      %dma_wait3A_399 = tpu.memref_squeeze %dma_wait3A_398 : memref<1x16xi32, #tpu.memory_space<vmem>> -> memref<16xi32, #tpu.memory_space<vmem>>
      %dma_wait3A_400 = arith.constant 0 : i32
      %dma_wait3A_401 = arith.constant 0 : i32
      %dma_wait3A_402 = tpu.memref_slice %arg12[%dma_wait3A_400, %dma_wait3A_401] : memref<10016x128xf32, #tpu.memory_space<vmem_shared>> -> memref<10016x128xf32, #tpu.memory_space<vmem_shared>>
      tpu.wait_indirect_dma semaphore(%arg15 : memref<!tpu.dma_semaphore, #tpu.memory_space<semaphore_mem>>) src(%dma_wait3A_402 : memref<10016x128xf32, #tpu.memory_space<vmem_shared>>) dst(%arg11 : memref<16x128xf32, #tpu.memory_space<vmem>>)
      %run_scoped3A_403 = arith.constant 7 : i32
      "tpu.region"() ({
        %run_scoped3A_411 = tpu.sem_alloc : memref<!tpu.dma_semaphore, #tpu.memory_space<semaphore_mem>>
        %dma_start3A_412 = arith.constant 0 : i32
        %dma_start3A_413 = tpu.memref_slice %arg9[%run_scoped3A_403, %dma_start3A_412] : memref<8x16xi32, #tpu.memory_space<vmem>> -> memref<1x16xi32, #tpu.memory_space<vmem>>
        %dma_start3A_414 = tpu.memref_squeeze %dma_start3A_413 : memref<1x16xi32, #tpu.memory_space<vmem>> -> memref<16xi32, #tpu.memory_space<vmem>>
        %dma_start3A_415 = arith.constant 0 : i32
        %dma_start3A_416 = arith.constant 0 : i32
        %dma_start3A_417 = tpu.memref_slice %arg13[%dma_start3A_415, %dma_start3A_416] : memref<5120x128xf32, #tpu.memory_space<vmem_shared>> -> memref<5120x128xf32, #tpu.memory_space<vmem_shared>>
        tpu.enqueue_indirect_dma source(%arg11 : memref<16x128xf32, #tpu.memory_space<vmem>>) target(%dma_start3A_417 : memref<5120x128xf32, #tpu.memory_space<vmem_shared>>) offsets(%dma_start3A_414 : memref<16xi32, #tpu.memory_space<vmem>>) semaphore(%run_scoped3A_411 : memref<!tpu.dma_semaphore, #tpu.memory_space<semaphore_mem>>) {add = true}
        %dma_wait3A_418 = arith.constant 0 : i32
        %dma_wait3A_419 = tpu.memref_slice %arg9[%run_scoped3A_403, %dma_wait3A_418] : memref<8x16xi32, #tpu.memory_space<vmem>> -> memref<1x16xi32, #tpu.memory_space<vmem>>
        %dma_wait3A_420 = tpu.memref_squeeze %dma_wait3A_419 : memref<1x16xi32, #tpu.memory_space<vmem>> -> memref<16xi32, #tpu.memory_space<vmem>>
        %dma_wait3A_421 = arith.constant 0 : i32
        %dma_wait3A_422 = arith.constant 0 : i32
        %dma_wait3A_423 = tpu.memref_slice %arg13[%dma_wait3A_421, %dma_wait3A_422] : memref<5120x128xf32, #tpu.memory_space<vmem_shared>> -> memref<5120x128xf32, #tpu.memory_space<vmem_shared>>
        tpu.wait_indirect_dma semaphore(%run_scoped3A_411 : memref<!tpu.dma_semaphore, #tpu.memory_space<semaphore_mem>>) src(%arg11 : memref<16x128xf32, #tpu.memory_space<vmem>>) dst(%dma_wait3A_423 : memref<5120x128xf32, #tpu.memory_space<vmem_shared>>)
        tpu.yield
      }) : () -> ()
      %add3A_404 = arith.constant 1 : i32
      %add3A_405 = arith.addi %add3A_276, %add3A_404 : i32
      %lt3A_406 = arith.constant 168 : i32
      %lt3A_407 = arith.cmpi slt, %add3A_405, %lt3A_406 : i32
      %convert_element_type3A_408 = arith.extui %lt3A_407 : i1 to i32
      %cond3A_409 = arith.constant 0 : i32
      %cond3A_410 = arith.cmpi ne, %convert_element_type3A_408, %cond3A_409 : i32
      scf.if %cond3A_410 {
        %dma_wait3A_411 = arith.constant 0 : i32
        %dma_wait3A_412 = arith.constant 0 : i32
        %dma_wait3A_413 = tpu.memref_slice %arg3[%arg1, %dma_wait3A_411, %dma_wait3A_412] : memref<16x1344x16xi32, #tpu.memory_space<hbm>> -> memref<1x8x16xi32, #tpu.memory_space<hbm>>
        %dma_wait3A_414 = tpu.memref_squeeze %dma_wait3A_413 : memref<1x8x16xi32, #tpu.memory_space<hbm>> -> memref<8x16xi32, #tpu.memory_space<hbm>>
        %dma_wait3A_415 = arith.constant 0 : i32
        %dma_wait3A_416 = arith.constant 0 : i32
        %dma_wait3A_417 = tpu.memref_slice %arg3[%arg1, %dma_wait3A_415, %dma_wait3A_416] : memref<16x1344x16xi32, #tpu.memory_space<hbm>> -> memref<1x8x16xi32, #tpu.memory_space<hbm>>
        %dma_wait3A_418 = tpu.memref_squeeze %dma_wait3A_417 : memref<1x8x16xi32, #tpu.memory_space<hbm>> -> memref<8x16xi32, #tpu.memory_space<hbm>>
        tpu.wait_dma2 semaphore(%arg16 : memref<!tpu.dma_semaphore, #tpu.memory_space<semaphore_mem>>) src(%dma_wait3A_418 : memref<8x16xi32, #tpu.memory_space<hbm>>) dst(%arg6 : memref<8x16xi32, #tpu.memory_space<vmem>>)
        %dma_wait3A_419 = arith.constant 0 : i32
        %dma_wait3A_420 = arith.constant 0 : i32
        %dma_wait3A_421 = arith.constant 0 : i32
        %dma_wait3A_422 = tpu.memref_slice %arg4[%dma_wait3A_419, %arg1, %dma_wait3A_420, %dma_wait3A_421] : memref<2x16x1344x16xi32, #tpu.memory_space<hbm>> -> memref<1x1x8x16xi32, #tpu.memory_space<hbm>>
        %dma_wait3A_423 = tpu.memref_squeeze %dma_wait3A_422 : memref<1x1x8x16xi32, #tpu.memory_space<hbm>> -> memref<8x16xi32, #tpu.memory_space<hbm>>
        %dma_wait3A_424 = arith.constant 0 : i32
        %dma_wait3A_425 = arith.constant 0 : i32
        %dma_wait3A_426 = tpu.memref_slice %arg4[%dma_wait3A_419, %arg1, %dma_wait3A_424, %dma_wait3A_425] : memref<2x16x1344x16xi32, #tpu.memory_space<hbm>> -> memref<1x1x8x16xi32, #tpu.memory_space<hbm>>
        %dma_wait3A_427 = tpu.memref_squeeze %dma_wait3A_426 : memref<1x1x8x16xi32, #tpu.memory_space<hbm>> -> memref<8x16xi32, #tpu.memory_space<hbm>>
        tpu.wait_dma2 semaphore(%arg17 : memref<!tpu.dma_semaphore, #tpu.memory_space<semaphore_mem>>) src(%dma_wait3A_427 : memref<8x16xi32, #tpu.memory_space<hbm>>) dst(%arg8 : memref<8x16xi32, #tpu.memory_space<vmem>>)
      } else {
      }
    }
    %scan3A_59 = arith.constant 84 : i32
    %barrier3A_60 = arith.constant 0 : index
    tpu.barrier barrier_id(%barrier3A_60)
    %mul3A_61 = arith.constant 320 : i32
    %mul3A_62 = arith.muli %arg1, %mul3A_61 : i32
    %mul3A_63 = arith.constant 2 : i32
    %mul3A_64 = arith.muli %arg0, %mul3A_63 : i32
    %mul3A_65 = arith.constant 5120 : i32
    %mul3A_66 = arith.muli %mul3A_64, %mul3A_65 : i32
    %add3A_67 = arith.constant 0 : i32
    %add3A_68 = arith.addi %mul3A_66, %add3A_67 : i32
    %mul3A_69 = arith.constant 320 : i32
    %mul3A_70 = arith.muli %arg1, %mul3A_69 : i32
    %add3A_71 = arith.addi %add3A_68, %mul3A_70 : i32
    "tpu.region"() ({
      %run_scoped3A_138 = tpu.sem_alloc : memref<!tpu.dma_semaphore, #tpu.memory_space<semaphore_mem>>
      %dma_start3A = arith.constant 0 : i32
      %dma_start3A_139 = tpu.memref_slice %arg5[%add3A_71, %dma_start3A] : memref<20480x128xf32, #tpu.memory_space<hbm>> -> memref<320x128xf32, #tpu.memory_space<hbm>>
      %dma_start3A_140 = arith.constant 0 : i32
      %dma_start3A_141 = tpu.memref_slice %arg13[%mul3A_62, %dma_start3A_140] : memref<5120x128xf32, #tpu.memory_space<vmem_shared>> -> memref<320x128xf32, #tpu.memory_space<vmem_shared>>
      tpu.enqueue_dma source(%dma_start3A_141 : memref<320x128xf32, #tpu.memory_space<vmem_shared>>) target(%dma_start3A_139 : memref<320x128xf32, #tpu.memory_space<hbm>>) target_semaphore(%run_scoped3A_138 : memref<!tpu.dma_semaphore, #tpu.memory_space<semaphore_mem>>)
      %dma_wait3A = arith.constant 0 : i32
      %dma_wait3A_142 = tpu.memref_slice %arg5[%add3A_71, %dma_wait3A] : memref<20480x128xf32, #tpu.memory_space<hbm>> -> memref<320x128xf32, #tpu.memory_space<hbm>>
      %dma_wait3A_143 = arith.constant 0 : i32
      %dma_wait3A_144 = tpu.memref_slice %arg13[%mul3A_62, %dma_wait3A_143] : memref<5120x128xf32, #tpu.memory_space<vmem_shared>> -> memref<320x128xf32, #tpu.memory_space<vmem_shared>>
      tpu.wait_dma2 semaphore(%run_scoped3A_138 : memref<!tpu.dma_semaphore, #tpu.memory_space<semaphore_mem>>) src(%dma_wait3A_144 : memref<320x128xf32, #tpu.memory_space<vmem_shared>>) dst(%dma_wait3A_142 : memref<320x128xf32, #tpu.memory_space<hbm>>)
      tpu.yield
    }) : () -> ()
    %scan3A_72 = arith.constant 0 : i32
    %scan3A_73 = arith.constant 0 : i32
    %scan3A_74 = arith.constant 16 : i32
    %scan3A_75 = arith.addi %scan3A_73, %scan3A_74 : i32
    %scan3A_76 = arith.constant 1 : i32
    scf.for %scan3A_138 = %scan3A_73 to %scan3A_75 step %scan3A_76  : i32 {
      %broadcast_in_dim3A = arith.constant 0.000000e+00 : f32
      %broadcast_in_dim3A_139 = vector.broadcast %broadcast_in_dim3A : f32 to vector<16xf32>
      %swap3A = arith.index_cast %scan3A_138 : i32 to index
      %swap3A_140 = arith.constant 0 : index
      %swap3A_141 = tpu.vector_load %arg10[%swap3A, %swap3A_140] {strides = array<i32>} : memref<16x128xf32, #tpu.memory_space<vmem>>, vector<1x16xf32>,
      %swap3A_142 = vector.shape_cast %swap3A_141 : vector<1x16xf32> to vector<16xf32>
      %swap3A_143 = vector.shape_cast %broadcast_in_dim3A_139 : vector<16xf32> to vector<1x16xf32>
      tpu.vector_store %arg10[%swap3A, %swap3A_140], %swap3A_143 {strides = array<i32>} : memref<16x128xf32, #tpu.memory_space<vmem>>, vector<1x16xf32>,
      %broadcast_in_dim3A_144 = arith.constant 0.000000e+00 : f32
      %broadcast_in_dim3A_145 = vector.broadcast %broadcast_in_dim3A_144 : f32 to vector<16xf32>
      %swap3A_146 = arith.index_cast %scan3A_138 : i32 to index
      %swap3A_147 = arith.constant 16 : index
      %swap3A_148 = tpu.vector_load %arg10[%swap3A_146, %swap3A_147] {strides = array<i32>} : memref<16x128xf32, #tpu.memory_space<vmem>>, vector<1x16xf32>,
      %swap3A_149 = vector.shape_cast %swap3A_148 : vector<1x16xf32> to vector<16xf32>
      %swap3A_150 = vector.shape_cast %broadcast_in_dim3A_145 : vector<16xf32> to vector<1x16xf32>
      tpu.vector_store %arg10[%swap3A_146, %swap3A_147], %swap3A_150 {strides = array<i32>} : memref<16x128xf32, #tpu.memory_space<vmem>>, vector<1x16xf32>,
      %broadcast_in_dim3A_151 = arith.constant 0.000000e+00 : f32
      %broadcast_in_dim3A_152 = vector.broadcast %broadcast_in_dim3A_151 : f32 to vector<16xf32>
      %swap3A_153 = arith.index_cast %scan3A_138 : i32 to index
      %swap3A_154 = arith.constant 32 : index
      %swap3A_155 = tpu.vector_load %arg10[%swap3A_153, %swap3A_154] {strides = array<i32>} : memref<16x128xf32, #tpu.memory_space<vmem>>, vector<1x16xf32>,
      %swap3A_156 = vector.shape_cast %swap3A_155 : vector<1x16xf32> to vector<16xf32>
      %swap3A_157 = vector.shape_cast %broadcast_in_dim3A_152 : vector<16xf32> to vector<1x16xf32>
      tpu.vector_store %arg10[%swap3A_153, %swap3A_154], %swap3A_157 {strides = array<i32>} : memref<16x128xf32, #tpu.memory_space<vmem>>, vector<1x16xf32>,
      %broadcast_in_dim3A_158 = arith.constant 0.000000e+00 : f32
      %broadcast_in_dim3A_159 = vector.broadcast %broadcast_in_dim3A_158 : f32 to vector<16xf32>
      %swap3A_160 = arith.index_cast %scan3A_138 : i32 to index
      %swap3A_161 = arith.constant 48 : index
      %swap3A_162 = tpu.vector_load %arg10[%swap3A_160, %swap3A_161] {strides = array<i32>} : memref<16x128xf32, #tpu.memory_space<vmem>>, vector<1x16xf32>,
      %swap3A_163 = vector.shape_cast %swap3A_162 : vector<1x16xf32> to vector<16xf32>
      %swap3A_164 = vector.shape_cast %broadcast_in_dim3A_159 : vector<16xf32> to vector<1x16xf32>
      tpu.vector_store %arg10[%swap3A_160, %swap3A_161], %swap3A_164 {strides = array<i32>} : memref<16x128xf32, #tpu.memory_space<vmem>>, vector<1x16xf32>,
      %broadcast_in_dim3A_165 = arith.constant 0.000000e+00 : f32
      %broadcast_in_dim3A_166 = vector.broadcast %broadcast_in_dim3A_165 : f32 to vector<16xf32>
      %swap3A_167 = arith.index_cast %scan3A_138 : i32 to index
      %swap3A_168 = arith.constant 64 : index
      %swap3A_169 = tpu.vector_load %arg10[%swap3A_167, %swap3A_168] {strides = array<i32>} : memref<16x128xf32, #tpu.memory_space<vmem>>, vector<1x16xf32>,
      %swap3A_170 = vector.shape_cast %swap3A_169 : vector<1x16xf32> to vector<16xf32>
      %swap3A_171 = vector.shape_cast %broadcast_in_dim3A_166 : vector<16xf32> to vector<1x16xf32>
      tpu.vector_store %arg10[%swap3A_167, %swap3A_168], %swap3A_171 {strides = array<i32>} : memref<16x128xf32, #tpu.memory_space<vmem>>, vector<1x16xf32>,
      %broadcast_in_dim3A_172 = arith.constant 0.000000e+00 : f32
      %broadcast_in_dim3A_173 = vector.broadcast %broadcast_in_dim3A_172 : f32 to vector<16xf32>
      %swap3A_174 = arith.index_cast %scan3A_138 : i32 to index
      %swap3A_175 = arith.constant 80 : index
      %swap3A_176 = tpu.vector_load %arg10[%swap3A_174, %swap3A_175] {strides = array<i32>} : memref<16x128xf32, #tpu.memory_space<vmem>>, vector<1x16xf32>,
      %swap3A_177 = vector.shape_cast %swap3A_176 : vector<1x16xf32> to vector<16xf32>
      %swap3A_178 = vector.shape_cast %broadcast_in_dim3A_173 : vector<16xf32> to vector<1x16xf32>
      tpu.vector_store %arg10[%swap3A_174, %swap3A_175], %swap3A_178 {strides = array<i32>} : memref<16x128xf32, #tpu.memory_space<vmem>>, vector<1x16xf32>,
      %broadcast_in_dim3A_179 = arith.constant 0.000000e+00 : f32
      %broadcast_in_dim3A_180 = vector.broadcast %broadcast_in_dim3A_179 : f32 to vector<16xf32>
      %swap3A_181 = arith.index_cast %scan3A_138 : i32 to index
      %swap3A_182 = arith.constant 96 : index
      %swap3A_183 = tpu.vector_load %arg10[%swap3A_181, %swap3A_182] {strides = array<i32>} : memref<16x128xf32, #tpu.memory_space<vmem>>, vector<1x16xf32>,
      %swap3A_184 = vector.shape_cast %swap3A_183 : vector<1x16xf32> to vector<16xf32>
      %swap3A_185 = vector.shape_cast %broadcast_in_dim3A_180 : vector<16xf32> to vector<1x16xf32>
      tpu.vector_store %arg10[%swap3A_181, %swap3A_182], %swap3A_185 {strides = array<i32>} : memref<16x128xf32, #tpu.memory_space<vmem>>, vector<1x16xf32>,
      %broadcast_in_dim3A_186 = arith.constant 0.000000e+00 : f32
      %broadcast_in_dim3A_187 = vector.broadcast %broadcast_in_dim3A_186 : f32 to vector<16xf32>
      %swap3A_188 = arith.index_cast %scan3A_138 : i32 to index
      %swap3A_189 = arith.constant 112 : index
      %swap3A_190 = tpu.vector_load %arg10[%swap3A_188, %swap3A_189] {strides = array<i32>} : memref<16x128xf32, #tpu.memory_space<vmem>>, vector<1x16xf32>,
      %swap3A_191 = vector.shape_cast %swap3A_190 : vector<1x16xf32> to vector<16xf32>
      %swap3A_192 = vector.shape_cast %broadcast_in_dim3A_187 : vector<16xf32> to vector<1x16xf32>
      tpu.vector_store %arg10[%swap3A_188, %swap3A_189], %swap3A_192 {strides = array<i32>} : memref<16x128xf32, #tpu.memory_space<vmem>>, vector<1x16xf32>,
    }
    %scan3A_77 = arith.constant 16 : i32
    %add3A_78 = arith.constant 0 : i32
    %add3A_79 = arith.addi %mul3A_13, %add3A_78 : i32
    "tpu.region"() ({
      %run_scoped3A_138 = tpu.sem_alloc : memref<!tpu.dma_semaphore, #tpu.memory_space<semaphore_mem>>
      %dma_start3A = arith.constant 0 : i32
      %dma_start3A_139 = tpu.memref_slice %arg13[%add3A_79, %dma_start3A] : memref<5120x128xf32, #tpu.memory_space<vmem_shared>> -> memref<16x128xf32, #tpu.memory_space<vmem_shared>>
      %dma_start3A_140 = arith.constant 0 : i32
      %dma_start3A_141 = tpu.memref_slice %arg13[%add3A_79, %dma_start3A_140] : memref<5120x128xf32, #tpu.memory_space<vmem_shared>> -> memref<16x128xf32, #tpu.memory_space<vmem_shared>>
      tpu.enqueue_dma source(%arg10 : memref<16x128xf32, #tpu.memory_space<vmem>>) target(%dma_start3A_141 : memref<16x128xf32, #tpu.memory_space<vmem_shared>>) target_semaphore(%run_scoped3A_138 : memref<!tpu.dma_semaphore, #tpu.memory_space<semaphore_mem>>)
      %dma_wait3A = arith.constant 0 : i32
      %dma_wait3A_142 = tpu.memref_slice %arg13[%add3A_79, %dma_wait3A] : memref<5120x128xf32, #tpu.memory_space<vmem_shared>> -> memref<16x128xf32, #tpu.memory_space<vmem_shared>>
      %dma_wait3A_143 = arith.constant 0 : i32
      %dma_wait3A_144 = tpu.memref_slice %arg13[%add3A_79, %dma_wait3A_143] : memref<5120x128xf32, #tpu.memory_space<vmem_shared>> -> memref<16x128xf32, #tpu.memory_space<vmem_shared>>
      tpu.wait_dma2 semaphore(%run_scoped3A_138 : memref<!tpu.dma_semaphore, #tpu.memory_space<semaphore_mem>>) src(%arg10 : memref<16x128xf32, #tpu.memory_space<vmem>>) dst(%dma_wait3A_144 : memref<16x128xf32, #tpu.memory_space<vmem_shared>>)
      tpu.yield
    }) : () -> ()
    %add3A_80 = arith.constant 16 : i32
    %add3A_81 = arith.addi %mul3A_13, %add3A_80 : i32
    "tpu.region"() ({
      %run_scoped3A_138 = tpu.sem_alloc : memref<!tpu.dma_semaphore, #tpu.memory_space<semaphore_mem>>
      %dma_start3A = arith.constant 0 : i32
      %dma_start3A_139 = tpu.memref_slice %arg13[%add3A_81, %dma_start3A] : memref<5120x128xf32, #tpu.memory_space<vmem_shared>> -> memref<16x128xf32, #tpu.memory_space<vmem_shared>>
      %dma_start3A_140 = arith.constant 0 : i32
      %dma_start3A_141 = tpu.memref_slice %arg13[%add3A_81, %dma_start3A_140] : memref<5120x128xf32, #tpu.memory_space<vmem_shared>> -> memref<16x128xf32, #tpu.memory_space<vmem_shared>>
      tpu.enqueue_dma source(%arg10 : memref<16x128xf32, #tpu.memory_space<vmem>>) target(%dma_start3A_141 : memref<16x128xf32, #tpu.memory_space<vmem_shared>>) target_semaphore(%run_scoped3A_138 : memref<!tpu.dma_semaphore, #tpu.memory_space<semaphore_mem>>)
      %dma_wait3A = arith.constant 0 : i32
      %dma_wait3A_142 = tpu.memref_slice %arg13[%add3A_81, %dma_wait3A] : memref<5120x128xf32, #tpu.memory_space<vmem_shared>> -> memref<16x128xf32, #tpu.memory_space<vmem_shared>>
      %dma_wait3A_143 = arith.constant 0 : i32
      %dma_wait3A_144 = tpu.memref_slice %arg13[%add3A_81, %dma_wait3A_143] : memref<5120x128xf32, #tpu.memory_space<vmem_shared>> -> memref<16x128xf32, #tpu.memory_space<vmem_shared>>
      tpu.wait_dma2 semaphore(%run_scoped3A_138 : memref<!tpu.dma_semaphore, #tpu.memory_space<semaphore_mem>>) src(%arg10 : memref<16x128xf32, #tpu.memory_space<vmem>>) dst(%dma_wait3A_144 : memref<16x128xf32, #tpu.memory_space<vmem_shared>>)
      tpu.yield
    }) : () -> ()
    %add3A_82 = arith.constant 32 : i32
    %add3A_83 = arith.addi %mul3A_13, %add3A_82 : i32
    "tpu.region"() ({
      %run_scoped3A_138 = tpu.sem_alloc : memref<!tpu.dma_semaphore, #tpu.memory_space<semaphore_mem>>
      %dma_start3A = arith.constant 0 : i32
      %dma_start3A_139 = tpu.memref_slice %arg13[%add3A_83, %dma_start3A] : memref<5120x128xf32, #tpu.memory_space<vmem_shared>> -> memref<16x128xf32, #tpu.memory_space<vmem_shared>>
      %dma_start3A_140 = arith.constant 0 : i32
      %dma_start3A_141 = tpu.memref_slice %arg13[%add3A_83, %dma_start3A_140] : memref<5120x128xf32, #tpu.memory_space<vmem_shared>> -> memref<16x128xf32, #tpu.memory_space<vmem_shared>>
      tpu.enqueue_dma source(%arg10 : memref<16x128xf32, #tpu.memory_space<vmem>>) target(%dma_start3A_141 : memref<16x128xf32, #tpu.memory_space<vmem_shared>>) target_semaphore(%run_scoped3A_138 : memref<!tpu.dma_semaphore, #tpu.memory_space<semaphore_mem>>)
      %dma_wait3A = arith.constant 0 : i32
      %dma_wait3A_142 = tpu.memref_slice %arg13[%add3A_83, %dma_wait3A] : memref<5120x128xf32, #tpu.memory_space<vmem_shared>> -> memref<16x128xf32, #tpu.memory_space<vmem_shared>>
      %dma_wait3A_143 = arith.constant 0 : i32
      %dma_wait3A_144 = tpu.memref_slice %arg13[%add3A_83, %dma_wait3A_143] : memref<5120x128xf32, #tpu.memory_space<vmem_shared>> -> memref<16x128xf32, #tpu.memory_space<vmem_shared>>
      tpu.wait_dma2 semaphore(%run_scoped3A_138 : memref<!tpu.dma_semaphore, #tpu.memory_space<semaphore_mem>>) src(%arg10 : memref<16x128xf32, #tpu.memory_space<vmem>>) dst(%dma_wait3A_144 : memref<16x128xf32, #tpu.memory_space<vmem_shared>>)
      tpu.yield
    }) : () -> ()
    %add3A_84 = arith.constant 48 : i32
    %add3A_85 = arith.addi %mul3A_13, %add3A_84 : i32
    "tpu.region"() ({
      %run_scoped3A_138 = tpu.sem_alloc : memref<!tpu.dma_semaphore, #tpu.memory_space<semaphore_mem>>
      %dma_start3A = arith.constant 0 : i32
      %dma_start3A_139 = tpu.memref_slice %arg13[%add3A_85, %dma_start3A] : memref<5120x128xf32, #tpu.memory_space<vmem_shared>> -> memref<16x128xf32, #tpu.memory_space<vmem_shared>>
      %dma_start3A_140 = arith.constant 0 : i32
      %dma_start3A_141 = tpu.memref_slice %arg13[%add3A_85, %dma_start3A_140] : memref<5120x128xf32, #tpu.memory_space<vmem_shared>> -> memref<16x128xf32, #tpu.memory_space<vmem_shared>>
      tpu.enqueue_dma source(%arg10 : memref<16x128xf32, #tpu.memory_space<vmem>>) target(%dma_start3A_141 : memref<16x128xf32, #tpu.memory_space<vmem_shared>>) target_semaphore(%run_scoped3A_138 : memref<!tpu.dma_semaphore, #tpu.memory_space<semaphore_mem>>)
      %dma_wait3A = arith.constant 0 : i32
      %dma_wait3A_142 = tpu.memref_slice %arg13[%add3A_85, %dma_wait3A] : memref<5120x128xf32, #tpu.memory_space<vmem_shared>> -> memref<16x128xf32, #tpu.memory_space<vmem_shared>>
      %dma_wait3A_143 = arith.constant 0 : i32
      %dma_wait3A_144 = tpu.memref_slice %arg13[%add3A_85, %dma_wait3A_143] : memref<5120x128xf32, #tpu.memory_space<vmem_shared>> -> memref<16x128xf32, #tpu.memory_space<vmem_shared>>
      tpu.wait_dma2 semaphore(%run_scoped3A_138 : memref<!tpu.dma_semaphore, #tpu.memory_space<semaphore_mem>>) src(%arg10 : memref<16x128xf32, #tpu.memory_space<vmem>>) dst(%dma_wait3A_144 : memref<16x128xf32, #tpu.memory_space<vmem_shared>>)
      tpu.yield
    }) : () -> ()
    %add3A_86 = arith.constant 64 : i32
    %add3A_87 = arith.addi %mul3A_13, %add3A_86 : i32
    "tpu.region"() ({
      %run_scoped3A_138 = tpu.sem_alloc : memref<!tpu.dma_semaphore, #tpu.memory_space<semaphore_mem>>
      %dma_start3A = arith.constant 0 : i32
      %dma_start3A_139 = tpu.memref_slice %arg13[%add3A_87, %dma_start3A] : memref<5120x128xf32, #tpu.memory_space<vmem_shared>> -> memref<16x128xf32, #tpu.memory_space<vmem_shared>>
      %dma_start3A_140 = arith.constant 0 : i32
      %dma_start3A_141 = tpu.memref_slice %arg13[%add3A_87, %dma_start3A_140] : memref<5120x128xf32, #tpu.memory_space<vmem_shared>> -> memref<16x128xf32, #tpu.memory_space<vmem_shared>>
      tpu.enqueue_dma source(%arg10 : memref<16x128xf32, #tpu.memory_space<vmem>>) target(%dma_start3A_141 : memref<16x128xf32, #tpu.memory_space<vmem_shared>>) target_semaphore(%run_scoped3A_138 : memref<!tpu.dma_semaphore, #tpu.memory_space<semaphore_mem>>)
      %dma_wait3A = arith.constant 0 : i32
      %dma_wait3A_142 = tpu.memref_slice %arg13[%add3A_87, %dma_wait3A] : memref<5120x128xf32, #tpu.memory_space<vmem_shared>> -> memref<16x128xf32, #tpu.memory_space<vmem_shared>>
      %dma_wait3A_143 = arith.constant 0 : i32
      %dma_wait3A_144 = tpu.memref_slice %arg13[%add3A_87, %dma_wait3A_143] : memref<5120x128xf32, #tpu.memory_space<vmem_shared>> -> memref<16x128xf32, #tpu.memory_space<vmem_shared>>
      tpu.wait_dma2 semaphore(%run_scoped3A_138 : memref<!tpu.dma_semaphore, #tpu.memory_space<semaphore_mem>>) src(%arg10 : memref<16x128xf32, #tpu.memory_space<vmem>>) dst(%dma_wait3A_144 : memref<16x128xf32, #tpu.memory_space<vmem_shared>>)
      tpu.yield
    }) : () -> ()
    %add3A_88 = arith.constant 80 : i32
    %add3A_89 = arith.addi %mul3A_13, %add3A_88 : i32
    "tpu.region"() ({
      %run_scoped3A_138 = tpu.sem_alloc : memref<!tpu.dma_semaphore, #tpu.memory_space<semaphore_mem>>
      %dma_start3A = arith.constant 0 : i32
      %dma_start3A_139 = tpu.memref_slice %arg13[%add3A_89, %dma_start3A] : memref<5120x128xf32, #tpu.memory_space<vmem_shared>> -> memref<16x128xf32, #tpu.memory_space<vmem_shared>>
      %dma_start3A_140 = arith.constant 0 : i32
      %dma_start3A_141 = tpu.memref_slice %arg13[%add3A_89, %dma_start3A_140] : memref<5120x128xf32, #tpu.memory_space<vmem_shared>> -> memref<16x128xf32, #tpu.memory_space<vmem_shared>>
      tpu.enqueue_dma source(%arg10 : memref<16x128xf32, #tpu.memory_space<vmem>>) target(%dma_start3A_141 : memref<16x128xf32, #tpu.memory_space<vmem_shared>>) target_semaphore(%run_scoped3A_138 : memref<!tpu.dma_semaphore, #tpu.memory_space<semaphore_mem>>)
      %dma_wait3A = arith.constant 0 : i32
      %dma_wait3A_142 = tpu.memref_slice %arg13[%add3A_89, %dma_wait3A] : memref<5120x128xf32, #tpu.memory_space<vmem_shared>> -> memref<16x128xf32, #tpu.memory_space<vmem_shared>>
      %dma_wait3A_143 = arith.constant 0 : i32
      %dma_wait3A_144 = tpu.memref_slice %arg13[%add3A_89, %dma_wait3A_143] : memref<5120x128xf32, #tpu.memory_space<vmem_shared>> -> memref<16x128xf32, #tpu.memory_space<vmem_shared>>
      tpu.wait_dma2 semaphore(%run_scoped3A_138 : memref<!tpu.dma_semaphore, #tpu.memory_space<semaphore_mem>>) src(%arg10 : memref<16x128xf32, #tpu.memory_space<vmem>>) dst(%dma_wait3A_144 : memref<16x128xf32, #tpu.memory_space<vmem_shared>>)
      tpu.yield
    }) : () -> ()
    %add3A_90 = arith.constant 96 : i32
    %add3A_91 = arith.addi %mul3A_13, %add3A_90 : i32
    "tpu.region"() ({
      %run_scoped3A_138 = tpu.sem_alloc : memref<!tpu.dma_semaphore, #tpu.memory_space<semaphore_mem>>
      %dma_start3A = arith.constant 0 : i32
      %dma_start3A_139 = tpu.memref_slice %arg13[%add3A_91, %dma_start3A] : memref<5120x128xf32, #tpu.memory_space<vmem_shared>> -> memref<16x128xf32, #tpu.memory_space<vmem_shared>>
      %dma_start3A_140 = arith.constant 0 : i32
      %dma_start3A_141 = tpu.memref_slice %arg13[%add3A_91, %dma_start3A_140] : memref<5120x128xf32, #tpu.memory_space<vmem_shared>> -> memref<16x128xf32, #tpu.memory_space<vmem_shared>>
      tpu.enqueue_dma source(%arg10 : memref<16x128xf32, #tpu.memory_space<vmem>>) target(%dma_start3A_141 : memref<16x128xf32, #tpu.memory_space<vmem_shared>>) target_semaphore(%run_scoped3A_138 : memref<!tpu.dma_semaphore, #tpu.memory_space<semaphore_mem>>)
      %dma_wait3A = arith.constant 0 : i32
      %dma_wait3A_142 = tpu.memref_slice %arg13[%add3A_91, %dma_wait3A] : memref<5120x128xf32, #tpu.memory_space<vmem_shared>> -> memref<16x128xf32, #tpu.memory_space<vmem_shared>>
      %dma_wait3A_143 = arith.constant 0 : i32
      %dma_wait3A_144 = tpu.memref_slice %arg13[%add3A_91, %dma_wait3A_143] : memref<5120x128xf32, #tpu.memory_space<vmem_shared>> -> memref<16x128xf32, #tpu.memory_space<vmem_shared>>
      tpu.wait_dma2 semaphore(%run_scoped3A_138 : memref<!tpu.dma_semaphore, #tpu.memory_space<semaphore_mem>>) src(%arg10 : memref<16x128xf32, #tpu.memory_space<vmem>>) dst(%dma_wait3A_144 : memref<16x128xf32, #tpu.memory_space<vmem_shared>>)
      tpu.yield
    }) : () -> ()
    %add3A_92 = arith.constant 112 : i32
    %add3A_93 = arith.addi %mul3A_13, %add3A_92 : i32
    "tpu.region"() ({
      %run_scoped3A_138 = tpu.sem_alloc : memref<!tpu.dma_semaphore, #tpu.memory_space<semaphore_mem>>
      %dma_start3A = arith.constant 0 : i32
      %dma_start3A_139 = tpu.memref_slice %arg13[%add3A_93, %dma_start3A] : memref<5120x128xf32, #tpu.memory_space<vmem_shared>> -> memref<16x128xf32, #tpu.memory_space<vmem_shared>>
      %dma_start3A_140 = arith.constant 0 : i32
      %dma_start3A_141 = tpu.memref_slice %arg13[%add3A_93, %dma_start3A_140] : memref<5120x128xf32, #tpu.memory_space<vmem_shared>> -> memref<16x128xf32, #tpu.memory_space<vmem_shared>>
      tpu.enqueue_dma source(%arg10 : memref<16x128xf32, #tpu.memory_space<vmem>>) target(%dma_start3A_141 : memref<16x128xf32, #tpu.memory_space<vmem_shared>>) target_semaphore(%run_scoped3A_138 : memref<!tpu.dma_semaphore, #tpu.memory_space<semaphore_mem>>)
      %dma_wait3A = arith.constant 0 : i32
      %dma_wait3A_142 = tpu.memref_slice %arg13[%add3A_93, %dma_wait3A] : memref<5120x128xf32, #tpu.memory_space<vmem_shared>> -> memref<16x128xf32, #tpu.memory_space<vmem_shared>>
      %dma_wait3A_143 = arith.constant 0 : i32
      %dma_wait3A_144 = tpu.memref_slice %arg13[%add3A_93, %dma_wait3A_143] : memref<5120x128xf32, #tpu.memory_space<vmem_shared>> -> memref<16x128xf32, #tpu.memory_space<vmem_shared>>
      tpu.wait_dma2 semaphore(%run_scoped3A_138 : memref<!tpu.dma_semaphore, #tpu.memory_space<semaphore_mem>>) src(%arg10 : memref<16x128xf32, #tpu.memory_space<vmem>>) dst(%dma_wait3A_144 : memref<16x128xf32, #tpu.memory_space<vmem_shared>>)
      tpu.yield
    }) : () -> ()
    %add3A_94 = arith.constant 128 : i32
    %add3A_95 = arith.addi %mul3A_13, %add3A_94 : i32
    "tpu.region"() ({
      %run_scoped3A_138 = tpu.sem_alloc : memref<!tpu.dma_semaphore, #tpu.memory_space<semaphore_mem>>
      %dma_start3A = arith.constant 0 : i32
      %dma_start3A_139 = tpu.memref_slice %arg13[%add3A_95, %dma_start3A] : memref<5120x128xf32, #tpu.memory_space<vmem_shared>> -> memref<16x128xf32, #tpu.memory_space<vmem_shared>>
      %dma_start3A_140 = arith.constant 0 : i32
      %dma_start3A_141 = tpu.memref_slice %arg13[%add3A_95, %dma_start3A_140] : memref<5120x128xf32, #tpu.memory_space<vmem_shared>> -> memref<16x128xf32, #tpu.memory_space<vmem_shared>>
      tpu.enqueue_dma source(%arg10 : memref<16x128xf32, #tpu.memory_space<vmem>>) target(%dma_start3A_141 : memref<16x128xf32, #tpu.memory_space<vmem_shared>>) target_semaphore(%run_scoped3A_138 : memref<!tpu.dma_semaphore, #tpu.memory_space<semaphore_mem>>)
      %dma_wait3A = arith.constant 0 : i32
      %dma_wait3A_142 = tpu.memref_slice %arg13[%add3A_95, %dma_wait3A] : memref<5120x128xf32, #tpu.memory_space<vmem_shared>> -> memref<16x128xf32, #tpu.memory_space<vmem_shared>>
      %dma_wait3A_143 = arith.constant 0 : i32
      %dma_wait3A_144 = tpu.memref_slice %arg13[%add3A_95, %dma_wait3A_143] : memref<5120x128xf32, #tpu.memory_space<vmem_shared>> -> memref<16x128xf32, #tpu.memory_space<vmem_shared>>
      tpu.wait_dma2 semaphore(%run_scoped3A_138 : memref<!tpu.dma_semaphore, #tpu.memory_space<semaphore_mem>>) src(%arg10 : memref<16x128xf32, #tpu.memory_space<vmem>>) dst(%dma_wait3A_144 : memref<16x128xf32, #tpu.memory_space<vmem_shared>>)
      tpu.yield
    }) : () -> ()
    %add3A_96 = arith.constant 144 : i32
    %add3A_97 = arith.addi %mul3A_13, %add3A_96 : i32
    "tpu.region"() ({
      %run_scoped3A_138 = tpu.sem_alloc : memref<!tpu.dma_semaphore, #tpu.memory_space<semaphore_mem>>
      %dma_start3A = arith.constant 0 : i32
      %dma_start3A_139 = tpu.memref_slice %arg13[%add3A_97, %dma_start3A] : memref<5120x128xf32, #tpu.memory_space<vmem_shared>> -> memref<16x128xf32, #tpu.memory_space<vmem_shared>>
      %dma_start3A_140 = arith.constant 0 : i32
      %dma_start3A_141 = tpu.memref_slice %arg13[%add3A_97, %dma_start3A_140] : memref<5120x128xf32, #tpu.memory_space<vmem_shared>> -> memref<16x128xf32, #tpu.memory_space<vmem_shared>>
      tpu.enqueue_dma source(%arg10 : memref<16x128xf32, #tpu.memory_space<vmem>>) target(%dma_start3A_141 : memref<16x128xf32, #tpu.memory_space<vmem_shared>>) target_semaphore(%run_scoped3A_138 : memref<!tpu.dma_semaphore, #tpu.memory_space<semaphore_mem>>)
      %dma_wait3A = arith.constant 0 : i32
      %dma_wait3A_142 = tpu.memref_slice %arg13[%add3A_97, %dma_wait3A] : memref<5120x128xf32, #tpu.memory_space<vmem_shared>> -> memref<16x128xf32, #tpu.memory_space<vmem_shared>>
      %dma_wait3A_143 = arith.constant 0 : i32
      %dma_wait3A_144 = tpu.memref_slice %arg13[%add3A_97, %dma_wait3A_143] : memref<5120x128xf32, #tpu.memory_space<vmem_shared>> -> memref<16x128xf32, #tpu.memory_space<vmem_shared>>
      tpu.wait_dma2 semaphore(%run_scoped3A_138 : memref<!tpu.dma_semaphore, #tpu.memory_space<semaphore_mem>>) src(%arg10 : memref<16x128xf32, #tpu.memory_space<vmem>>) dst(%dma_wait3A_144 : memref<16x128xf32, #tpu.memory_space<vmem_shared>>)
      tpu.yield
    }) : () -> ()
    %add3A_98 = arith.constant 160 : i32
    %add3A_99 = arith.addi %mul3A_13, %add3A_98 : i32
    "tpu.region"() ({
      %run_scoped3A_138 = tpu.sem_alloc : memref<!tpu.dma_semaphore, #tpu.memory_space<semaphore_mem>>
      %dma_start3A = arith.constant 0 : i32
      %dma_start3A_139 = tpu.memref_slice %arg13[%add3A_99, %dma_start3A] : memref<5120x128xf32, #tpu.memory_space<vmem_shared>> -> memref<16x128xf32, #tpu.memory_space<vmem_shared>>
      %dma_start3A_140 = arith.constant 0 : i32
      %dma_start3A_141 = tpu.memref_slice %arg13[%add3A_99, %dma_start3A_140] : memref<5120x128xf32, #tpu.memory_space<vmem_shared>> -> memref<16x128xf32, #tpu.memory_space<vmem_shared>>
      tpu.enqueue_dma source(%arg10 : memref<16x128xf32, #tpu.memory_space<vmem>>) target(%dma_start3A_141 : memref<16x128xf32, #tpu.memory_space<vmem_shared>>) target_semaphore(%run_scoped3A_138 : memref<!tpu.dma_semaphore, #tpu.memory_space<semaphore_mem>>)
      %dma_wait3A = arith.constant 0 : i32
      %dma_wait3A_142 = tpu.memref_slice %arg13[%add3A_99, %dma_wait3A] : memref<5120x128xf32, #tpu.memory_space<vmem_shared>> -> memref<16x128xf32, #tpu.memory_space<vmem_shared>>
      %dma_wait3A_143 = arith.constant 0 : i32
      %dma_wait3A_144 = tpu.memref_slice %arg13[%add3A_99, %dma_wait3A_143] : memref<5120x128xf32, #tpu.memory_space<vmem_shared>> -> memref<16x128xf32, #tpu.memory_space<vmem_shared>>
      tpu.wait_dma2 semaphore(%run_scoped3A_138 : memref<!tpu.dma_semaphore, #tpu.memory_space<semaphore_mem>>) src(%arg10 : memref<16x128xf32, #tpu.memory_space<vmem>>) dst(%dma_wait3A_144 : memref<16x128xf32, #tpu.memory_space<vmem_shared>>)
      tpu.yield
    }) : () -> ()
    %add3A_100 = arith.constant 176 : i32
    %add3A_101 = arith.addi %mul3A_13, %add3A_100 : i32
    "tpu.region"() ({
      %run_scoped3A_138 = tpu.sem_alloc : memref<!tpu.dma_semaphore, #tpu.memory_space<semaphore_mem>>
      %dma_start3A = arith.constant 0 : i32
      %dma_start3A_139 = tpu.memref_slice %arg13[%add3A_101, %dma_start3A] : memref<5120x128xf32, #tpu.memory_space<vmem_shared>> -> memref<16x128xf32, #tpu.memory_space<vmem_shared>>
      %dma_start3A_140 = arith.constant 0 : i32
      %dma_start3A_141 = tpu.memref_slice %arg13[%add3A_101, %dma_start3A_140] : memref<5120x128xf32, #tpu.memory_space<vmem_shared>> -> memref<16x128xf32, #tpu.memory_space<vmem_shared>>
      tpu.enqueue_dma source(%arg10 : memref<16x128xf32, #tpu.memory_space<vmem>>) target(%dma_start3A_141 : memref<16x128xf32, #tpu.memory_space<vmem_shared>>) target_semaphore(%run_scoped3A_138 : memref<!tpu.dma_semaphore, #tpu.memory_space<semaphore_mem>>)
      %dma_wait3A = arith.constant 0 : i32
      %dma_wait3A_142 = tpu.memref_slice %arg13[%add3A_101, %dma_wait3A] : memref<5120x128xf32, #tpu.memory_space<vmem_shared>> -> memref<16x128xf32, #tpu.memory_space<vmem_shared>>
      %dma_wait3A_143 = arith.constant 0 : i32
      %dma_wait3A_144 = tpu.memref_slice %arg13[%add3A_101, %dma_wait3A_143] : memref<5120x128xf32, #tpu.memory_space<vmem_shared>> -> memref<16x128xf32, #tpu.memory_space<vmem_shared>>
      tpu.wait_dma2 semaphore(%run_scoped3A_138 : memref<!tpu.dma_semaphore, #tpu.memory_space<semaphore_mem>>) src(%arg10 : memref<16x128xf32, #tpu.memory_space<vmem>>) dst(%dma_wait3A_144 : memref<16x128xf32, #tpu.memory_space<vmem_shared>>)
      tpu.yield
    }) : () -> ()
    %add3A_102 = arith.constant 192 : i32
    %add3A_103 = arith.addi %mul3A_13, %add3A_102 : i32
    "tpu.region"() ({
      %run_scoped3A_138 = tpu.sem_alloc : memref<!tpu.dma_semaphore, #tpu.memory_space<semaphore_mem>>
      %dma_start3A = arith.constant 0 : i32
      %dma_start3A_139 = tpu.memref_slice %arg13[%add3A_103, %dma_start3A] : memref<5120x128xf32, #tpu.memory_space<vmem_shared>> -> memref<16x128xf32, #tpu.memory_space<vmem_shared>>
      %dma_start3A_140 = arith.constant 0 : i32
      %dma_start3A_141 = tpu.memref_slice %arg13[%add3A_103, %dma_start3A_140] : memref<5120x128xf32, #tpu.memory_space<vmem_shared>> -> memref<16x128xf32, #tpu.memory_space<vmem_shared>>
      tpu.enqueue_dma source(%arg10 : memref<16x128xf32, #tpu.memory_space<vmem>>) target(%dma_start3A_141 : memref<16x128xf32, #tpu.memory_space<vmem_shared>>) target_semaphore(%run_scoped3A_138 : memref<!tpu.dma_semaphore, #tpu.memory_space<semaphore_mem>>)
      %dma_wait3A = arith.constant 0 : i32
      %dma_wait3A_142 = tpu.memref_slice %arg13[%add3A_103, %dma_wait3A] : memref<5120x128xf32, #tpu.memory_space<vmem_shared>> -> memref<16x128xf32, #tpu.memory_space<vmem_shared>>
      %dma_wait3A_143 = arith.constant 0 : i32
      %dma_wait3A_144 = tpu.memref_slice %arg13[%add3A_103, %dma_wait3A_143] : memref<5120x128xf32, #tpu.memory_space<vmem_shared>> -> memref<16x128xf32, #tpu.memory_space<vmem_shared>>
      tpu.wait_dma2 semaphore(%run_scoped3A_138 : memref<!tpu.dma_semaphore, #tpu.memory_space<semaphore_mem>>) src(%arg10 : memref<16x128xf32, #tpu.memory_space<vmem>>) dst(%dma_wait3A_144 : memref<16x128xf32, #tpu.memory_space<vmem_shared>>)
      tpu.yield
    }) : () -> ()
    %add3A_104 = arith.constant 208 : i32
    %add3A_105 = arith.addi %mul3A_13, %add3A_104 : i32
    "tpu.region"() ({
      %run_scoped3A_138 = tpu.sem_alloc : memref<!tpu.dma_semaphore, #tpu.memory_space<semaphore_mem>>
      %dma_start3A = arith.constant 0 : i32
      %dma_start3A_139 = tpu.memref_slice %arg13[%add3A_105, %dma_start3A] : memref<5120x128xf32, #tpu.memory_space<vmem_shared>> -> memref<16x128xf32, #tpu.memory_space<vmem_shared>>
      %dma_start3A_140 = arith.constant 0 : i32
      %dma_start3A_141 = tpu.memref_slice %arg13[%add3A_105, %dma_start3A_140] : memref<5120x128xf32, #tpu.memory_space<vmem_shared>> -> memref<16x128xf32, #tpu.memory_space<vmem_shared>>
      tpu.enqueue_dma source(%arg10 : memref<16x128xf32, #tpu.memory_space<vmem>>) target(%dma_start3A_141 : memref<16x128xf32, #tpu.memory_space<vmem_shared>>) target_semaphore(%run_scoped3A_138 : memref<!tpu.dma_semaphore, #tpu.memory_space<semaphore_mem>>)
      %dma_wait3A = arith.constant 0 : i32
      %dma_wait3A_142 = tpu.memref_slice %arg13[%add3A_105, %dma_wait3A] : memref<5120x128xf32, #tpu.memory_space<vmem_shared>> -> memref<16x128xf32, #tpu.memory_space<vmem_shared>>
      %dma_wait3A_143 = arith.constant 0 : i32
      %dma_wait3A_144 = tpu.memref_slice %arg13[%add3A_105, %dma_wait3A_143] : memref<5120x128xf32, #tpu.memory_space<vmem_shared>> -> memref<16x128xf32, #tpu.memory_space<vmem_shared>>
      tpu.wait_dma2 semaphore(%run_scoped3A_138 : memref<!tpu.dma_semaphore, #tpu.memory_space<semaphore_mem>>) src(%arg10 : memref<16x128xf32, #tpu.memory_space<vmem>>) dst(%dma_wait3A_144 : memref<16x128xf32, #tpu.memory_space<vmem_shared>>)
      tpu.yield
    }) : () -> ()
    %add3A_106 = arith.constant 224 : i32
    %add3A_107 = arith.addi %mul3A_13, %add3A_106 : i32
    "tpu.region"() ({
      %run_scoped3A_138 = tpu.sem_alloc : memref<!tpu.dma_semaphore, #tpu.memory_space<semaphore_mem>>
      %dma_start3A = arith.constant 0 : i32
      %dma_start3A_139 = tpu.memref_slice %arg13[%add3A_107, %dma_start3A] : memref<5120x128xf32, #tpu.memory_space<vmem_shared>> -> memref<16x128xf32, #tpu.memory_space<vmem_shared>>
      %dma_start3A_140 = arith.constant 0 : i32
      %dma_start3A_141 = tpu.memref_slice %arg13[%add3A_107, %dma_start3A_140] : memref<5120x128xf32, #tpu.memory_space<vmem_shared>> -> memref<16x128xf32, #tpu.memory_space<vmem_shared>>
      tpu.enqueue_dma source(%arg10 : memref<16x128xf32, #tpu.memory_space<vmem>>) target(%dma_start3A_141 : memref<16x128xf32, #tpu.memory_space<vmem_shared>>) target_semaphore(%run_scoped3A_138 : memref<!tpu.dma_semaphore, #tpu.memory_space<semaphore_mem>>)
      %dma_wait3A = arith.constant 0 : i32
      %dma_wait3A_142 = tpu.memref_slice %arg13[%add3A_107, %dma_wait3A] : memref<5120x128xf32, #tpu.memory_space<vmem_shared>> -> memref<16x128xf32, #tpu.memory_space<vmem_shared>>
      %dma_wait3A_143 = arith.constant 0 : i32
      %dma_wait3A_144 = tpu.memref_slice %arg13[%add3A_107, %dma_wait3A_143] : memref<5120x128xf32, #tpu.memory_space<vmem_shared>> -> memref<16x128xf32, #tpu.memory_space<vmem_shared>>
      tpu.wait_dma2 semaphore(%run_scoped3A_138 : memref<!tpu.dma_semaphore, #tpu.memory_space<semaphore_mem>>) src(%arg10 : memref<16x128xf32, #tpu.memory_space<vmem>>) dst(%dma_wait3A_144 : memref<16x128xf32, #tpu.memory_space<vmem_shared>>)
      tpu.yield
    }) : () -> ()
    %add3A_108 = arith.constant 240 : i32
    %add3A_109 = arith.addi %mul3A_13, %add3A_108 : i32
    "tpu.region"() ({
      %run_scoped3A_138 = tpu.sem_alloc : memref<!tpu.dma_semaphore, #tpu.memory_space<semaphore_mem>>
      %dma_start3A = arith.constant 0 : i32
      %dma_start3A_139 = tpu.memref_slice %arg13[%add3A_109, %dma_start3A] : memref<5120x128xf32, #tpu.memory_space<vmem_shared>> -> memref<16x128xf32, #tpu.memory_space<vmem_shared>>
      %dma_start3A_140 = arith.constant 0 : i32
      %dma_start3A_141 = tpu.memref_slice %arg13[%add3A_109, %dma_start3A_140] : memref<5120x128xf32, #tpu.memory_space<vmem_shared>> -> memref<16x128xf32, #tpu.memory_space<vmem_shared>>
      tpu.enqueue_dma source(%arg10 : memref<16x128xf32, #tpu.memory_space<vmem>>) target(%dma_start3A_141 : memref<16x128xf32, #tpu.memory_space<vmem_shared>>) target_semaphore(%run_scoped3A_138 : memref<!tpu.dma_semaphore, #tpu.memory_space<semaphore_mem>>)
      %dma_wait3A = arith.constant 0 : i32
      %dma_wait3A_142 = tpu.memref_slice %arg13[%add3A_109, %dma_wait3A] : memref<5120x128xf32, #tpu.memory_space<vmem_shared>> -> memref<16x128xf32, #tpu.memory_space<vmem_shared>>
      %dma_wait3A_143 = arith.constant 0 : i32
      %dma_wait3A_144 = tpu.memref_slice %arg13[%add3A_109, %dma_wait3A_143] : memref<5120x128xf32, #tpu.memory_space<vmem_shared>> -> memref<16x128xf32, #tpu.memory_space<vmem_shared>>
      tpu.wait_dma2 semaphore(%run_scoped3A_138 : memref<!tpu.dma_semaphore, #tpu.memory_space<semaphore_mem>>) src(%arg10 : memref<16x128xf32, #tpu.memory_space<vmem>>) dst(%dma_wait3A_144 : memref<16x128xf32, #tpu.memory_space<vmem_shared>>)
      tpu.yield
    }) : () -> ()
    %add3A_110 = arith.constant 256 : i32
    %add3A_111 = arith.addi %mul3A_13, %add3A_110 : i32
    "tpu.region"() ({
      %run_scoped3A_138 = tpu.sem_alloc : memref<!tpu.dma_semaphore, #tpu.memory_space<semaphore_mem>>
      %dma_start3A = arith.constant 0 : i32
      %dma_start3A_139 = tpu.memref_slice %arg13[%add3A_111, %dma_start3A] : memref<5120x128xf32, #tpu.memory_space<vmem_shared>> -> memref<16x128xf32, #tpu.memory_space<vmem_shared>>
      %dma_start3A_140 = arith.constant 0 : i32
      %dma_start3A_141 = tpu.memref_slice %arg13[%add3A_111, %dma_start3A_140] : memref<5120x128xf32, #tpu.memory_space<vmem_shared>> -> memref<16x128xf32, #tpu.memory_space<vmem_shared>>
      tpu.enqueue_dma source(%arg10 : memref<16x128xf32, #tpu.memory_space<vmem>>) target(%dma_start3A_141 : memref<16x128xf32, #tpu.memory_space<vmem_shared>>) target_semaphore(%run_scoped3A_138 : memref<!tpu.dma_semaphore, #tpu.memory_space<semaphore_mem>>)
      %dma_wait3A = arith.constant 0 : i32
      %dma_wait3A_142 = tpu.memref_slice %arg13[%add3A_111, %dma_wait3A] : memref<5120x128xf32, #tpu.memory_space<vmem_shared>> -> memref<16x128xf32, #tpu.memory_space<vmem_shared>>
      %dma_wait3A_143 = arith.constant 0 : i32
      %dma_wait3A_144 = tpu.memref_slice %arg13[%add3A_111, %dma_wait3A_143] : memref<5120x128xf32, #tpu.memory_space<vmem_shared>> -> memref<16x128xf32, #tpu.memory_space<vmem_shared>>
      tpu.wait_dma2 semaphore(%run_scoped3A_138 : memref<!tpu.dma_semaphore, #tpu.memory_space<semaphore_mem>>) src(%arg10 : memref<16x128xf32, #tpu.memory_space<vmem>>) dst(%dma_wait3A_144 : memref<16x128xf32, #tpu.memory_space<vmem_shared>>)
      tpu.yield
    }) : () -> ()
    %add3A_112 = arith.constant 272 : i32
    %add3A_113 = arith.addi %mul3A_13, %add3A_112 : i32
    "tpu.region"() ({
      %run_scoped3A_138 = tpu.sem_alloc : memref<!tpu.dma_semaphore, #tpu.memory_space<semaphore_mem>>
      %dma_start3A = arith.constant 0 : i32
      %dma_start3A_139 = tpu.memref_slice %arg13[%add3A_113, %dma_start3A] : memref<5120x128xf32, #tpu.memory_space<vmem_shared>> -> memref<16x128xf32, #tpu.memory_space<vmem_shared>>
      %dma_start3A_140 = arith.constant 0 : i32
      %dma_start3A_141 = tpu.memref_slice %arg13[%add3A_113, %dma_start3A_140] : memref<5120x128xf32, #tpu.memory_space<vmem_shared>> -> memref<16x128xf32, #tpu.memory_space<vmem_shared>>
      tpu.enqueue_dma source(%arg10 : memref<16x128xf32, #tpu.memory_space<vmem>>) target(%dma_start3A_141 : memref<16x128xf32, #tpu.memory_space<vmem_shared>>) target_semaphore(%run_scoped3A_138 : memref<!tpu.dma_semaphore, #tpu.memory_space<semaphore_mem>>)
      %dma_wait3A = arith.constant 0 : i32
      %dma_wait3A_142 = tpu.memref_slice %arg13[%add3A_113, %dma_wait3A] : memref<5120x128xf32, #tpu.memory_space<vmem_shared>> -> memref<16x128xf32, #tpu.memory_space<vmem_shared>>
      %dma_wait3A_143 = arith.constant 0 : i32
      %dma_wait3A_144 = tpu.memref_slice %arg13[%add3A_113, %dma_wait3A_143] : memref<5120x128xf32, #tpu.memory_space<vmem_shared>> -> memref<16x128xf32, #tpu.memory_space<vmem_shared>>
      tpu.wait_dma2 semaphore(%run_scoped3A_138 : memref<!tpu.dma_semaphore, #tpu.memory_space<semaphore_mem>>) src(%arg10 : memref<16x128xf32, #tpu.memory_space<vmem>>) dst(%dma_wait3A_144 : memref<16x128xf32, #tpu.memory_space<vmem_shared>>)
      tpu.yield
    }) : () -> ()
    %add3A_114 = arith.constant 288 : i32
    %add3A_115 = arith.addi %mul3A_13, %add3A_114 : i32
    "tpu.region"() ({
      %run_scoped3A_138 = tpu.sem_alloc : memref<!tpu.dma_semaphore, #tpu.memory_space<semaphore_mem>>
      %dma_start3A = arith.constant 0 : i32
      %dma_start3A_139 = tpu.memref_slice %arg13[%add3A_115, %dma_start3A] : memref<5120x128xf32, #tpu.memory_space<vmem_shared>> -> memref<16x128xf32, #tpu.memory_space<vmem_shared>>
      %dma_start3A_140 = arith.constant 0 : i32
      %dma_start3A_141 = tpu.memref_slice %arg13[%add3A_115, %dma_start3A_140] : memref<5120x128xf32, #tpu.memory_space<vmem_shared>> -> memref<16x128xf32, #tpu.memory_space<vmem_shared>>
      tpu.enqueue_dma source(%arg10 : memref<16x128xf32, #tpu.memory_space<vmem>>) target(%dma_start3A_141 : memref<16x128xf32, #tpu.memory_space<vmem_shared>>) target_semaphore(%run_scoped3A_138 : memref<!tpu.dma_semaphore, #tpu.memory_space<semaphore_mem>>)
      %dma_wait3A = arith.constant 0 : i32
      %dma_wait3A_142 = tpu.memref_slice %arg13[%add3A_115, %dma_wait3A] : memref<5120x128xf32, #tpu.memory_space<vmem_shared>> -> memref<16x128xf32, #tpu.memory_space<vmem_shared>>
      %dma_wait3A_143 = arith.constant 0 : i32
      %dma_wait3A_144 = tpu.memref_slice %arg13[%add3A_115, %dma_wait3A_143] : memref<5120x128xf32, #tpu.memory_space<vmem_shared>> -> memref<16x128xf32, #tpu.memory_space<vmem_shared>>
      tpu.wait_dma2 semaphore(%run_scoped3A_138 : memref<!tpu.dma_semaphore, #tpu.memory_space<semaphore_mem>>) src(%arg10 : memref<16x128xf32, #tpu.memory_space<vmem>>) dst(%dma_wait3A_144 : memref<16x128xf32, #tpu.memory_space<vmem_shared>>)
      tpu.yield
    }) : () -> ()
    %add3A_116 = arith.constant 304 : i32
    %add3A_117 = arith.addi %mul3A_13, %add3A_116 : i32
    "tpu.region"() ({
      %run_scoped3A_138 = tpu.sem_alloc : memref<!tpu.dma_semaphore, #tpu.memory_space<semaphore_mem>>
      %dma_start3A = arith.constant 0 : i32
      %dma_start3A_139 = tpu.memref_slice %arg13[%add3A_117, %dma_start3A] : memref<5120x128xf32, #tpu.memory_space<vmem_shared>> -> memref<16x128xf32, #tpu.memory_space<vmem_shared>>
      %dma_start3A_140 = arith.constant 0 : i32
      %dma_start3A_141 = tpu.memref_slice %arg13[%add3A_117, %dma_start3A_140] : memref<5120x128xf32, #tpu.memory_space<vmem_shared>> -> memref<16x128xf32, #tpu.memory_space<vmem_shared>>
      tpu.enqueue_dma source(%arg10 : memref<16x128xf32, #tpu.memory_space<vmem>>) target(%dma_start3A_141 : memref<16x128xf32, #tpu.memory_space<vmem_shared>>) target_semaphore(%run_scoped3A_138 : memref<!tpu.dma_semaphore, #tpu.memory_space<semaphore_mem>>)
      %dma_wait3A = arith.constant 0 : i32
      %dma_wait3A_142 = tpu.memref_slice %arg13[%add3A_117, %dma_wait3A] : memref<5120x128xf32, #tpu.memory_space<vmem_shared>> -> memref<16x128xf32, #tpu.memory_space<vmem_shared>>
      %dma_wait3A_143 = arith.constant 0 : i32
      %dma_wait3A_144 = tpu.memref_slice %arg13[%add3A_117, %dma_wait3A_143] : memref<5120x128xf32, #tpu.memory_space<vmem_shared>> -> memref<16x128xf32, #tpu.memory_space<vmem_shared>>
      tpu.wait_dma2 semaphore(%run_scoped3A_138 : memref<!tpu.dma_semaphore, #tpu.memory_space<semaphore_mem>>) src(%arg10 : memref<16x128xf32, #tpu.memory_space<vmem>>) dst(%dma_wait3A_144 : memref<16x128xf32, #tpu.memory_space<vmem_shared>>)
      tpu.yield
    }) : () -> ()
    %barrier3A_118 = arith.constant 0 : index
    tpu.barrier barrier_id(%barrier3A_118)
    "tpu.region"() ({
      %run_scoped3A_138 = tpu.sem_alloc : memref<!tpu.dma_semaphore, #tpu.memory_space<semaphore_mem>>
      %dma_start3A = arith.constant 0 : i32
      %dma_start3A_139 = arith.constant 0 : i32
      %dma_start3A_140 = tpu.memref_slice %arg3[%arg1, %dma_start3A, %dma_start3A_139] : memref<16x1344x16xi32, #tpu.memory_space<hbm>> -> memref<1x8x16xi32, #tpu.memory_space<hbm>>
      %dma_start3A_141 = tpu.memref_squeeze %dma_start3A_140 : memref<1x8x16xi32, #tpu.memory_space<hbm>> -> memref<8x16xi32, #tpu.memory_space<hbm>>
      %dma_start3A_142 = arith.constant 0 : i32
      %dma_start3A_143 = arith.constant 0 : i32
      %dma_start3A_144 = tpu.memref_slice %arg3[%arg1, %dma_start3A_142, %dma_start3A_143] : memref<16x1344x16xi32, #tpu.memory_space<hbm>> -> memref<1x8x16xi32, #tpu.memory_space<hbm>>
      %dma_start3A_145 = tpu.memref_squeeze %dma_start3A_144 : memref<1x8x16xi32, #tpu.memory_space<hbm>> -> memref<8x16xi32, #tpu.memory_space<hbm>>
      tpu.enqueue_dma source(%dma_start3A_145 : memref<8x16xi32, #tpu.memory_space<hbm>>) target(%arg6 : memref<8x16xi32, #tpu.memory_space<vmem>>) target_semaphore(%run_scoped3A_138 : memref<!tpu.dma_semaphore, #tpu.memory_space<semaphore_mem>>)
      %dma_wait3A = arith.constant 0 : i32
      %dma_wait3A_146 = arith.constant 0 : i32
      %dma_wait3A_147 = tpu.memref_slice %arg3[%arg1, %dma_wait3A, %dma_wait3A_146] : memref<16x1344x16xi32, #tpu.memory_space<hbm>> -> memref<1x8x16xi32, #tpu.memory_space<hbm>>
      %dma_wait3A_148 = tpu.memref_squeeze %dma_wait3A_147 : memref<1x8x16xi32, #tpu.memory_space<hbm>> -> memref<8x16xi32, #tpu.memory_space<hbm>>
      %dma_wait3A_149 = arith.constant 0 : i32
      %dma_wait3A_150 = arith.constant 0 : i32
      %dma_wait3A_151 = tpu.memref_slice %arg3[%arg1, %dma_wait3A_149, %dma_wait3A_150] : memref<16x1344x16xi32, #tpu.memory_space<hbm>> -> memref<1x8x16xi32, #tpu.memory_space<hbm>>
      %dma_wait3A_152 = tpu.memref_squeeze %dma_wait3A_151 : memref<1x8x16xi32, #tpu.memory_space<hbm>> -> memref<8x16xi32, #tpu.memory_space<hbm>>
      tpu.wait_dma2 semaphore(%run_scoped3A_138 : memref<!tpu.dma_semaphore, #tpu.memory_space<semaphore_mem>>) src(%dma_wait3A_152 : memref<8x16xi32, #tpu.memory_space<hbm>>) dst(%arg6 : memref<8x16xi32, #tpu.memory_space<vmem>>)
      tpu.yield
    }) : () -> ()
    %run_scoped3A_119 = arith.constant 1 : i32
    "tpu.region"() ({
      %run_scoped3A_138 = tpu.sem_alloc : memref<!tpu.dma_semaphore, #tpu.memory_space<semaphore_mem>>
      %dma_start3A = arith.constant 0 : i32
      %dma_start3A_139 = arith.constant 0 : i32
      %dma_start3A_140 = tpu.memref_slice %arg4[%run_scoped3A_119, %arg1, %dma_start3A, %dma_start3A_139] : memref<2x16x1344x16xi32, #tpu.memory_space<hbm>> -> memref<1x1x8x16xi32, #tpu.memory_space<hbm>>
      %dma_start3A_141 = tpu.memref_squeeze %dma_start3A_140 : memref<1x1x8x16xi32, #tpu.memory_space<hbm>> -> memref<8x16xi32, #tpu.memory_space<hbm>>
      %dma_start3A_142 = arith.constant 0 : i32
      %dma_start3A_143 = arith.constant 0 : i32
      %dma_start3A_144 = tpu.memref_slice %arg4[%run_scoped3A_119, %arg1, %dma_start3A_142, %dma_start3A_143] : memref<2x16x1344x16xi32, #tpu.memory_space<hbm>> -> memref<1x1x8x16xi32, #tpu.memory_space<hbm>>
      %dma_start3A_145 = tpu.memref_squeeze %dma_start3A_144 : memref<1x1x8x16xi32, #tpu.memory_space<hbm>> -> memref<8x16xi32, #tpu.memory_space<hbm>>
      tpu.enqueue_dma source(%dma_start3A_145 : memref<8x16xi32, #tpu.memory_space<hbm>>) target(%arg8 : memref<8x16xi32, #tpu.memory_space<vmem>>) target_semaphore(%run_scoped3A_138 : memref<!tpu.dma_semaphore, #tpu.memory_space<semaphore_mem>>)
      %dma_wait3A = arith.constant 0 : i32
      %dma_wait3A_146 = arith.constant 0 : i32
      %dma_wait3A_147 = tpu.memref_slice %arg4[%run_scoped3A_119, %arg1, %dma_wait3A, %dma_wait3A_146] : memref<2x16x1344x16xi32, #tpu.memory_space<hbm>> -> memref<1x1x8x16xi32, #tpu.memory_space<hbm>>
      %dma_wait3A_148 = tpu.memref_squeeze %dma_wait3A_147 : memref<1x1x8x16xi32, #tpu.memory_space<hbm>> -> memref<8x16xi32, #tpu.memory_space<hbm>>
      %dma_wait3A_149 = arith.constant 0 : i32
      %dma_wait3A_150 = arith.constant 0 : i32
      %dma_wait3A_151 = tpu.memref_slice %arg4[%run_scoped3A_119, %arg1, %dma_wait3A_149, %dma_wait3A_150] : memref<2x16x1344x16xi32, #tpu.memory_space<hbm>> -> memref<1x1x8x16xi32, #tpu.memory_space<hbm>>
      %dma_wait3A_152 = tpu.memref_squeeze %dma_wait3A_151 : memref<1x1x8x16xi32, #tpu.memory_space<hbm>> -> memref<8x16xi32, #tpu.memory_space<hbm>>
      tpu.wait_dma2 semaphore(%run_scoped3A_138 : memref<!tpu.dma_semaphore, #tpu.memory_space<semaphore_mem>>) src(%dma_wait3A_152 : memref<8x16xi32, #tpu.memory_space<hbm>>) dst(%arg8 : memref<8x16xi32, #tpu.memory_space<vmem>>)
      tpu.yield
    }) : () -> ()
    %scan3A_120 = arith.constant 0 : i32
    %scan3A_121 = arith.constant 0 : i32
    %scan3A_122 = arith.constant 84 : i32
    %scan3A_123 = arith.addi %scan3A_121, %scan3A_122 : i32
    %scan3A_124 = arith.constant 1 : i32
    scf.for %scan3A_138 = %scan3A_121 to %scan3A_123 step %scan3A_124  : i32 {
      %mul3A_139 = arith.constant 2 : i32
      %mul3A_140 = arith.muli %mul3A_139, %scan3A_138 : i32
      %add3A_141 = arith.constant 1 : i32
      %add3A_142 = arith.addi %mul3A_140, %add3A_141 : i32
      %lt3A_143 = arith.constant 168 : i32
      %lt3A_144 = arith.cmpi slt, %add3A_142, %lt3A_143 : i32
      %convert_element_type3A_145 = arith.extui %lt3A_144 : i1 to i32
      %cond3A_146 = arith.constant 0 : i32
      %cond3A_147 = arith.cmpi ne, %convert_element_type3A_145, %cond3A_146 : i32
      scf.if %cond3A_147 {
        %add3A_411 = arith.constant 1 : i32
        %add3A_412 = arith.addi %mul3A_140, %add3A_411 : i32
        %mul3A_413 = arith.constant 8 : i32
        %mul3A_414 = arith.muli %add3A_412, %mul3A_413 : i32
        %dma_start3A_415 = arith.constant 0 : i32
        %dma_start3A_416 = tpu.memref_slice %arg3[%arg1, %mul3A_414, %dma_start3A_415] : memref<16x1344x16xi32, #tpu.memory_space<hbm>> -> memref<1x8x16xi32, #tpu.memory_space<hbm>>
        %dma_start3A_417 = tpu.memref_squeeze %dma_start3A_416 : memref<1x8x16xi32, #tpu.memory_space<hbm>> -> memref<8x16xi32, #tpu.memory_space<hbm>>
        %dma_start3A_418 = arith.constant 0 : i32
        %dma_start3A_419 = tpu.memref_slice %arg3[%arg1, %mul3A_414, %dma_start3A_418] : memref<16x1344x16xi32, #tpu.memory_space<hbm>> -> memref<1x8x16xi32, #tpu.memory_space<hbm>>
        %dma_start3A_420 = tpu.memref_squeeze %dma_start3A_419 : memref<1x8x16xi32, #tpu.memory_space<hbm>> -> memref<8x16xi32, #tpu.memory_space<hbm>>
        tpu.enqueue_dma source(%dma_start3A_420 : memref<8x16xi32, #tpu.memory_space<hbm>>) target(%arg7 : memref<8x16xi32, #tpu.memory_space<vmem>>) target_semaphore(%arg16 : memref<!tpu.dma_semaphore, #tpu.memory_space<semaphore_mem>>)
        %add3A_421 = arith.constant 1 : i32
        %add3A_422 = arith.addi %mul3A_140, %add3A_421 : i32
        %mul3A_423 = arith.constant 8 : i32
        %mul3A_424 = arith.muli %add3A_422, %mul3A_423 : i32
        %dma_start3A_425 = arith.constant 1 : i32
        %dma_start3A_426 = arith.constant 0 : i32
        %dma_start3A_427 = tpu.memref_slice %arg4[%dma_start3A_425, %arg1, %mul3A_424, %dma_start3A_426] : memref<2x16x1344x16xi32, #tpu.memory_space<hbm>> -> memref<1x1x8x16xi32, #tpu.memory_space<hbm>>
        %dma_start3A_428 = tpu.memref_squeeze %dma_start3A_427 : memref<1x1x8x16xi32, #tpu.memory_space<hbm>> -> memref<8x16xi32, #tpu.memory_space<hbm>>
        %dma_start3A_429 = arith.constant 0 : i32
        %dma_start3A_430 = tpu.memref_slice %arg4[%dma_start3A_425, %arg1, %mul3A_424, %dma_start3A_429] : memref<2x16x1344x16xi32, #tpu.memory_space<hbm>> -> memref<1x1x8x16xi32, #tpu.memory_space<hbm>>
        %dma_start3A_431 = tpu.memref_squeeze %dma_start3A_430 : memref<1x1x8x16xi32, #tpu.memory_space<hbm>> -> memref<8x16xi32, #tpu.memory_space<hbm>>
        tpu.enqueue_dma source(%dma_start3A_431 : memref<8x16xi32, #tpu.memory_space<hbm>>) target(%arg9 : memref<8x16xi32, #tpu.memory_space<vmem>>) target_semaphore(%arg17 : memref<!tpu.dma_semaphore, #tpu.memory_space<semaphore_mem>>)
      } else {
      }
      %dma_start3A = arith.constant 0 : i32
      %dma_start3A_148 = arith.constant 0 : i32
      %dma_start3A_149 = tpu.memref_slice %arg6[%dma_start3A, %dma_start3A_148] : memref<8x16xi32, #tpu.memory_space<vmem>> -> memref<1x16xi32, #tpu.memory_space<vmem>>
      %dma_start3A_150 = tpu.memref_squeeze %dma_start3A_149 : memref<1x16xi32, #tpu.memory_space<vmem>> -> memref<16xi32, #tpu.memory_space<vmem>>
      %dma_start3A_151 = arith.constant 0 : i32
      %dma_start3A_152 = arith.constant 0 : i32
      %dma_start3A_153 = tpu.memref_slice %arg12[%dma_start3A_151, %dma_start3A_152] : memref<10016x128xf32, #tpu.memory_space<vmem_shared>> -> memref<10016x128xf32, #tpu.memory_space<vmem_shared>>
      tpu.enqueue_indirect_dma source(%dma_start3A_153 : memref<10016x128xf32, #tpu.memory_space<vmem_shared>>) target(%arg10 : memref<16x128xf32, #tpu.memory_space<vmem>>) offsets(%dma_start3A_150 : memref<16xi32, #tpu.memory_space<vmem>>) semaphore(%arg14 : memref<!tpu.dma_semaphore, #tpu.memory_space<semaphore_mem>>)
      %dma_start3A_154 = arith.constant 1 : i32
      %dma_start3A_155 = arith.constant 0 : i32
      %dma_start3A_156 = tpu.memref_slice %arg6[%dma_start3A_154, %dma_start3A_155] : memref<8x16xi32, #tpu.memory_space<vmem>> -> memref<1x16xi32, #tpu.memory_space<vmem>>
      %dma_start3A_157 = tpu.memref_squeeze %dma_start3A_156 : memref<1x16xi32, #tpu.memory_space<vmem>> -> memref<16xi32, #tpu.memory_space<vmem>>
      %dma_start3A_158 = arith.constant 0 : i32
      %dma_start3A_159 = arith.constant 0 : i32
      %dma_start3A_160 = tpu.memref_slice %arg12[%dma_start3A_158, %dma_start3A_159] : memref<10016x128xf32, #tpu.memory_space<vmem_shared>> -> memref<10016x128xf32, #tpu.memory_space<vmem_shared>>
      tpu.enqueue_indirect_dma source(%dma_start3A_160 : memref<10016x128xf32, #tpu.memory_space<vmem_shared>>) target(%arg11 : memref<16x128xf32, #tpu.memory_space<vmem>>) offsets(%dma_start3A_157 : memref<16xi32, #tpu.memory_space<vmem>>) semaphore(%arg15 : memref<!tpu.dma_semaphore, #tpu.memory_space<semaphore_mem>>)
      %dma_wait3A = arith.constant 0 : i32
      %dma_wait3A_161 = arith.constant 0 : i32
      %dma_wait3A_162 = tpu.memref_slice %arg6[%dma_wait3A, %dma_wait3A_161] : memref<8x16xi32, #tpu.memory_space<vmem>> -> memref<1x16xi32, #tpu.memory_space<vmem>>
      %dma_wait3A_163 = tpu.memref_squeeze %dma_wait3A_162 : memref<1x16xi32, #tpu.memory_space<vmem>> -> memref<16xi32, #tpu.memory_space<vmem>>
      %dma_wait3A_164 = arith.constant 0 : i32
      %dma_wait3A_165 = arith.constant 0 : i32
      %dma_wait3A_166 = tpu.memref_slice %arg12[%dma_wait3A_164, %dma_wait3A_165] : memref<10016x128xf32, #tpu.memory_space<vmem_shared>> -> memref<10016x128xf32, #tpu.memory_space<vmem_shared>>
      tpu.wait_indirect_dma semaphore(%arg14 : memref<!tpu.dma_semaphore, #tpu.memory_space<semaphore_mem>>) src(%dma_wait3A_166 : memref<10016x128xf32, #tpu.memory_space<vmem_shared>>) dst(%arg10 : memref<16x128xf32, #tpu.memory_space<vmem>>)
      %run_scoped3A_167 = arith.constant 0 : i32
      "tpu.region"() ({
        %run_scoped3A_411 = tpu.sem_alloc : memref<!tpu.dma_semaphore, #tpu.memory_space<semaphore_mem>>
        %dma_start3A_412 = arith.constant 0 : i32
        %dma_start3A_413 = tpu.memref_slice %arg8[%run_scoped3A_167, %dma_start3A_412] : memref<8x16xi32, #tpu.memory_space<vmem>> -> memref<1x16xi32, #tpu.memory_space<vmem>>
        %dma_start3A_414 = tpu.memref_squeeze %dma_start3A_413 : memref<1x16xi32, #tpu.memory_space<vmem>> -> memref<16xi32, #tpu.memory_space<vmem>>
        %dma_start3A_415 = arith.constant 0 : i32
        %dma_start3A_416 = arith.constant 0 : i32
        %dma_start3A_417 = tpu.memref_slice %arg13[%dma_start3A_415, %dma_start3A_416] : memref<5120x128xf32, #tpu.memory_space<vmem_shared>> -> memref<5120x128xf32, #tpu.memory_space<vmem_shared>>
        tpu.enqueue_indirect_dma source(%arg10 : memref<16x128xf32, #tpu.memory_space<vmem>>) target(%dma_start3A_417 : memref<5120x128xf32, #tpu.memory_space<vmem_shared>>) offsets(%dma_start3A_414 : memref<16xi32, #tpu.memory_space<vmem>>) semaphore(%run_scoped3A_411 : memref<!tpu.dma_semaphore, #tpu.memory_space<semaphore_mem>>) {add = true}
        %dma_wait3A_418 = arith.constant 0 : i32
        %dma_wait3A_419 = tpu.memref_slice %arg8[%run_scoped3A_167, %dma_wait3A_418] : memref<8x16xi32, #tpu.memory_space<vmem>> -> memref<1x16xi32, #tpu.memory_space<vmem>>
        %dma_wait3A_420 = tpu.memref_squeeze %dma_wait3A_419 : memref<1x16xi32, #tpu.memory_space<vmem>> -> memref<16xi32, #tpu.memory_space<vmem>>
        %dma_wait3A_421 = arith.constant 0 : i32
        %dma_wait3A_422 = arith.constant 0 : i32
        %dma_wait3A_423 = tpu.memref_slice %arg13[%dma_wait3A_421, %dma_wait3A_422] : memref<5120x128xf32, #tpu.memory_space<vmem_shared>> -> memref<5120x128xf32, #tpu.memory_space<vmem_shared>>
        tpu.wait_indirect_dma semaphore(%run_scoped3A_411 : memref<!tpu.dma_semaphore, #tpu.memory_space<semaphore_mem>>) src(%arg10 : memref<16x128xf32, #tpu.memory_space<vmem>>) dst(%dma_wait3A_423 : memref<5120x128xf32, #tpu.memory_space<vmem_shared>>)
        tpu.yield
      }) : () -> ()
      %dma_start3A_168 = arith.constant 2 : i32
      %dma_start3A_169 = arith.constant 0 : i32
      %dma_start3A_170 = tpu.memref_slice %arg6[%dma_start3A_168, %dma_start3A_169] : memref<8x16xi32, #tpu.memory_space<vmem>> -> memref<1x16xi32, #tpu.memory_space<vmem>>
      %dma_start3A_171 = tpu.memref_squeeze %dma_start3A_170 : memref<1x16xi32, #tpu.memory_space<vmem>> -> memref<16xi32, #tpu.memory_space<vmem>>
      %dma_start3A_172 = arith.constant 0 : i32
      %dma_start3A_173 = arith.constant 0 : i32
      %dma_start3A_174 = tpu.memref_slice %arg12[%dma_start3A_172, %dma_start3A_173] : memref<10016x128xf32, #tpu.memory_space<vmem_shared>> -> memref<10016x128xf32, #tpu.memory_space<vmem_shared>>
      tpu.enqueue_indirect_dma source(%dma_start3A_174 : memref<10016x128xf32, #tpu.memory_space<vmem_shared>>) target(%arg10 : memref<16x128xf32, #tpu.memory_space<vmem>>) offsets(%dma_start3A_171 : memref<16xi32, #tpu.memory_space<vmem>>) semaphore(%arg14 : memref<!tpu.dma_semaphore, #tpu.memory_space<semaphore_mem>>)
      %dma_wait3A_175 = arith.constant 1 : i32
      %dma_wait3A_176 = arith.constant 0 : i32
      %dma_wait3A_177 = tpu.memref_slice %arg6[%dma_wait3A_175, %dma_wait3A_176] : memref<8x16xi32, #tpu.memory_space<vmem>> -> memref<1x16xi32, #tpu.memory_space<vmem>>
      %dma_wait3A_178 = tpu.memref_squeeze %dma_wait3A_177 : memref<1x16xi32, #tpu.memory_space<vmem>> -> memref<16xi32, #tpu.memory_space<vmem>>
      %dma_wait3A_179 = arith.constant 0 : i32
      %dma_wait3A_180 = arith.constant 0 : i32
      %dma_wait3A_181 = tpu.memref_slice %arg12[%dma_wait3A_179, %dma_wait3A_180] : memref<10016x128xf32, #tpu.memory_space<vmem_shared>> -> memref<10016x128xf32, #tpu.memory_space<vmem_shared>>
      tpu.wait_indirect_dma semaphore(%arg15 : memref<!tpu.dma_semaphore, #tpu.memory_space<semaphore_mem>>) src(%dma_wait3A_181 : memref<10016x128xf32, #tpu.memory_space<vmem_shared>>) dst(%arg11 : memref<16x128xf32, #tpu.memory_space<vmem>>)
      %run_scoped3A_182 = arith.constant 1 : i32
      "tpu.region"() ({
        %run_scoped3A_411 = tpu.sem_alloc : memref<!tpu.dma_semaphore, #tpu.memory_space<semaphore_mem>>
        %dma_start3A_412 = arith.constant 0 : i32
        %dma_start3A_413 = tpu.memref_slice %arg8[%run_scoped3A_182, %dma_start3A_412] : memref<8x16xi32, #tpu.memory_space<vmem>> -> memref<1x16xi32, #tpu.memory_space<vmem>>
        %dma_start3A_414 = tpu.memref_squeeze %dma_start3A_413 : memref<1x16xi32, #tpu.memory_space<vmem>> -> memref<16xi32, #tpu.memory_space<vmem>>
        %dma_start3A_415 = arith.constant 0 : i32
        %dma_start3A_416 = arith.constant 0 : i32
        %dma_start3A_417 = tpu.memref_slice %arg13[%dma_start3A_415, %dma_start3A_416] : memref<5120x128xf32, #tpu.memory_space<vmem_shared>> -> memref<5120x128xf32, #tpu.memory_space<vmem_shared>>
        tpu.enqueue_indirect_dma source(%arg11 : memref<16x128xf32, #tpu.memory_space<vmem>>) target(%dma_start3A_417 : memref<5120x128xf32, #tpu.memory_space<vmem_shared>>) offsets(%dma_start3A_414 : memref<16xi32, #tpu.memory_space<vmem>>) semaphore(%run_scoped3A_411 : memref<!tpu.dma_semaphore, #tpu.memory_space<semaphore_mem>>) {add = true}
        %dma_wait3A_418 = arith.constant 0 : i32
        %dma_wait3A_419 = tpu.memref_slice %arg8[%run_scoped3A_182, %dma_wait3A_418] : memref<8x16xi32, #tpu.memory_space<vmem>> -> memref<1x16xi32, #tpu.memory_space<vmem>>
        %dma_wait3A_420 = tpu.memref_squeeze %dma_wait3A_419 : memref<1x16xi32, #tpu.memory_space<vmem>> -> memref<16xi32, #tpu.memory_space<vmem>>
        %dma_wait3A_421 = arith.constant 0 : i32
        %dma_wait3A_422 = arith.constant 0 : i32
        %dma_wait3A_423 = tpu.memref_slice %arg13[%dma_wait3A_421, %dma_wait3A_422] : memref<5120x128xf32, #tpu.memory_space<vmem_shared>> -> memref<5120x128xf32, #tpu.memory_space<vmem_shared>>
        tpu.wait_indirect_dma semaphore(%run_scoped3A_411 : memref<!tpu.dma_semaphore, #tpu.memory_space<semaphore_mem>>) src(%arg11 : memref<16x128xf32, #tpu.memory_space<vmem>>) dst(%dma_wait3A_423 : memref<5120x128xf32, #tpu.memory_space<vmem_shared>>)
        tpu.yield
      }) : () -> ()
      %dma_start3A_183 = arith.constant 3 : i32
      %dma_start3A_184 = arith.constant 0 : i32
      %dma_start3A_185 = tpu.memref_slice %arg6[%dma_start3A_183, %dma_start3A_184] : memref<8x16xi32, #tpu.memory_space<vmem>> -> memref<1x16xi32, #tpu.memory_space<vmem>>
      %dma_start3A_186 = tpu.memref_squeeze %dma_start3A_185 : memref<1x16xi32, #tpu.memory_space<vmem>> -> memref<16xi32, #tpu.memory_space<vmem>>
      %dma_start3A_187 = arith.constant 0 : i32
      %dma_start3A_188 = arith.constant 0 : i32
      %dma_start3A_189 = tpu.memref_slice %arg12[%dma_start3A_187, %dma_start3A_188] : memref<10016x128xf32, #tpu.memory_space<vmem_shared>> -> memref<10016x128xf32, #tpu.memory_space<vmem_shared>>
      tpu.enqueue_indirect_dma source(%dma_start3A_189 : memref<10016x128xf32, #tpu.memory_space<vmem_shared>>) target(%arg11 : memref<16x128xf32, #tpu.memory_space<vmem>>) offsets(%dma_start3A_186 : memref<16xi32, #tpu.memory_space<vmem>>) semaphore(%arg15 : memref<!tpu.dma_semaphore, #tpu.memory_space<semaphore_mem>>)
      %dma_wait3A_190 = arith.constant 2 : i32
      %dma_wait3A_191 = arith.constant 0 : i32
      %dma_wait3A_192 = tpu.memref_slice %arg6[%dma_wait3A_190, %dma_wait3A_191] : memref<8x16xi32, #tpu.memory_space<vmem>> -> memref<1x16xi32, #tpu.memory_space<vmem>>
      %dma_wait3A_193 = tpu.memref_squeeze %dma_wait3A_192 : memref<1x16xi32, #tpu.memory_space<vmem>> -> memref<16xi32, #tpu.memory_space<vmem>>
      %dma_wait3A_194 = arith.constant 0 : i32
      %dma_wait3A_195 = arith.constant 0 : i32
      %dma_wait3A_196 = tpu.memref_slice %arg12[%dma_wait3A_194, %dma_wait3A_195] : memref<10016x128xf32, #tpu.memory_space<vmem_shared>> -> memref<10016x128xf32, #tpu.memory_space<vmem_shared>>
      tpu.wait_indirect_dma semaphore(%arg14 : memref<!tpu.dma_semaphore, #tpu.memory_space<semaphore_mem>>) src(%dma_wait3A_196 : memref<10016x128xf32, #tpu.memory_space<vmem_shared>>) dst(%arg10 : memref<16x128xf32, #tpu.memory_space<vmem>>)
      %run_scoped3A_197 = arith.constant 2 : i32
      "tpu.region"() ({
        %run_scoped3A_411 = tpu.sem_alloc : memref<!tpu.dma_semaphore, #tpu.memory_space<semaphore_mem>>
        %dma_start3A_412 = arith.constant 0 : i32
        %dma_start3A_413 = tpu.memref_slice %arg8[%run_scoped3A_197, %dma_start3A_412] : memref<8x16xi32, #tpu.memory_space<vmem>> -> memref<1x16xi32, #tpu.memory_space<vmem>>
        %dma_start3A_414 = tpu.memref_squeeze %dma_start3A_413 : memref<1x16xi32, #tpu.memory_space<vmem>> -> memref<16xi32, #tpu.memory_space<vmem>>
        %dma_start3A_415 = arith.constant 0 : i32
        %dma_start3A_416 = arith.constant 0 : i32
        %dma_start3A_417 = tpu.memref_slice %arg13[%dma_start3A_415, %dma_start3A_416] : memref<5120x128xf32, #tpu.memory_space<vmem_shared>> -> memref<5120x128xf32, #tpu.memory_space<vmem_shared>>
        tpu.enqueue_indirect_dma source(%arg10 : memref<16x128xf32, #tpu.memory_space<vmem>>) target(%dma_start3A_417 : memref<5120x128xf32, #tpu.memory_space<vmem_shared>>) offsets(%dma_start3A_414 : memref<16xi32, #tpu.memory_space<vmem>>) semaphore(%run_scoped3A_411 : memref<!tpu.dma_semaphore, #tpu.memory_space<semaphore_mem>>) {add = true}
        %dma_wait3A_418 = arith.constant 0 : i32
        %dma_wait3A_419 = tpu.memref_slice %arg8[%run_scoped3A_197, %dma_wait3A_418] : memref<8x16xi32, #tpu.memory_space<vmem>> -> memref<1x16xi32, #tpu.memory_space<vmem>>
        %dma_wait3A_420 = tpu.memref_squeeze %dma_wait3A_419 : memref<1x16xi32, #tpu.memory_space<vmem>> -> memref<16xi32, #tpu.memory_space<vmem>>
        %dma_wait3A_421 = arith.constant 0 : i32
        %dma_wait3A_422 = arith.constant 0 : i32
        %dma_wait3A_423 = tpu.memref_slice %arg13[%dma_wait3A_421, %dma_wait3A_422] : memref<5120x128xf32, #tpu.memory_space<vmem_shared>> -> memref<5120x128xf32, #tpu.memory_space<vmem_shared>>
        tpu.wait_indirect_dma semaphore(%run_scoped3A_411 : memref<!tpu.dma_semaphore, #tpu.memory_space<semaphore_mem>>) src(%arg10 : memref<16x128xf32, #tpu.memory_space<vmem>>) dst(%dma_wait3A_423 : memref<5120x128xf32, #tpu.memory_space<vmem_shared>>)
        tpu.yield
      }) : () -> ()
      %dma_start3A_198 = arith.constant 4 : i32
      %dma_start3A_199 = arith.constant 0 : i32
      %dma_start3A_200 = tpu.memref_slice %arg6[%dma_start3A_198, %dma_start3A_199] : memref<8x16xi32, #tpu.memory_space<vmem>> -> memref<1x16xi32, #tpu.memory_space<vmem>>
      %dma_start3A_201 = tpu.memref_squeeze %dma_start3A_200 : memref<1x16xi32, #tpu.memory_space<vmem>> -> memref<16xi32, #tpu.memory_space<vmem>>
      %dma_start3A_202 = arith.constant 0 : i32
      %dma_start3A_203 = arith.constant 0 : i32
      %dma_start3A_204 = tpu.memref_slice %arg12[%dma_start3A_202, %dma_start3A_203] : memref<10016x128xf32, #tpu.memory_space<vmem_shared>> -> memref<10016x128xf32, #tpu.memory_space<vmem_shared>>
      tpu.enqueue_indirect_dma source(%dma_start3A_204 : memref<10016x128xf32, #tpu.memory_space<vmem_shared>>) target(%arg10 : memref<16x128xf32, #tpu.memory_space<vmem>>) offsets(%dma_start3A_201 : memref<16xi32, #tpu.memory_space<vmem>>) semaphore(%arg14 : memref<!tpu.dma_semaphore, #tpu.memory_space<semaphore_mem>>)
      %dma_wait3A_205 = arith.constant 3 : i32
      %dma_wait3A_206 = arith.constant 0 : i32
      %dma_wait3A_207 = tpu.memref_slice %arg6[%dma_wait3A_205, %dma_wait3A_206] : memref<8x16xi32, #tpu.memory_space<vmem>> -> memref<1x16xi32, #tpu.memory_space<vmem>>
      %dma_wait3A_208 = tpu.memref_squeeze %dma_wait3A_207 : memref<1x16xi32, #tpu.memory_space<vmem>> -> memref<16xi32, #tpu.memory_space<vmem>>
      %dma_wait3A_209 = arith.constant 0 : i32
      %dma_wait3A_210 = arith.constant 0 : i32
      %dma_wait3A_211 = tpu.memref_slice %arg12[%dma_wait3A_209, %dma_wait3A_210] : memref<10016x128xf32, #tpu.memory_space<vmem_shared>> -> memref<10016x128xf32, #tpu.memory_space<vmem_shared>>
      tpu.wait_indirect_dma semaphore(%arg15 : memref<!tpu.dma_semaphore, #tpu.memory_space<semaphore_mem>>) src(%dma_wait3A_211 : memref<10016x128xf32, #tpu.memory_space<vmem_shared>>) dst(%arg11 : memref<16x128xf32, #tpu.memory_space<vmem>>)
      %run_scoped3A_212 = arith.constant 3 : i32
      "tpu.region"() ({
        %run_scoped3A_411 = tpu.sem_alloc : memref<!tpu.dma_semaphore, #tpu.memory_space<semaphore_mem>>
        %dma_start3A_412 = arith.constant 0 : i32
        %dma_start3A_413 = tpu.memref_slice %arg8[%run_scoped3A_212, %dma_start3A_412] : memref<8x16xi32, #tpu.memory_space<vmem>> -> memref<1x16xi32, #tpu.memory_space<vmem>>
        %dma_start3A_414 = tpu.memref_squeeze %dma_start3A_413 : memref<1x16xi32, #tpu.memory_space<vmem>> -> memref<16xi32, #tpu.memory_space<vmem>>
        %dma_start3A_415 = arith.constant 0 : i32
        %dma_start3A_416 = arith.constant 0 : i32
        %dma_start3A_417 = tpu.memref_slice %arg13[%dma_start3A_415, %dma_start3A_416] : memref<5120x128xf32, #tpu.memory_space<vmem_shared>> -> memref<5120x128xf32, #tpu.memory_space<vmem_shared>>
        tpu.enqueue_indirect_dma source(%arg11 : memref<16x128xf32, #tpu.memory_space<vmem>>) target(%dma_start3A_417 : memref<5120x128xf32, #tpu.memory_space<vmem_shared>>) offsets(%dma_start3A_414 : memref<16xi32, #tpu.memory_space<vmem>>) semaphore(%run_scoped3A_411 : memref<!tpu.dma_semaphore, #tpu.memory_space<semaphore_mem>>) {add = true}
        %dma_wait3A_418 = arith.constant 0 : i32
        %dma_wait3A_419 = tpu.memref_slice %arg8[%run_scoped3A_212, %dma_wait3A_418] : memref<8x16xi32, #tpu.memory_space<vmem>> -> memref<1x16xi32, #tpu.memory_space<vmem>>
        %dma_wait3A_420 = tpu.memref_squeeze %dma_wait3A_419 : memref<1x16xi32, #tpu.memory_space<vmem>> -> memref<16xi32, #tpu.memory_space<vmem>>
        %dma_wait3A_421 = arith.constant 0 : i32
        %dma_wait3A_422 = arith.constant 0 : i32
        %dma_wait3A_423 = tpu.memref_slice %arg13[%dma_wait3A_421, %dma_wait3A_422] : memref<5120x128xf32, #tpu.memory_space<vmem_shared>> -> memref<5120x128xf32, #tpu.memory_space<vmem_shared>>
        tpu.wait_indirect_dma semaphore(%run_scoped3A_411 : memref<!tpu.dma_semaphore, #tpu.memory_space<semaphore_mem>>) src(%arg11 : memref<16x128xf32, #tpu.memory_space<vmem>>) dst(%dma_wait3A_423 : memref<5120x128xf32, #tpu.memory_space<vmem_shared>>)
        tpu.yield
      }) : () -> ()
      %dma_start3A_213 = arith.constant 5 : i32
      %dma_start3A_214 = arith.constant 0 : i32
      %dma_start3A_215 = tpu.memref_slice %arg6[%dma_start3A_213, %dma_start3A_214] : memref<8x16xi32, #tpu.memory_space<vmem>> -> memref<1x16xi32, #tpu.memory_space<vmem>>
      %dma_start3A_216 = tpu.memref_squeeze %dma_start3A_215 : memref<1x16xi32, #tpu.memory_space<vmem>> -> memref<16xi32, #tpu.memory_space<vmem>>
      %dma_start3A_217 = arith.constant 0 : i32
      %dma_start3A_218 = arith.constant 0 : i32
      %dma_start3A_219 = tpu.memref_slice %arg12[%dma_start3A_217, %dma_start3A_218] : memref<10016x128xf32, #tpu.memory_space<vmem_shared>> -> memref<10016x128xf32, #tpu.memory_space<vmem_shared>>
      tpu.enqueue_indirect_dma source(%dma_start3A_219 : memref<10016x128xf32, #tpu.memory_space<vmem_shared>>) target(%arg11 : memref<16x128xf32, #tpu.memory_space<vmem>>) offsets(%dma_start3A_216 : memref<16xi32, #tpu.memory_space<vmem>>) semaphore(%arg15 : memref<!tpu.dma_semaphore, #tpu.memory_space<semaphore_mem>>)
      %dma_wait3A_220 = arith.constant 4 : i32
      %dma_wait3A_221 = arith.constant 0 : i32
      %dma_wait3A_222 = tpu.memref_slice %arg6[%dma_wait3A_220, %dma_wait3A_221] : memref<8x16xi32, #tpu.memory_space<vmem>> -> memref<1x16xi32, #tpu.memory_space<vmem>>
      %dma_wait3A_223 = tpu.memref_squeeze %dma_wait3A_222 : memref<1x16xi32, #tpu.memory_space<vmem>> -> memref<16xi32, #tpu.memory_space<vmem>>
      %dma_wait3A_224 = arith.constant 0 : i32
      %dma_wait3A_225 = arith.constant 0 : i32
      %dma_wait3A_226 = tpu.memref_slice %arg12[%dma_wait3A_224, %dma_wait3A_225] : memref<10016x128xf32, #tpu.memory_space<vmem_shared>> -> memref<10016x128xf32, #tpu.memory_space<vmem_shared>>
      tpu.wait_indirect_dma semaphore(%arg14 : memref<!tpu.dma_semaphore, #tpu.memory_space<semaphore_mem>>) src(%dma_wait3A_226 : memref<10016x128xf32, #tpu.memory_space<vmem_shared>>) dst(%arg10 : memref<16x128xf32, #tpu.memory_space<vmem>>)
      %run_scoped3A_227 = arith.constant 4 : i32
      "tpu.region"() ({
        %run_scoped3A_411 = tpu.sem_alloc : memref<!tpu.dma_semaphore, #tpu.memory_space<semaphore_mem>>
        %dma_start3A_412 = arith.constant 0 : i32
        %dma_start3A_413 = tpu.memref_slice %arg8[%run_scoped3A_227, %dma_start3A_412] : memref<8x16xi32, #tpu.memory_space<vmem>> -> memref<1x16xi32, #tpu.memory_space<vmem>>
        %dma_start3A_414 = tpu.memref_squeeze %dma_start3A_413 : memref<1x16xi32, #tpu.memory_space<vmem>> -> memref<16xi32, #tpu.memory_space<vmem>>
        %dma_start3A_415 = arith.constant 0 : i32
        %dma_start3A_416 = arith.constant 0 : i32
        %dma_start3A_417 = tpu.memref_slice %arg13[%dma_start3A_415, %dma_start3A_416] : memref<5120x128xf32, #tpu.memory_space<vmem_shared>> -> memref<5120x128xf32, #tpu.memory_space<vmem_shared>>
        tpu.enqueue_indirect_dma source(%arg10 : memref<16x128xf32, #tpu.memory_space<vmem>>) target(%dma_start3A_417 : memref<5120x128xf32, #tpu.memory_space<vmem_shared>>) offsets(%dma_start3A_414 : memref<16xi32, #tpu.memory_space<vmem>>) semaphore(%run_scoped3A_411 : memref<!tpu.dma_semaphore, #tpu.memory_space<semaphore_mem>>) {add = true}
        %dma_wait3A_418 = arith.constant 0 : i32
        %dma_wait3A_419 = tpu.memref_slice %arg8[%run_scoped3A_227, %dma_wait3A_418] : memref<8x16xi32, #tpu.memory_space<vmem>> -> memref<1x16xi32, #tpu.memory_space<vmem>>
        %dma_wait3A_420 = tpu.memref_squeeze %dma_wait3A_419 : memref<1x16xi32, #tpu.memory_space<vmem>> -> memref<16xi32, #tpu.memory_space<vmem>>
        %dma_wait3A_421 = arith.constant 0 : i32
        %dma_wait3A_422 = arith.constant 0 : i32
        %dma_wait3A_423 = tpu.memref_slice %arg13[%dma_wait3A_421, %dma_wait3A_422] : memref<5120x128xf32, #tpu.memory_space<vmem_shared>> -> memref<5120x128xf32, #tpu.memory_space<vmem_shared>>
        tpu.wait_indirect_dma semaphore(%run_scoped3A_411 : memref<!tpu.dma_semaphore, #tpu.memory_space<semaphore_mem>>) src(%arg10 : memref<16x128xf32, #tpu.memory_space<vmem>>) dst(%dma_wait3A_423 : memref<5120x128xf32, #tpu.memory_space<vmem_shared>>)
        tpu.yield
      }) : () -> ()
      %dma_start3A_228 = arith.constant 6 : i32
      %dma_start3A_229 = arith.constant 0 : i32
      %dma_start3A_230 = tpu.memref_slice %arg6[%dma_start3A_228, %dma_start3A_229] : memref<8x16xi32, #tpu.memory_space<vmem>> -> memref<1x16xi32, #tpu.memory_space<vmem>>
      %dma_start3A_231 = tpu.memref_squeeze %dma_start3A_230 : memref<1x16xi32, #tpu.memory_space<vmem>> -> memref<16xi32, #tpu.memory_space<vmem>>
      %dma_start3A_232 = arith.constant 0 : i32
      %dma_start3A_233 = arith.constant 0 : i32
      %dma_start3A_234 = tpu.memref_slice %arg12[%dma_start3A_232, %dma_start3A_233] : memref<10016x128xf32, #tpu.memory_space<vmem_shared>> -> memref<10016x128xf32, #tpu.memory_space<vmem_shared>>
      tpu.enqueue_indirect_dma source(%dma_start3A_234 : memref<10016x128xf32, #tpu.memory_space<vmem_shared>>) target(%arg10 : memref<16x128xf32, #tpu.memory_space<vmem>>) offsets(%dma_start3A_231 : memref<16xi32, #tpu.memory_space<vmem>>) semaphore(%arg14 : memref<!tpu.dma_semaphore, #tpu.memory_space<semaphore_mem>>)
      %dma_wait3A_235 = arith.constant 5 : i32
      %dma_wait3A_236 = arith.constant 0 : i32
      %dma_wait3A_237 = tpu.memref_slice %arg6[%dma_wait3A_235, %dma_wait3A_236] : memref<8x16xi32, #tpu.memory_space<vmem>> -> memref<1x16xi32, #tpu.memory_space<vmem>>
      %dma_wait3A_238 = tpu.memref_squeeze %dma_wait3A_237 : memref<1x16xi32, #tpu.memory_space<vmem>> -> memref<16xi32, #tpu.memory_space<vmem>>
      %dma_wait3A_239 = arith.constant 0 : i32
      %dma_wait3A_240 = arith.constant 0 : i32
      %dma_wait3A_241 = tpu.memref_slice %arg12[%dma_wait3A_239, %dma_wait3A_240] : memref<10016x128xf32, #tpu.memory_space<vmem_shared>> -> memref<10016x128xf32, #tpu.memory_space<vmem_shared>>
      tpu.wait_indirect_dma semaphore(%arg15 : memref<!tpu.dma_semaphore, #tpu.memory_space<semaphore_mem>>) src(%dma_wait3A_241 : memref<10016x128xf32, #tpu.memory_space<vmem_shared>>) dst(%arg11 : memref<16x128xf32, #tpu.memory_space<vmem>>)
      %run_scoped3A_242 = arith.constant 5 : i32
      "tpu.region"() ({
        %run_scoped3A_411 = tpu.sem_alloc : memref<!tpu.dma_semaphore, #tpu.memory_space<semaphore_mem>>
        %dma_start3A_412 = arith.constant 0 : i32
        %dma_start3A_413 = tpu.memref_slice %arg8[%run_scoped3A_242, %dma_start3A_412] : memref<8x16xi32, #tpu.memory_space<vmem>> -> memref<1x16xi32, #tpu.memory_space<vmem>>
        %dma_start3A_414 = tpu.memref_squeeze %dma_start3A_413 : memref<1x16xi32, #tpu.memory_space<vmem>> -> memref<16xi32, #tpu.memory_space<vmem>>
        %dma_start3A_415 = arith.constant 0 : i32
        %dma_start3A_416 = arith.constant 0 : i32
        %dma_start3A_417 = tpu.memref_slice %arg13[%dma_start3A_415, %dma_start3A_416] : memref<5120x128xf32, #tpu.memory_space<vmem_shared>> -> memref<5120x128xf32, #tpu.memory_space<vmem_shared>>
        tpu.enqueue_indirect_dma source(%arg11 : memref<16x128xf32, #tpu.memory_space<vmem>>) target(%dma_start3A_417 : memref<5120x128xf32, #tpu.memory_space<vmem_shared>>) offsets(%dma_start3A_414 : memref<16xi32, #tpu.memory_space<vmem>>) semaphore(%run_scoped3A_411 : memref<!tpu.dma_semaphore, #tpu.memory_space<semaphore_mem>>) {add = true}
        %dma_wait3A_418 = arith.constant 0 : i32
        %dma_wait3A_419 = tpu.memref_slice %arg8[%run_scoped3A_242, %dma_wait3A_418] : memref<8x16xi32, #tpu.memory_space<vmem>> -> memref<1x16xi32, #tpu.memory_space<vmem>>
        %dma_wait3A_420 = tpu.memref_squeeze %dma_wait3A_419 : memref<1x16xi32, #tpu.memory_space<vmem>> -> memref<16xi32, #tpu.memory_space<vmem>>
        %dma_wait3A_421 = arith.constant 0 : i32
        %dma_wait3A_422 = arith.constant 0 : i32
        %dma_wait3A_423 = tpu.memref_slice %arg13[%dma_wait3A_421, %dma_wait3A_422] : memref<5120x128xf32, #tpu.memory_space<vmem_shared>> -> memref<5120x128xf32, #tpu.memory_space<vmem_shared>>
        tpu.wait_indirect_dma semaphore(%run_scoped3A_411 : memref<!tpu.dma_semaphore, #tpu.memory_space<semaphore_mem>>) src(%arg11 : memref<16x128xf32, #tpu.memory_space<vmem>>) dst(%dma_wait3A_423 : memref<5120x128xf32, #tpu.memory_space<vmem_shared>>)
        tpu.yield
      }) : () -> ()
      %dma_start3A_243 = arith.constant 7 : i32
      %dma_start3A_244 = arith.constant 0 : i32
      %dma_start3A_245 = tpu.memref_slice %arg6[%dma_start3A_243, %dma_start3A_244] : memref<8x16xi32, #tpu.memory_space<vmem>> -> memref<1x16xi32, #tpu.memory_space<vmem>>
      %dma_start3A_246 = tpu.memref_squeeze %dma_start3A_245 : memref<1x16xi32, #tpu.memory_space<vmem>> -> memref<16xi32, #tpu.memory_space<vmem>>
      %dma_start3A_247 = arith.constant 0 : i32
      %dma_start3A_248 = arith.constant 0 : i32
      %dma_start3A_249 = tpu.memref_slice %arg12[%dma_start3A_247, %dma_start3A_248] : memref<10016x128xf32, #tpu.memory_space<vmem_shared>> -> memref<10016x128xf32, #tpu.memory_space<vmem_shared>>
      tpu.enqueue_indirect_dma source(%dma_start3A_249 : memref<10016x128xf32, #tpu.memory_space<vmem_shared>>) target(%arg11 : memref<16x128xf32, #tpu.memory_space<vmem>>) offsets(%dma_start3A_246 : memref<16xi32, #tpu.memory_space<vmem>>) semaphore(%arg15 : memref<!tpu.dma_semaphore, #tpu.memory_space<semaphore_mem>>)
      %dma_wait3A_250 = arith.constant 6 : i32
      %dma_wait3A_251 = arith.constant 0 : i32
      %dma_wait3A_252 = tpu.memref_slice %arg6[%dma_wait3A_250, %dma_wait3A_251] : memref<8x16xi32, #tpu.memory_space<vmem>> -> memref<1x16xi32, #tpu.memory_space<vmem>>
      %dma_wait3A_253 = tpu.memref_squeeze %dma_wait3A_252 : memref<1x16xi32, #tpu.memory_space<vmem>> -> memref<16xi32, #tpu.memory_space<vmem>>
      %dma_wait3A_254 = arith.constant 0 : i32
      %dma_wait3A_255 = arith.constant 0 : i32
      %dma_wait3A_256 = tpu.memref_slice %arg12[%dma_wait3A_254, %dma_wait3A_255] : memref<10016x128xf32, #tpu.memory_space<vmem_shared>> -> memref<10016x128xf32, #tpu.memory_space<vmem_shared>>
      tpu.wait_indirect_dma semaphore(%arg14 : memref<!tpu.dma_semaphore, #tpu.memory_space<semaphore_mem>>) src(%dma_wait3A_256 : memref<10016x128xf32, #tpu.memory_space<vmem_shared>>) dst(%arg10 : memref<16x128xf32, #tpu.memory_space<vmem>>)
      %run_scoped3A_257 = arith.constant 6 : i32
      "tpu.region"() ({
        %run_scoped3A_411 = tpu.sem_alloc : memref<!tpu.dma_semaphore, #tpu.memory_space<semaphore_mem>>
        %dma_start3A_412 = arith.constant 0 : i32
        %dma_start3A_413 = tpu.memref_slice %arg8[%run_scoped3A_257, %dma_start3A_412] : memref<8x16xi32, #tpu.memory_space<vmem>> -> memref<1x16xi32, #tpu.memory_space<vmem>>
        %dma_start3A_414 = tpu.memref_squeeze %dma_start3A_413 : memref<1x16xi32, #tpu.memory_space<vmem>> -> memref<16xi32, #tpu.memory_space<vmem>>
        %dma_start3A_415 = arith.constant 0 : i32
        %dma_start3A_416 = arith.constant 0 : i32
        %dma_start3A_417 = tpu.memref_slice %arg13[%dma_start3A_415, %dma_start3A_416] : memref<5120x128xf32, #tpu.memory_space<vmem_shared>> -> memref<5120x128xf32, #tpu.memory_space<vmem_shared>>
        tpu.enqueue_indirect_dma source(%arg10 : memref<16x128xf32, #tpu.memory_space<vmem>>) target(%dma_start3A_417 : memref<5120x128xf32, #tpu.memory_space<vmem_shared>>) offsets(%dma_start3A_414 : memref<16xi32, #tpu.memory_space<vmem>>) semaphore(%run_scoped3A_411 : memref<!tpu.dma_semaphore, #tpu.memory_space<semaphore_mem>>) {add = true}
        %dma_wait3A_418 = arith.constant 0 : i32
        %dma_wait3A_419 = tpu.memref_slice %arg8[%run_scoped3A_257, %dma_wait3A_418] : memref<8x16xi32, #tpu.memory_space<vmem>> -> memref<1x16xi32, #tpu.memory_space<vmem>>
        %dma_wait3A_420 = tpu.memref_squeeze %dma_wait3A_419 : memref<1x16xi32, #tpu.memory_space<vmem>> -> memref<16xi32, #tpu.memory_space<vmem>>
        %dma_wait3A_421 = arith.constant 0 : i32
        %dma_wait3A_422 = arith.constant 0 : i32
        %dma_wait3A_423 = tpu.memref_slice %arg13[%dma_wait3A_421, %dma_wait3A_422] : memref<5120x128xf32, #tpu.memory_space<vmem_shared>> -> memref<5120x128xf32, #tpu.memory_space<vmem_shared>>
        tpu.wait_indirect_dma semaphore(%run_scoped3A_411 : memref<!tpu.dma_semaphore, #tpu.memory_space<semaphore_mem>>) src(%arg10 : memref<16x128xf32, #tpu.memory_space<vmem>>) dst(%dma_wait3A_423 : memref<5120x128xf32, #tpu.memory_space<vmem_shared>>)
        tpu.yield
      }) : () -> ()
      %dma_wait3A_258 = arith.constant 7 : i32
      %dma_wait3A_259 = arith.constant 0 : i32
      %dma_wait3A_260 = tpu.memref_slice %arg6[%dma_wait3A_258, %dma_wait3A_259] : memref<8x16xi32, #tpu.memory_space<vmem>> -> memref<1x16xi32, #tpu.memory_space<vmem>>
      %dma_wait3A_261 = tpu.memref_squeeze %dma_wait3A_260 : memref<1x16xi32, #tpu.memory_space<vmem>> -> memref<16xi32, #tpu.memory_space<vmem>>
      %dma_wait3A_262 = arith.constant 0 : i32
      %dma_wait3A_263 = arith.constant 0 : i32
      %dma_wait3A_264 = tpu.memref_slice %arg12[%dma_wait3A_262, %dma_wait3A_263] : memref<10016x128xf32, #tpu.memory_space<vmem_shared>> -> memref<10016x128xf32, #tpu.memory_space<vmem_shared>>
      tpu.wait_indirect_dma semaphore(%arg15 : memref<!tpu.dma_semaphore, #tpu.memory_space<semaphore_mem>>) src(%dma_wait3A_264 : memref<10016x128xf32, #tpu.memory_space<vmem_shared>>) dst(%arg11 : memref<16x128xf32, #tpu.memory_space<vmem>>)
      %run_scoped3A_265 = arith.constant 7 : i32
      "tpu.region"() ({
        %run_scoped3A_411 = tpu.sem_alloc : memref<!tpu.dma_semaphore, #tpu.memory_space<semaphore_mem>>
        %dma_start3A_412 = arith.constant 0 : i32
        %dma_start3A_413 = tpu.memref_slice %arg8[%run_scoped3A_265, %dma_start3A_412] : memref<8x16xi32, #tpu.memory_space<vmem>> -> memref<1x16xi32, #tpu.memory_space<vmem>>
        %dma_start3A_414 = tpu.memref_squeeze %dma_start3A_413 : memref<1x16xi32, #tpu.memory_space<vmem>> -> memref<16xi32, #tpu.memory_space<vmem>>
        %dma_start3A_415 = arith.constant 0 : i32
        %dma_start3A_416 = arith.constant 0 : i32
        %dma_start3A_417 = tpu.memref_slice %arg13[%dma_start3A_415, %dma_start3A_416] : memref<5120x128xf32, #tpu.memory_space<vmem_shared>> -> memref<5120x128xf32, #tpu.memory_space<vmem_shared>>
        tpu.enqueue_indirect_dma source(%arg11 : memref<16x128xf32, #tpu.memory_space<vmem>>) target(%dma_start3A_417 : memref<5120x128xf32, #tpu.memory_space<vmem_shared>>) offsets(%dma_start3A_414 : memref<16xi32, #tpu.memory_space<vmem>>) semaphore(%run_scoped3A_411 : memref<!tpu.dma_semaphore, #tpu.memory_space<semaphore_mem>>) {add = true}
        %dma_wait3A_418 = arith.constant 0 : i32
        %dma_wait3A_419 = tpu.memref_slice %arg8[%run_scoped3A_265, %dma_wait3A_418] : memref<8x16xi32, #tpu.memory_space<vmem>> -> memref<1x16xi32, #tpu.memory_space<vmem>>
        %dma_wait3A_420 = tpu.memref_squeeze %dma_wait3A_419 : memref<1x16xi32, #tpu.memory_space<vmem>> -> memref<16xi32, #tpu.memory_space<vmem>>
        %dma_wait3A_421 = arith.constant 0 : i32
        %dma_wait3A_422 = arith.constant 0 : i32
        %dma_wait3A_423 = tpu.memref_slice %arg13[%dma_wait3A_421, %dma_wait3A_422] : memref<5120x128xf32, #tpu.memory_space<vmem_shared>> -> memref<5120x128xf32, #tpu.memory_space<vmem_shared>>
        tpu.wait_indirect_dma semaphore(%run_scoped3A_411 : memref<!tpu.dma_semaphore, #tpu.memory_space<semaphore_mem>>) src(%arg11 : memref<16x128xf32, #tpu.memory_space<vmem>>) dst(%dma_wait3A_423 : memref<5120x128xf32, #tpu.memory_space<vmem_shared>>)
        tpu.yield
      }) : () -> ()
      %add3A_266 = arith.constant 1 : i32
      %add3A_267 = arith.addi %mul3A_140, %add3A_266 : i32
      %lt3A_268 = arith.constant 168 : i32
      %lt3A_269 = arith.cmpi slt, %add3A_267, %lt3A_268 : i32
      %convert_element_type3A_270 = arith.extui %lt3A_269 : i1 to i32
      %cond3A_271 = arith.constant 0 : i32
      %cond3A_272 = arith.cmpi ne, %convert_element_type3A_270, %cond3A_271 : i32
      scf.if %cond3A_272 {
        %dma_wait3A_411 = arith.constant 0 : i32
        %dma_wait3A_412 = arith.constant 0 : i32
        %dma_wait3A_413 = tpu.memref_slice %arg3[%arg1, %dma_wait3A_411, %dma_wait3A_412] : memref<16x1344x16xi32, #tpu.memory_space<hbm>> -> memref<1x8x16xi32, #tpu.memory_space<hbm>>
        %dma_wait3A_414 = tpu.memref_squeeze %dma_wait3A_413 : memref<1x8x16xi32, #tpu.memory_space<hbm>> -> memref<8x16xi32, #tpu.memory_space<hbm>>
        %dma_wait3A_415 = arith.constant 0 : i32
        %dma_wait3A_416 = arith.constant 0 : i32
        %dma_wait3A_417 = tpu.memref_slice %arg3[%arg1, %dma_wait3A_415, %dma_wait3A_416] : memref<16x1344x16xi32, #tpu.memory_space<hbm>> -> memref<1x8x16xi32, #tpu.memory_space<hbm>>
        %dma_wait3A_418 = tpu.memref_squeeze %dma_wait3A_417 : memref<1x8x16xi32, #tpu.memory_space<hbm>> -> memref<8x16xi32, #tpu.memory_space<hbm>>
        tpu.wait_dma2 semaphore(%arg16 : memref<!tpu.dma_semaphore, #tpu.memory_space<semaphore_mem>>) src(%dma_wait3A_418 : memref<8x16xi32, #tpu.memory_space<hbm>>) dst(%arg7 : memref<8x16xi32, #tpu.memory_space<vmem>>)
        %dma_wait3A_419 = arith.constant 1 : i32
        %dma_wait3A_420 = arith.constant 0 : i32
        %dma_wait3A_421 = arith.constant 0 : i32
        %dma_wait3A_422 = tpu.memref_slice %arg4[%dma_wait3A_419, %arg1, %dma_wait3A_420, %dma_wait3A_421] : memref<2x16x1344x16xi32, #tpu.memory_space<hbm>> -> memref<1x1x8x16xi32, #tpu.memory_space<hbm>>
        %dma_wait3A_423 = tpu.memref_squeeze %dma_wait3A_422 : memref<1x1x8x16xi32, #tpu.memory_space<hbm>> -> memref<8x16xi32, #tpu.memory_space<hbm>>
        %dma_wait3A_424 = arith.constant 0 : i32
        %dma_wait3A_425 = arith.constant 0 : i32
        %dma_wait3A_426 = tpu.memref_slice %arg4[%dma_wait3A_419, %arg1, %dma_wait3A_424, %dma_wait3A_425] : memref<2x16x1344x16xi32, #tpu.memory_space<hbm>> -> memref<1x1x8x16xi32, #tpu.memory_space<hbm>>
        %dma_wait3A_427 = tpu.memref_squeeze %dma_wait3A_426 : memref<1x1x8x16xi32, #tpu.memory_space<hbm>> -> memref<8x16xi32, #tpu.memory_space<hbm>>
        tpu.wait_dma2 semaphore(%arg17 : memref<!tpu.dma_semaphore, #tpu.memory_space<semaphore_mem>>) src(%dma_wait3A_427 : memref<8x16xi32, #tpu.memory_space<hbm>>) dst(%arg9 : memref<8x16xi32, #tpu.memory_space<vmem>>)
      } else {
      }
      %mul3A_273 = arith.constant 2 : i32
      %mul3A_274 = arith.muli %mul3A_273, %scan3A_138 : i32
      %add3A_275 = arith.constant 1 : i32
      %add3A_276 = arith.addi %mul3A_274, %add3A_275 : i32
      %add3A_277 = arith.constant 1 : i32
      %add3A_278 = arith.addi %add3A_276, %add3A_277 : i32
      %lt3A_279 = arith.constant 168 : i32
      %lt3A_280 = arith.cmpi slt, %add3A_278, %lt3A_279 : i32
      %convert_element_type3A_281 = arith.extui %lt3A_280 : i1 to i32
      %cond3A_282 = arith.constant 0 : i32
      %cond3A_283 = arith.cmpi ne, %convert_element_type3A_281, %cond3A_282 : i32
      scf.if %cond3A_283 {
        %add3A_411 = arith.constant 1 : i32
        %add3A_412 = arith.addi %add3A_276, %add3A_411 : i32
        %mul3A_413 = arith.constant 8 : i32
        %mul3A_414 = arith.muli %add3A_412, %mul3A_413 : i32
        %dma_start3A_415 = arith.constant 0 : i32
        %dma_start3A_416 = tpu.memref_slice %arg3[%arg1, %mul3A_414, %dma_start3A_415] : memref<16x1344x16xi32, #tpu.memory_space<hbm>> -> memref<1x8x16xi32, #tpu.memory_space<hbm>>
        %dma_start3A_417 = tpu.memref_squeeze %dma_start3A_416 : memref<1x8x16xi32, #tpu.memory_space<hbm>> -> memref<8x16xi32, #tpu.memory_space<hbm>>
        %dma_start3A_418 = arith.constant 0 : i32
        %dma_start3A_419 = tpu.memref_slice %arg3[%arg1, %mul3A_414, %dma_start3A_418] : memref<16x1344x16xi32, #tpu.memory_space<hbm>> -> memref<1x8x16xi32, #tpu.memory_space<hbm>>
        %dma_start3A_420 = tpu.memref_squeeze %dma_start3A_419 : memref<1x8x16xi32, #tpu.memory_space<hbm>> -> memref<8x16xi32, #tpu.memory_space<hbm>>
        tpu.enqueue_dma source(%dma_start3A_420 : memref<8x16xi32, #tpu.memory_space<hbm>>) target(%arg6 : memref<8x16xi32, #tpu.memory_space<vmem>>) target_semaphore(%arg16 : memref<!tpu.dma_semaphore, #tpu.memory_space<semaphore_mem>>)
        %add3A_421 = arith.constant 1 : i32
        %add3A_422 = arith.addi %add3A_276, %add3A_421 : i32
        %mul3A_423 = arith.constant 8 : i32
        %mul3A_424 = arith.muli %add3A_422, %mul3A_423 : i32
        %dma_start3A_425 = arith.constant 1 : i32
        %dma_start3A_426 = arith.constant 0 : i32
        %dma_start3A_427 = tpu.memref_slice %arg4[%dma_start3A_425, %arg1, %mul3A_424, %dma_start3A_426] : memref<2x16x1344x16xi32, #tpu.memory_space<hbm>> -> memref<1x1x8x16xi32, #tpu.memory_space<hbm>>
        %dma_start3A_428 = tpu.memref_squeeze %dma_start3A_427 : memref<1x1x8x16xi32, #tpu.memory_space<hbm>> -> memref<8x16xi32, #tpu.memory_space<hbm>>
        %dma_start3A_429 = arith.constant 0 : i32
        %dma_start3A_430 = tpu.memref_slice %arg4[%dma_start3A_425, %arg1, %mul3A_424, %dma_start3A_429] : memref<2x16x1344x16xi32, #tpu.memory_space<hbm>> -> memref<1x1x8x16xi32, #tpu.memory_space<hbm>>
        %dma_start3A_431 = tpu.memref_squeeze %dma_start3A_430 : memref<1x1x8x16xi32, #tpu.memory_space<hbm>> -> memref<8x16xi32, #tpu.memory_space<hbm>>
        tpu.enqueue_dma source(%dma_start3A_431 : memref<8x16xi32, #tpu.memory_space<hbm>>) target(%arg8 : memref<8x16xi32, #tpu.memory_space<vmem>>) target_semaphore(%arg17 : memref<!tpu.dma_semaphore, #tpu.memory_space<semaphore_mem>>)
      } else {
      }
      %dma_start3A_284 = arith.constant 0 : i32
      %dma_start3A_285 = arith.constant 0 : i32
      %dma_start3A_286 = tpu.memref_slice %arg7[%dma_start3A_284, %dma_start3A_285] : memref<8x16xi32, #tpu.memory_space<vmem>> -> memref<1x16xi32, #tpu.memory_space<vmem>>
      %dma_start3A_287 = tpu.memref_squeeze %dma_start3A_286 : memref<1x16xi32, #tpu.memory_space<vmem>> -> memref<16xi32, #tpu.memory_space<vmem>>
      %dma_start3A_288 = arith.constant 0 : i32
      %dma_start3A_289 = arith.constant 0 : i32
      %dma_start3A_290 = tpu.memref_slice %arg12[%dma_start3A_288, %dma_start3A_289] : memref<10016x128xf32, #tpu.memory_space<vmem_shared>> -> memref<10016x128xf32, #tpu.memory_space<vmem_shared>>
      tpu.enqueue_indirect_dma source(%dma_start3A_290 : memref<10016x128xf32, #tpu.memory_space<vmem_shared>>) target(%arg10 : memref<16x128xf32, #tpu.memory_space<vmem>>) offsets(%dma_start3A_287 : memref<16xi32, #tpu.memory_space<vmem>>) semaphore(%arg14 : memref<!tpu.dma_semaphore, #tpu.memory_space<semaphore_mem>>)
      %dma_start3A_291 = arith.constant 1 : i32
      %dma_start3A_292 = arith.constant 0 : i32
      %dma_start3A_293 = tpu.memref_slice %arg7[%dma_start3A_291, %dma_start3A_292] : memref<8x16xi32, #tpu.memory_space<vmem>> -> memref<1x16xi32, #tpu.memory_space<vmem>>
      %dma_start3A_294 = tpu.memref_squeeze %dma_start3A_293 : memref<1x16xi32, #tpu.memory_space<vmem>> -> memref<16xi32, #tpu.memory_space<vmem>>
      %dma_start3A_295 = arith.constant 0 : i32
      %dma_start3A_296 = arith.constant 0 : i32
      %dma_start3A_297 = tpu.memref_slice %arg12[%dma_start3A_295, %dma_start3A_296] : memref<10016x128xf32, #tpu.memory_space<vmem_shared>> -> memref<10016x128xf32, #tpu.memory_space<vmem_shared>>
      tpu.enqueue_indirect_dma source(%dma_start3A_297 : memref<10016x128xf32, #tpu.memory_space<vmem_shared>>) target(%arg11 : memref<16x128xf32, #tpu.memory_space<vmem>>) offsets(%dma_start3A_294 : memref<16xi32, #tpu.memory_space<vmem>>) semaphore(%arg15 : memref<!tpu.dma_semaphore, #tpu.memory_space<semaphore_mem>>)
      %dma_wait3A_298 = arith.constant 0 : i32
      %dma_wait3A_299 = arith.constant 0 : i32
      %dma_wait3A_300 = tpu.memref_slice %arg7[%dma_wait3A_298, %dma_wait3A_299] : memref<8x16xi32, #tpu.memory_space<vmem>> -> memref<1x16xi32, #tpu.memory_space<vmem>>
      %dma_wait3A_301 = tpu.memref_squeeze %dma_wait3A_300 : memref<1x16xi32, #tpu.memory_space<vmem>> -> memref<16xi32, #tpu.memory_space<vmem>>
      %dma_wait3A_302 = arith.constant 0 : i32
      %dma_wait3A_303 = arith.constant 0 : i32
      %dma_wait3A_304 = tpu.memref_slice %arg12[%dma_wait3A_302, %dma_wait3A_303] : memref<10016x128xf32, #tpu.memory_space<vmem_shared>> -> memref<10016x128xf32, #tpu.memory_space<vmem_shared>>
      tpu.wait_indirect_dma semaphore(%arg14 : memref<!tpu.dma_semaphore, #tpu.memory_space<semaphore_mem>>) src(%dma_wait3A_304 : memref<10016x128xf32, #tpu.memory_space<vmem_shared>>) dst(%arg10 : memref<16x128xf32, #tpu.memory_space<vmem>>)
      %run_scoped3A_305 = arith.constant 0 : i32
      "tpu.region"() ({
        %run_scoped3A_411 = tpu.sem_alloc : memref<!tpu.dma_semaphore, #tpu.memory_space<semaphore_mem>>
        %dma_start3A_412 = arith.constant 0 : i32
        %dma_start3A_413 = tpu.memref_slice %arg9[%run_scoped3A_305, %dma_start3A_412] : memref<8x16xi32, #tpu.memory_space<vmem>> -> memref<1x16xi32, #tpu.memory_space<vmem>>
        %dma_start3A_414 = tpu.memref_squeeze %dma_start3A_413 : memref<1x16xi32, #tpu.memory_space<vmem>> -> memref<16xi32, #tpu.memory_space<vmem>>
        %dma_start3A_415 = arith.constant 0 : i32
        %dma_start3A_416 = arith.constant 0 : i32
        %dma_start3A_417 = tpu.memref_slice %arg13[%dma_start3A_415, %dma_start3A_416] : memref<5120x128xf32, #tpu.memory_space<vmem_shared>> -> memref<5120x128xf32, #tpu.memory_space<vmem_shared>>
        tpu.enqueue_indirect_dma source(%arg10 : memref<16x128xf32, #tpu.memory_space<vmem>>) target(%dma_start3A_417 : memref<5120x128xf32, #tpu.memory_space<vmem_shared>>) offsets(%dma_start3A_414 : memref<16xi32, #tpu.memory_space<vmem>>) semaphore(%run_scoped3A_411 : memref<!tpu.dma_semaphore, #tpu.memory_space<semaphore_mem>>) {add = true}
        %dma_wait3A_418 = arith.constant 0 : i32
        %dma_wait3A_419 = tpu.memref_slice %arg9[%run_scoped3A_305, %dma_wait3A_418] : memref<8x16xi32, #tpu.memory_space<vmem>> -> memref<1x16xi32, #tpu.memory_space<vmem>>
        %dma_wait3A_420 = tpu.memref_squeeze %dma_wait3A_419 : memref<1x16xi32, #tpu.memory_space<vmem>> -> memref<16xi32, #tpu.memory_space<vmem>>
        %dma_wait3A_421 = arith.constant 0 : i32
        %dma_wait3A_422 = arith.constant 0 : i32
        %dma_wait3A_423 = tpu.memref_slice %arg13[%dma_wait3A_421, %dma_wait3A_422] : memref<5120x128xf32, #tpu.memory_space<vmem_shared>> -> memref<5120x128xf32, #tpu.memory_space<vmem_shared>>
        tpu.wait_indirect_dma semaphore(%run_scoped3A_411 : memref<!tpu.dma_semaphore, #tpu.memory_space<semaphore_mem>>) src(%arg10 : memref<16x128xf32, #tpu.memory_space<vmem>>) dst(%dma_wait3A_423 : memref<5120x128xf32, #tpu.memory_space<vmem_shared>>)
        tpu.yield
      }) : () -> ()
      %dma_start3A_306 = arith.constant 2 : i32
      %dma_start3A_307 = arith.constant 0 : i32
      %dma_start3A_308 = tpu.memref_slice %arg7[%dma_start3A_306, %dma_start3A_307] : memref<8x16xi32, #tpu.memory_space<vmem>> -> memref<1x16xi32, #tpu.memory_space<vmem>>
      %dma_start3A_309 = tpu.memref_squeeze %dma_start3A_308 : memref<1x16xi32, #tpu.memory_space<vmem>> -> memref<16xi32, #tpu.memory_space<vmem>>
      %dma_start3A_310 = arith.constant 0 : i32
      %dma_start3A_311 = arith.constant 0 : i32
      %dma_start3A_312 = tpu.memref_slice %arg12[%dma_start3A_310, %dma_start3A_311] : memref<10016x128xf32, #tpu.memory_space<vmem_shared>> -> memref<10016x128xf32, #tpu.memory_space<vmem_shared>>
      tpu.enqueue_indirect_dma source(%dma_start3A_312 : memref<10016x128xf32, #tpu.memory_space<vmem_shared>>) target(%arg10 : memref<16x128xf32, #tpu.memory_space<vmem>>) offsets(%dma_start3A_309 : memref<16xi32, #tpu.memory_space<vmem>>) semaphore(%arg14 : memref<!tpu.dma_semaphore, #tpu.memory_space<semaphore_mem>>)
      %dma_wait3A_313 = arith.constant 1 : i32
      %dma_wait3A_314 = arith.constant 0 : i32
      %dma_wait3A_315 = tpu.memref_slice %arg7[%dma_wait3A_313, %dma_wait3A_314] : memref<8x16xi32, #tpu.memory_space<vmem>> -> memref<1x16xi32, #tpu.memory_space<vmem>>
      %dma_wait3A_316 = tpu.memref_squeeze %dma_wait3A_315 : memref<1x16xi32, #tpu.memory_space<vmem>> -> memref<16xi32, #tpu.memory_space<vmem>>
      %dma_wait3A_317 = arith.constant 0 : i32
      %dma_wait3A_318 = arith.constant 0 : i32
      %dma_wait3A_319 = tpu.memref_slice %arg12[%dma_wait3A_317, %dma_wait3A_318] : memref<10016x128xf32, #tpu.memory_space<vmem_shared>> -> memref<10016x128xf32, #tpu.memory_space<vmem_shared>>
      tpu.wait_indirect_dma semaphore(%arg15 : memref<!tpu.dma_semaphore, #tpu.memory_space<semaphore_mem>>) src(%dma_wait3A_319 : memref<10016x128xf32, #tpu.memory_space<vmem_shared>>) dst(%arg11 : memref<16x128xf32, #tpu.memory_space<vmem>>)
      %run_scoped3A_320 = arith.constant 1 : i32
      "tpu.region"() ({
        %run_scoped3A_411 = tpu.sem_alloc : memref<!tpu.dma_semaphore, #tpu.memory_space<semaphore_mem>>
        %dma_start3A_412 = arith.constant 0 : i32
        %dma_start3A_413 = tpu.memref_slice %arg9[%run_scoped3A_320, %dma_start3A_412] : memref<8x16xi32, #tpu.memory_space<vmem>> -> memref<1x16xi32, #tpu.memory_space<vmem>>
        %dma_start3A_414 = tpu.memref_squeeze %dma_start3A_413 : memref<1x16xi32, #tpu.memory_space<vmem>> -> memref<16xi32, #tpu.memory_space<vmem>>
        %dma_start3A_415 = arith.constant 0 : i32
        %dma_start3A_416 = arith.constant 0 : i32
        %dma_start3A_417 = tpu.memref_slice %arg13[%dma_start3A_415, %dma_start3A_416] : memref<5120x128xf32, #tpu.memory_space<vmem_shared>> -> memref<5120x128xf32, #tpu.memory_space<vmem_shared>>
        tpu.enqueue_indirect_dma source(%arg11 : memref<16x128xf32, #tpu.memory_space<vmem>>) target(%dma_start3A_417 : memref<5120x128xf32, #tpu.memory_space<vmem_shared>>) offsets(%dma_start3A_414 : memref<16xi32, #tpu.memory_space<vmem>>) semaphore(%run_scoped3A_411 : memref<!tpu.dma_semaphore, #tpu.memory_space<semaphore_mem>>) {add = true}
        %dma_wait3A_418 = arith.constant 0 : i32
        %dma_wait3A_419 = tpu.memref_slice %arg9[%run_scoped3A_320, %dma_wait3A_418] : memref<8x16xi32, #tpu.memory_space<vmem>> -> memref<1x16xi32, #tpu.memory_space<vmem>>
        %dma_wait3A_420 = tpu.memref_squeeze %dma_wait3A_419 : memref<1x16xi32, #tpu.memory_space<vmem>> -> memref<16xi32, #tpu.memory_space<vmem>>
        %dma_wait3A_421 = arith.constant 0 : i32
        %dma_wait3A_422 = arith.constant 0 : i32
        %dma_wait3A_423 = tpu.memref_slice %arg13[%dma_wait3A_421, %dma_wait3A_422] : memref<5120x128xf32, #tpu.memory_space<vmem_shared>> -> memref<5120x128xf32, #tpu.memory_space<vmem_shared>>
        tpu.wait_indirect_dma semaphore(%run_scoped3A_411 : memref<!tpu.dma_semaphore, #tpu.memory_space<semaphore_mem>>) src(%arg11 : memref<16x128xf32, #tpu.memory_space<vmem>>) dst(%dma_wait3A_423 : memref<5120x128xf32, #tpu.memory_space<vmem_shared>>)
        tpu.yield
      }) : () -> ()
      %dma_start3A_321 = arith.constant 3 : i32
      %dma_start3A_322 = arith.constant 0 : i32
      %dma_start3A_323 = tpu.memref_slice %arg7[%dma_start3A_321, %dma_start3A_322] : memref<8x16xi32, #tpu.memory_space<vmem>> -> memref<1x16xi32, #tpu.memory_space<vmem>>
      %dma_start3A_324 = tpu.memref_squeeze %dma_start3A_323 : memref<1x16xi32, #tpu.memory_space<vmem>> -> memref<16xi32, #tpu.memory_space<vmem>>
      %dma_start3A_325 = arith.constant 0 : i32
      %dma_start3A_326 = arith.constant 0 : i32
      %dma_start3A_327 = tpu.memref_slice %arg12[%dma_start3A_325, %dma_start3A_326] : memref<10016x128xf32, #tpu.memory_space<vmem_shared>> -> memref<10016x128xf32, #tpu.memory_space<vmem_shared>>
      tpu.enqueue_indirect_dma source(%dma_start3A_327 : memref<10016x128xf32, #tpu.memory_space<vmem_shared>>) target(%arg11 : memref<16x128xf32, #tpu.memory_space<vmem>>) offsets(%dma_start3A_324 : memref<16xi32, #tpu.memory_space<vmem>>) semaphore(%arg15 : memref<!tpu.dma_semaphore, #tpu.memory_space<semaphore_mem>>)
      %dma_wait3A_328 = arith.constant 2 : i32
      %dma_wait3A_329 = arith.constant 0 : i32
      %dma_wait3A_330 = tpu.memref_slice %arg7[%dma_wait3A_328, %dma_wait3A_329] : memref<8x16xi32, #tpu.memory_space<vmem>> -> memref<1x16xi32, #tpu.memory_space<vmem>>
      %dma_wait3A_331 = tpu.memref_squeeze %dma_wait3A_330 : memref<1x16xi32, #tpu.memory_space<vmem>> -> memref<16xi32, #tpu.memory_space<vmem>>
      %dma_wait3A_332 = arith.constant 0 : i32
      %dma_wait3A_333 = arith.constant 0 : i32
      %dma_wait3A_334 = tpu.memref_slice %arg12[%dma_wait3A_332, %dma_wait3A_333] : memref<10016x128xf32, #tpu.memory_space<vmem_shared>> -> memref<10016x128xf32, #tpu.memory_space<vmem_shared>>
      tpu.wait_indirect_dma semaphore(%arg14 : memref<!tpu.dma_semaphore, #tpu.memory_space<semaphore_mem>>) src(%dma_wait3A_334 : memref<10016x128xf32, #tpu.memory_space<vmem_shared>>) dst(%arg10 : memref<16x128xf32, #tpu.memory_space<vmem>>)
      %run_scoped3A_335 = arith.constant 2 : i32
      "tpu.region"() ({
        %run_scoped3A_411 = tpu.sem_alloc : memref<!tpu.dma_semaphore, #tpu.memory_space<semaphore_mem>>
        %dma_start3A_412 = arith.constant 0 : i32
        %dma_start3A_413 = tpu.memref_slice %arg9[%run_scoped3A_335, %dma_start3A_412] : memref<8x16xi32, #tpu.memory_space<vmem>> -> memref<1x16xi32, #tpu.memory_space<vmem>>
        %dma_start3A_414 = tpu.memref_squeeze %dma_start3A_413 : memref<1x16xi32, #tpu.memory_space<vmem>> -> memref<16xi32, #tpu.memory_space<vmem>>
        %dma_start3A_415 = arith.constant 0 : i32
        %dma_start3A_416 = arith.constant 0 : i32
        %dma_start3A_417 = tpu.memref_slice %arg13[%dma_start3A_415, %dma_start3A_416] : memref<5120x128xf32, #tpu.memory_space<vmem_shared>> -> memref<5120x128xf32, #tpu.memory_space<vmem_shared>>
        tpu.enqueue_indirect_dma source(%arg10 : memref<16x128xf32, #tpu.memory_space<vmem>>) target(%dma_start3A_417 : memref<5120x128xf32, #tpu.memory_space<vmem_shared>>) offsets(%dma_start3A_414 : memref<16xi32, #tpu.memory_space<vmem>>) semaphore(%run_scoped3A_411 : memref<!tpu.dma_semaphore, #tpu.memory_space<semaphore_mem>>) {add = true}
        %dma_wait3A_418 = arith.constant 0 : i32
        %dma_wait3A_419 = tpu.memref_slice %arg9[%run_scoped3A_335, %dma_wait3A_418] : memref<8x16xi32, #tpu.memory_space<vmem>> -> memref<1x16xi32, #tpu.memory_space<vmem>>
        %dma_wait3A_420 = tpu.memref_squeeze %dma_wait3A_419 : memref<1x16xi32, #tpu.memory_space<vmem>> -> memref<16xi32, #tpu.memory_space<vmem>>
        %dma_wait3A_421 = arith.constant 0 : i32
        %dma_wait3A_422 = arith.constant 0 : i32
        %dma_wait3A_423 = tpu.memref_slice %arg13[%dma_wait3A_421, %dma_wait3A_422] : memref<5120x128xf32, #tpu.memory_space<vmem_shared>> -> memref<5120x128xf32, #tpu.memory_space<vmem_shared>>
        tpu.wait_indirect_dma semaphore(%run_scoped3A_411 : memref<!tpu.dma_semaphore, #tpu.memory_space<semaphore_mem>>) src(%arg10 : memref<16x128xf32, #tpu.memory_space<vmem>>) dst(%dma_wait3A_423 : memref<5120x128xf32, #tpu.memory_space<vmem_shared>>)
        tpu.yield
      }) : () -> ()
      %dma_start3A_336 = arith.constant 4 : i32
      %dma_start3A_337 = arith.constant 0 : i32
      %dma_start3A_338 = tpu.memref_slice %arg7[%dma_start3A_336, %dma_start3A_337] : memref<8x16xi32, #tpu.memory_space<vmem>> -> memref<1x16xi32, #tpu.memory_space<vmem>>
      %dma_start3A_339 = tpu.memref_squeeze %dma_start3A_338 : memref<1x16xi32, #tpu.memory_space<vmem>> -> memref<16xi32, #tpu.memory_space<vmem>>
      %dma_start3A_340 = arith.constant 0 : i32
      %dma_start3A_341 = arith.constant 0 : i32
      %dma_start3A_342 = tpu.memref_slice %arg12[%dma_start3A_340, %dma_start3A_341] : memref<10016x128xf32, #tpu.memory_space<vmem_shared>> -> memref<10016x128xf32, #tpu.memory_space<vmem_shared>>
      tpu.enqueue_indirect_dma source(%dma_start3A_342 : memref<10016x128xf32, #tpu.memory_space<vmem_shared>>) target(%arg10 : memref<16x128xf32, #tpu.memory_space<vmem>>) offsets(%dma_start3A_339 : memref<16xi32, #tpu.memory_space<vmem>>) semaphore(%arg14 : memref<!tpu.dma_semaphore, #tpu.memory_space<semaphore_mem>>)
      %dma_wait3A_343 = arith.constant 3 : i32
      %dma_wait3A_344 = arith.constant 0 : i32
      %dma_wait3A_345 = tpu.memref_slice %arg7[%dma_wait3A_343, %dma_wait3A_344] : memref<8x16xi32, #tpu.memory_space<vmem>> -> memref<1x16xi32, #tpu.memory_space<vmem>>
      %dma_wait3A_346 = tpu.memref_squeeze %dma_wait3A_345 : memref<1x16xi32, #tpu.memory_space<vmem>> -> memref<16xi32, #tpu.memory_space<vmem>>
      %dma_wait3A_347 = arith.constant 0 : i32
      %dma_wait3A_348 = arith.constant 0 : i32
      %dma_wait3A_349 = tpu.memref_slice %arg12[%dma_wait3A_347, %dma_wait3A_348] : memref<10016x128xf32, #tpu.memory_space<vmem_shared>> -> memref<10016x128xf32, #tpu.memory_space<vmem_shared>>
      tpu.wait_indirect_dma semaphore(%arg15 : memref<!tpu.dma_semaphore, #tpu.memory_space<semaphore_mem>>) src(%dma_wait3A_349 : memref<10016x128xf32, #tpu.memory_space<vmem_shared>>) dst(%arg11 : memref<16x128xf32, #tpu.memory_space<vmem>>)
      %run_scoped3A_350 = arith.constant 3 : i32
      "tpu.region"() ({
        %run_scoped3A_411 = tpu.sem_alloc : memref<!tpu.dma_semaphore, #tpu.memory_space<semaphore_mem>>
        %dma_start3A_412 = arith.constant 0 : i32
        %dma_start3A_413 = tpu.memref_slice %arg9[%run_scoped3A_350, %dma_start3A_412] : memref<8x16xi32, #tpu.memory_space<vmem>> -> memref<1x16xi32, #tpu.memory_space<vmem>>
        %dma_start3A_414 = tpu.memref_squeeze %dma_start3A_413 : memref<1x16xi32, #tpu.memory_space<vmem>> -> memref<16xi32, #tpu.memory_space<vmem>>
        %dma_start3A_415 = arith.constant 0 : i32
        %dma_start3A_416 = arith.constant 0 : i32
        %dma_start3A_417 = tpu.memref_slice %arg13[%dma_start3A_415, %dma_start3A_416] : memref<5120x128xf32, #tpu.memory_space<vmem_shared>> -> memref<5120x128xf32, #tpu.memory_space<vmem_shared>>
        tpu.enqueue_indirect_dma source(%arg11 : memref<16x128xf32, #tpu.memory_space<vmem>>) target(%dma_start3A_417 : memref<5120x128xf32, #tpu.memory_space<vmem_shared>>) offsets(%dma_start3A_414 : memref<16xi32, #tpu.memory_space<vmem>>) semaphore(%run_scoped3A_411 : memref<!tpu.dma_semaphore, #tpu.memory_space<semaphore_mem>>) {add = true}
        %dma_wait3A_418 = arith.constant 0 : i32
        %dma_wait3A_419 = tpu.memref_slice %arg9[%run_scoped3A_350, %dma_wait3A_418] : memref<8x16xi32, #tpu.memory_space<vmem>> -> memref<1x16xi32, #tpu.memory_space<vmem>>
        %dma_wait3A_420 = tpu.memref_squeeze %dma_wait3A_419 : memref<1x16xi32, #tpu.memory_space<vmem>> -> memref<16xi32, #tpu.memory_space<vmem>>
        %dma_wait3A_421 = arith.constant 0 : i32
        %dma_wait3A_422 = arith.constant 0 : i32
        %dma_wait3A_423 = tpu.memref_slice %arg13[%dma_wait3A_421, %dma_wait3A_422] : memref<5120x128xf32, #tpu.memory_space<vmem_shared>> -> memref<5120x128xf32, #tpu.memory_space<vmem_shared>>
        tpu.wait_indirect_dma semaphore(%run_scoped3A_411 : memref<!tpu.dma_semaphore, #tpu.memory_space<semaphore_mem>>) src(%arg11 : memref<16x128xf32, #tpu.memory_space<vmem>>) dst(%dma_wait3A_423 : memref<5120x128xf32, #tpu.memory_space<vmem_shared>>)
        tpu.yield
      }) : () -> ()
      %dma_start3A_351 = arith.constant 5 : i32
      %dma_start3A_352 = arith.constant 0 : i32
      %dma_start3A_353 = tpu.memref_slice %arg7[%dma_start3A_351, %dma_start3A_352] : memref<8x16xi32, #tpu.memory_space<vmem>> -> memref<1x16xi32, #tpu.memory_space<vmem>>
      %dma_start3A_354 = tpu.memref_squeeze %dma_start3A_353 : memref<1x16xi32, #tpu.memory_space<vmem>> -> memref<16xi32, #tpu.memory_space<vmem>>
      %dma_start3A_355 = arith.constant 0 : i32
      %dma_start3A_356 = arith.constant 0 : i32
      %dma_start3A_357 = tpu.memref_slice %arg12[%dma_start3A_355, %dma_start3A_356] : memref<10016x128xf32, #tpu.memory_space<vmem_shared>> -> memref<10016x128xf32, #tpu.memory_space<vmem_shared>>
      tpu.enqueue_indirect_dma source(%dma_start3A_357 : memref<10016x128xf32, #tpu.memory_space<vmem_shared>>) target(%arg11 : memref<16x128xf32, #tpu.memory_space<vmem>>) offsets(%dma_start3A_354 : memref<16xi32, #tpu.memory_space<vmem>>) semaphore(%arg15 : memref<!tpu.dma_semaphore, #tpu.memory_space<semaphore_mem>>)
      %dma_wait3A_358 = arith.constant 4 : i32
      %dma_wait3A_359 = arith.constant 0 : i32
      %dma_wait3A_360 = tpu.memref_slice %arg7[%dma_wait3A_358, %dma_wait3A_359] : memref<8x16xi32, #tpu.memory_space<vmem>> -> memref<1x16xi32, #tpu.memory_space<vmem>>
      %dma_wait3A_361 = tpu.memref_squeeze %dma_wait3A_360 : memref<1x16xi32, #tpu.memory_space<vmem>> -> memref<16xi32, #tpu.memory_space<vmem>>
      %dma_wait3A_362 = arith.constant 0 : i32
      %dma_wait3A_363 = arith.constant 0 : i32
      %dma_wait3A_364 = tpu.memref_slice %arg12[%dma_wait3A_362, %dma_wait3A_363] : memref<10016x128xf32, #tpu.memory_space<vmem_shared>> -> memref<10016x128xf32, #tpu.memory_space<vmem_shared>>
      tpu.wait_indirect_dma semaphore(%arg14 : memref<!tpu.dma_semaphore, #tpu.memory_space<semaphore_mem>>) src(%dma_wait3A_364 : memref<10016x128xf32, #tpu.memory_space<vmem_shared>>) dst(%arg10 : memref<16x128xf32, #tpu.memory_space<vmem>>)
      %run_scoped3A_365 = arith.constant 4 : i32
      "tpu.region"() ({
        %run_scoped3A_411 = tpu.sem_alloc : memref<!tpu.dma_semaphore, #tpu.memory_space<semaphore_mem>>
        %dma_start3A_412 = arith.constant 0 : i32
        %dma_start3A_413 = tpu.memref_slice %arg9[%run_scoped3A_365, %dma_start3A_412] : memref<8x16xi32, #tpu.memory_space<vmem>> -> memref<1x16xi32, #tpu.memory_space<vmem>>
        %dma_start3A_414 = tpu.memref_squeeze %dma_start3A_413 : memref<1x16xi32, #tpu.memory_space<vmem>> -> memref<16xi32, #tpu.memory_space<vmem>>
        %dma_start3A_415 = arith.constant 0 : i32
        %dma_start3A_416 = arith.constant 0 : i32
        %dma_start3A_417 = tpu.memref_slice %arg13[%dma_start3A_415, %dma_start3A_416] : memref<5120x128xf32, #tpu.memory_space<vmem_shared>> -> memref<5120x128xf32, #tpu.memory_space<vmem_shared>>
        tpu.enqueue_indirect_dma source(%arg10 : memref<16x128xf32, #tpu.memory_space<vmem>>) target(%dma_start3A_417 : memref<5120x128xf32, #tpu.memory_space<vmem_shared>>) offsets(%dma_start3A_414 : memref<16xi32, #tpu.memory_space<vmem>>) semaphore(%run_scoped3A_411 : memref<!tpu.dma_semaphore, #tpu.memory_space<semaphore_mem>>) {add = true}
        %dma_wait3A_418 = arith.constant 0 : i32
        %dma_wait3A_419 = tpu.memref_slice %arg9[%run_scoped3A_365, %dma_wait3A_418] : memref<8x16xi32, #tpu.memory_space<vmem>> -> memref<1x16xi32, #tpu.memory_space<vmem>>
        %dma_wait3A_420 = tpu.memref_squeeze %dma_wait3A_419 : memref<1x16xi32, #tpu.memory_space<vmem>> -> memref<16xi32, #tpu.memory_space<vmem>>
        %dma_wait3A_421 = arith.constant 0 : i32
        %dma_wait3A_422 = arith.constant 0 : i32
        %dma_wait3A_423 = tpu.memref_slice %arg13[%dma_wait3A_421, %dma_wait3A_422] : memref<5120x128xf32, #tpu.memory_space<vmem_shared>> -> memref<5120x128xf32, #tpu.memory_space<vmem_shared>>
        tpu.wait_indirect_dma semaphore(%run_scoped3A_411 : memref<!tpu.dma_semaphore, #tpu.memory_space<semaphore_mem>>) src(%arg10 : memref<16x128xf32, #tpu.memory_space<vmem>>) dst(%dma_wait3A_423 : memref<5120x128xf32, #tpu.memory_space<vmem_shared>>)
        tpu.yield
      }) : () -> ()
      %dma_start3A_366 = arith.constant 6 : i32
      %dma_start3A_367 = arith.constant 0 : i32
      %dma_start3A_368 = tpu.memref_slice %arg7[%dma_start3A_366, %dma_start3A_367] : memref<8x16xi32, #tpu.memory_space<vmem>> -> memref<1x16xi32, #tpu.memory_space<vmem>>
      %dma_start3A_369 = tpu.memref_squeeze %dma_start3A_368 : memref<1x16xi32, #tpu.memory_space<vmem>> -> memref<16xi32, #tpu.memory_space<vmem>>
      %dma_start3A_370 = arith.constant 0 : i32
      %dma_start3A_371 = arith.constant 0 : i32
      %dma_start3A_372 = tpu.memref_slice %arg12[%dma_start3A_370, %dma_start3A_371] : memref<10016x128xf32, #tpu.memory_space<vmem_shared>> -> memref<10016x128xf32, #tpu.memory_space<vmem_shared>>
      tpu.enqueue_indirect_dma source(%dma_start3A_372 : memref<10016x128xf32, #tpu.memory_space<vmem_shared>>) target(%arg10 : memref<16x128xf32, #tpu.memory_space<vmem>>) offsets(%dma_start3A_369 : memref<16xi32, #tpu.memory_space<vmem>>) semaphore(%arg14 : memref<!tpu.dma_semaphore, #tpu.memory_space<semaphore_mem>>)
      %dma_wait3A_373 = arith.constant 5 : i32
      %dma_wait3A_374 = arith.constant 0 : i32
      %dma_wait3A_375 = tpu.memref_slice %arg7[%dma_wait3A_373, %dma_wait3A_374] : memref<8x16xi32, #tpu.memory_space<vmem>> -> memref<1x16xi32, #tpu.memory_space<vmem>>
      %dma_wait3A_376 = tpu.memref_squeeze %dma_wait3A_375 : memref<1x16xi32, #tpu.memory_space<vmem>> -> memref<16xi32, #tpu.memory_space<vmem>>
      %dma_wait3A_377 = arith.constant 0 : i32
      %dma_wait3A_378 = arith.constant 0 : i32
      %dma_wait3A_379 = tpu.memref_slice %arg12[%dma_wait3A_377, %dma_wait3A_378] : memref<10016x128xf32, #tpu.memory_space<vmem_shared>> -> memref<10016x128xf32, #tpu.memory_space<vmem_shared>>
      tpu.wait_indirect_dma semaphore(%arg15 : memref<!tpu.dma_semaphore, #tpu.memory_space<semaphore_mem>>) src(%dma_wait3A_379 : memref<10016x128xf32, #tpu.memory_space<vmem_shared>>) dst(%arg11 : memref<16x128xf32, #tpu.memory_space<vmem>>)
      %run_scoped3A_380 = arith.constant 5 : i32
      "tpu.region"() ({
        %run_scoped3A_411 = tpu.sem_alloc : memref<!tpu.dma_semaphore, #tpu.memory_space<semaphore_mem>>
        %dma_start3A_412 = arith.constant 0 : i32
        %dma_start3A_413 = tpu.memref_slice %arg9[%run_scoped3A_380, %dma_start3A_412] : memref<8x16xi32, #tpu.memory_space<vmem>> -> memref<1x16xi32, #tpu.memory_space<vmem>>
        %dma_start3A_414 = tpu.memref_squeeze %dma_start3A_413 : memref<1x16xi32, #tpu.memory_space<vmem>> -> memref<16xi32, #tpu.memory_space<vmem>>
        %dma_start3A_415 = arith.constant 0 : i32
        %dma_start3A_416 = arith.constant 0 : i32
        %dma_start3A_417 = tpu.memref_slice %arg13[%dma_start3A_415, %dma_start3A_416] : memref<5120x128xf32, #tpu.memory_space<vmem_shared>> -> memref<5120x128xf32, #tpu.memory_space<vmem_shared>>
        tpu.enqueue_indirect_dma source(%arg11 : memref<16x128xf32, #tpu.memory_space<vmem>>) target(%dma_start3A_417 : memref<5120x128xf32, #tpu.memory_space<vmem_shared>>) offsets(%dma_start3A_414 : memref<16xi32, #tpu.memory_space<vmem>>) semaphore(%run_scoped3A_411 : memref<!tpu.dma_semaphore, #tpu.memory_space<semaphore_mem>>) {add = true}
        %dma_wait3A_418 = arith.constant 0 : i32
        %dma_wait3A_419 = tpu.memref_slice %arg9[%run_scoped3A_380, %dma_wait3A_418] : memref<8x16xi32, #tpu.memory_space<vmem>> -> memref<1x16xi32, #tpu.memory_space<vmem>>
        %dma_wait3A_420 = tpu.memref_squeeze %dma_wait3A_419 : memref<1x16xi32, #tpu.memory_space<vmem>> -> memref<16xi32, #tpu.memory_space<vmem>>
        %dma_wait3A_421 = arith.constant 0 : i32
        %dma_wait3A_422 = arith.constant 0 : i32
        %dma_wait3A_423 = tpu.memref_slice %arg13[%dma_wait3A_421, %dma_wait3A_422] : memref<5120x128xf32, #tpu.memory_space<vmem_shared>> -> memref<5120x128xf32, #tpu.memory_space<vmem_shared>>
        tpu.wait_indirect_dma semaphore(%run_scoped3A_411 : memref<!tpu.dma_semaphore, #tpu.memory_space<semaphore_mem>>) src(%arg11 : memref<16x128xf32, #tpu.memory_space<vmem>>) dst(%dma_wait3A_423 : memref<5120x128xf32, #tpu.memory_space<vmem_shared>>)
        tpu.yield
      }) : () -> ()
      %dma_start3A_381 = arith.constant 7 : i32
      %dma_start3A_382 = arith.constant 0 : i32
      %dma_start3A_383 = tpu.memref_slice %arg7[%dma_start3A_381, %dma_start3A_382] : memref<8x16xi32, #tpu.memory_space<vmem>> -> memref<1x16xi32, #tpu.memory_space<vmem>>
      %dma_start3A_384 = tpu.memref_squeeze %dma_start3A_383 : memref<1x16xi32, #tpu.memory_space<vmem>> -> memref<16xi32, #tpu.memory_space<vmem>>
      %dma_start3A_385 = arith.constant 0 : i32
      %dma_start3A_386 = arith.constant 0 : i32
      %dma_start3A_387 = tpu.memref_slice %arg12[%dma_start3A_385, %dma_start3A_386] : memref<10016x128xf32, #tpu.memory_space<vmem_shared>> -> memref<10016x128xf32, #tpu.memory_space<vmem_shared>>
      tpu.enqueue_indirect_dma source(%dma_start3A_387 : memref<10016x128xf32, #tpu.memory_space<vmem_shared>>) target(%arg11 : memref<16x128xf32, #tpu.memory_space<vmem>>) offsets(%dma_start3A_384 : memref<16xi32, #tpu.memory_space<vmem>>) semaphore(%arg15 : memref<!tpu.dma_semaphore, #tpu.memory_space<semaphore_mem>>)
      %dma_wait3A_388 = arith.constant 6 : i32
      %dma_wait3A_389 = arith.constant 0 : i32
      %dma_wait3A_390 = tpu.memref_slice %arg7[%dma_wait3A_388, %dma_wait3A_389] : memref<8x16xi32, #tpu.memory_space<vmem>> -> memref<1x16xi32, #tpu.memory_space<vmem>>
      %dma_wait3A_391 = tpu.memref_squeeze %dma_wait3A_390 : memref<1x16xi32, #tpu.memory_space<vmem>> -> memref<16xi32, #tpu.memory_space<vmem>>
      %dma_wait3A_392 = arith.constant 0 : i32
      %dma_wait3A_393 = arith.constant 0 : i32
      %dma_wait3A_394 = tpu.memref_slice %arg12[%dma_wait3A_392, %dma_wait3A_393] : memref<10016x128xf32, #tpu.memory_space<vmem_shared>> -> memref<10016x128xf32, #tpu.memory_space<vmem_shared>>
      tpu.wait_indirect_dma semaphore(%arg14 : memref<!tpu.dma_semaphore, #tpu.memory_space<semaphore_mem>>) src(%dma_wait3A_394 : memref<10016x128xf32, #tpu.memory_space<vmem_shared>>) dst(%arg10 : memref<16x128xf32, #tpu.memory_space<vmem>>)
      %run_scoped3A_395 = arith.constant 6 : i32
      "tpu.region"() ({
        %run_scoped3A_411 = tpu.sem_alloc : memref<!tpu.dma_semaphore, #tpu.memory_space<semaphore_mem>>
        %dma_start3A_412 = arith.constant 0 : i32
        %dma_start3A_413 = tpu.memref_slice %arg9[%run_scoped3A_395, %dma_start3A_412] : memref<8x16xi32, #tpu.memory_space<vmem>> -> memref<1x16xi32, #tpu.memory_space<vmem>>
        %dma_start3A_414 = tpu.memref_squeeze %dma_start3A_413 : memref<1x16xi32, #tpu.memory_space<vmem>> -> memref<16xi32, #tpu.memory_space<vmem>>
        %dma_start3A_415 = arith.constant 0 : i32
        %dma_start3A_416 = arith.constant 0 : i32
        %dma_start3A_417 = tpu.memref_slice %arg13[%dma_start3A_415, %dma_start3A_416] : memref<5120x128xf32, #tpu.memory_space<vmem_shared>> -> memref<5120x128xf32, #tpu.memory_space<vmem_shared>>
        tpu.enqueue_indirect_dma source(%arg10 : memref<16x128xf32, #tpu.memory_space<vmem>>) target(%dma_start3A_417 : memref<5120x128xf32, #tpu.memory_space<vmem_shared>>) offsets(%dma_start3A_414 : memref<16xi32, #tpu.memory_space<vmem>>) semaphore(%run_scoped3A_411 : memref<!tpu.dma_semaphore, #tpu.memory_space<semaphore_mem>>) {add = true}
        %dma_wait3A_418 = arith.constant 0 : i32
        %dma_wait3A_419 = tpu.memref_slice %arg9[%run_scoped3A_395, %dma_wait3A_418] : memref<8x16xi32, #tpu.memory_space<vmem>> -> memref<1x16xi32, #tpu.memory_space<vmem>>
        %dma_wait3A_420 = tpu.memref_squeeze %dma_wait3A_419 : memref<1x16xi32, #tpu.memory_space<vmem>> -> memref<16xi32, #tpu.memory_space<vmem>>
        %dma_wait3A_421 = arith.constant 0 : i32
        %dma_wait3A_422 = arith.constant 0 : i32
        %dma_wait3A_423 = tpu.memref_slice %arg13[%dma_wait3A_421, %dma_wait3A_422] : memref<5120x128xf32, #tpu.memory_space<vmem_shared>> -> memref<5120x128xf32, #tpu.memory_space<vmem_shared>>
        tpu.wait_indirect_dma semaphore(%run_scoped3A_411 : memref<!tpu.dma_semaphore, #tpu.memory_space<semaphore_mem>>) src(%arg10 : memref<16x128xf32, #tpu.memory_space<vmem>>) dst(%dma_wait3A_423 : memref<5120x128xf32, #tpu.memory_space<vmem_shared>>)
        tpu.yield
      }) : () -> ()
      %dma_wait3A_396 = arith.constant 7 : i32
      %dma_wait3A_397 = arith.constant 0 : i32
      %dma_wait3A_398 = tpu.memref_slice %arg7[%dma_wait3A_396, %dma_wait3A_397] : memref<8x16xi32, #tpu.memory_space<vmem>> -> memref<1x16xi32, #tpu.memory_space<vmem>>
      %dma_wait3A_399 = tpu.memref_squeeze %dma_wait3A_398 : memref<1x16xi32, #tpu.memory_space<vmem>> -> memref<16xi32, #tpu.memory_space<vmem>>
      %dma_wait3A_400 = arith.constant 0 : i32
      %dma_wait3A_401 = arith.constant 0 : i32
      %dma_wait3A_402 = tpu.memref_slice %arg12[%dma_wait3A_400, %dma_wait3A_401] : memref<10016x128xf32, #tpu.memory_space<vmem_shared>> -> memref<10016x128xf32, #tpu.memory_space<vmem_shared>>
      tpu.wait_indirect_dma semaphore(%arg15 : memref<!tpu.dma_semaphore, #tpu.memory_space<semaphore_mem>>) src(%dma_wait3A_402 : memref<10016x128xf32, #tpu.memory_space<vmem_shared>>) dst(%arg11 : memref<16x128xf32, #tpu.memory_space<vmem>>)
      %run_scoped3A_403 = arith.constant 7 : i32
      "tpu.region"() ({
        %run_scoped3A_411 = tpu.sem_alloc : memref<!tpu.dma_semaphore, #tpu.memory_space<semaphore_mem>>
        %dma_start3A_412 = arith.constant 0 : i32
        %dma_start3A_413 = tpu.memref_slice %arg9[%run_scoped3A_403, %dma_start3A_412] : memref<8x16xi32, #tpu.memory_space<vmem>> -> memref<1x16xi32, #tpu.memory_space<vmem>>
        %dma_start3A_414 = tpu.memref_squeeze %dma_start3A_413 : memref<1x16xi32, #tpu.memory_space<vmem>> -> memref<16xi32, #tpu.memory_space<vmem>>
        %dma_start3A_415 = arith.constant 0 : i32
        %dma_start3A_416 = arith.constant 0 : i32
        %dma_start3A_417 = tpu.memref_slice %arg13[%dma_start3A_415, %dma_start3A_416] : memref<5120x128xf32, #tpu.memory_space<vmem_shared>> -> memref<5120x128xf32, #tpu.memory_space<vmem_shared>>
        tpu.enqueue_indirect_dma source(%arg11 : memref<16x128xf32, #tpu.memory_space<vmem>>) target(%dma_start3A_417 : memref<5120x128xf32, #tpu.memory_space<vmem_shared>>) offsets(%dma_start3A_414 : memref<16xi32, #tpu.memory_space<vmem>>) semaphore(%run_scoped3A_411 : memref<!tpu.dma_semaphore, #tpu.memory_space<semaphore_mem>>) {add = true}
        %dma_wait3A_418 = arith.constant 0 : i32
        %dma_wait3A_419 = tpu.memref_slice %arg9[%run_scoped3A_403, %dma_wait3A_418] : memref<8x16xi32, #tpu.memory_space<vmem>> -> memref<1x16xi32, #tpu.memory_space<vmem>>
        %dma_wait3A_420 = tpu.memref_squeeze %dma_wait3A_419 : memref<1x16xi32, #tpu.memory_space<vmem>> -> memref<16xi32, #tpu.memory_space<vmem>>
        %dma_wait3A_421 = arith.constant 0 : i32
        %dma_wait3A_422 = arith.constant 0 : i32
        %dma_wait3A_423 = tpu.memref_slice %arg13[%dma_wait3A_421, %dma_wait3A_422] : memref<5120x128xf32, #tpu.memory_space<vmem_shared>> -> memref<5120x128xf32, #tpu.memory_space<vmem_shared>>
        tpu.wait_indirect_dma semaphore(%run_scoped3A_411 : memref<!tpu.dma_semaphore, #tpu.memory_space<semaphore_mem>>) src(%arg11 : memref<16x128xf32, #tpu.memory_space<vmem>>) dst(%dma_wait3A_423 : memref<5120x128xf32, #tpu.memory_space<vmem_shared>>)
        tpu.yield
      }) : () -> ()
      %add3A_404 = arith.constant 1 : i32
      %add3A_405 = arith.addi %add3A_276, %add3A_404 : i32
      %lt3A_406 = arith.constant 168 : i32
      %lt3A_407 = arith.cmpi slt, %add3A_405, %lt3A_406 : i32
      %convert_element_type3A_408 = arith.extui %lt3A_407 : i1 to i32
      %cond3A_409 = arith.constant 0 : i32
      %cond3A_410 = arith.cmpi ne, %convert_element_type3A_408, %cond3A_409 : i32
      scf.if %cond3A_410 {
        %dma_wait3A_411 = arith.constant 0 : i32
        %dma_wait3A_412 = arith.constant 0 : i32
        %dma_wait3A_413 = tpu.memref_slice %arg3[%arg1, %dma_wait3A_411, %dma_wait3A_412] : memref<16x1344x16xi32, #tpu.memory_space<hbm>> -> memref<1x8x16xi32, #tpu.memory_space<hbm>>
        %dma_wait3A_414 = tpu.memref_squeeze %dma_wait3A_413 : memref<1x8x16xi32, #tpu.memory_space<hbm>> -> memref<8x16xi32, #tpu.memory_space<hbm>>
        %dma_wait3A_415 = arith.constant 0 : i32
        %dma_wait3A_416 = arith.constant 0 : i32
        %dma_wait3A_417 = tpu.memref_slice %arg3[%arg1, %dma_wait3A_415, %dma_wait3A_416] : memref<16x1344x16xi32, #tpu.memory_space<hbm>> -> memref<1x8x16xi32, #tpu.memory_space<hbm>>
        %dma_wait3A_418 = tpu.memref_squeeze %dma_wait3A_417 : memref<1x8x16xi32, #tpu.memory_space<hbm>> -> memref<8x16xi32, #tpu.memory_space<hbm>>
        tpu.wait_dma2 semaphore(%arg16 : memref<!tpu.dma_semaphore, #tpu.memory_space<semaphore_mem>>) src(%dma_wait3A_418 : memref<8x16xi32, #tpu.memory_space<hbm>>) dst(%arg6 : memref<8x16xi32, #tpu.memory_space<vmem>>)
        %dma_wait3A_419 = arith.constant 1 : i32
        %dma_wait3A_420 = arith.constant 0 : i32
        %dma_wait3A_421 = arith.constant 0 : i32
        %dma_wait3A_422 = tpu.memref_slice %arg4[%dma_wait3A_419, %arg1, %dma_wait3A_420, %dma_wait3A_421] : memref<2x16x1344x16xi32, #tpu.memory_space<hbm>> -> memref<1x1x8x16xi32, #tpu.memory_space<hbm>>
        %dma_wait3A_423 = tpu.memref_squeeze %dma_wait3A_422 : memref<1x1x8x16xi32, #tpu.memory_space<hbm>> -> memref<8x16xi32, #tpu.memory_space<hbm>>
        %dma_wait3A_424 = arith.constant 0 : i32
        %dma_wait3A_425 = arith.constant 0 : i32
        %dma_wait3A_426 = tpu.memref_slice %arg4[%dma_wait3A_419, %arg1, %dma_wait3A_424, %dma_wait3A_425] : memref<2x16x1344x16xi32, #tpu.memory_space<hbm>> -> memref<1x1x8x16xi32, #tpu.memory_space<hbm>>
        %dma_wait3A_427 = tpu.memref_squeeze %dma_wait3A_426 : memref<1x1x8x16xi32, #tpu.memory_space<hbm>> -> memref<8x16xi32, #tpu.memory_space<hbm>>
        tpu.wait_dma2 semaphore(%arg17 : memref<!tpu.dma_semaphore, #tpu.memory_space<semaphore_mem>>) src(%dma_wait3A_427 : memref<8x16xi32, #tpu.memory_space<hbm>>) dst(%arg8 : memref<8x16xi32, #tpu.memory_space<vmem>>)
      } else {
      }
    }
    %scan3A_125 = arith.constant 84 : i32
    %barrier3A_126 = arith.constant 0 : index
    tpu.barrier barrier_id(%barrier3A_126)
    %mul3A_127 = arith.constant 320 : i32
    %mul3A_128 = arith.muli %arg1, %mul3A_127 : i32
    %mul3A_129 = arith.constant 2 : i32
    %mul3A_130 = arith.muli %arg0, %mul3A_129 : i32
    %mul3A_131 = arith.constant 5120 : i32
    %mul3A_132 = arith.muli %mul3A_130, %mul3A_131 : i32
    %add3A_133 = arith.constant 5120 : i32
    %add3A_134 = arith.addi %mul3A_132, %add3A_133 : i32
    %mul3A_135 = arith.constant 320 : i32
    %mul3A_136 = arith.muli %arg1, %mul3A_135 : i32
    %add3A_137 = arith.addi %add3A_134, %mul3A_136 : i32
    "tpu.region"() ({
      %run_scoped3A_138 = tpu.sem_alloc : memref<!tpu.dma_semaphore, #tpu.memory_space<semaphore_mem>>
      %dma_start3A = arith.constant 0 : i32
      %dma_start3A_139 = tpu.memref_slice %arg5[%add3A_137, %dma_start3A] : memref<20480x128xf32, #tpu.memory_space<hbm>> -> memref<320x128xf32, #tpu.memory_space<hbm>>
      %dma_start3A_140 = arith.constant 0 : i32
      %dma_start3A_141 = tpu.memref_slice %arg13[%mul3A_128, %dma_start3A_140] : memref<5120x128xf32, #tpu.memory_space<vmem_shared>> -> memref<320x128xf32, #tpu.memory_space<vmem_shared>>
      tpu.enqueue_dma source(%dma_start3A_141 : memref<320x128xf32, #tpu.memory_space<vmem_shared>>) target(%dma_start3A_139 : memref<320x128xf32, #tpu.memory_space<hbm>>) target_semaphore(%run_scoped3A_138 : memref<!tpu.dma_semaphore, #tpu.memory_space<semaphore_mem>>)
      %dma_wait3A = arith.constant 0 : i32
      %dma_wait3A_142 = tpu.memref_slice %arg5[%add3A_137, %dma_wait3A] : memref<20480x128xf32, #tpu.memory_space<hbm>> -> memref<320x128xf32, #tpu.memory_space<hbm>>
      %dma_wait3A_143 = arith.constant 0 : i32
      %dma_wait3A_144 = tpu.memref_slice %arg13[%mul3A_128, %dma_wait3A_143] : memref<5120x128xf32, #tpu.memory_space<vmem_shared>> -> memref<320x128xf32, #tpu.memory_space<vmem_shared>>
      tpu.wait_dma2 semaphore(%run_scoped3A_138 : memref<!tpu.dma_semaphore, #tpu.memory_space<semaphore_mem>>) src(%dma_wait3A_144 : memref<320x128xf32, #tpu.memory_space<vmem_shared>>) dst(%dma_wait3A_142 : memref<320x128xf32, #tpu.memory_space<hbm>>)
      tpu.yield
    }) : () -> ()
    return
  }
}

module attributes {stable_mosaic.version = 14 : i64} {
  func.func @_pre_body(%arg0: i32, %arg1: memref<1000x128xf32, #tpu.memory_space<vmem>>, %arg2: memref<1000x8xf32, #tpu.memory_space<vmem>>, %arg3: memref<128x128xf32, #tpu.memory_space<vmem>>, %arg4: memref<128x128xf32, #tpu.memory_space<vmem>>, %arg5: memref<8x128xf32, #tpu.memory_space<vmem>>, %arg6: memref<1x128xf32, #tpu.memory_space<vmem>>, %arg7: memref<2x1000x128xf32, #tpu.memory_space<vmem>>, %arg8: memref<1000x128xf32, #tpu.memory_space<vmem>>) attributes {dimension_semantics = [#tpu.dimension_semantics<arbitrary>], iteration_bounds = array<i64: 10>, scalar_prefetch = 0 : i64, scratch_operands = 0 : i64, tpu.core_type = #tpu.core_type<tc>, window_params = [{transform_indices = @transform_0, window_bounds = array<i64: 1000, 128>}, {transform_indices = @transform_1, window_bounds = array<i64: 1000, 8>}, {pipeline_mode = #tpu.pipeline_mode<synchronous>, transform_indices = @transform_2, window_bounds = array<i64: 128, 128>}, {pipeline_mode = #tpu.pipeline_mode<synchronous>, transform_indices = @transform_3, window_bounds = array<i64: 128, 128>}, {pipeline_mode = #tpu.pipeline_mode<synchronous>, transform_indices = @transform_4, window_bounds = array<i64: 8, 128>}, {pipeline_mode = #tpu.pipeline_mode<synchronous>, transform_indices = @transform_5, window_bounds = array<i64: 1, 128>}, {transform_indices = @transform_6, window_bounds = array<i64: 2, 1000, 128>}, {transform_indices = @transform_7, window_bounds = array<i64: 1000, 128>}]} {
    %get3A = arith.constant 0 : index
    %get3A_0 = arith.constant 0 : index
    %get3A_1 = vector.load %arg1[%get3A, %get3A_0] : memref<1000x128xf32, #tpu.memory_space<vmem>>, vector<1000x128xf32>
    %get3A_2 = arith.constant 0 : index
    %get3A_3 = arith.constant 0 : index
    %get3A_4 = vector.load %arg2[%get3A_2, %get3A_3] : memref<1000x8xf32, #tpu.memory_space<vmem>>, vector<1000x8xf32>
    %get3A_5 = arith.constant 0 : index
    %get3A_6 = arith.constant 0 : index
    %get3A_7 = vector.load %arg5[%get3A_5, %get3A_6] : memref<8x128xf32, #tpu.memory_space<vmem>>, vector<8x128xf32>
    %dot_general3A = arith.constant dense<0.000000e+00> : vector<1000x128xf32>
    %dot_general3A_8 = tpu.matmul %get3A_4, %get3A_7, %dot_general3A {dimension_numbers = #tpu.dot_dimension_numbers<[1], [0], [0], [1], [0, 0, 1, 1], [], []>, transpose_lhs_hint = false} : vector<1000x8xf32>, vector<8x128xf32>, vector<1000x128xf32> -> vector<1000x128xf32>
    %get3A_9 = arith.constant 0 : index
    %get3A_10 = arith.constant 0 : index
    %get3A_11 = vector.load %arg3[%get3A_9, %get3A_10] : memref<128x128xf32, #tpu.memory_space<vmem>>, vector<128x128xf32>
    %dot_general3A_12 = arith.constant dense<0.000000e+00> : vector<1000x128xf32>
    %dot_general3A_13 = tpu.matmul %get3A_1, %get3A_11, %dot_general3A_12 {dimension_numbers = #tpu.dot_dimension_numbers<[1], [0], [0], [1], [0, 0, 1, 1], [], []>, transpose_lhs_hint = false} : vector<1000x128xf32>, vector<128x128xf32>, vector<1000x128xf32> -> vector<1000x128xf32>
    %add3A = arith.addf %dot_general3A_13, %dot_general3A_8 : vector<1000x128xf32>
    %neg3A = arith.constant 0.000000e+00 : f32
    %neg3A_14 = vector.broadcast %neg3A : f32 to vector<1000x128xf32>
    %neg3A_15 = arith.subf %neg3A_14, %add3A : vector<1000x128xf32>
    %exp3A = math.exp %neg3A_15 : vector<1000x128xf32>
    %get3A_16 = arith.constant 0 : index
    %get3A_17 = arith.constant 0 : index
    %get3A_18 = vector.load %arg4[%get3A_16, %get3A_17] : memref<128x128xf32, #tpu.memory_space<vmem>>, vector<128x128xf32>
    %dot_general3A_19 = arith.constant dense<0.000000e+00> : vector<1000x128xf32>
    %dot_general3A_20 = tpu.matmul %get3A_1, %get3A_18, %dot_general3A_19 {dimension_numbers = #tpu.dot_dimension_numbers<[1], [0], [0], [1], [0, 0, 1, 1], [], []>, transpose_lhs_hint = false} : vector<1000x128xf32>, vector<128x128xf32>, vector<1000x128xf32> -> vector<1000x128xf32>
    %sub3A = arith.subf %dot_general3A_20, %dot_general3A_8 : vector<1000x128xf32>
    %mul3A = arith.mulf %exp3A, %sub3A : vector<1000x128xf32>
    %swap3A = arith.constant 0 : index
    %swap3A_21 = arith.constant 0 : index
    %swap3A_22 = arith.constant 0 : index
    %swap3A_23 = vector.load %arg7[%swap3A, %swap3A_21, %swap3A_22] : memref<2x1000x128xf32, #tpu.memory_space<vmem>>, vector<1x1000x128xf32>
    %swap3A_24 = vector.shape_cast %swap3A_23 : vector<1x1000x128xf32> to vector<1000x128xf32>
    %swap3A_25 = vector.shape_cast %mul3A : vector<1000x128xf32> to vector<1x1000x128xf32>
    tpu.vector_store %arg7[%swap3A, %swap3A_21, %swap3A_22], %swap3A_25 {strides = array<i32>} : memref<2x1000x128xf32, #tpu.memory_space<vmem>>, vector<1x1000x128xf32>,
    %swap3A_26 = arith.constant 1 : index
    %swap3A_27 = arith.constant 0 : index
    %swap3A_28 = arith.constant 0 : index
    %swap3A_29 = vector.load %arg7[%swap3A_26, %swap3A_27, %swap3A_28] : memref<2x1000x128xf32, #tpu.memory_space<vmem>>, vector<1x1000x128xf32>
    %swap3A_30 = vector.shape_cast %swap3A_29 : vector<1x1000x128xf32> to vector<1000x128xf32>
    %swap3A_31 = vector.shape_cast %exp3A : vector<1000x128xf32> to vector<1x1000x128xf32>
    tpu.vector_store %arg7[%swap3A_26, %swap3A_27, %swap3A_28], %swap3A_31 {strides = array<i32>} : memref<2x1000x128xf32, #tpu.memory_space<vmem>>, vector<1x1000x128xf32>,
    %get3A_32 = arith.constant 0 : index
    %get3A_33 = arith.constant 0 : index
    %get3A_34 = vector.load %arg6[%get3A_32, %get3A_33] : memref<1x128xf32, #tpu.memory_space<vmem>>, vector<1x128xf32>
    %add3A_35 = vector.broadcast %get3A_34 : vector<1x128xf32> to vector<1000x128xf32>
    %add3A_36 = arith.addf %dot_general3A_8, %add3A_35 : vector<1000x128xf32>
    %swap3A_37 = arith.constant 0 : index
    %swap3A_38 = arith.constant 0 : index
    %swap3A_39 = vector.load %arg8[%swap3A_37, %swap3A_38] : memref<1000x128xf32, #tpu.memory_space<vmem>>, vector<1000x128xf32>
    tpu.vector_store %arg8[%swap3A_37, %swap3A_38], %add3A_36 {strides = array<i32>} : memref<1000x128xf32, #tpu.memory_space<vmem>>, vector<1000x128xf32>,
    return
  }
  func.func @transform_0(%arg0: i32) -> (i32, i32) {
    %c0_i32 = arith.constant 0 : i32
    %c0_i32_0 = arith.constant 0 : i32
    return %arg0, %c0_i32 : i32, i32
  }
  func.func @transform_1(%arg0: i32) -> (i32, i32) {
    %c0_i32 = arith.constant 0 : i32
    %c0_i32_0 = arith.constant 0 : i32
    return %arg0, %c0_i32 : i32, i32
  }
  func.func @transform_2(%arg0: i32) -> (i32, i32) {
    %c0_i32 = arith.constant 0 : i32
    %c0_i32_0 = arith.constant 0 : i32
    %c0_i32_1 = arith.constant 0 : i32
    return %c0_i32, %c0_i32_0 : i32, i32
  }
  func.func @transform_3(%arg0: i32) -> (i32, i32) {
    %c0_i32 = arith.constant 0 : i32
    %c0_i32_0 = arith.constant 0 : i32
    %c0_i32_1 = arith.constant 0 : i32
    return %c0_i32, %c0_i32_0 : i32, i32
  }
  func.func @transform_4(%arg0: i32) -> (i32, i32) {
    %c0_i32 = arith.constant 0 : i32
    %c0_i32_0 = arith.constant 0 : i32
    %c0_i32_1 = arith.constant 0 : i32
    return %c0_i32, %c0_i32_0 : i32, i32
  }
  func.func @transform_5(%arg0: i32) -> (i32, i32) {
    %c0_i32 = arith.constant 0 : i32
    %c0_i32_0 = arith.constant 0 : i32
    %c0_i32_1 = arith.constant 0 : i32
    return %c0_i32, %c0_i32_0 : i32, i32
  }
  func.func @transform_6(%arg0: i32) -> (i32, i32, i32) {
    %c0_i32 = arith.constant 0 : i32
    %c0_i32_0 = arith.constant 0 : i32
    %c0_i32_1 = arith.constant 0 : i32
    return %c0_i32, %arg0, %c0_i32_0 : i32, i32, i32
  }
  func.func @transform_7(%arg0: i32) -> (i32, i32) {
    %c0_i32 = arith.constant 0 : i32
    %c0_i32_0 = arith.constant 0 : i32
    return %arg0, %c0_i32 : i32, i32
  }
}

module attributes {stable_mosaic.version = 14 : i64} {
  func.func @_post_body(%arg0: i32, %arg1: memref<1000x128xf32, #tpu.memory_space<vmem>>, %arg2: memref<1000x128xf32, #tpu.memory_space<vmem>>, %arg3: memref<1000x128xf32, #tpu.memory_space<vmem>>, %arg4: memref<128x128xf32, #tpu.memory_space<vmem>>, %arg5: memref<1x128xf32, #tpu.memory_space<vmem>>, %arg6: memref<128x128xf32, #tpu.memory_space<vmem>>, %arg7: memref<1x128xf32, #tpu.memory_space<vmem>>, %arg8: memref<1000x128xf32, #tpu.memory_space<vmem>>) attributes {dimension_semantics = [#tpu.dimension_semantics<arbitrary>], iteration_bounds = array<i64: 10>, scalar_prefetch = 0 : i64, scratch_operands = 0 : i64, tpu.core_type = #tpu.core_type<tc>, window_params = [{transform_indices = @transform_0, window_bounds = array<i64: 1000, 128>}, {transform_indices = @transform_1, window_bounds = array<i64: 1000, 128>}, {transform_indices = @transform_2, window_bounds = array<i64: 1000, 128>}, {pipeline_mode = #tpu.pipeline_mode<synchronous>, transform_indices = @transform_3, window_bounds = array<i64: 128, 128>}, {pipeline_mode = #tpu.pipeline_mode<synchronous>, transform_indices = @transform_4, window_bounds = array<i64: 1, 128>}, {pipeline_mode = #tpu.pipeline_mode<synchronous>, transform_indices = @transform_5, window_bounds = array<i64: 128, 128>}, {pipeline_mode = #tpu.pipeline_mode<synchronous>, transform_indices = @transform_6, window_bounds = array<i64: 1, 128>}, {transform_indices = @transform_7, window_bounds = array<i64: 1000, 128>}]} {
    %get3A = arith.constant 0 : index
    %get3A_0 = arith.constant 0 : index
    %get3A_1 = vector.load %arg1[%get3A, %get3A_0] : memref<1000x128xf32, #tpu.memory_space<vmem>>, vector<1000x128xf32>
    %get3A_2 = arith.constant 0 : index
    %get3A_3 = arith.constant 0 : index
    %get3A_4 = vector.load %arg2[%get3A_2, %get3A_3] : memref<1000x128xf32, #tpu.memory_space<vmem>>, vector<1000x128xf32>
    %max3A = arith.constant 1.000000e-30 : f32
    %max3A_5 = vector.broadcast %max3A : f32 to vector<1000x128xf32>
    %max3A_6 = arith.maximumf %get3A_4, %max3A_5 : vector<1000x128xf32>
    %div3A = arith.divf %get3A_1, %max3A_6 : vector<1000x128xf32>
    %get3A_7 = arith.constant 0 : index
    %get3A_8 = arith.constant 0 : index
    %get3A_9 = vector.load %arg3[%get3A_7, %get3A_8] : memref<1000x128xf32, #tpu.memory_space<vmem>>, vector<1000x128xf32>
    %add3A = arith.addf %div3A, %get3A_9 : vector<1000x128xf32>
    %get3A_10 = arith.constant 0 : index
    %get3A_11 = arith.constant 0 : index
    %get3A_12 = vector.load %arg4[%get3A_10, %get3A_11] : memref<128x128xf32, #tpu.memory_space<vmem>>, vector<128x128xf32>
    %dot_general3A = arith.constant dense<0.000000e+00> : vector<1000x128xf32>
    %dot_general3A_13 = tpu.matmul %add3A, %get3A_12, %dot_general3A {dimension_numbers = #tpu.dot_dimension_numbers<[1], [0], [0], [1], [0, 0, 1, 1], [], []>, transpose_lhs_hint = false} : vector<1000x128xf32>, vector<128x128xf32>, vector<1000x128xf32> -> vector<1000x128xf32>
    %get3A_14 = arith.constant 0 : index
    %get3A_15 = arith.constant 0 : index
    %get3A_16 = vector.load %arg5[%get3A_14, %get3A_15] : memref<1x128xf32, #tpu.memory_space<vmem>>, vector<1x128xf32>
    %add3A_17 = vector.broadcast %get3A_16 : vector<1x128xf32> to vector<1000x128xf32>
    %add3A_18 = arith.addf %dot_general3A_13, %add3A_17 : vector<1000x128xf32>
    %max3A_19 = arith.constant 0.000000e+00 : f32
    %max3A_20 = vector.broadcast %max3A_19 : f32 to vector<1000x128xf32>
    %max3A_21 = arith.maximumf %add3A_18, %max3A_20 : vector<1000x128xf32>
    %get3A_22 = arith.constant 0 : index
    %get3A_23 = arith.constant 0 : index
    %get3A_24 = vector.load %arg6[%get3A_22, %get3A_23] : memref<128x128xf32, #tpu.memory_space<vmem>>, vector<128x128xf32>
    %dot_general3A_25 = arith.constant dense<0.000000e+00> : vector<1000x128xf32>
    %dot_general3A_26 = tpu.matmul %max3A_21, %get3A_24, %dot_general3A_25 {dimension_numbers = #tpu.dot_dimension_numbers<[1], [0], [0], [1], [0, 0, 1, 1], [], []>, transpose_lhs_hint = false} : vector<1000x128xf32>, vector<128x128xf32>, vector<1000x128xf32> -> vector<1000x128xf32>
    %get3A_27 = arith.constant 0 : index
    %get3A_28 = arith.constant 0 : index
    %get3A_29 = vector.load %arg7[%get3A_27, %get3A_28] : memref<1x128xf32, #tpu.memory_space<vmem>>, vector<1x128xf32>
    %add3A_30 = vector.broadcast %get3A_29 : vector<1x128xf32> to vector<1000x128xf32>
    %add3A_31 = arith.addf %dot_general3A_26, %add3A_30 : vector<1000x128xf32>
    %swap3A = arith.constant 0 : index
    %swap3A_32 = arith.constant 0 : index
    %swap3A_33 = vector.load %arg8[%swap3A, %swap3A_32] : memref<1000x128xf32, #tpu.memory_space<vmem>>, vector<1000x128xf32>
    tpu.vector_store %arg8[%swap3A, %swap3A_32], %add3A_31 {strides = array<i32>} : memref<1000x128xf32, #tpu.memory_space<vmem>>, vector<1000x128xf32>,
    return
  }
  func.func @transform_0(%arg0: i32) -> (i32, i32) {
    %c0_i32 = arith.constant 0 : i32
    %c0_i32_0 = arith.constant 0 : i32
    return %arg0, %c0_i32 : i32, i32
  }
  func.func @transform_1(%arg0: i32) -> (i32, i32) {
    %c0_i32 = arith.constant 0 : i32
    %c0_i32_0 = arith.constant 0 : i32
    return %arg0, %c0_i32 : i32, i32
  }
  func.func @transform_2(%arg0: i32) -> (i32, i32) {
    %c0_i32 = arith.constant 0 : i32
    %c0_i32_0 = arith.constant 0 : i32
    return %arg0, %c0_i32 : i32, i32
  }
  func.func @transform_3(%arg0: i32) -> (i32, i32) {
    %c0_i32 = arith.constant 0 : i32
    %c0_i32_0 = arith.constant 0 : i32
    %c0_i32_1 = arith.constant 0 : i32
    return %c0_i32, %c0_i32_0 : i32, i32
  }
  func.func @transform_4(%arg0: i32) -> (i32, i32) {
    %c0_i32 = arith.constant 0 : i32
    %c0_i32_0 = arith.constant 0 : i32
    %c0_i32_1 = arith.constant 0 : i32
    return %c0_i32, %c0_i32_0 : i32, i32
  }
  func.func @transform_5(%arg0: i32) -> (i32, i32) {
    %c0_i32 = arith.constant 0 : i32
    %c0_i32_0 = arith.constant 0 : i32
    %c0_i32_1 = arith.constant 0 : i32
    return %c0_i32, %c0_i32_0 : i32, i32
  }
  func.func @transform_6(%arg0: i32) -> (i32, i32) {
    %c0_i32 = arith.constant 0 : i32
    %c0_i32_0 = arith.constant 0 : i32
    %c0_i32_1 = arith.constant 0 : i32
    return %c0_i32, %c0_i32_0 : i32, i32
  }
  func.func @transform_7(%arg0: i32) -> (i32, i32) {
    %c0_i32 = arith.constant 0 : i32
    %c0_i32_0 = arith.constant 0 : i32
    return %arg0, %c0_i32 : i32, i32
  }
}

</mosaic_0001>

<sc_bundles>
// kernel: kernel.5.cloned.1.call-start
scs
__scs_entry_jumppad:
0x0: {  	(pc) =	sbr.rel $0x88, $3  }
0x1: {  	(tag) =	ssettag $0x0;
	lr =	simm.s32 $0x1  }
0x2: {  	[smem:$0x3F96] =	sst lr;
	_ =	strace $0xD0000000  }
0x3: {  	_ = 	snop  }
0x4: {  	_ = 	snop  }
0x5: {  	_ = 	snop  }
0x6: {  	_ = 	snop  }
0x7: {  	_ = 	snop  }
__scs_overlays_trampoline_lowered:
0x8: {  	[smem:$0x3FA5] =	sst s0  }
0x9: {  	[smem:$0x3FA6] =	sst s1  }
0xa: {  	[smem:$0x3FA7] =	sst s2  }
0xb: {  	[smem:$0x3FA8] =	sst s3  }
0xc: {  	[smem:$0x3FA9] =	sst s4  }
0xd: {  	[smem:$0x3FAA] =	sst s5  }
0xe: {  	[smem:$0x3FAB] =	sst s6  }
0xf: {  	[smem:$0x3FAC] =	sst s7  }
0x10: {  	[smem:$0x3FAD] =	sst s8  }
0x11: {  	[smem:$0x3FAE] =	sst s9;
	s0 =	simm.s32 @!p0 $0x0  }
0x12: {  	s1 =	sld [smem:$0x3F94];
	s0 =	simm.s32 @p0 $0x1  }
0x13: {  	[smem:$0x3FAF] =	sst s0;
	s0 =	simm.s32 @!p1 $0x0  }
0x14: {  	s2 =	sld [smem:$0x3F93];
	s0 =	simm.s32 @p1 $0x1  }
0x15: {  	[smem:$0x3FB0] =	sst s0;
	s0 =	simm.s32 @!p2 $0x0  }
0x16: {  	s3 =	sld [smem:$0x3FDB];
	s0 =	simm.s32 @p2 $0x1  }
0x17: {  	s4 =	simm.s32 $0x1BF5;
	[smem:$0x3FB2] =	sst s0  }
0x18: {  	s0 =	sld [smem:$0x3F95];
	_ =	swait.ge [sflag:s4], $0x0  }
0x19: {  	s7 =	sld [smem:$0x3F96]  }
0x1a: {  	s8 =	sadd.s32 $0xFFFFE003, lr  }
0x1b: {  	s9 =	sadd.s32 $0xFFFFFEF7, lr;
	s5 =	simm.s32 $0xFFFFFFFF;
	p2 =	slt.u32 s8, $0xFFFFF086  }
0x1c: {  	p1 =	slt.u32 s9, $0xF7A;
	s5 =	simm.s32 @!p2 $0x0  }
0x1d: {  	s5 =	simm.s32 @p1 $0x1;
	p0 =	seq.s32 s7, s2  }
0x1e: {  	s7 =	smul.u32 @!p0 $0xF7A, s2;
	p2 =	seq.s32 @!p0 s5, $0x0  }
0x1f: {  	s9 =	smul.u32 $0xF7A, s1;
	s8 =	simm.s32 @!p0 $0x1BF5;
	p2 =	por !p2, p0  }
0x20: {  	[sflag:s8] =	ssyncset.s32 @!p0 $0xFFFFF086;
	s6 =	sadd.s32 @!p0 s3, s7;
	s7 =	simm.s32 @!p0 $0x108  }
0x21: {  	s3 =	sadd.s32 s3, s9;
	s6 =	sadd.s32 @!p0 $0x88, s6;
	s7 =	simm.s32 @p2 $0x1082  }
0x22: {  	[simem:s7], [sflag:s8] =	dma.local @!p0 [hbm:s6], $0xF7A  }
0x23: {  	s9 =	sor.u32 $0xD0000000, s2;
	s6 =	simm.s32 $0x108;
	_ =	swait.ge @!p0 [sflag:s8], $0x0  }
0x24: {  	s3 =	sadd.s32 $0x88, s3;
	s6 =	simm.s32 @!p1 $0x1082;
	[sflag:s4] =	ssyncset.s32 $0xFFFFF086  }
0x25: {  	[simem:s6], [sflag:s4] =	dma.local [hbm:s3], $0xF7A  }
0x26: {  	[smem:$0x3F96] =	sst s1;
	(tag) =	ssettag s2;
	_ =	strace s9  }
0x27: {  	s1 =	sld [smem:$0x3FA6]  }
0x28: {  	s2 =	sld [smem:$0x3FA7]  }
0x29: {  	s4 =	sld [smem:$0x3FA9]  }
0x2a: {  	p0 =	seq.s32 s5, $0x0;
	s5 =	sld [smem:$0x3FAA]  }
0x2b: {  	s6 =	sld [smem:$0x3FAB]  }
0x2c: {  	s7 =	sld [smem:$0x3FAC]  }
0x2d: {  	s3 =	simm.s32 $0x108;
	s8 =	sld [smem:$0x3FAD]  }
0x2e: {  	s3 =	simm.s32 @!p0 $0x1082;
	s9 =	sld [smem:$0x3FAE]  }
0x2f: {  	lr =	sadd.s32 s0, s3;
	s0 =	sld [smem:$0x3FA5]  }
0x30: {  	s3 =	sld [smem:$0x3FA8]  }
0x31: {  	[smem:$0x3FB1] =	sst s10  }
0x32: {  	s10 =	sld [smem:$0x3FAF];
	_ =	sdelay $0x3  }
0x33: {  	p0 =	seq.s32 s10, $0x1;
	s10 =	sld [smem:$0x3FB1];
	_ =	sdelay $0x3  }
0x34: {  	[smem:$0x3FB1] =	sst s10  }
0x35: {  	s10 =	sld [smem:$0x3FB0];
	_ =	sdelay $0x3  }
0x36: {  	p1 =	seq.s32 s10, $0x1;
	s10 =	sld [smem:$0x3FB1];
	_ =	sdelay $0x3  }
0x37: {  	[smem:$0x3FB1] =	sst s10  }
0x38: {  	s10 =	sld [smem:$0x3FB2]  }
0x39: {  	_ = 	snop;
	(pc) =	sbr.ind lr, $3  }
0x3a: {  	_ = 	snop  }
0x3b: {  	_ = 	snop  }
0x3c: {  	p2 =	seq.s32 s10, $0x1;
	s10 =	sld [smem:$0x3FB1]  }
0x3d: {  	_ =	shalt  }
0x3e: {  	_ =	shalt  }
0x3f: {  	_ =	shalt  }
0x40: {  	_ =	shalt  }
0x41: {  	_ =	shalt  }
0x42: {  	_ =	shalt  }
0x43: {  	_ =	shalt  }
0x44: {  	_ =	shalt  }
0x45: {  	_ =	shalt  }
0x46: {  	_ =	shalt  }
0x47: {  	_ =	shalt  }
0x48: {  	_ =	shalt  }
0x49: {  	_ =	shalt  }
0x4a: {  	_ =	shalt  }
0x4b: {  	_ =	shalt  }
0x4c: {  	_ =	shalt  }
0x4d: {  	_ =	shalt  }
0x4e: {  	_ =	shalt  }
0x4f: {  	_ =	shalt  }
0x50: {  	_ =	shalt  }
0x51: {  	_ =	shalt  }
0x52: {  	_ =	shalt  }
0x53: {  	_ =	shalt  }
0x54: {  	_ =	shalt  }
0x55: {  	_ =	shalt  }
0x56: {  	_ =	shalt  }
0x57: {  	_ =	shalt  }
0x58: {  	_ =	shalt  }
0x59: {  	_ =	shalt  }
0x5a: {  	_ =	shalt  }
0x5b: {  	_ =	shalt  }
0x5c: {  	_ =	shalt  }
0x5d: {  	_ =	shalt  }
0x5e: {  	_ =	shalt  }
0x5f: {  	_ =	shalt  }
0x60: {  	_ =	shalt  }
0x61: {  	_ =	shalt  }
0x62: {  	_ =	shalt  }
0x63: {  	_ =	shalt  }
0x64: {  	_ =	shalt  }
0x65: {  	_ =	shalt  }
0x66: {  	_ =	shalt  }
0x67: {  	_ =	shalt  }
0x68: {  	_ =	shalt  }
0x69: {  	_ =	shalt  }
0x6a: {  	_ =	shalt  }
0x6b: {  	_ =	shalt  }
0x6c: {  	_ =	shalt  }
0x6d: {  	_ =	shalt  }
0x6e: {  	_ =	shalt  }
0x6f: {  	_ =	shalt  }
0x70: {  	_ =	shalt  }
0x71: {  	_ =	shalt  }
0x72: {  	_ =	shalt  }
0x73: {  	_ =	shalt  }
0x74: {  	_ =	shalt  }
0x75: {  	_ =	shalt  }
0x76: {  	_ =	shalt  }
0x77: {  	_ =	shalt  }
0x78: {  	_ =	shalt  }
0x79: {  	_ =	shalt  }
0x7a: {  	_ =	shalt  }
0x7b: {  	_ =	shalt  }
0x7c: {  	_ =	shalt  }
0x7d: {  	_ =	shalt  }
0x7e: {  	_ =	shalt  }
0x7f: {  	_ =	shalt  }
0x80: {  	_ =	shalt  }
0x81: {  	_ =	shalt  }
0x82: {  	_ =	shalt  }
0x83: {  	_ =	shalt  }
0x84: {  	_ =	shalt  }
0x85: {  	_ =	shalt  }
0x86: {  	_ =	shalt  }
0x87: {  	_ =	shalt  }
.Lfunc_end0:
.L_simem_size_0:
called_computation_lowered:
.L_overlay_start_0:
0x88: {  	s2 =	sld [smem:$0x3FD9]  }
0x89: {  	s3 =	sld [smem:$0x3FFE];
	_ =	sdelay $0x1  }
0x8a: {  	s1 =	srdreg.scid  }
0x8b: {  	s0 =	sand.u32 $0x1, s1  }
0x8c: {  	s16 =	sshll.u32 s0, $0xA;
	s2 =	sadd.s32 s3, s2  }
0x8d: {  	s2 =	sadd.s32 s2, s16  }
0x8e: {  	[smem:$0x3FBD] =	sst s2  }
0x8f: {  	_ = 	snop  }
0x90: {  	(tm) =	ssettm $0x1  }
0x91: {  	s17 =	sld [smem:$0x3FFB];
	_ =	sdelay $0x3  }
0x92: {  	_ =	strace s17  }
0x93: {  	s2 =	sld [smem:$0x3FFC];
	_ =	sdelay $0x3  }
0x94: {  	_ =	strace s2  }
0x95: {  	s2 =	sld [smem:$0x3FFD];
	_ =	sdelay $0x3  }
0x96: {  	_ =	strace s2  }
0x97: {  	_ =	strace $0x8FFFFFFF  }
0x98: {  	s18 =	sld [smem:$0x3FDB];
	_ =	sdelay $0x1  }
0x99: {  	s19 =	simm.s32 $_scs_section_size  }
0x9a: {  	s4 =	simm.s32 $_size__tile_overlayer_lowered;
	s5 =	simm.s32 $_tile_overlayer_lowered  }
0x9b: {  	s22 =	simm.s32 $0x1BFF;
	s21 =	sshll.u32 s5, $0x1;
	s2 =	sadd.s32 s19, s18  }
0x9c: {  	s6 =	simm.s32 $0x0;
	s20 =	sshll.u32 s4, $0x1;
	s4 =	sadd.s32 s21, s2  }
0x9d: {  	[timem:s6], [sflag:s22] =	dma.local [hbm:s4], s20  }
0x9e: {  	_ =	swait.ge [sflag:s22], s20  }
0x9f: {  	s3 =	ssub.s32 $0x0, s20;
	[sflag:s22] =	ssyncset.done $0x0  }
0xa0: {  	[sflag:s22] =	ssyncadd.s32 s3;
	_ =	sdelay $0x1  }
0xa1: {  	s23 =	simm.s32 $0x1B8B  }
0xa2: {  	_ =	swait.ge [sflag:s23], $0x1  }
0xa3: {  	[sflag:s23] =	ssyncset.done $0x0  }
0xa4: {  	s25 =	simm.s32 $0x1B8E;
	s24 =	sld [smem:$0x3FFE];
	[sflag:s23] =	ssyncadd.s32 $0xFFFFFFFF  }
0xa5: {  	s26 =	simm.s32 $execute0_lowered;
	[smem:$0x3FD2] =	sst s25  }
0xa6: {  	s4 =	sshll.u32 s26, $0x1;
	_ =	strace $0x80000046;
	[dreg:$0x1] =	wrdreg $0xFFFFFFFF  }
0xa7: {  	s28 =	simm.s32 $_size_execute0_lowered;
	s2 =	sadd.s32 s2, s4;
	[dreg:$0x0] =	wrdreg $0x0  }
0xa8: {  	s4 =	sshll.u32 s28, $0x1;
	[dreg:$0x2] =	wrdreg s2  }
0xa9: {  	[dreg:$0x3] =	wrdreg s4  }
0xaa: {  	[dreg:$0x4] =	wrdreg $0xC0  }
0xab: {  	_ =	task [dreg:s6], $0x5FFFF  }
0xac: {  	[dreg:$0x1] =	wrdreg $0xFFFFFFFF  }
0xad: {  	[dreg:$0x0] =	wrdreg $0x60  }
0xae: {  	[dreg:$0x2] =	wrdreg s24  }
0xaf: {  	[dreg:$0x3] =	wrdreg $0x20000  }
0xb0: {  	[dreg:$0x4] =	wrdreg $0x159000  }
0xb1: {  	[dreg:$0x5] =	wrdreg $0x9  }
0xb2: {  	_ =	task.clear_ibuf [dreg:s6], $0x6FFFF;
	_ =	strace $0x90000046  }
0xb3: {  	s29 =	simm.s32 $0x9;
	_ =	strace $0x80000048  }
0xb4: {  	_ =	swait.ge [sflag:s29], $0x1  }
0xb5: {  	[sflag:s29] =	ssyncadd.s32 $0xFFFFFFFF  }
0xb6: {  	_ =	strace $0x90000048  }
0xb7: {  	_ =	sfence  }
0xb8: {  	s30 =	sld [smem:$0x0];
	_ =	sdelay $0x2  }
0xb9: {  	s31 =	sshll.u32 s1, $0xD;
	s1 =	sshrl.u32 s1, $0x2  }
0xba: {  	s3 =	sand.u32 $0x4000, s31;
	s1 =	sadd.s32 s1, s30  }
0xbb: {  	s0 =	sor.u32 s3, s0;
	s1 =	sshll.u32 s1, $0x11  }
0xbc: {  	s0 =	sor.u32 s1, s0  }
0xbd: {  	s0 =	sadd.s32 $0x8F2B, s0  }
0xbe: {  	[sflag:s0] =	ssyncadd.remote.s32 $0x1  }
0xbf: {  	_ =	sfence.sel $0xFFFF  }
0xc0: {  	[dreg:$0x0] =	wrdreg $0xFFFFFFFF;
	(pc) =	sbr.abs _section_cstart, $3  }
0xc1: {  	[dreg:$0x1] =	wrdreg $0xFFFFFFFF  }
0xc2: {  	_ =	task.clear_ibuf [dreg:s6], $0x2FFFF;
	_ =	strace $0x9FFFFFFF  }
0xc3: {  	(tm) =	ssettm $0x7FFFFFFF  }
tec
execute0_lowered:
.L_overlay_start_1:
0x0: {  	(tag) =	ssettag $0x1  }
0x1: {  	s0 =	rddreg [dreg:$0x0];
	s14 =	stileid.u32  }
0x2: {  	s2 =	rddreg [dreg:$0x1];
	s5 =	smul.u32 $0x140, s14  }
0x3: {  	s3 =	rddreg [dreg:$0x2];
	s9 =	smul.u32 $0x59000, s14  }
0x4: {  	s1 =	srdreg.scid;
	s11 =	smul.u32 $0x2C80, s14  }
0x5: {  	s4 =	simm.s32 $0x0;
	s1 =	sand.u32 $0x1, s1;
	s13 =	smul.u32 $0x28000, s14  }
0x6: {  	[smem:$0x7FF] =	sst s4;
	s7 =	sadd.s32 $0xFDE00, s0;
	s6 =	smul.u32 $0x2800, s1  }
0x7: {  	s8 =	sadd.s32 $0x1E00, s0;
	s10 =	sadd.s32 $0x55E00, s0;
	s25 =	smul.u32 $0x140000, s1  }
0x8: {  	_ =	strace $0x80000047;
	s26 =	smul.u32 $0x28000, s1;
	s1 =	ssub.s32 $0x2, s1  }
0x9: {  	s12 =	sshrl.u32 s1, $0x1;
	s5 =	sadd.s32 s5, s6;
	s6 =	sshrl.u32 s25, $0x3  }
0xa: {  	s9 =	sshrl.u32 s9, $0x2;
	s5 =	sshll.u32 s5, $0x4;
	s6 =	sadd.s32 s7, s6  }
0xb: {  	s0 =	sadd.s32 s5, s0;
	s6 =	sadd.s32 $0x26F00, s6;
	s5 =	sadd.s32 s11, s26  }
0xc: {  	s13 =	sshrl.u32 s13, $0x2;
	[dreg:$0x4] =	wrdreg s6;
	s5 =	sadd.s32 s7, s5  }
0xd: {  	s1 =	ssub.s32 s1, s12;
	s11 =	sadd.s32 $0x14DE00, s0;
	[dreg:$0x5] =	wrdreg s5  }
0xe: {  	s6 =	sadd.s32 s9, s2;
	s0 =	sadd.s32 $0x161E00, s0;
	[dreg:$0x12] =	wrdreg s11  }
0xf: {  	s9 =	sadd.s32 s13, s3;
	s13 =	smax.u32 s1, $0x1;
	[dreg:$0x13] =	wrdreg s0  }
0x10: {  	[dreg:$0x14] =	wrdreg s13  }
0x11: {  	s15 =	sadd.s32 $0x800, s9;
	[dreg:$0x6] =	wrdreg s9  }
0x12: {  	s16 =	sadd.s32 $0x1000, s9;
	[dreg:$0x7] =	wrdreg s15  }
0x13: {  	s28 =	simm.s32 $0xE00;
	s17 =	sadd.s32 $0x1800, s9;
	[dreg:$0x8] =	wrdreg s16  }
0x14: {  	s29 =	simm.s32 $0x700;
	s18 =	sadd.s32 $0x2000, s9;
	[dreg:$0x9] =	wrdreg s17  }
0x15: {  	s20 =	smul.u32 $0x2A000, s14;
	s19 =	sadd.s32 $0x2800, s9;
	[dreg:$0xa] =	wrdreg s18  }
0x16: {  	p0 =	sgt.u32 s14, $0xD;
	s21 =	sadd.s32 $0x3000, s9;
	[dreg:$0xb] =	wrdreg s19  }
0x17: {  	p1 =	sne.s32 @p0 s14, $0xE;
	s22 =	sadd.s32 $0x3800, s9;
	[dreg:$0xc] =	wrdreg s21  }
0x18: {  	p1 =	por p1, !p0;
	s23 =	sadd.s32 $0x4000, s9;
	[dreg:$0xd] =	wrdreg s22  }
0x19: {  	s12 =	sadd.s32 $0x137800, s2;
	s24 =	sadd.s32 $0x4800, s9;
	[dreg:$0xe] =	wrdreg s23  }
0x1a: {  	s25 =	smul.u32 $0x5400, s14;
	s0 =	sshrl.u32 @!p1 s12, $0x3;
	[dreg:$0xf] =	wrdreg s24  }
0x1b: {  	s5 =	sshrl.u32 s20, $0x3;
	s14 =	sadd.s32 $0x5000, s9;
	[dreg:$0x15] =	wrdreg s0  }
0x1c: {  	s30 =	simm.s32 $0xE80;
	s26 =	sadd.s32 s8, s5;
	[dreg:$0x17] =	wrdreg s14  }
0x1d: {  	s31 =	simm.s32 $0x780;
	s0 =	sshrl.u32 @!p0 s6, $0x3;
	[dreg:$0x10] =	wrdreg s26  }
0x1e: {  	s1 =	simm.s32 $0xC00;
	s15 =	sadd.s32 $0x5800, s9;
	[dreg:$0x16] =	wrdreg s0  }
0x1f: {  	s7 =	simm.s32 $0x0;
	s16 =	sadd.s32 $0x6000, s9;
	[dreg:$0x18] =	wrdreg s15  }
0x20: {  	s20 =	sadd.s32 s25, s8;
	s17 =	sadd.s32 $0x6800, s9;
	[dreg:$0x19] =	wrdreg s16  }
0x21: {  	s11 =	simm.s32 $0x1;
	s18 =	sadd.s32 $0x7000, s9;
	[dreg:$0x1a] =	wrdreg s17  }
0x22: {  	s13 =	simm.s32 $0x2;
	s21 =	sadd.s32 $0x7800, s9;
	[dreg:$0x1b] =	wrdreg s18  }
0x23: {  	s12 =	simm.s32 $0xC80;
	s22 =	sadd.s32 $0x8000, s9;
	[dreg:$0x1c] =	wrdreg s21  }
0x24: {  	s5 =	sadd.s32 s10, s5;
	s23 =	sadd.s32 $0x8800, s9;
	[dreg:$0x1d] =	wrdreg s22  }
0x25: {  	s19 =	sadd.s32 s25, s10;
	s24 =	sadd.s32 $0x9000, s9;
	[dreg:$0x1e] =	wrdreg s23  }
0x26: {  	s25 =	sadd.s32 $0x9800, s9;
	s8 =	simm.s32 $0x10;
	[dreg:$0x1f] =	wrdreg s24  }
0x27: {  	s10 =	simm.s32 $0x1800;
	s14 =	simm.s32 $0x580;
	[smem:$0x7FC] =	sst s25  }
.Ltmp0:
0x28: {  	[dreg:$0x11] =	wrdreg s5;
	s26 =	sadd.s32 $0x54000, s5;
	(pc) =	sbr.rel .LBB2_1-.Ltmp0, $4  }
0x29: {  	s24 =	simm.s32 $0x1000;
	s25 =	simm.s32 $0x5;
	s23 =	simm.s32 $0x400  }
0x2a: {  	s21 =	simm.s32 $0x3;
	s22 =	simm.s32 $0x4;
	s15 =	simm.s32 $0xD00  }
0x2b: {  	s16 =	simm.s32 $0x600;
	s17 =	simm.s32 $0xD80;
	s0 =	simm.s32 $0xF00  }
0x2c: {  	v0 =	vimm.f32 $0.0e+00;
	s5 =	simm.s32 $0xF80;
	[smem:$0x7FD] =	sst s26;
	s26 =	simm.s32 $0x680  }
.LBB2_11:
0x2d: {  	[bflag:$0x0] =	sbarrier.arrive $0xFFFF  }
0x2e: {  	s7 =	sld [smem:$0x7F9]  }
0x2f: {  	s9 =	sld [smem:$0x7FA];
	_ =	sdelay $0x1  }
0x30: {  	s6 =	rddreg [dreg:$0x13]  }
0x31: {  	[hbm:s6], [sflag:s7] =	dma.local [spmem:s9], $0x1400  }
0x32: {  	_ =	swait.ge [sflag:s25], $0x1400  }
0x33: {  	s9 =	sld [smem:$0x7FB];
	_ =	sdelay $0x2  }
0x34: {  	s18 =	rddreg [dreg:$0x14];
	s7 =	sadd.s32 $0x1, s9  }
0x35: {  	p2 =	sne.s32 s7, s18  }
.Ltmp1:
0x36: {  	_ = 	snop;
	(pc) =	sbr.rel @!p2 .LBB2_12-.Ltmp1, $3  }
0x37: {  	_ =	sdelay $0x1  }
0x38: {  	[sflag:s25] =	ssyncset.done $0x0  }
0x39: {  	[sflag:s25] =	ssyncadd.s32 $0xFFFFEC00  }
.LBB2_1:
0x3a: {  	[smem:$0x7FB] =	sst s7  }
0x3b: {  	s7 =	rddreg [dreg:$0x4]  }
0x3c: {  	s6 =	simm.s32 @!p1 $0x1F85;
	s9 =	rddreg [dreg:$0x15]  }
0x3d: {  	[spmem:s9], [sflag:s6] =	dma.local @!p1 [hbm:s7], $0x300  }
0x3e: {  	s6 =	simm.s32 @!p1 $0x5  }
0x3f: {  	s7 =	stileid.u32;
	_ =	swait.ge @!p1 [sflag:s6], $0x300  }
0x40: {  	s18 =	sshll.u32 @!p0 s7, $0x6;
	[sflag:s6] =	ssyncset.done @!p1 $0x0;
	s7 =	rddreg [dreg:$0x5]  }
0x41: {  	s9 =	rddreg [dreg:$0x16];
	[sflag:s6] =	ssyncadd.s32 @!p1 $0xFFFFFD00;
	s6 =	sor.u32 @!p0 $0x1C05, s18  }
0x42: {  	[spmem:s9], [sflag:s6] =	dma.local @!p0 [hbm:s7], $0x2C80  }
0x43: {  	s6 =	simm.s32 @!p0 $0x5  }
0x44: {  	_ =	swait.ge @!p0 [sflag:s6], $0x2C80  }
0x45: {  	[sflag:s6] =	ssyncset.done @!p0 $0x0  }
0x46: {  	s18 =	simm.s32 $0x200;
	[sflag:s6] =	ssyncadd.s32 @!p0 $0xFFFFD380;
	s6 =	simm.s32 $0x0  }
.LBB2_2:
0x47: {  	p2 =	sne.s32 s18, $0x1E00;
	[tilespmem:s6+$0x1070] =	vst v0  }
0x48: {  	[tilespmem:s6+$0x1000] =	vst v0  }
0x49: {  	[tilespmem:s6+$0x1010] =	vst v0  }
.Ltmp2:
0x4a: {  	[tilespmem:s6+$0x1020] =	vst v0;
	(pc) =	sbr.rel @p2 .LBB2_2-.Ltmp2, $4  }
0x4b: {  	[tilespmem:s6+$0x1030] =	vst v0  }
0x4c: {  	[tilespmem:s6+$0x1040] =	vst v0  }
0x4d: {  	[tilespmem:s6+$0x1050] =	vst v0  }
0x4e: {  	[tilespmem:s6+$0x1060] =	vst v0;
	s6 =	sshra.s32 s18, $0x2;
	s18 =	sadd.s32 $0x200, s18  }
0x4f: {  	[tilespmem:s6+$0x1070] =	vst v0  }
0x50: {  	[tilespmem:s6+$0x1000] =	vst v0  }
0x51: {  	[tilespmem:s6+$0x1010] =	vst v0  }
0x52: {  	[tilespmem:s6+$0x1020] =	vst v0  }
0x53: {  	[tilespmem:s6+$0x1030] =	vst v0  }
0x54: {  	[tilespmem:s6+$0x1040] =	vst v0  }
0x55: {  	[tilespmem:s6+$0x1050] =	vst v0  }
0x56: {  	[tilespmem:s6+$0x1060] =	vst v0;
	s18 =	rddreg [dreg:$0x6]  }
0x57: {  	[spmem:s18] =	stream.linear.scatter [tilespmem:s24], [sflag:$0x5], $0x800, $0x38;
	[tilespmem:$0x1F900] =	vst v63  }
0x58: {  	_ =	swait.ge [sflag:s25], $0x800  }
0x59: {  	[sflag:s25] =	ssyncset.done $0x0  }
0x5a: {  	s7 =	rddreg [dreg:$0x7];
	[sflag:s25] =	ssyncadd.s32 $0xFFFFF800  }
0x5b: {  	[spmem:s7] =	stream.linear.scatter [tilespmem:s24], [sflag:$0x5], $0x800, $0x38;
	[tilespmem:$0x1F900] =	vst v63  }
0x5c: {  	_ =	swait.ge [sflag:s25], $0x800  }
0x5d: {  	[sflag:s25] =	ssyncset.done $0x0  }
0x5e: {  	s9 =	rddreg [dreg:$0x8];
	[sflag:s25] =	ssyncadd.s32 $0xFFFFF800  }
0x5f: {  	[spmem:s9] =	stream.linear.scatter [tilespmem:s24], [sflag:$0x5], $0x800, $0x38;
	[tilespmem:$0x1F900] =	vst v63  }
0x60: {  	_ =	swait.ge [sflag:s25], $0x800  }
0x61: {  	[sflag:s25] =	ssyncset.done $0x0  }
0x62: {  	s18 =	rddreg [dreg:$0x9];
	[sflag:s25] =	ssyncadd.s32 $0xFFFFF800  }
0x63: {  	[spmem:s18] =	stream.linear.scatter [tilespmem:s24], [sflag:$0x5], $0x800, $0x38;
	[tilespmem:$0x1F900] =	vst v63  }
0x64: {  	_ =	swait.ge [sflag:s25], $0x800  }
0x65: {  	[sflag:s25] =	ssyncset.done $0x0  }
0x66: {  	s7 =	rddreg [dreg:$0xa];
	[sflag:s25] =	ssyncadd.s32 $0xFFFFF800  }
0x67: {  	[spmem:s7] =	stream.linear.scatter [tilespmem:s24], [sflag:$0x5], $0x800, $0x38;
	[tilespmem:$0x1F900] =	vst v63  }
0x68: {  	_ =	swait.ge [sflag:s25], $0x800  }
0x69: {  	[sflag:s25] =	ssyncset.done $0x0  }
0x6a: {  	s9 =	rddreg [dreg:$0xb];
	[sflag:s25] =	ssyncadd.s32 $0xFFFFF800  }
0x6b: {  	[spmem:s9] =	stream.linear.scatter [tilespmem:s24], [sflag:$0x5], $0x800, $0x38;
	[tilespmem:$0x1F900] =	vst v63  }
0x6c: {  	_ =	swait.ge [sflag:s25], $0x800  }
0x6d: {  	[sflag:s25] =	ssyncset.done $0x0  }
0x6e: {  	s18 =	rddreg [dreg:$0xc];
	[sflag:s25] =	ssyncadd.s32 $0xFFFFF800  }
0x6f: {  	[spmem:s18] =	stream.linear.scatter [tilespmem:s24], [sflag:$0x5], $0x800, $0x38;
	[tilespmem:$0x1F900] =	vst v63  }
0x70: {  	_ =	swait.ge [sflag:s25], $0x800  }
0x71: {  	[sflag:s25] =	ssyncset.done $0x0  }
0x72: {  	s7 =	rddreg [dreg:$0xd];
	[sflag:s25] =	ssyncadd.s32 $0xFFFFF800  }
0x73: {  	[spmem:s7] =	stream.linear.scatter [tilespmem:s24], [sflag:$0x5], $0x800, $0x38;
	[tilespmem:$0x1F900] =	vst v63  }
0x74: {  	_ =	swait.ge [sflag:s25], $0x800  }
0x75: {  	[sflag:s25] =	ssyncset.done $0x0  }
0x76: {  	s9 =	rddreg [dreg:$0xe];
	[sflag:s25] =	ssyncadd.s32 $0xFFFFF800  }
0x77: {  	[spmem:s9] =	stream.linear.scatter [tilespmem:s24], [sflag:$0x5], $0x800, $0x38;
	[tilespmem:$0x1F900] =	vst v63  }
0x78: {  	_ =	swait.ge [sflag:s25], $0x800  }
0x79: {  	[sflag:s25] =	ssyncset.done $0x0  }
0x7a: {  	s18 =	rddreg [dreg:$0xf];
	[sflag:s25] =	ssyncadd.s32 $0xFFFFF800  }
0x7b: {  	[spmem:s18] =	stream.linear.scatter [tilespmem:s24], [sflag:$0x5], $0x800, $0x38;
	[tilespmem:$0x1F900] =	vst v63  }
0x7c: {  	_ =	swait.ge [sflag:s25], $0x800  }
0x7d: {  	[sflag:s25] =	ssyncset.done $0x0  }
0x7e: {  	s7 =	rddreg [dreg:$0x17];
	[sflag:s25] =	ssyncadd.s32 $0xFFFFF800  }
0x7f: {  	[spmem:s7] =	stream.linear.scatter [tilespmem:s24], [sflag:$0x5], $0x800, $0x38;
	[tilespmem:$0x1F900] =	vst v63  }
0x80: {  	_ =	swait.ge [sflag:s25], $0x800  }
0x81: {  	[sflag:s25] =	ssyncset.done $0x0  }
0x82: {  	s9 =	rddreg [dreg:$0x18];
	[sflag:s25] =	ssyncadd.s32 $0xFFFFF800  }
0x83: {  	[spmem:s9] =	stream.linear.scatter [tilespmem:s24], [sflag:$0x5], $0x800, $0x38;
	[tilespmem:$0x1F900] =	vst v63  }
0x84: {  	_ =	swait.ge [sflag:s25], $0x800  }
0x85: {  	[sflag:s25] =	ssyncset.done $0x0  }
0x86: {  	s18 =	rddreg [dreg:$0x19];
	[sflag:s25] =	ssyncadd.s32 $0xFFFFF800  }
0x87: {  	[spmem:s18] =	stream.linear.scatter [tilespmem:s24], [sflag:$0x5], $0x800, $0x38;
	[tilespmem:$0x1F900] =	vst v63  }
0x88: {  	_ =	swait.ge [sflag:s25], $0x800  }
0x89: {  	[sflag:s25] =	ssyncset.done $0x0  }
0x8a: {  	s7 =	rddreg [dreg:$0x1a];
	[sflag:s25] =	ssyncadd.s32 $0xFFFFF800  }
0x8b: {  	[spmem:s7] =	stream.linear.scatter [tilespmem:s24], [sflag:$0x5], $0x800, $0x38;
	[tilespmem:$0x1F900] =	vst v63  }
0x8c: {  	_ =	swait.ge [sflag:s25], $0x800  }
0x8d: {  	[sflag:s25] =	ssyncset.done $0x0  }
0x8e: {  	s9 =	rddreg [dreg:$0x1b];
	[sflag:s25] =	ssyncadd.s32 $0xFFFFF800  }
0x8f: {  	[spmem:s9] =	stream.linear.scatter [tilespmem:s24], [sflag:$0x5], $0x800, $0x38;
	[tilespmem:$0x1F900] =	vst v63  }
0x90: {  	_ =	swait.ge [sflag:s25], $0x800  }
0x91: {  	[sflag:s25] =	ssyncset.done $0x0  }
0x92: {  	s18 =	rddreg [dreg:$0x1c];
	[sflag:s25] =	ssyncadd.s32 $0xFFFFF800  }
0x93: {  	[spmem:s18] =	stream.linear.scatter [tilespmem:s24], [sflag:$0x5], $0x800, $0x38;
	[tilespmem:$0x1F900] =	vst v63  }
0x94: {  	_ =	swait.ge [sflag:s25], $0x800  }
0x95: {  	[sflag:s25] =	ssyncset.done $0x0  }
0x96: {  	s7 =	rddreg [dreg:$0x1d];
	[sflag:s25] =	ssyncadd.s32 $0xFFFFF800  }
0x97: {  	[spmem:s7] =	stream.linear.scatter [tilespmem:s24], [sflag:$0x5], $0x800, $0x38;
	[tilespmem:$0x1F900] =	vst v63  }
0x98: {  	_ =	swait.ge [sflag:s25], $0x800  }
0x99: {  	[sflag:s25] =	ssyncset.done $0x0  }
0x9a: {  	s9 =	rddreg [dreg:$0x1e];
	[sflag:s25] =	ssyncadd.s32 $0xFFFFF800  }
0x9b: {  	[spmem:s9] =	stream.linear.scatter [tilespmem:s24], [sflag:$0x5], $0x800, $0x38;
	[tilespmem:$0x1F900] =	vst v63  }
0x9c: {  	_ =	swait.ge [sflag:s25], $0x800  }
0x9d: {  	[sflag:s25] =	ssyncset.done $0x0  }
0x9e: {  	s18 =	rddreg [dreg:$0x1f];
	[sflag:s25] =	ssyncadd.s32 $0xFFFFF800  }
0x9f: {  	[spmem:s18] =	stream.linear.scatter [tilespmem:s24], [sflag:$0x5], $0x800, $0x38;
	[tilespmem:$0x1F900] =	vst v63  }
0xa0: {  	_ =	swait.ge [sflag:s25], $0x800  }
0xa1: {  	s7 =	sld [smem:$0x7FC]  }
0xa2: {  	[sflag:s25] =	ssyncset.done $0x0  }
0xa3: {  	[sflag:s25] =	ssyncadd.s32 $0xFFFFF800  }
0xa4: {  	[spmem:s7] =	stream.linear.scatter [tilespmem:s24], [sflag:$0x5], $0x800, $0x38;
	[tilespmem:$0x1F900] =	vst v63  }
0xa5: {  	_ =	swait.ge [sflag:s25], $0x800  }
0xa6: {  	[sflag:s25] =	ssyncset.done $0x0  }
0xa7: {  	[sflag:s25] =	ssyncadd.s32 $0xFFFFF800  }
0xa8: {  	[bflag:$0x0] =	sbarrier.arrive $0xFFFF  }
0xa9: {  	s9 =	rddreg [dreg:$0x10]  }
0xaa: {  	[tilespmem:s4], [sflag:$0x5] =	stream.linear.gather [hbm4b:s9+s4], $0x400, $0x38;
	[tilespmem:$0x1F900] =	vst v63  }
0xab: {  	_ =	swait.ge [sflag:s25], $0x400  }
0xac: {  	[sflag:s25] =	ssyncset.done $0x0  }
0xad: {  	s7 =	simm.s32 $0x800;
	s18 =	rddreg [dreg:$0x11];
	[sflag:s25] =	ssyncadd.s32 $0xFFFFFC00  }
0xae: {  	[tilespmem:s7], [sflag:$0x5] =	stream.linear.gather [hbm4b:s18+s4], $0x400, $0x38;
	[tilespmem:$0x1F900] =	vst v63  }
0xaf: {  	_ =	swait.ge [sflag:s25], $0x400  }
0xb0: {  	[sflag:s25] =	ssyncset.done $0x0  }
0xb1: {  	s6 =	simm.s32 $0xFFFFAD00;
	[sflag:s25] =	ssyncadd.s32 $0xFFFFFC00  }
.LBB2_4:
0xb2: {  	s18 =	sadd.s32 s6, s20  }
0xb3: {  	s7 =	sadd.s32 s6, s19;
	s18 =	sadd.s32 $0x5380, s18  }
0xb4: {  	[tilespmem:s23], [sflag:$0x3] =	stream.linear.gather [hbm4b:s18+s4], $0x400, $0x38;
	[tilespmem:$0x1F900] =	vst v63  }
0xb5: {  	s18 =	sadd.s32 $0x5380, s7  }
0xb6: {  	[tilespmem:s1], [sflag:$0x4] =	stream.linear.gather [hbm4b:s18+s4], $0x400, $0x38;
	[tilespmem:$0x1F900] =	vst v63  }
0xb7: {  	_ = 	snop  }
0xb8: {  	[tilespmem:s24], [sflag:$0x1] =	stream.indirect.gather [spmem:s2], $0x80, s4, s8, $0xb8;
	[tilespmem:$0x1F900] =	vst v63  }
0xb9: {  	s7 =	simm.s32 $0x80  }
0xba: {  	[tilespmem:s10], [sflag:$0x2] =	stream.indirect.gather [spmem:s2], $0x80, s7, s8, $0xb8;
	[tilespmem:$0x1F900] =	vst v63  }
0xbb: {  	_ =	swait.ge [sflag:s11], $0x800  }
0xbc: {  	[sflag:s11] =	ssyncset.done $0x0  }
0xbd: {  	s9 =	simm.s32 $0x800;
	[sflag:s11] =	ssyncadd.s32 $0xFFFFF800  }
0xbe: {  	[spmem:s3] =	stream.indirect.scatter.add.f32 [tilespmem:s24], [sflag:$0x5], $0x80, s9, s8, $0xb8;
	[tilespmem:$0x1F900] =	vst v63  }
0xbf: {  	_ =	swait.ge [sflag:s25], $0x800  }
0xc0: {  	[sflag:s25] =	ssyncset.done $0x0  }
0xc1: {  	s18 =	simm.s32 $0x100;
	[sflag:s25] =	ssyncadd.s32 $0xFFFFF800  }
0xc2: {  	[tilespmem:s24], [sflag:$0x1] =	stream.indirect.gather [spmem:s2], $0x80, s18, s8, $0xb8;
	[tilespmem:$0x1F900] =	vst v63  }
0xc3: {  	_ =	swait.ge [sflag:s13], $0x800  }
0xc4: {  	[sflag:s13] =	ssyncset.done $0x0  }
0xc5: {  	s9 =	simm.s32 $0x880;
	[sflag:s13] =	ssyncadd.s32 $0xFFFFF800  }
0xc6: {  	[spmem:s3] =	stream.indirect.scatter.add.f32 [tilespmem:s10], [sflag:$0x5], $0x80, s9, s8, $0xb8;
	[tilespmem:$0x1F900] =	vst v63  }
0xc7: {  	_ =	swait.ge [sflag:s25], $0x800  }
0xc8: {  	[sflag:s25] =	ssyncset.done $0x0  }
0xc9: {  	s18 =	simm.s32 $0x180;
	[sflag:s25] =	ssyncadd.s32 $0xFFFFF800  }
0xca: {  	[tilespmem:s10], [sflag:$0x2] =	stream.indirect.gather [spmem:s2], $0x80, s18, s8, $0xb8;
	[tilespmem:$0x1F900] =	vst v63  }
0xcb: {  	_ =	swait.ge [sflag:s11], $0x800  }
0xcc: {  	[sflag:s11] =	ssyncset.done $0x0  }
0xcd: {  	s9 =	simm.s32 $0x900;
	[sflag:s11] =	ssyncadd.s32 $0xFFFFF800  }
0xce: {  	[spmem:s3] =	stream.indirect.scatter.add.f32 [tilespmem:s24], [sflag:$0x5], $0x80, s9, s8, $0xb8;
	[tilespmem:$0x1F900] =	vst v63  }
0xcf: {  	_ =	swait.ge [sflag:s25], $0x800  }
0xd0: {  	[sflag:s25] =	ssyncset.done $0x0  }
0xd1: {  	s18 =	simm.s32 $0x200;
	[sflag:s25] =	ssyncadd.s32 $0xFFFFF800  }
0xd2: {  	[tilespmem:s24], [sflag:$0x1] =	stream.indirect.gather [spmem:s2], $0x80, s18, s8, $0xb8;
	[tilespmem:$0x1F900] =	vst v63  }
0xd3: {  	_ =	swait.ge [sflag:s13], $0x800  }
0xd4: {  	[sflag:s13] =	ssyncset.done $0x0  }
0xd5: {  	s9 =	simm.s32 $0x980;
	[sflag:s13] =	ssyncadd.s32 $0xFFFFF800  }
0xd6: {  	[spmem:s3] =	stream.indirect.scatter.add.f32 [tilespmem:s10], [sflag:$0x5], $0x80, s9, s8, $0xb8;
	[tilespmem:$0x1F900] =	vst v63  }
0xd7: {  	_ =	swait.ge [sflag:s25], $0x800  }
0xd8: {  	[sflag:s25] =	ssyncset.done $0x0  }
0xd9: {  	s18 =	simm.s32 $0x280;
	[sflag:s25] =	ssyncadd.s32 $0xFFFFF800  }
0xda: {  	[tilespmem:s10], [sflag:$0x2] =	stream.indirect.gather [spmem:s2], $0x80, s18, s8, $0xb8;
	[tilespmem:$0x1F900] =	vst v63  }
0xdb: {  	_ =	swait.ge [sflag:s11], $0x800  }
0xdc: {  	[sflag:s11] =	ssyncset.done $0x0  }
0xdd: {  	s9 =	simm.s32 $0xA00;
	[sflag:s11] =	ssyncadd.s32 $0xFFFFF800  }
0xde: {  	[spmem:s3] =	stream.indirect.scatter.add.f32 [tilespmem:s24], [sflag:$0x5], $0x80, s9, s8, $0xb8;
	[tilespmem:$0x1F900] =	vst v63  }
0xdf: {  	_ =	swait.ge [sflag:s25], $0x800  }
0xe0: {  	[sflag:s25] =	ssyncset.done $0x0  }
0xe1: {  	s18 =	simm.s32 $0x300;
	[sflag:s25] =	ssyncadd.s32 $0xFFFFF800  }
0xe2: {  	[tilespmem:s24], [sflag:$0x1] =	stream.indirect.gather [spmem:s2], $0x80, s18, s8, $0xb8;
	[tilespmem:$0x1F900] =	vst v63  }
0xe3: {  	_ =	swait.ge [sflag:s13], $0x800  }
0xe4: {  	[sflag:s13] =	ssyncset.done $0x0  }
0xe5: {  	s9 =	simm.s32 $0xA80;
	[sflag:s13] =	ssyncadd.s32 $0xFFFFF800  }
0xe6: {  	[spmem:s3] =	stream.indirect.scatter.add.f32 [tilespmem:s10], [sflag:$0x5], $0x80, s9, s8, $0xb8;
	[tilespmem:$0x1F900] =	vst v63  }
0xe7: {  	_ =	swait.ge [sflag:s25], $0x800  }
0xe8: {  	[sflag:s25] =	ssyncset.done $0x0  }
0xe9: {  	s18 =	simm.s32 $0x380;
	[sflag:s25] =	ssyncadd.s32 $0xFFFFF800  }
0xea: {  	[tilespmem:s10], [sflag:$0x2] =	stream.indirect.gather [spmem:s2], $0x80, s18, s8, $0xb8;
	[tilespmem:$0x1F900] =	vst v63  }
0xeb: {  	_ =	swait.ge [sflag:s11], $0x800  }
0xec: {  	[sflag:s11] =	ssyncset.done $0x0  }
0xed: {  	s9 =	simm.s32 $0xB00;
	[sflag:s11] =	ssyncadd.s32 $0xFFFFF800  }
0xee: {  	[spmem:s3] =	stream.indirect.scatter.add.f32 [tilespmem:s24], [sflag:$0x5], $0x80, s9, s8, $0xb8;
	[tilespmem:$0x1F900] =	vst v63  }
0xef: {  	_ =	swait.ge [sflag:s25], $0x800  }
0xf0: {  	[sflag:s25] =	ssyncset.done $0x0  }
0xf1: {  	[sflag:s25] =	ssyncadd.s32 $0xFFFFF800  }
0xf2: {  	_ =	swait.ge [sflag:s13], $0x800  }
0xf3: {  	[sflag:s13] =	ssyncset.done $0x0  }
0xf4: {  	s18 =	simm.s32 $0xB80;
	[sflag:s13] =	ssyncadd.s32 $0xFFFFF800  }
0xf5: {  	[spmem:s3] =	stream.indirect.scatter.add.f32 [tilespmem:s10], [sflag:$0x5], $0x80, s18, s8, $0xb8;
	[tilespmem:$0x1F900] =	vst v63  }
0xf6: {  	_ =	swait.ge [sflag:s25], $0x800  }
0xf7: {  	[sflag:s25] =	ssyncset.done $0x0  }
0xf8: {  	[sflag:s25] =	ssyncadd.s32 $0xFFFFF800  }
0xf9: {  	_ =	swait.ge [sflag:s21], $0x400  }
0xfa: {  	[sflag:s21] =	ssyncset.done $0x0  }
0xfb: {  	[sflag:s21] =	ssyncadd.s32 $0xFFFFFC00  }
0xfc: {  	p2 =	seq.s32 s6, $0x0;
	_ =	swait.ge [sflag:s22], $0x400  }
0xfd: {  	s18 =	sadd.s32 @!p2 s6, s20;
	[sflag:s22] =	ssyncset.done $0x0  }
0xfe: {  	s7 =	simm.s32 @!p2 $0x0;
	s18 =	sadd.s32 @!p2 $0x5400, s18;
	[sflag:s22] =	ssyncadd.s32 $0xFFFFFC00  }
0xff: {  	[tilespmem:s7], [sflag:$0x3] =	stream.linear.gather @!p2 [hbm4b:s18+s7], $0x400, $0x38;
	[tilespmem:$0x1F900] =	vst v63  }
0x100: {  	s18 =	sadd.s32 @!p2 s6, s19  }
0x101: {  	s9 =	simm.s32 @!p2 $0x800;
	s18 =	sadd.s32 @!p2 $0x5400, s18  }
0x102: {  	[tilespmem:s9], [sflag:$0x4] =	stream.linear.gather @!p2 [hbm4b:s18+s7], $0x400, $0x38;
	[tilespmem:$0x1F900] =	vst v63  }
0x103: {  	_ = 	snop  }
0x104: {  	[tilespmem:s24], [sflag:$0x1] =	stream.indirect.gather [spmem:s2], $0x80, s23, s8, $0xb8;
	[tilespmem:$0x1F900] =	vst v63  }
0x105: {  	s9 =	simm.s32 $0x480  }
0x106: {  	[tilespmem:s10], [sflag:$0x2] =	stream.indirect.gather [spmem:s2], $0x80, s9, s8, $0xb8;
	[tilespmem:$0x1F900] =	vst v63  }
0x107: {  	_ =	swait.ge [sflag:s11], $0x800  }
0x108: {  	[sflag:s11] =	ssyncset.done $0x0  }
0x109: {  	[sflag:s11] =	ssyncadd.s32 $0xFFFFF800  }
0x10a: {  	[spmem:s3] =	stream.indirect.scatter.add.f32 [tilespmem:s24], [sflag:$0x5], $0x80, s1, s8, $0xb8;
	[tilespmem:$0x1F900] =	vst v63  }
0x10b: {  	_ =	swait.ge [sflag:s25], $0x800  }
0x10c: {  	[sflag:s25] =	ssyncset.done $0x0  }
0x10d: {  	s18 =	simm.s32 $0x500;
	[sflag:s25] =	ssyncadd.s32 $0xFFFFF800  }
0x10e: {  	[tilespmem:s24], [sflag:$0x1] =	stream.indirect.gather [spmem:s2], $0x80, s18, s8, $0xb8;
	[tilespmem:$0x1F900] =	vst v63  }
0x10f: {  	_ =	swait.ge [sflag:s13], $0x800  }
0x110: {  	[sflag:s13] =	ssyncset.done $0x0  }
0x111: {  	[sflag:s13] =	ssyncadd.s32 $0xFFFFF800  }
0x112: {  	[spmem:s3] =	stream.indirect.scatter.add.f32 [tilespmem:s10], [sflag:$0x5], $0x80, s12, s8, $0xb8;
	[tilespmem:$0x1F900] =	vst v63  }
0x113: {  	_ =	swait.ge [sflag:s25], $0x800  }
0x114: {  	[sflag:s25] =	ssyncset.done $0x0  }
0x115: {  	[sflag:s25] =	ssyncadd.s32 $0xFFFFF800  }
0x116: {  	[tilespmem:s10], [sflag:$0x2] =	stream.indirect.gather [spmem:s2], $0x80, s14, s8, $0xb8;
	[tilespmem:$0x1F900] =	vst v63  }
0x117: {  	_ =	swait.ge [sflag:s11], $0x800  }
0x118: {  	[sflag:s11] =	ssyncset.done $0x0  }
0x119: {  	[sflag:s11] =	ssyncadd.s32 $0xFFFFF800  }
0x11a: {  	[spmem:s3] =	stream.indirect.scatter.add.f32 [tilespmem:s24], [sflag:$0x5], $0x80, s15, s8, $0xb8;
	[tilespmem:$0x1F900] =	vst v63  }
0x11b: {  	_ =	swait.ge [sflag:s25], $0x800  }
0x11c: {  	[sflag:s25] =	ssyncset.done $0x0  }
0x11d: {  	[sflag:s25] =	ssyncadd.s32 $0xFFFFF800  }
0x11e: {  	[tilespmem:s24], [sflag:$0x1] =	stream.indirect.gather [spmem:s2], $0x80, s16, s8, $0xb8;
	[tilespmem:$0x1F900] =	vst v63  }
0x11f: {  	_ =	swait.ge [sflag:s13], $0x800  }
0x120: {  	[sflag:s13] =	ssyncset.done $0x0  }
0x121: {  	[sflag:s13] =	ssyncadd.s32 $0xFFFFF800  }
0x122: {  	[spmem:s3] =	stream.indirect.scatter.add.f32 [tilespmem:s10], [sflag:$0x5], $0x80, s17, s8, $0xb8;
	[tilespmem:$0x1F900] =	vst v63  }
0x123: {  	_ =	swait.ge [sflag:s25], $0x800  }
0x124: {  	[sflag:s25] =	ssyncset.done $0x0  }
0x125: {  	[sflag:s25] =	ssyncadd.s32 $0xFFFFF800  }
0x126: {  	[tilespmem:s10], [sflag:$0x2] =	stream.indirect.gather [spmem:s2], $0x80, s26, s8, $0xb8;
	[tilespmem:$0x1F900] =	vst v63  }
0x127: {  	_ =	swait.ge [sflag:s11], $0x800  }
0x128: {  	[sflag:s11] =	ssyncset.done $0x0  }
0x129: {  	[sflag:s11] =	ssyncadd.s32 $0xFFFFF800  }
0x12a: {  	[spmem:s3] =	stream.indirect.scatter.add.f32 [tilespmem:s24], [sflag:$0x5], $0x80, s28, s8, $0xb8;
	[tilespmem:$0x1F900] =	vst v63  }
0x12b: {  	_ =	swait.ge [sflag:s25], $0x800  }
0x12c: {  	[sflag:s25] =	ssyncset.done $0x0  }
0x12d: {  	[sflag:s25] =	ssyncadd.s32 $0xFFFFF800  }
0x12e: {  	[tilespmem:s24], [sflag:$0x1] =	stream.indirect.gather [spmem:s2], $0x80, s29, s8, $0xb8;
	[tilespmem:$0x1F900] =	vst v63  }
0x12f: {  	_ =	swait.ge [sflag:s13], $0x800  }
0x130: {  	[sflag:s13] =	ssyncset.done $0x0  }
0x131: {  	[sflag:s13] =	ssyncadd.s32 $0xFFFFF800  }
0x132: {  	[spmem:s3] =	stream.indirect.scatter.add.f32 [tilespmem:s10], [sflag:$0x5], $0x80, s30, s8, $0xb8;
	[tilespmem:$0x1F900] =	vst v63  }
0x133: {  	_ =	swait.ge [sflag:s25], $0x800  }
0x134: {  	[sflag:s25] =	ssyncset.done $0x0  }
0x135: {  	[sflag:s25] =	ssyncadd.s32 $0xFFFFF800  }
0x136: {  	[tilespmem:s10], [sflag:$0x2] =	stream.indirect.gather [spmem:s2], $0x80, s31, s8, $0xb8;
	[tilespmem:$0x1F900] =	vst v63  }
0x137: {  	_ =	swait.ge [sflag:s11], $0x800  }
0x138: {  	[sflag:s11] =	ssyncset.done $0x0  }
0x139: {  	[sflag:s11] =	ssyncadd.s32 $0xFFFFF800  }
0x13a: {  	[spmem:s3] =	stream.indirect.scatter.add.f32 [tilespmem:s24], [sflag:$0x5], $0x80, s0, s8, $0xb8;
	[tilespmem:$0x1F900] =	vst v63  }
0x13b: {  	_ =	swait.ge [sflag:s25], $0x800  }
0x13c: {  	[sflag:s25] =	ssyncset.done $0x0  }
0x13d: {  	[sflag:s25] =	ssyncadd.s32 $0xFFFFF800  }
0x13e: {  	_ =	swait.ge [sflag:s13], $0x800  }
0x13f: {  	[sflag:s13] =	ssyncset.done $0x0  }
.Ltmp3:
0x140: {  	[sflag:s13] =	ssyncadd.s32 $0xFFFFF800;
	(pc) =	sbr.rel @p2 .LBB2_6-.Ltmp3, $4  }
0x141: {  	[spmem:s3] =	stream.indirect.scatter.add.f32 [tilespmem:s10], [sflag:$0x5], $0x80, s5, s8, $0xb8;
	[tilespmem:$0x1F900] =	vst v63  }
0x142: {  	_ =	swait.ge [sflag:s25], $0x800  }
0x143: {  	[sflag:s25] =	ssyncset.done $0x0  }
0x144: {  	[sflag:s25] =	ssyncadd.s32 $0xFFFFF800  }
0x145: {  	_ =	swait.ge [sflag:s21], $0x400  }
.Ltmp4:
0x146: {  	[sflag:s21] =	ssyncset.done $0x0;
	(pc) =	sbr.rel .LBB2_4-.Ltmp4, $4  }
0x147: {  	[sflag:s21] =	ssyncadd.s32 $0xFFFFFC00  }
0x148: {  	_ =	swait.ge [sflag:s22], $0x400  }
0x149: {  	[sflag:s22] =	ssyncset.done $0x0  }
0x14a: {  	s6 =	sadd.s32 $0x100, s6;
	[sflag:s22] =	ssyncadd.s32 $0xFFFFFC00  }
.LBB2_6:
0x14b: {  	s6 =	stileid.u32;
	[bflag:$0x0] =	sbarrier.arrive $0xFFFF  }
0x14c: {  	s6 =	sshll.u32 s6, $0x6;
	s9 =	rddreg [dreg:$0x6]  }
0x14d: {  	s18 =	rddreg [dreg:$0x12];
	s7 =	sor.u32 $0x1C05, s6  }
0x14e: {  	s9 =	sshrl.u32 s9, $0x3;
	[smem:$0x7F9] =	sst s7  }
0x14f: {  	[smem:$0x7FA] =	sst s9  }
0x150: {  	[hbm:s18], [sflag:s7] =	dma.local [spmem:s9], $0x1400  }
0x151: {  	_ =	swait.ge [sflag:s25], $0x1400  }
0x152: {  	[sflag:s25] =	ssyncset.done $0x0  }
0x153: {  	s6 =	simm.s32 $0x0;
	s18 =	simm.s32 $0x200;
	[sflag:s25] =	ssyncadd.s32 $0xFFFFEC00  }
.LBB2_7:
0x154: {  	p2 =	sne.s32 s18, $0x1E00;
	[tilespmem:s6+$0x1070] =	vst v0  }
0x155: {  	[tilespmem:s6+$0x1000] =	vst v0  }
0x156: {  	[tilespmem:s6+$0x1010] =	vst v0  }
.Ltmp5:
0x157: {  	[tilespmem:s6+$0x1020] =	vst v0;
	(pc) =	sbr.rel @p2 .LBB2_7-.Ltmp5, $4  }
0x158: {  	[tilespmem:s6+$0x1030] =	vst v0  }
0x159: {  	[tilespmem:s6+$0x1040] =	vst v0  }
0x15a: {  	[tilespmem:s6+$0x1050] =	vst v0  }
0x15b: {  	[tilespmem:s6+$0x1060] =	vst v0;
	s6 =	sshra.s32 s18, $0x2;
	s18 =	sadd.s32 $0x200, s18  }
0x15c: {  	[tilespmem:s6+$0x1070] =	vst v0  }
0x15d: {  	[tilespmem:s6+$0x1000] =	vst v0  }
0x15e: {  	[tilespmem:s6+$0x1010] =	vst v0  }
0x15f: {  	[tilespmem:s6+$0x1020] =	vst v0  }
0x160: {  	[tilespmem:s6+$0x1030] =	vst v0  }
0x161: {  	[tilespmem:s6+$0x1040] =	vst v0  }
0x162: {  	[tilespmem:s6+$0x1050] =	vst v0  }
0x163: {  	[tilespmem:s6+$0x1060] =	vst v0;
	s18 =	rddreg [dreg:$0x6]  }
0x164: {  	[spmem:s18] =	stream.linear.scatter [tilespmem:s24], [sflag:$0x5], $0x800, $0x38;
	[tilespmem:$0x1F900] =	vst v63  }
0x165: {  	_ =	swait.ge [sflag:s25], $0x800  }
0x166: {  	[sflag:s25] =	ssyncset.done $0x0  }
0x167: {  	s7 =	rddreg [dreg:$0x7];
	[sflag:s25] =	ssyncadd.s32 $0xFFFFF800  }
0x168: {  	[spmem:s7] =	stream.linear.scatter [tilespmem:s24], [sflag:$0x5], $0x800, $0x38;
	[tilespmem:$0x1F900] =	vst v63  }
0x169: {  	_ =	swait.ge [sflag:s25], $0x800  }
0x16a: {  	[sflag:s25] =	ssyncset.done $0x0  }
0x16b: {  	s9 =	rddreg [dreg:$0x8];
	[sflag:s25] =	ssyncadd.s32 $0xFFFFF800  }
0x16c: {  	[spmem:s9] =	stream.linear.scatter [tilespmem:s24], [sflag:$0x5], $0x800, $0x38;
	[tilespmem:$0x1F900] =	vst v63  }
0x16d: {  	_ =	swait.ge [sflag:s25], $0x800  }
0x16e: {  	[sflag:s25] =	ssyncset.done $0x0  }
0x16f: {  	s18 =	rddreg [dreg:$0x9];
	[sflag:s25] =	ssyncadd.s32 $0xFFFFF800  }
0x170: {  	[spmem:s18] =	stream.linear.scatter [tilespmem:s24], [sflag:$0x5], $0x800, $0x38;
	[tilespmem:$0x1F900] =	vst v63  }
0x171: {  	_ =	swait.ge [sflag:s25], $0x800  }
0x172: {  	[sflag:s25] =	ssyncset.done $0x0  }
0x173: {  	s7 =	rddreg [dreg:$0xa];
	[sflag:s25] =	ssyncadd.s32 $0xFFFFF800  }
0x174: {  	[spmem:s7] =	stream.linear.scatter [tilespmem:s24], [sflag:$0x5], $0x800, $0x38;
	[tilespmem:$0x1F900] =	vst v63  }
0x175: {  	_ =	swait.ge [sflag:s25], $0x800  }
0x176: {  	[sflag:s25] =	ssyncset.done $0x0  }
0x177: {  	s9 =	rddreg [dreg:$0xb];
	[sflag:s25] =	ssyncadd.s32 $0xFFFFF800  }
0x178: {  	[spmem:s9] =	stream.linear.scatter [tilespmem:s24], [sflag:$0x5], $0x800, $0x38;
	[tilespmem:$0x1F900] =	vst v63  }
0x179: {  	_ =	swait.ge [sflag:s25], $0x800  }
0x17a: {  	[sflag:s25] =	ssyncset.done $0x0  }
0x17b: {  	s18 =	rddreg [dreg:$0xc];
	[sflag:s25] =	ssyncadd.s32 $0xFFFFF800  }
0x17c: {  	[spmem:s18] =	stream.linear.scatter [tilespmem:s24], [sflag:$0x5], $0x800, $0x38;
	[tilespmem:$0x1F900] =	vst v63  }
0x17d: {  	_ =	swait.ge [sflag:s25], $0x800  }
0x17e: {  	[sflag:s25] =	ssyncset.done $0x0  }
0x17f: {  	s7 =	rddreg [dreg:$0xd];
	[sflag:s25] =	ssyncadd.s32 $0xFFFFF800  }
0x180: {  	[spmem:s7] =	stream.linear.scatter [tilespmem:s24], [sflag:$0x5], $0x800, $0x38;
	[tilespmem:$0x1F900] =	vst v63  }
0x181: {  	_ =	swait.ge [sflag:s25], $0x800  }
0x182: {  	[sflag:s25] =	ssyncset.done $0x0  }
0x183: {  	s9 =	rddreg [dreg:$0xe];
	[sflag:s25] =	ssyncadd.s32 $0xFFFFF800  }
0x184: {  	[spmem:s9] =	stream.linear.scatter [tilespmem:s24], [sflag:$0x5], $0x800, $0x38;
	[tilespmem:$0x1F900] =	vst v63  }
0x185: {  	_ =	swait.ge [sflag:s25], $0x800  }
0x186: {  	[sflag:s25] =	ssyncset.done $0x0  }
0x187: {  	s18 =	rddreg [dreg:$0xf];
	[sflag:s25] =	ssyncadd.s32 $0xFFFFF800  }
0x188: {  	[spmem:s18] =	stream.linear.scatter [tilespmem:s24], [sflag:$0x5], $0x800, $0x38;
	[tilespmem:$0x1F900] =	vst v63  }
0x189: {  	_ =	swait.ge [sflag:s25], $0x800  }
0x18a: {  	[sflag:s25] =	ssyncset.done $0x0  }
0x18b: {  	s7 =	rddreg [dreg:$0x17];
	[sflag:s25] =	ssyncadd.s32 $0xFFFFF800  }
0x18c: {  	[spmem:s7] =	stream.linear.scatter [tilespmem:s24], [sflag:$0x5], $0x800, $0x38;
	[tilespmem:$0x1F900] =	vst v63  }
0x18d: {  	_ =	swait.ge [sflag:s25], $0x800  }
0x18e: {  	[sflag:s25] =	ssyncset.done $0x0  }
0x18f: {  	s9 =	rddreg [dreg:$0x18];
	[sflag:s25] =	ssyncadd.s32 $0xFFFFF800  }
0x190: {  	[spmem:s9] =	stream.linear.scatter [tilespmem:s24], [sflag:$0x5], $0x800, $0x38;
	[tilespmem:$0x1F900] =	vst v63  }
0x191: {  	_ =	swait.ge [sflag:s25], $0x800  }
0x192: {  	[sflag:s25] =	ssyncset.done $0x0  }
0x193: {  	s18 =	rddreg [dreg:$0x19];
	[sflag:s25] =	ssyncadd.s32 $0xFFFFF800  }
0x194: {  	[spmem:s18] =	stream.linear.scatter [tilespmem:s24], [sflag:$0x5], $0x800, $0x38;
	[tilespmem:$0x1F900] =	vst v63  }
0x195: {  	_ =	swait.ge [sflag:s25], $0x800  }
0x196: {  	[sflag:s25] =	ssyncset.done $0x0  }
0x197: {  	s7 =	rddreg [dreg:$0x1a];
	[sflag:s25] =	ssyncadd.s32 $0xFFFFF800  }
0x198: {  	[spmem:s7] =	stream.linear.scatter [tilespmem:s24], [sflag:$0x5], $0x800, $0x38;
	[tilespmem:$0x1F900] =	vst v63  }
0x199: {  	_ =	swait.ge [sflag:s25], $0x800  }
0x19a: {  	[sflag:s25] =	ssyncset.done $0x0  }
0x19b: {  	s9 =	rddreg [dreg:$0x1b];
	[sflag:s25] =	ssyncadd.s32 $0xFFFFF800  }
0x19c: {  	[spmem:s9] =	stream.linear.scatter [tilespmem:s24], [sflag:$0x5], $0x800, $0x38;
	[tilespmem:$0x1F900] =	vst v63  }
0x19d: {  	_ =	swait.ge [sflag:s25], $0x800  }
0x19e: {  	[sflag:s25] =	ssyncset.done $0x0  }
0x19f: {  	s18 =	rddreg [dreg:$0x1c];
	[sflag:s25] =	ssyncadd.s32 $0xFFFFF800  }
0x1a0: {  	[spmem:s18] =	stream.linear.scatter [tilespmem:s24], [sflag:$0x5], $0x800, $0x38;
	[tilespmem:$0x1F900] =	vst v63  }
0x1a1: {  	_ =	swait.ge [sflag:s25], $0x800  }
0x1a2: {  	[sflag:s25] =	ssyncset.done $0x0  }
0x1a3: {  	s7 =	rddreg [dreg:$0x1d];
	[sflag:s25] =	ssyncadd.s32 $0xFFFFF800  }
0x1a4: {  	[spmem:s7] =	stream.linear.scatter [tilespmem:s24], [sflag:$0x5], $0x800, $0x38;
	[tilespmem:$0x1F900] =	vst v63  }
0x1a5: {  	_ =	swait.ge [sflag:s25], $0x800  }
0x1a6: {  	[sflag:s25] =	ssyncset.done $0x0  }
0x1a7: {  	s9 =	rddreg [dreg:$0x1e];
	[sflag:s25] =	ssyncadd.s32 $0xFFFFF800  }
0x1a8: {  	[spmem:s9] =	stream.linear.scatter [tilespmem:s24], [sflag:$0x5], $0x800, $0x38;
	[tilespmem:$0x1F900] =	vst v63  }
0x1a9: {  	_ =	swait.ge [sflag:s25], $0x800  }
0x1aa: {  	[sflag:s25] =	ssyncset.done $0x0  }
0x1ab: {  	s18 =	rddreg [dreg:$0x1f];
	[sflag:s25] =	ssyncadd.s32 $0xFFFFF800  }
0x1ac: {  	[spmem:s18] =	stream.linear.scatter [tilespmem:s24], [sflag:$0x5], $0x800, $0x38;
	[tilespmem:$0x1F900] =	vst v63  }
0x1ad: {  	_ =	swait.ge [sflag:s25], $0x800  }
0x1ae: {  	s7 =	sld [smem:$0x7FC]  }
0x1af: {  	[sflag:s25] =	ssyncset.done $0x0  }
0x1b0: {  	[sflag:s25] =	ssyncadd.s32 $0xFFFFF800  }
0x1b1: {  	[spmem:s7] =	stream.linear.scatter [tilespmem:s24], [sflag:$0x5], $0x800, $0x38;
	[tilespmem:$0x1F900] =	vst v63  }
0x1b2: {  	_ =	swait.ge [sflag:s25], $0x800  }
0x1b3: {  	[sflag:s25] =	ssyncset.done $0x0  }
0x1b4: {  	[sflag:s25] =	ssyncadd.s32 $0xFFFFF800  }
0x1b5: {  	[bflag:$0x0] =	sbarrier.arrive $0xFFFF  }
0x1b6: {  	s9 =	rddreg [dreg:$0x10]  }
0x1b7: {  	[tilespmem:s4], [sflag:$0x5] =	stream.linear.gather [hbm4b:s9+s4], $0x400, $0x38;
	[tilespmem:$0x1F900] =	vst v63  }
0x1b8: {  	_ =	swait.ge [sflag:s25], $0x400  }
0x1b9: {  	s18 =	sld [smem:$0x7FD]  }
0x1ba: {  	[sflag:s25] =	ssyncset.done $0x0  }
0x1bb: {  	s7 =	simm.s32 $0x800;
	[sflag:s25] =	ssyncadd.s32 $0xFFFFFC00  }
0x1bc: {  	[tilespmem:s7], [sflag:$0x5] =	stream.linear.gather [hbm4b:s18+s4], $0x400, $0x38;
	[tilespmem:$0x1F900] =	vst v63  }
0x1bd: {  	_ =	swait.ge [sflag:s25], $0x400  }
0x1be: {  	[sflag:s25] =	ssyncset.done $0x0  }
0x1bf: {  	s6 =	simm.s32 $0xFFFFAD00;
	[sflag:s25] =	ssyncadd.s32 $0xFFFFFC00  }
.LBB2_9:
0x1c0: {  	s7 =	sadd.s32 s6, s20  }
0x1c1: {  	s9 =	sadd.s32 s6, s19;
	s7 =	sadd.s32 $0x5380, s7  }
0x1c2: {  	[tilespmem:s23], [sflag:$0x3] =	stream.linear.gather [hbm4b:s7+s4], $0x400, $0x38;
	[tilespmem:$0x1F900] =	vst v63  }
0x1c3: {  	s7 =	sadd.s32 $0x59380, s9  }
0x1c4: {  	[tilespmem:s1], [sflag:$0x4] =	stream.linear.gather [hbm4b:s7+s4], $0x400, $0x38;
	[tilespmem:$0x1F900] =	vst v63  }
0x1c5: {  	_ = 	snop  }
0x1c6: {  	[tilespmem:s24], [sflag:$0x1] =	stream.indirect.gather [spmem:s2], $0x80, s4, s8, $0xb8;
	[tilespmem:$0x1F900] =	vst v63  }
0x1c7: {  	s18 =	simm.s32 $0x80  }
0x1c8: {  	[tilespmem:s10], [sflag:$0x2] =	stream.indirect.gather [spmem:s2], $0x80, s18, s8, $0xb8;
	[tilespmem:$0x1F900] =	vst v63  }
0x1c9: {  	_ =	swait.ge [sflag:s11], $0x800  }
0x1ca: {  	[sflag:s11] =	ssyncset.done $0x0  }
0x1cb: {  	s9 =	simm.s32 $0x800;
	[sflag:s11] =	ssyncadd.s32 $0xFFFFF800  }
0x1cc: {  	[spmem:s3] =	stream.indirect.scatter.add.f32 [tilespmem:s24], [sflag:$0x5], $0x80, s9, s8, $0xb8;
	[tilespmem:$0x1F900] =	vst v63  }
0x1cd: {  	_ =	swait.ge [sflag:s25], $0x800  }
0x1ce: {  	[sflag:s25] =	ssyncset.done $0x0  }
0x1cf: {  	s18 =	simm.s32 $0x100;
	[sflag:s25] =	ssyncadd.s32 $0xFFFFF800  }
0x1d0: {  	[tilespmem:s24], [sflag:$0x1] =	stream.indirect.gather [spmem:s2], $0x80, s18, s8, $0xb8;
	[tilespmem:$0x1F900] =	vst v63  }
0x1d1: {  	_ =	swait.ge [sflag:s13], $0x800  }
0x1d2: {  	[sflag:s13] =	ssyncset.done $0x0  }
0x1d3: {  	s9 =	simm.s32 $0x880;
	[sflag:s13] =	ssyncadd.s32 $0xFFFFF800  }
0x1d4: {  	[spmem:s3] =	stream.indirect.scatter.add.f32 [tilespmem:s10], [sflag:$0x5], $0x80, s9, s8, $0xb8;
	[tilespmem:$0x1F900] =	vst v63  }
0x1d5: {  	_ =	swait.ge [sflag:s25], $0x800  }
0x1d6: {  	[sflag:s25] =	ssyncset.done $0x0  }
0x1d7: {  	s18 =	simm.s32 $0x180;
	[sflag:s25] =	ssyncadd.s32 $0xFFFFF800  }
0x1d8: {  	[tilespmem:s10], [sflag:$0x2] =	stream.indirect.gather [spmem:s2], $0x80, s18, s8, $0xb8;
	[tilespmem:$0x1F900] =	vst v63  }
0x1d9: {  	_ =	swait.ge [sflag:s11], $0x800  }
0x1da: {  	[sflag:s11] =	ssyncset.done $0x0  }
0x1db: {  	s9 =	simm.s32 $0x900;
	[sflag:s11] =	ssyncadd.s32 $0xFFFFF800  }
0x1dc: {  	[spmem:s3] =	stream.indirect.scatter.add.f32 [tilespmem:s24], [sflag:$0x5], $0x80, s9, s8, $0xb8;
	[tilespmem:$0x1F900] =	vst v63  }
0x1dd: {  	_ =	swait.ge [sflag:s25], $0x800  }
0x1de: {  	[sflag:s25] =	ssyncset.done $0x0  }
0x1df: {  	s18 =	simm.s32 $0x200;
	[sflag:s25] =	ssyncadd.s32 $0xFFFFF800  }
0x1e0: {  	[tilespmem:s24], [sflag:$0x1] =	stream.indirect.gather [spmem:s2], $0x80, s18, s8, $0xb8;
	[tilespmem:$0x1F900] =	vst v63  }
0x1e1: {  	_ =	swait.ge [sflag:s13], $0x800  }
0x1e2: {  	[sflag:s13] =	ssyncset.done $0x0  }
0x1e3: {  	s9 =	simm.s32 $0x980;
	[sflag:s13] =	ssyncadd.s32 $0xFFFFF800  }
0x1e4: {  	[spmem:s3] =	stream.indirect.scatter.add.f32 [tilespmem:s10], [sflag:$0x5], $0x80, s9, s8, $0xb8;
	[tilespmem:$0x1F900] =	vst v63  }
0x1e5: {  	_ =	swait.ge [sflag:s25], $0x800  }
0x1e6: {  	[sflag:s25] =	ssyncset.done $0x0  }
0x1e7: {  	s18 =	simm.s32 $0x280;
	[sflag:s25] =	ssyncadd.s32 $0xFFFFF800  }
0x1e8: {  	[tilespmem:s10], [sflag:$0x2] =	stream.indirect.gather [spmem:s2], $0x80, s18, s8, $0xb8;
	[tilespmem:$0x1F900] =	vst v63  }
0x1e9: {  	_ =	swait.ge [sflag:s11], $0x800  }
0x1ea: {  	[sflag:s11] =	ssyncset.done $0x0  }
0x1eb: {  	s9 =	simm.s32 $0xA00;
	[sflag:s11] =	ssyncadd.s32 $0xFFFFF800  }
0x1ec: {  	[spmem:s3] =	stream.indirect.scatter.add.f32 [tilespmem:s24], [sflag:$0x5], $0x80, s9, s8, $0xb8;
	[tilespmem:$0x1F900] =	vst v63  }
0x1ed: {  	_ =	swait.ge [sflag:s25], $0x800  }
0x1ee: {  	[sflag:s25] =	ssyncset.done $0x0  }
0x1ef: {  	s18 =	simm.s32 $0x300;
	[sflag:s25] =	ssyncadd.s32 $0xFFFFF800  }
0x1f0: {  	[tilespmem:s24], [sflag:$0x1] =	stream.indirect.gather [spmem:s2], $0x80, s18, s8, $0xb8;
	[tilespmem:$0x1F900] =	vst v63  }
0x1f1: {  	_ =	swait.ge [sflag:s13], $0x800  }
0x1f2: {  	[sflag:s13] =	ssyncset.done $0x0  }
0x1f3: {  	s9 =	simm.s32 $0xA80;
	[sflag:s13] =	ssyncadd.s32 $0xFFFFF800  }
0x1f4: {  	[spmem:s3] =	stream.indirect.scatter.add.f32 [tilespmem:s10], [sflag:$0x5], $0x80, s9, s8, $0xb8;
	[tilespmem:$0x1F900] =	vst v63  }
0x1f5: {  	_ =	swait.ge [sflag:s25], $0x800  }
0x1f6: {  	[sflag:s25] =	ssyncset.done $0x0  }
0x1f7: {  	s18 =	simm.s32 $0x380;
	[sflag:s25] =	ssyncadd.s32 $0xFFFFF800  }
0x1f8: {  	[tilespmem:s10], [sflag:$0x2] =	stream.indirect.gather [spmem:s2], $0x80, s18, s8, $0xb8;
	[tilespmem:$0x1F900] =	vst v63  }
0x1f9: {  	_ =	swait.ge [sflag:s11], $0x800  }
0x1fa: {  	[sflag:s11] =	ssyncset.done $0x0  }
0x1fb: {  	s9 =	simm.s32 $0xB00;
	[sflag:s11] =	ssyncadd.s32 $0xFFFFF800  }
0x1fc: {  	[spmem:s3] =	stream.indirect.scatter.add.f32 [tilespmem:s24], [sflag:$0x5], $0x80, s9, s8, $0xb8;
	[tilespmem:$0x1F900] =	vst v63  }
0x1fd: {  	_ =	swait.ge [sflag:s25], $0x800  }
0x1fe: {  	[sflag:s25] =	ssyncset.done $0x0  }
0x1ff: {  	[sflag:s25] =	ssyncadd.s32 $0xFFFFF800  }
0x200: {  	_ =	swait.ge [sflag:s13], $0x800  }
0x201: {  	[sflag:s13] =	ssyncset.done $0x0  }
0x202: {  	s18 =	simm.s32 $0xB80;
	[sflag:s13] =	ssyncadd.s32 $0xFFFFF800  }
0x203: {  	[spmem:s3] =	stream.indirect.scatter.add.f32 [tilespmem:s10], [sflag:$0x5], $0x80, s18, s8, $0xb8;
	[tilespmem:$0x1F900] =	vst v63  }
0x204: {  	_ =	swait.ge [sflag:s25], $0x800  }
0x205: {  	[sflag:s25] =	ssyncset.done $0x0  }
0x206: {  	[sflag:s25] =	ssyncadd.s32 $0xFFFFF800  }
0x207: {  	_ =	swait.ge [sflag:s21], $0x400  }
0x208: {  	[sflag:s21] =	ssyncset.done $0x0  }
0x209: {  	[sflag:s21] =	ssyncadd.s32 $0xFFFFFC00  }
0x20a: {  	p2 =	seq.s32 s6, $0x0;
	_ =	swait.ge [sflag:s22], $0x400  }
0x20b: {  	s7 =	sadd.s32 @!p2 s6, s20;
	[sflag:s22] =	ssyncset.done $0x0  }
0x20c: {  	s7 =	sadd.s32 @!p2 $0x5400, s7;
	s9 =	simm.s32 @!p2 $0x0;
	[sflag:s22] =	ssyncadd.s32 $0xFFFFFC00  }
0x20d: {  	[tilespmem:s9], [sflag:$0x3] =	stream.linear.gather @!p2 [hbm4b:s7+s9], $0x400, $0x38;
	[tilespmem:$0x1F900] =	vst v63  }
0x20e: {  	s7 =	sadd.s32 @!p2 s6, s19  }
0x20f: {  	s18 =	simm.s32 @!p2 $0x800;
	s7 =	sadd.s32 @!p2 $0x59400, s7  }
0x210: {  	[tilespmem:s18], [sflag:$0x4] =	stream.linear.gather @!p2 [hbm4b:s7+s9], $0x400, $0x38;
	[tilespmem:$0x1F900] =	vst v63  }
0x211: {  	_ = 	snop  }
0x212: {  	[tilespmem:s24], [sflag:$0x1] =	stream.indirect.gather [spmem:s2], $0x80, s23, s8, $0xb8;
	[tilespmem:$0x1F900] =	vst v63  }
0x213: {  	s9 =	simm.s32 $0x480  }
0x214: {  	[tilespmem:s10], [sflag:$0x2] =	stream.indirect.gather [spmem:s2], $0x80, s9, s8, $0xb8;
	[tilespmem:$0x1F900] =	vst v63  }
0x215: {  	_ =	swait.ge [sflag:s11], $0x800  }
0x216: {  	[sflag:s11] =	ssyncset.done $0x0  }
0x217: {  	[sflag:s11] =	ssyncadd.s32 $0xFFFFF800  }
0x218: {  	[spmem:s3] =	stream.indirect.scatter.add.f32 [tilespmem:s24], [sflag:$0x5], $0x80, s1, s8, $0xb8;
	[tilespmem:$0x1F900] =	vst v63  }
0x219: {  	_ =	swait.ge [sflag:s25], $0x800  }
0x21a: {  	[sflag:s25] =	ssyncset.done $0x0  }
0x21b: {  	s18 =	simm.s32 $0x500;
	[sflag:s25] =	ssyncadd.s32 $0xFFFFF800  }
0x21c: {  	[tilespmem:s24], [sflag:$0x1] =	stream.indirect.gather [spmem:s2], $0x80, s18, s8, $0xb8;
	[tilespmem:$0x1F900] =	vst v63  }
0x21d: {  	_ =	swait.ge [sflag:s13], $0x800  }
0x21e: {  	[sflag:s13] =	ssyncset.done $0x0  }
0x21f: {  	[sflag:s13] =	ssyncadd.s32 $0xFFFFF800  }
0x220: {  	[spmem:s3] =	stream.indirect.scatter.add.f32 [tilespmem:s10], [sflag:$0x5], $0x80, s12, s8, $0xb8;
	[tilespmem:$0x1F900] =	vst v63  }
0x221: {  	_ =	swait.ge [sflag:s25], $0x800  }
0x222: {  	[sflag:s25] =	ssyncset.done $0x0  }
0x223: {  	[sflag:s25] =	ssyncadd.s32 $0xFFFFF800  }
0x224: {  	[tilespmem:s10], [sflag:$0x2] =	stream.indirect.gather [spmem:s2], $0x80, s14, s8, $0xb8;
	[tilespmem:$0x1F900] =	vst v63  }
0x225: {  	_ =	swait.ge [sflag:s11], $0x800  }
0x226: {  	[sflag:s11] =	ssyncset.done $0x0  }
0x227: {  	[sflag:s11] =	ssyncadd.s32 $0xFFFFF800  }
0x228: {  	[spmem:s3] =	stream.indirect.scatter.add.f32 [tilespmem:s24], [sflag:$0x5], $0x80, s15, s8, $0xb8;
	[tilespmem:$0x1F900] =	vst v63  }
0x229: {  	_ =	swait.ge [sflag:s25], $0x800  }
0x22a: {  	[sflag:s25] =	ssyncset.done $0x0  }
0x22b: {  	[sflag:s25] =	ssyncadd.s32 $0xFFFFF800  }
0x22c: {  	[tilespmem:s24], [sflag:$0x1] =	stream.indirect.gather [spmem:s2], $0x80, s16, s8, $0xb8;
	[tilespmem:$0x1F900] =	vst v63  }
0x22d: {  	_ =	swait.ge [sflag:s13], $0x800  }
0x22e: {  	[sflag:s13] =	ssyncset.done $0x0  }
0x22f: {  	[sflag:s13] =	ssyncadd.s32 $0xFFFFF800  }
0x230: {  	[spmem:s3] =	stream.indirect.scatter.add.f32 [tilespmem:s10], [sflag:$0x5], $0x80, s17, s8, $0xb8;
	[tilespmem:$0x1F900] =	vst v63  }
0x231: {  	_ =	swait.ge [sflag:s25], $0x800  }
0x232: {  	[sflag:s25] =	ssyncset.done $0x0  }
0x233: {  	[sflag:s25] =	ssyncadd.s32 $0xFFFFF800  }
0x234: {  	[tilespmem:s10], [sflag:$0x2] =	stream.indirect.gather [spmem:s2], $0x80, s26, s8, $0xb8;
	[tilespmem:$0x1F900] =	vst v63  }
0x235: {  	_ =	swait.ge [sflag:s11], $0x800  }
0x236: {  	[sflag:s11] =	ssyncset.done $0x0  }
0x237: {  	[sflag:s11] =	ssyncadd.s32 $0xFFFFF800  }
0x238: {  	[spmem:s3] =	stream.indirect.scatter.add.f32 [tilespmem:s24], [sflag:$0x5], $0x80, s28, s8, $0xb8;
	[tilespmem:$0x1F900] =	vst v63  }
0x239: {  	_ =	swait.ge [sflag:s25], $0x800  }
0x23a: {  	[sflag:s25] =	ssyncset.done $0x0  }
0x23b: {  	[sflag:s25] =	ssyncadd.s32 $0xFFFFF800  }
0x23c: {  	[tilespmem:s24], [sflag:$0x1] =	stream.indirect.gather [spmem:s2], $0x80, s29, s8, $0xb8;
	[tilespmem:$0x1F900] =	vst v63  }
0x23d: {  	_ =	swait.ge [sflag:s13], $0x800  }
0x23e: {  	[sflag:s13] =	ssyncset.done $0x0  }
0x23f: {  	[sflag:s13] =	ssyncadd.s32 $0xFFFFF800  }
0x240: {  	[spmem:s3] =	stream.indirect.scatter.add.f32 [tilespmem:s10], [sflag:$0x5], $0x80, s30, s8, $0xb8;
	[tilespmem:$0x1F900] =	vst v63  }
0x241: {  	_ =	swait.ge [sflag:s25], $0x800  }
0x242: {  	[sflag:s25] =	ssyncset.done $0x0  }
0x243: {  	[sflag:s25] =	ssyncadd.s32 $0xFFFFF800  }
0x244: {  	[tilespmem:s10], [sflag:$0x2] =	stream.indirect.gather [spmem:s2], $0x80, s31, s8, $0xb8;
	[tilespmem:$0x1F900] =	vst v63  }
0x245: {  	_ =	swait.ge [sflag:s11], $0x800  }
0x246: {  	[sflag:s11] =	ssyncset.done $0x0  }
0x247: {  	[sflag:s11] =	ssyncadd.s32 $0xFFFFF800  }
0x248: {  	[spmem:s3] =	stream.indirect.scatter.add.f32 [tilespmem:s24], [sflag:$0x5], $0x80, s0, s8, $0xb8;
	[tilespmem:$0x1F900] =	vst v63  }
0x249: {  	_ =	swait.ge [sflag:s25], $0x800  }
0x24a: {  	[sflag:s25] =	ssyncset.done $0x0  }
0x24b: {  	[sflag:s25] =	ssyncadd.s32 $0xFFFFF800  }
0x24c: {  	_ =	swait.ge [sflag:s13], $0x800  }
0x24d: {  	[sflag:s13] =	ssyncset.done $0x0  }
.Ltmp6:
0x24e: {  	[sflag:s13] =	ssyncadd.s32 $0xFFFFF800;
	(pc) =	sbr.rel @p2 .LBB2_11-.Ltmp6, $4  }
0x24f: {  	[spmem:s3] =	stream.indirect.scatter.add.f32 [tilespmem:s10], [sflag:$0x5], $0x80, s5, s8, $0xb8;
	[tilespmem:$0x1F900] =	vst v63  }
0x250: {  	_ =	swait.ge [sflag:s25], $0x800  }
0x251: {  	[sflag:s25] =	ssyncset.done $0x0  }
0x252: {  	[sflag:s25] =	ssyncadd.s32 $0xFFFFF800  }
0x253: {  	_ =	swait.ge [sflag:s21], $0x400  }
.Ltmp7:
0x254: {  	[sflag:s21] =	ssyncset.done $0x0;
	(pc) =	sbr.rel .LBB2_9-.Ltmp7, $4  }
0x255: {  	[sflag:s21] =	ssyncadd.s32 $0xFFFFFC00  }
0x256: {  	_ =	swait.ge [sflag:s22], $0x400  }
0x257: {  	[sflag:s22] =	ssyncset.done $0x0  }
0x258: {  	s6 =	sadd.s32 $0x100, s6;
	[sflag:s22] =	ssyncadd.s32 $0xFFFFFC00  }
.LBB2_12:
0x259: {  	_ =	sfence.sel $0x180000  }
0x25a: {  	[bflag:$0x0] =	sbarrier.arrive $0xFFFF  }
0x25b: {  	_ =	strace $0x90000047  }
0x25c: {  	s0 =	stileid.u32;
	[bflag:$0x2] =	sbarrier.arrive $0xFFFF  }
0x25d: {  	p0 =	sne.s32 s0, $0x0;
	s0 =	rddreg [dreg:$0x3]  }
0x25e: {  	s0 =	sadd.s32 @!p0 $0x100000, s0  }
0x25f: {  	[sflag:s0] =	ssyncadd.tile.s32 @!p0 $0x1;
	_ =	shalt  }
.Lfunc_end2:
_tile_overlayer_lowered:
.L_overlay_start_2:
0x260: {  	(tag) =	ssettag $0x2  }
0x261: {  	s0 =	rddreg [dreg:$0x0];
	s2 =	stileid.u32  }
0x262: {  	s1 =	rddreg [dreg:$0x1];
	p0 =	sne.s32 s2, $0x0  }
0x263: {  	s3 =	rddreg [dreg:$0x2];
	[bflag:$0x3] =	sbarrier.arrive $0xFFFF;
	s2 =	simm.s32 @!p0 $0x1C05  }
0x264: {  	[timem:s3], [sflag:s2] =	dma.local @!p0 [hbm:s0], s1  }
0x265: {  	s0 =	simm.s32 @!p0 $0x5  }
0x266: {  	_ =	swait.ge @!p0 [sflag:s0], s1  }
0x267: {  	s1 =	ssub.s32 @!p0 $0x0, s1;
	[sflag:s0] =	ssyncset.done @!p0 $0x0  }
0x268: {  	[sflag:s0] =	ssyncadd.s32 @!p0 s1  }
0x269: {  	[bflag:$0x3] =	sbarrier.arrive $0xFFFF  }
0x26a: {  	_ =	shalt  }

</sc_bundles>
